<compile_context>
chip_gen: v7x
topology: tpu7x:2x2x1
jax: 0.10.2.dev20260603
libtpu: 0.0.44.dev20260713+nightly
codegen_flags: <defaults>
</compile_context>

<pallas_src>
import functools

import jax
import jax.numpy as jnp
from jax import lax
from jax.experimental import pallas as pl
from jax.experimental.pallas import tpu as pltpu
from jax.experimental.pallas import tpu_sc as plsc

D_MODEL = 128
SCALE = float(D_MODEL) ** 0.5
NC = 2
NS = 16
NW = NC * NS
CHUNK = 128
N_BUF = 5
AHEAD = 3


def _embed_call(ids_r, weight, n_chunks):
    mesh = plsc.VectorSubcoreMesh(core_axis_name="c", subcore_axis_name="s")
    b_total = NW * n_chunks * CHUNK
    assert n_chunks % N_BUF == 0 and n_chunks // N_BUF >= 2

    @functools.partial(
        pl.kernel,
        mesh=mesh,
        out_type=jax.ShapeDtypeStruct((b_total, D_MODEL), jnp.float32),
        scratch_types=[
            pltpu.VMEM((n_chunks, CHUNK), jnp.int32),
            pltpu.VMEM((N_BUF, CHUNK, D_MODEL), jnp.float32),
            pltpu.SemaphoreType.DMA((N_BUF,)),
            pltpu.SemaphoreType.DMA((N_BUF,)),
        ],
    )
    def _embed(ids_hbm, table_hbm, out_hbm, idx_v, bufs, gsems, osems):
        wid = lax.axis_index("s") * NC + lax.axis_index("c")
        base = wid * (n_chunks * CHUNK)
        pltpu.sync_copy(ids_hbm.at[wid], idx_v)

        def g_start(g, b):
            pltpu.async_copy(table_hbm.at[idx_v.at[g]], bufs.at[b], gsems.at[b])

        def g_wait(g, b):
            pltpu.make_async_copy(
                table_hbm.at[idx_v.at[g]], bufs.at[b], gsems.at[b]).wait()

        def o_start(g, b):
            pltpu.async_copy(
                bufs.at[b], out_hbm.at[pl.ds(base + g * CHUNK, CHUNK)],
                osems.at[b])

        def o_wait(g, b):
            pltpu.make_async_copy(
                bufs.at[b], out_hbm.at[pl.ds(base + g * CHUNK, CHUNK)],
                osems.at[b]).wait()

        def scale(b):
            @plsc.parallel_loop(0, CHUNK, unroll=4)
            def _(r):
                for j in range(D_MODEL // 16):
                    sl = pl.ds(j * 16, 16)
                    bufs[b, r, sl] = bufs[b, r, sl] * SCALE

        for g in range(AHEAD):
            g_start(g, g)
        for g in range(N_BUF):
            b = g
            nxt = g + AHEAD
            tb = nxt % N_BUF
            if nxt >= N_BUF:
                o_wait(nxt - N_BUF, tb)
            g_start(nxt, tb)
            g_wait(g, b)
            scale(b)
            o_start(g, b)

        def outer(i, carry):
            g0 = i * N_BUF
            for b in range(N_BUF):
                g = g0 + b
                tb = (b + AHEAD) % N_BUF
                o_wait(g + AHEAD - N_BUF, tb)
                g_start(g + AHEAD, tb)
                g_wait(g, b)
                scale(b)
                o_start(g, b)
            return carry

        lax.fori_loop(1, n_chunks // N_BUF - 1, outer, 0)

        for g in range(n_chunks - N_BUF, n_chunks):
            b = g % N_BUF
            nxt = g + AHEAD
            if nxt < n_chunks:
                tb = nxt % N_BUF
                o_wait(nxt - N_BUF, tb)
                g_start(nxt, tb)
            g_wait(g, b)
            scale(b)
            o_start(g, b)
        for g in range(n_chunks - N_BUF, n_chunks):
            o_wait(g, g % N_BUF)

    return _embed(ids_r, weight)


def kernel(ids, weight):
    b, s = ids.shape
    total = b * s
    n_chunks = total // (NW * CHUNK)
    assert total == NW * n_chunks * CHUNK
    ids_r = ids.reshape(NW, n_chunks, CHUNK)
    out = _embed_call(ids_r, weight, n_chunks)
    return out.reshape(b, s, D_MODEL)

# --- scband reference (transcript-rebuilt; emitter-appended) ---
"""Pipeline reference for scband-token-embedding-21139829031812 (READ-ONLY COPY).

The authoritative reference and input builder live on the scoring server;
editing this copy changes nothing except your own understanding.
"""

import jax, jax.numpy as jnp
import numpy as np

VOCAB = 100000
D_MODEL = 128
PAD_ID = 0

def setup_inputs(seed: int = 0) -> dict:
    key = jax.random.key(seed)
    k1, k2 = jax.random.split(key)
    ids = jax.random.randint(k1, (1024, 200), 0, VOCAB, dtype=jnp.int32)
    weight = jax.random.normal(k2, (VOCAB, D_MODEL), dtype=jnp.float32) * 0.02
    # padding_idx row is zeroed at init in nn.Embedding
    weight = weight.at[PAD_ID].set(0.0)
    return {"ids": ids, "weight": weight}

def reference(ids, weight):
    # nn.Embedding lookup == row gather from the table
    x = jnp.take(weight, ids, axis=0)
    # scale by sqrt(d_model)
    return x * (x.shape[-1] ** 0.5)

if __name__ == "__main__":
    import jax
    _d = setup_inputs()
    print(jax.jit(kernel)(*tuple(_d.values())))

</pallas_src>

<mosaic_0001>
#map = affine_map<(d0, d1) -> (0, 0, 0)>
#map1 = affine_map<(d0, d1) -> (0, 0)>
module attributes {stable_mosaic.version = 14 : i64} {
  func.func @_embed(%arg0: i32, %arg1: i32, %arg2: memref<32x50x128xi32, #tpu.memory_space<hbm>>, %arg3: memref<100000x128xf32, #tpu.memory_space<hbm>>, %arg4: memref<204800x128xf32, #tpu.memory_space<hbm>>, %arg5: memref<50x128xi32, #tpu.memory_space<vmem>>, %arg6: memref<5x128x128xf32, #tpu.memory_space<vmem>>, %arg7: memref<5x!tpu.dma_semaphore, #tpu.memory_space<semaphore_mem>>, %arg8: memref<5x!tpu.dma_semaphore, #tpu.memory_space<semaphore_mem>>) attributes {dimension_semantics = [#tpu.dimension_semantics<core_parallel>, #tpu.dimension_semantics<subcore_parallel>], iteration_bounds = array<i64: 2, 16>, scalar_prefetch = 0 : i64, scratch_operands = 4 : i64, tpu.core_type = #tpu.core_type<sc_vector_subcore>, window_params = [{transform_indices = #map}, {transform_indices = #map1}, {transform_indices = #map1}]} {
    %mul3A = arith.constant 2 : i32
    %mul3A_0 = arith.muli %arg1, %mul3A : i32
    %add3A = arith.addi %mul3A_0, %arg0 : i32
    %mul3A_1 = arith.constant 6400 : i32
    %mul3A_2 = arith.muli %add3A, %mul3A_1 : i32
    "tpu.region"() ({
      %run_scoped3A = tpu.sem_alloc : memref<!tpu.dma_semaphore, #tpu.memory_space<semaphore_mem>>
      %dma_start3A_695 = arith.constant 0 : i32
      %dma_start3A_696 = arith.constant 0 : i32
      %dma_start3A_697 = tpu.memref_slice %arg2[%add3A, %dma_start3A_695, %dma_start3A_696] : memref<32x50x128xi32, #tpu.memory_space<hbm>> -> memref<1x50x128xi32, #tpu.memory_space<hbm>>
      %dma_start3A_698 = tpu.memref_squeeze %dma_start3A_697 : memref<1x50x128xi32, #tpu.memory_space<hbm>> -> memref<50x128xi32, #tpu.memory_space<hbm>>
      %dma_start3A_699 = arith.constant 0 : i32
      %dma_start3A_700 = arith.constant 0 : i32
      %dma_start3A_701 = tpu.memref_slice %arg2[%add3A, %dma_start3A_699, %dma_start3A_700] : memref<32x50x128xi32, #tpu.memory_space<hbm>> -> memref<1x50x128xi32, #tpu.memory_space<hbm>>
      %dma_start3A_702 = tpu.memref_squeeze %dma_start3A_701 : memref<1x50x128xi32, #tpu.memory_space<hbm>> -> memref<50x128xi32, #tpu.memory_space<hbm>>
      tpu.enqueue_dma source(%dma_start3A_702 : memref<50x128xi32, #tpu.memory_space<hbm>>) target(%arg5 : memref<50x128xi32, #tpu.memory_space<vmem>>) target_semaphore(%run_scoped3A : memref<!tpu.dma_semaphore, #tpu.memory_space<semaphore_mem>>)
      %dma_wait3A_703 = arith.constant 0 : i32
      %dma_wait3A_704 = arith.constant 0 : i32
      %dma_wait3A_705 = tpu.memref_slice %arg2[%add3A, %dma_wait3A_703, %dma_wait3A_704] : memref<32x50x128xi32, #tpu.memory_space<hbm>> -> memref<1x50x128xi32, #tpu.memory_space<hbm>>
      %dma_wait3A_706 = tpu.memref_squeeze %dma_wait3A_705 : memref<1x50x128xi32, #tpu.memory_space<hbm>> -> memref<50x128xi32, #tpu.memory_space<hbm>>
      %dma_wait3A_707 = arith.constant 0 : i32
      %dma_wait3A_708 = arith.constant 0 : i32
      %dma_wait3A_709 = tpu.memref_slice %arg2[%add3A, %dma_wait3A_707, %dma_wait3A_708] : memref<32x50x128xi32, #tpu.memory_space<hbm>> -> memref<1x50x128xi32, #tpu.memory_space<hbm>>
      %dma_wait3A_710 = tpu.memref_squeeze %dma_wait3A_709 : memref<1x50x128xi32, #tpu.memory_space<hbm>> -> memref<50x128xi32, #tpu.memory_space<hbm>>
      tpu.wait_dma2 semaphore(%run_scoped3A : memref<!tpu.dma_semaphore, #tpu.memory_space<semaphore_mem>>) src(%dma_wait3A_710 : memref<50x128xi32, #tpu.memory_space<hbm>>) dst(%arg5 : memref<50x128xi32, #tpu.memory_space<vmem>>)
      tpu.yield
    }) : () -> ()
    %dma_start3A = arith.constant 0 : i32
    %dma_start3A_3 = arith.constant 0 : i32
    %dma_start3A_4 = arith.constant 0 : i32
    %dma_start3A_5 = arith.constant 0 : i32
    %dma_start3A_6 = arith.constant 0 : i32
    %dma_start3A_7 = tpu.memref_slice %arg6[%dma_start3A_3, %dma_start3A_5, %dma_start3A_6] : memref<5x128x128xf32, #tpu.memory_space<vmem>> -> memref<1x128x128xf32, #tpu.memory_space<vmem>>
    %dma_start3A_8 = tpu.memref_squeeze %dma_start3A_7 : memref<1x128x128xf32, #tpu.memory_space<vmem>> -> memref<128x128xf32, #tpu.memory_space<vmem>>
    %dma_start3A_9 = arith.constant 0 : i32
    %dma_start3A_10 = tpu.memref_slice %arg5[%dma_start3A, %dma_start3A_9] : memref<50x128xi32, #tpu.memory_space<vmem>> -> memref<1x128xi32, #tpu.memory_space<vmem>>
    %dma_start3A_11 = tpu.memref_squeeze %dma_start3A_10 : memref<1x128xi32, #tpu.memory_space<vmem>> -> memref<128xi32, #tpu.memory_space<vmem>>
    %dma_start3A_12 = arith.constant 0 : i32
    %dma_start3A_13 = arith.constant 0 : i32
    %dma_start3A_14 = tpu.memref_slice %arg3[%dma_start3A_12, %dma_start3A_13] : memref<100000x128xf32, #tpu.memory_space<hbm>> -> memref<100000x128xf32, #tpu.memory_space<hbm>>
    %dma_start3A_15 = tpu.memref_slice %arg7[%dma_start3A_4] : memref<5x!tpu.dma_semaphore, #tpu.memory_space<semaphore_mem>> -> memref<1x!tpu.dma_semaphore, #tpu.memory_space<semaphore_mem>>
    %dma_start3A_16 = tpu.memref_squeeze %dma_start3A_15 : memref<1x!tpu.dma_semaphore, #tpu.memory_space<semaphore_mem>> -> memref<!tpu.dma_semaphore, #tpu.memory_space<semaphore_mem>>
    tpu.enqueue_indirect_dma source(%dma_start3A_14 : memref<100000x128xf32, #tpu.memory_space<hbm>>) target(%dma_start3A_8 : memref<128x128xf32, #tpu.memory_space<vmem>>) offsets(%dma_start3A_11 : memref<128xi32, #tpu.memory_space<vmem>>) semaphore(%dma_start3A_16 : memref<!tpu.dma_semaphore, #tpu.memory_space<semaphore_mem>>)
    %dma_start3A_17 = arith.constant 1 : i32
    %dma_start3A_18 = arith.constant 1 : i32
    %dma_start3A_19 = arith.constant 1 : i32
    %dma_start3A_20 = arith.constant 0 : i32
    %dma_start3A_21 = arith.constant 0 : i32
    %dma_start3A_22 = tpu.memref_slice %arg6[%dma_start3A_18, %dma_start3A_20, %dma_start3A_21] : memref<5x128x128xf32, #tpu.memory_space<vmem>> -> memref<1x128x128xf32, #tpu.memory_space<vmem>>
    %dma_start3A_23 = tpu.memref_squeeze %dma_start3A_22 : memref<1x128x128xf32, #tpu.memory_space<vmem>> -> memref<128x128xf32, #tpu.memory_space<vmem>>
    %dma_start3A_24 = arith.constant 0 : i32
    %dma_start3A_25 = tpu.memref_slice %arg5[%dma_start3A_17, %dma_start3A_24] : memref<50x128xi32, #tpu.memory_space<vmem>> -> memref<1x128xi32, #tpu.memory_space<vmem>>
    %dma_start3A_26 = tpu.memref_squeeze %dma_start3A_25 : memref<1x128xi32, #tpu.memory_space<vmem>> -> memref<128xi32, #tpu.memory_space<vmem>>
    %dma_start3A_27 = arith.constant 0 : i32
    %dma_start3A_28 = arith.constant 0 : i32
    %dma_start3A_29 = tpu.memref_slice %arg3[%dma_start3A_27, %dma_start3A_28] : memref<100000x128xf32, #tpu.memory_space<hbm>> -> memref<100000x128xf32, #tpu.memory_space<hbm>>
    %dma_start3A_30 = tpu.memref_slice %arg7[%dma_start3A_19] : memref<5x!tpu.dma_semaphore, #tpu.memory_space<semaphore_mem>> -> memref<1x!tpu.dma_semaphore, #tpu.memory_space<semaphore_mem>>
    %dma_start3A_31 = tpu.memref_squeeze %dma_start3A_30 : memref<1x!tpu.dma_semaphore, #tpu.memory_space<semaphore_mem>> -> memref<!tpu.dma_semaphore, #tpu.memory_space<semaphore_mem>>
    tpu.enqueue_indirect_dma source(%dma_start3A_29 : memref<100000x128xf32, #tpu.memory_space<hbm>>) target(%dma_start3A_23 : memref<128x128xf32, #tpu.memory_space<vmem>>) offsets(%dma_start3A_26 : memref<128xi32, #tpu.memory_space<vmem>>) semaphore(%dma_start3A_31 : memref<!tpu.dma_semaphore, #tpu.memory_space<semaphore_mem>>)
    %dma_start3A_32 = arith.constant 2 : i32
    %dma_start3A_33 = arith.constant 2 : i32
    %dma_start3A_34 = arith.constant 2 : i32
    %dma_start3A_35 = arith.constant 0 : i32
    %dma_start3A_36 = arith.constant 0 : i32
    %dma_start3A_37 = tpu.memref_slice %arg6[%dma_start3A_33, %dma_start3A_35, %dma_start3A_36] : memref<5x128x128xf32, #tpu.memory_space<vmem>> -> memref<1x128x128xf32, #tpu.memory_space<vmem>>
    %dma_start3A_38 = tpu.memref_squeeze %dma_start3A_37 : memref<1x128x128xf32, #tpu.memory_space<vmem>> -> memref<128x128xf32, #tpu.memory_space<vmem>>
    %dma_start3A_39 = arith.constant 0 : i32
    %dma_start3A_40 = tpu.memref_slice %arg5[%dma_start3A_32, %dma_start3A_39] : memref<50x128xi32, #tpu.memory_space<vmem>> -> memref<1x128xi32, #tpu.memory_space<vmem>>
    %dma_start3A_41 = tpu.memref_squeeze %dma_start3A_40 : memref<1x128xi32, #tpu.memory_space<vmem>> -> memref<128xi32, #tpu.memory_space<vmem>>
    %dma_start3A_42 = arith.constant 0 : i32
    %dma_start3A_43 = arith.constant 0 : i32
    %dma_start3A_44 = tpu.memref_slice %arg3[%dma_start3A_42, %dma_start3A_43] : memref<100000x128xf32, #tpu.memory_space<hbm>> -> memref<100000x128xf32, #tpu.memory_space<hbm>>
    %dma_start3A_45 = tpu.memref_slice %arg7[%dma_start3A_34] : memref<5x!tpu.dma_semaphore, #tpu.memory_space<semaphore_mem>> -> memref<1x!tpu.dma_semaphore, #tpu.memory_space<semaphore_mem>>
    %dma_start3A_46 = tpu.memref_squeeze %dma_start3A_45 : memref<1x!tpu.dma_semaphore, #tpu.memory_space<semaphore_mem>> -> memref<!tpu.dma_semaphore, #tpu.memory_space<semaphore_mem>>
    tpu.enqueue_indirect_dma source(%dma_start3A_44 : memref<100000x128xf32, #tpu.memory_space<hbm>>) target(%dma_start3A_38 : memref<128x128xf32, #tpu.memory_space<vmem>>) offsets(%dma_start3A_41 : memref<128xi32, #tpu.memory_space<vmem>>) semaphore(%dma_start3A_46 : memref<!tpu.dma_semaphore, #tpu.memory_space<semaphore_mem>>)
    %dma_start3A_47 = arith.constant 3 : i32
    %dma_start3A_48 = arith.constant 3 : i32
    %dma_start3A_49 = arith.constant 3 : i32
    %dma_start3A_50 = arith.constant 0 : i32
    %dma_start3A_51 = arith.constant 0 : i32
    %dma_start3A_52 = tpu.memref_slice %arg6[%dma_start3A_48, %dma_start3A_50, %dma_start3A_51] : memref<5x128x128xf32, #tpu.memory_space<vmem>> -> memref<1x128x128xf32, #tpu.memory_space<vmem>>
    %dma_start3A_53 = tpu.memref_squeeze %dma_start3A_52 : memref<1x128x128xf32, #tpu.memory_space<vmem>> -> memref<128x128xf32, #tpu.memory_space<vmem>>
    %dma_start3A_54 = arith.constant 0 : i32
    %dma_start3A_55 = tpu.memref_slice %arg5[%dma_start3A_47, %dma_start3A_54] : memref<50x128xi32, #tpu.memory_space<vmem>> -> memref<1x128xi32, #tpu.memory_space<vmem>>
    %dma_start3A_56 = tpu.memref_squeeze %dma_start3A_55 : memref<1x128xi32, #tpu.memory_space<vmem>> -> memref<128xi32, #tpu.memory_space<vmem>>
    %dma_start3A_57 = arith.constant 0 : i32
    %dma_start3A_58 = arith.constant 0 : i32
    %dma_start3A_59 = tpu.memref_slice %arg3[%dma_start3A_57, %dma_start3A_58] : memref<100000x128xf32, #tpu.memory_space<hbm>> -> memref<100000x128xf32, #tpu.memory_space<hbm>>
    %dma_start3A_60 = tpu.memref_slice %arg7[%dma_start3A_49] : memref<5x!tpu.dma_semaphore, #tpu.memory_space<semaphore_mem>> -> memref<1x!tpu.dma_semaphore, #tpu.memory_space<semaphore_mem>>
    %dma_start3A_61 = tpu.memref_squeeze %dma_start3A_60 : memref<1x!tpu.dma_semaphore, #tpu.memory_space<semaphore_mem>> -> memref<!tpu.dma_semaphore, #tpu.memory_space<semaphore_mem>>
    tpu.enqueue_indirect_dma source(%dma_start3A_59 : memref<100000x128xf32, #tpu.memory_space<hbm>>) target(%dma_start3A_53 : memref<128x128xf32, #tpu.memory_space<vmem>>) offsets(%dma_start3A_56 : memref<128xi32, #tpu.memory_space<vmem>>) semaphore(%dma_start3A_61 : memref<!tpu.dma_semaphore, #tpu.memory_space<semaphore_mem>>)
    %dma_wait3A = arith.constant 0 : i32
    %dma_wait3A_62 = arith.constant 0 : i32
    %dma_wait3A_63 = arith.constant 0 : i32
    %dma_wait3A_64 = arith.constant 0 : i32
    %dma_wait3A_65 = arith.constant 0 : i32
    %dma_wait3A_66 = tpu.memref_slice %arg6[%dma_wait3A_62, %dma_wait3A_64, %dma_wait3A_65] : memref<5x128x128xf32, #tpu.memory_space<vmem>> -> memref<1x128x128xf32, #tpu.memory_space<vmem>>
    %dma_wait3A_67 = tpu.memref_squeeze %dma_wait3A_66 : memref<1x128x128xf32, #tpu.memory_space<vmem>> -> memref<128x128xf32, #tpu.memory_space<vmem>>
    %dma_wait3A_68 = arith.constant 0 : i32
    %dma_wait3A_69 = tpu.memref_slice %arg5[%dma_wait3A, %dma_wait3A_68] : memref<50x128xi32, #tpu.memory_space<vmem>> -> memref<1x128xi32, #tpu.memory_space<vmem>>
    %dma_wait3A_70 = tpu.memref_squeeze %dma_wait3A_69 : memref<1x128xi32, #tpu.memory_space<vmem>> -> memref<128xi32, #tpu.memory_space<vmem>>
    %dma_wait3A_71 = arith.constant 0 : i32
    %dma_wait3A_72 = arith.constant 0 : i32
    %dma_wait3A_73 = tpu.memref_slice %arg3[%dma_wait3A_71, %dma_wait3A_72] : memref<100000x128xf32, #tpu.memory_space<hbm>> -> memref<100000x128xf32, #tpu.memory_space<hbm>>
    %dma_wait3A_74 = tpu.memref_slice %arg7[%dma_wait3A_63] : memref<5x!tpu.dma_semaphore, #tpu.memory_space<semaphore_mem>> -> memref<1x!tpu.dma_semaphore, #tpu.memory_space<semaphore_mem>>
    %dma_wait3A_75 = tpu.memref_squeeze %dma_wait3A_74 : memref<1x!tpu.dma_semaphore, #tpu.memory_space<semaphore_mem>> -> memref<!tpu.dma_semaphore, #tpu.memory_space<semaphore_mem>>
    tpu.wait_indirect_dma semaphore(%dma_wait3A_75 : memref<!tpu.dma_semaphore, #tpu.memory_space<semaphore_mem>>) src(%dma_wait3A_73 : memref<100000x128xf32, #tpu.memory_space<hbm>>) dst(%dma_wait3A_67 : memref<128x128xf32, #tpu.memory_space<vmem>>)
    %parallel_loop3A = arith.constant 0 : i32
    %parallel_loop3A_76 = arith.constant 128 : i32
    %parallel_loop3A_77 = arith.constant 1 : i32
    scf.for %parallel_loop3A_695 = %parallel_loop3A to %parallel_loop3A_76 step %parallel_loop3A_77  : i32 {
      %parallel_loop3A_696 = arith.constant 0 : i32
      %parallel_loop3A_697 = arith.index_cast %parallel_loop3A_696 : i32 to index
      %parallel_loop3A_698 = arith.index_cast %parallel_loop3A_695 : i32 to index
      %parallel_loop3A_699 = arith.constant 0 : index
      %parallel_loop3A_700 = tpu.vector_load %arg6[%parallel_loop3A_697, %parallel_loop3A_698, %parallel_loop3A_699] {strides = array<i32>} : memref<5x128x128xf32, #tpu.memory_space<vmem>>, vector<1x1x16xf32>,
      %parallel_loop3A_701 = vector.shape_cast %parallel_loop3A_700 : vector<1x1x16xf32> to vector<16xf32>
      %parallel_loop3A_702 = arith.constant 11.3137083 : f32
      %parallel_loop3A_703 = vector.broadcast %parallel_loop3A_702 : f32 to vector<16xf32>
      %parallel_loop3A_704 = arith.mulf %parallel_loop3A_701, %parallel_loop3A_703 : vector<16xf32>
      %parallel_loop3A_705 = arith.constant 0 : i32
      %parallel_loop3A_706 = arith.index_cast %parallel_loop3A_705 : i32 to index
      %parallel_loop3A_707 = arith.index_cast %parallel_loop3A_695 : i32 to index
      %parallel_loop3A_708 = arith.constant 0 : index
      %parallel_loop3A_709 = tpu.vector_load %arg6[%parallel_loop3A_706, %parallel_loop3A_707, %parallel_loop3A_708] {strides = array<i32>} : memref<5x128x128xf32, #tpu.memory_space<vmem>>, vector<1x1x16xf32>,
      %parallel_loop3A_710 = vector.shape_cast %parallel_loop3A_709 : vector<1x1x16xf32> to vector<16xf32>
      %parallel_loop3A_711 = vector.shape_cast %parallel_loop3A_704 : vector<16xf32> to vector<1x1x16xf32>
      tpu.vector_store %arg6[%parallel_loop3A_706, %parallel_loop3A_707, %parallel_loop3A_708], %parallel_loop3A_711 {strides = array<i32>} : memref<5x128x128xf32, #tpu.memory_space<vmem>>, vector<1x1x16xf32>,
      %parallel_loop3A_712 = arith.constant 0 : i32
      %parallel_loop3A_713 = arith.index_cast %parallel_loop3A_712 : i32 to index
      %parallel_loop3A_714 = arith.index_cast %parallel_loop3A_695 : i32 to index
      %parallel_loop3A_715 = arith.constant 16 : index
      %parallel_loop3A_716 = tpu.vector_load %arg6[%parallel_loop3A_713, %parallel_loop3A_714, %parallel_loop3A_715] {strides = array<i32>} : memref<5x128x128xf32, #tpu.memory_space<vmem>>, vector<1x1x16xf32>,
      %parallel_loop3A_717 = vector.shape_cast %parallel_loop3A_716 : vector<1x1x16xf32> to vector<16xf32>
      %parallel_loop3A_718 = arith.constant 11.3137083 : f32
      %parallel_loop3A_719 = vector.broadcast %parallel_loop3A_718 : f32 to vector<16xf32>
      %parallel_loop3A_720 = arith.mulf %parallel_loop3A_717, %parallel_loop3A_719 : vector<16xf32>
      %parallel_loop3A_721 = arith.constant 0 : i32
      %parallel_loop3A_722 = arith.index_cast %parallel_loop3A_721 : i32 to index
      %parallel_loop3A_723 = arith.index_cast %parallel_loop3A_695 : i32 to index
      %parallel_loop3A_724 = arith.constant 16 : index
      %parallel_loop3A_725 = tpu.vector_load %arg6[%parallel_loop3A_722, %parallel_loop3A_723, %parallel_loop3A_724] {strides = array<i32>} : memref<5x128x128xf32, #tpu.memory_space<vmem>>, vector<1x1x16xf32>,
      %parallel_loop3A_726 = vector.shape_cast %parallel_loop3A_725 : vector<1x1x16xf32> to vector<16xf32>
      %parallel_loop3A_727 = vector.shape_cast %parallel_loop3A_720 : vector<16xf32> to vector<1x1x16xf32>
      tpu.vector_store %arg6[%parallel_loop3A_722, %parallel_loop3A_723, %parallel_loop3A_724], %parallel_loop3A_727 {strides = array<i32>} : memref<5x128x128xf32, #tpu.memory_space<vmem>>, vector<1x1x16xf32>,
      %parallel_loop3A_728 = arith.constant 0 : i32
      %parallel_loop3A_729 = arith.index_cast %parallel_loop3A_728 : i32 to index
      %parallel_loop3A_730 = arith.index_cast %parallel_loop3A_695 : i32 to index
      %parallel_loop3A_731 = arith.constant 32 : index
      %parallel_loop3A_732 = tpu.vector_load %arg6[%parallel_loop3A_729, %parallel_loop3A_730, %parallel_loop3A_731] {strides = array<i32>} : memref<5x128x128xf32, #tpu.memory_space<vmem>>, vector<1x1x16xf32>,
      %parallel_loop3A_733 = vector.shape_cast %parallel_loop3A_732 : vector<1x1x16xf32> to vector<16xf32>
      %parallel_loop3A_734 = arith.constant 11.3137083 : f32
      %parallel_loop3A_735 = vector.broadcast %parallel_loop3A_734 : f32 to vector<16xf32>
      %parallel_loop3A_736 = arith.mulf %parallel_loop3A_733, %parallel_loop3A_735 : vector<16xf32>
      %parallel_loop3A_737 = arith.constant 0 : i32
      %parallel_loop3A_738 = arith.index_cast %parallel_loop3A_737 : i32 to index
      %parallel_loop3A_739 = arith.index_cast %parallel_loop3A_695 : i32 to index
      %parallel_loop3A_740 = arith.constant 32 : index
      %parallel_loop3A_741 = tpu.vector_load %arg6[%parallel_loop3A_738, %parallel_loop3A_739, %parallel_loop3A_740] {strides = array<i32>} : memref<5x128x128xf32, #tpu.memory_space<vmem>>, vector<1x1x16xf32>,
      %parallel_loop3A_742 = vector.shape_cast %parallel_loop3A_741 : vector<1x1x16xf32> to vector<16xf32>
      %parallel_loop3A_743 = vector.shape_cast %parallel_loop3A_736 : vector<16xf32> to vector<1x1x16xf32>
      tpu.vector_store %arg6[%parallel_loop3A_738, %parallel_loop3A_739, %parallel_loop3A_740], %parallel_loop3A_743 {strides = array<i32>} : memref<5x128x128xf32, #tpu.memory_space<vmem>>, vector<1x1x16xf32>,
      %parallel_loop3A_744 = arith.constant 0 : i32
      %parallel_loop3A_745 = arith.index_cast %parallel_loop3A_744 : i32 to index
      %parallel_loop3A_746 = arith.index_cast %parallel_loop3A_695 : i32 to index
      %parallel_loop3A_747 = arith.constant 48 : index
      %parallel_loop3A_748 = tpu.vector_load %arg6[%parallel_loop3A_745, %parallel_loop3A_746, %parallel_loop3A_747] {strides = array<i32>} : memref<5x128x128xf32, #tpu.memory_space<vmem>>, vector<1x1x16xf32>,
      %parallel_loop3A_749 = vector.shape_cast %parallel_loop3A_748 : vector<1x1x16xf32> to vector<16xf32>
      %parallel_loop3A_750 = arith.constant 11.3137083 : f32
      %parallel_loop3A_751 = vector.broadcast %parallel_loop3A_750 : f32 to vector<16xf32>
      %parallel_loop3A_752 = arith.mulf %parallel_loop3A_749, %parallel_loop3A_751 : vector<16xf32>
      %parallel_loop3A_753 = arith.constant 0 : i32
      %parallel_loop3A_754 = arith.index_cast %parallel_loop3A_753 : i32 to index
      %parallel_loop3A_755 = arith.index_cast %parallel_loop3A_695 : i32 to index
      %parallel_loop3A_756 = arith.constant 48 : index
      %parallel_loop3A_757 = tpu.vector_load %arg6[%parallel_loop3A_754, %parallel_loop3A_755, %parallel_loop3A_756] {strides = array<i32>} : memref<5x128x128xf32, #tpu.memory_space<vmem>>, vector<1x1x16xf32>,
      %parallel_loop3A_758 = vector.shape_cast %parallel_loop3A_757 : vector<1x1x16xf32> to vector<16xf32>
      %parallel_loop3A_759 = vector.shape_cast %parallel_loop3A_752 : vector<16xf32> to vector<1x1x16xf32>
      tpu.vector_store %arg6[%parallel_loop3A_754, %parallel_loop3A_755, %parallel_loop3A_756], %parallel_loop3A_759 {strides = array<i32>} : memref<5x128x128xf32, #tpu.memory_space<vmem>>, vector<1x1x16xf32>,
      %parallel_loop3A_760 = arith.constant 0 : i32
      %parallel_loop3A_761 = arith.index_cast %parallel_loop3A_760 : i32 to index
      %parallel_loop3A_762 = arith.index_cast %parallel_loop3A_695 : i32 to index
      %parallel_loop3A_763 = arith.constant 64 : index
      %parallel_loop3A_764 = tpu.vector_load %arg6[%parallel_loop3A_761, %parallel_loop3A_762, %parallel_loop3A_763] {strides = array<i32>} : memref<5x128x128xf32, #tpu.memory_space<vmem>>, vector<1x1x16xf32>,
      %parallel_loop3A_765 = vector.shape_cast %parallel_loop3A_764 : vector<1x1x16xf32> to vector<16xf32>
      %parallel_loop3A_766 = arith.constant 11.3137083 : f32
      %parallel_loop3A_767 = vector.broadcast %parallel_loop3A_766 : f32 to vector<16xf32>
      %parallel_loop3A_768 = arith.mulf %parallel_loop3A_765, %parallel_loop3A_767 : vector<16xf32>
      %parallel_loop3A_769 = arith.constant 0 : i32
      %parallel_loop3A_770 = arith.index_cast %parallel_loop3A_769 : i32 to index
      %parallel_loop3A_771 = arith.index_cast %parallel_loop3A_695 : i32 to index
      %parallel_loop3A_772 = arith.constant 64 : index
      %parallel_loop3A_773 = tpu.vector_load %arg6[%parallel_loop3A_770, %parallel_loop3A_771, %parallel_loop3A_772] {strides = array<i32>} : memref<5x128x128xf32, #tpu.memory_space<vmem>>, vector<1x1x16xf32>,
      %parallel_loop3A_774 = vector.shape_cast %parallel_loop3A_773 : vector<1x1x16xf32> to vector<16xf32>
      %parallel_loop3A_775 = vector.shape_cast %parallel_loop3A_768 : vector<16xf32> to vector<1x1x16xf32>
      tpu.vector_store %arg6[%parallel_loop3A_770, %parallel_loop3A_771, %parallel_loop3A_772], %parallel_loop3A_775 {strides = array<i32>} : memref<5x128x128xf32, #tpu.memory_space<vmem>>, vector<1x1x16xf32>,
      %parallel_loop3A_776 = arith.constant 0 : i32
      %parallel_loop3A_777 = arith.index_cast %parallel_loop3A_776 : i32 to index
      %parallel_loop3A_778 = arith.index_cast %parallel_loop3A_695 : i32 to index
      %parallel_loop3A_779 = arith.constant 80 : index
      %parallel_loop3A_780 = tpu.vector_load %arg6[%parallel_loop3A_777, %parallel_loop3A_778, %parallel_loop3A_779] {strides = array<i32>} : memref<5x128x128xf32, #tpu.memory_space<vmem>>, vector<1x1x16xf32>,
      %parallel_loop3A_781 = vector.shape_cast %parallel_loop3A_780 : vector<1x1x16xf32> to vector<16xf32>
      %parallel_loop3A_782 = arith.constant 11.3137083 : f32
      %parallel_loop3A_783 = vector.broadcast %parallel_loop3A_782 : f32 to vector<16xf32>
      %parallel_loop3A_784 = arith.mulf %parallel_loop3A_781, %parallel_loop3A_783 : vector<16xf32>
      %parallel_loop3A_785 = arith.constant 0 : i32
      %parallel_loop3A_786 = arith.index_cast %parallel_loop3A_785 : i32 to index
      %parallel_loop3A_787 = arith.index_cast %parallel_loop3A_695 : i32 to index
      %parallel_loop3A_788 = arith.constant 80 : index
      %parallel_loop3A_789 = tpu.vector_load %arg6[%parallel_loop3A_786, %parallel_loop3A_787, %parallel_loop3A_788] {strides = array<i32>} : memref<5x128x128xf32, #tpu.memory_space<vmem>>, vector<1x1x16xf32>,
      %parallel_loop3A_790 = vector.shape_cast %parallel_loop3A_789 : vector<1x1x16xf32> to vector<16xf32>
      %parallel_loop3A_791 = vector.shape_cast %parallel_loop3A_784 : vector<16xf32> to vector<1x1x16xf32>
      tpu.vector_store %arg6[%parallel_loop3A_786, %parallel_loop3A_787, %parallel_loop3A_788], %parallel_loop3A_791 {strides = array<i32>} : memref<5x128x128xf32, #tpu.memory_space<vmem>>, vector<1x1x16xf32>,
      %parallel_loop3A_792 = arith.constant 0 : i32
      %parallel_loop3A_793 = arith.index_cast %parallel_loop3A_792 : i32 to index
      %parallel_loop3A_794 = arith.index_cast %parallel_loop3A_695 : i32 to index
      %parallel_loop3A_795 = arith.constant 96 : index
      %parallel_loop3A_796 = tpu.vector_load %arg6[%parallel_loop3A_793, %parallel_loop3A_794, %parallel_loop3A_795] {strides = array<i32>} : memref<5x128x128xf32, #tpu.memory_space<vmem>>, vector<1x1x16xf32>,
      %parallel_loop3A_797 = vector.shape_cast %parallel_loop3A_796 : vector<1x1x16xf32> to vector<16xf32>
      %parallel_loop3A_798 = arith.constant 11.3137083 : f32
      %parallel_loop3A_799 = vector.broadcast %parallel_loop3A_798 : f32 to vector<16xf32>
      %parallel_loop3A_800 = arith.mulf %parallel_loop3A_797, %parallel_loop3A_799 : vector<16xf32>
      %parallel_loop3A_801 = arith.constant 0 : i32
      %parallel_loop3A_802 = arith.index_cast %parallel_loop3A_801 : i32 to index
      %parallel_loop3A_803 = arith.index_cast %parallel_loop3A_695 : i32 to index
      %parallel_loop3A_804 = arith.constant 96 : index
      %parallel_loop3A_805 = tpu.vector_load %arg6[%parallel_loop3A_802, %parallel_loop3A_803, %parallel_loop3A_804] {strides = array<i32>} : memref<5x128x128xf32, #tpu.memory_space<vmem>>, vector<1x1x16xf32>,
      %parallel_loop3A_806 = vector.shape_cast %parallel_loop3A_805 : vector<1x1x16xf32> to vector<16xf32>
      %parallel_loop3A_807 = vector.shape_cast %parallel_loop3A_800 : vector<16xf32> to vector<1x1x16xf32>
      tpu.vector_store %arg6[%parallel_loop3A_802, %parallel_loop3A_803, %parallel_loop3A_804], %parallel_loop3A_807 {strides = array<i32>} : memref<5x128x128xf32, #tpu.memory_space<vmem>>, vector<1x1x16xf32>,
      %parallel_loop3A_808 = arith.constant 0 : i32
      %parallel_loop3A_809 = arith.index_cast %parallel_loop3A_808 : i32 to index
      %parallel_loop3A_810 = arith.index_cast %parallel_loop3A_695 : i32 to index
      %parallel_loop3A_811 = arith.constant 112 : index
      %parallel_loop3A_812 = tpu.vector_load %arg6[%parallel_loop3A_809, %parallel_loop3A_810, %parallel_loop3A_811] {strides = array<i32>} : memref<5x128x128xf32, #tpu.memory_space<vmem>>, vector<1x1x16xf32>,
      %parallel_loop3A_813 = vector.shape_cast %parallel_loop3A_812 : vector<1x1x16xf32> to vector<16xf32>
      %parallel_loop3A_814 = arith.constant 11.3137083 : f32
      %parallel_loop3A_815 = vector.broadcast %parallel_loop3A_814 : f32 to vector<16xf32>
      %parallel_loop3A_816 = arith.mulf %parallel_loop3A_813, %parallel_loop3A_815 : vector<16xf32>
      %parallel_loop3A_817 = arith.constant 0 : i32
      %parallel_loop3A_818 = arith.index_cast %parallel_loop3A_817 : i32 to index
      %parallel_loop3A_819 = arith.index_cast %parallel_loop3A_695 : i32 to index
      %parallel_loop3A_820 = arith.constant 112 : index
      %parallel_loop3A_821 = tpu.vector_load %arg6[%parallel_loop3A_818, %parallel_loop3A_819, %parallel_loop3A_820] {strides = array<i32>} : memref<5x128x128xf32, #tpu.memory_space<vmem>>, vector<1x1x16xf32>,
      %parallel_loop3A_822 = vector.shape_cast %parallel_loop3A_821 : vector<1x1x16xf32> to vector<16xf32>
      %parallel_loop3A_823 = vector.shape_cast %parallel_loop3A_816 : vector<16xf32> to vector<1x1x16xf32>
      tpu.vector_store %arg6[%parallel_loop3A_818, %parallel_loop3A_819, %parallel_loop3A_820], %parallel_loop3A_823 {strides = array<i32>} : memref<5x128x128xf32, #tpu.memory_space<vmem>>, vector<1x1x16xf32>,
    } {sc.loop_unroll_factor = 4 : i64, sc.parallel_access}
    %add3A_78 = arith.constant 0 : i32
    %add3A_79 = arith.addi %mul3A_2, %add3A_78 : i32
    %dma_start3A_80 = arith.constant 0 : i32
    %dma_start3A_81 = arith.constant 0 : i32
    %dma_start3A_82 = arith.constant 0 : i32
    %dma_start3A_83 = arith.constant 0 : i32
    %dma_start3A_84 = tpu.memref_slice %arg6[%dma_start3A_80, %dma_start3A_82, %dma_start3A_83] : memref<5x128x128xf32, #tpu.memory_space<vmem>> -> memref<1x128x128xf32, #tpu.memory_space<vmem>>
    %dma_start3A_85 = tpu.memref_squeeze %dma_start3A_84 : memref<1x128x128xf32, #tpu.memory_space<vmem>> -> memref<128x128xf32, #tpu.memory_space<vmem>>
    %dma_start3A_86 = arith.constant 0 : i32
    %dma_start3A_87 = tpu.memref_slice %arg4[%add3A_79, %dma_start3A_86] : memref<204800x128xf32, #tpu.memory_space<hbm>> -> memref<128x128xf32, #tpu.memory_space<hbm>>
    %dma_start3A_88 = tpu.memref_slice %arg8[%dma_start3A_81] : memref<5x!tpu.dma_semaphore, #tpu.memory_space<semaphore_mem>> -> memref<1x!tpu.dma_semaphore, #tpu.memory_space<semaphore_mem>>
    %dma_start3A_89 = tpu.memref_squeeze %dma_start3A_88 : memref<1x!tpu.dma_semaphore, #tpu.memory_space<semaphore_mem>> -> memref<!tpu.dma_semaphore, #tpu.memory_space<semaphore_mem>>
    %dma_start3A_90 = arith.constant 0 : i32
    %dma_start3A_91 = tpu.memref_slice %arg4[%add3A_79, %dma_start3A_90] : memref<204800x128xf32, #tpu.memory_space<hbm>> -> memref<128x128xf32, #tpu.memory_space<hbm>>
    %dma_start3A_92 = arith.constant 0 : i32
    %dma_start3A_93 = arith.constant 0 : i32
    %dma_start3A_94 = tpu.memref_slice %arg6[%dma_start3A_80, %dma_start3A_92, %dma_start3A_93] : memref<5x128x128xf32, #tpu.memory_space<vmem>> -> memref<1x128x128xf32, #tpu.memory_space<vmem>>
    %dma_start3A_95 = tpu.memref_squeeze %dma_start3A_94 : memref<1x128x128xf32, #tpu.memory_space<vmem>> -> memref<128x128xf32, #tpu.memory_space<vmem>>
    tpu.enqueue_dma source(%dma_start3A_95 : memref<128x128xf32, #tpu.memory_space<vmem>>) target(%dma_start3A_91 : memref<128x128xf32, #tpu.memory_space<hbm>>) target_semaphore(%dma_start3A_89 : memref<!tpu.dma_semaphore, #tpu.memory_space<semaphore_mem>>)
    %dma_start3A_96 = arith.constant 4 : i32
    %dma_start3A_97 = arith.constant 4 : i32
    %dma_start3A_98 = arith.constant 4 : i32
    %dma_start3A_99 = arith.constant 0 : i32
    %dma_start3A_100 = arith.constant 0 : i32
    %dma_start3A_101 = tpu.memref_slice %arg6[%dma_start3A_97, %dma_start3A_99, %dma_start3A_100] : memref<5x128x128xf32, #tpu.memory_space<vmem>> -> memref<1x128x128xf32, #tpu.memory_space<vmem>>
    %dma_start3A_102 = tpu.memref_squeeze %dma_start3A_101 : memref<1x128x128xf32, #tpu.memory_space<vmem>> -> memref<128x128xf32, #tpu.memory_space<vmem>>
    %dma_start3A_103 = arith.constant 0 : i32
    %dma_start3A_104 = tpu.memref_slice %arg5[%dma_start3A_96, %dma_start3A_103] : memref<50x128xi32, #tpu.memory_space<vmem>> -> memref<1x128xi32, #tpu.memory_space<vmem>>
    %dma_start3A_105 = tpu.memref_squeeze %dma_start3A_104 : memref<1x128xi32, #tpu.memory_space<vmem>> -> memref<128xi32, #tpu.memory_space<vmem>>
    %dma_start3A_106 = arith.constant 0 : i32
    %dma_start3A_107 = arith.constant 0 : i32
    %dma_start3A_108 = tpu.memref_slice %arg3[%dma_start3A_106, %dma_start3A_107] : memref<100000x128xf32, #tpu.memory_space<hbm>> -> memref<100000x128xf32, #tpu.memory_space<hbm>>
    %dma_start3A_109 = tpu.memref_slice %arg7[%dma_start3A_98] : memref<5x!tpu.dma_semaphore, #tpu.memory_space<semaphore_mem>> -> memref<1x!tpu.dma_semaphore, #tpu.memory_space<semaphore_mem>>
    %dma_start3A_110 = tpu.memref_squeeze %dma_start3A_109 : memref<1x!tpu.dma_semaphore, #tpu.memory_space<semaphore_mem>> -> memref<!tpu.dma_semaphore, #tpu.memory_space<semaphore_mem>>
    tpu.enqueue_indirect_dma source(%dma_start3A_108 : memref<100000x128xf32, #tpu.memory_space<hbm>>) target(%dma_start3A_102 : memref<128x128xf32, #tpu.memory_space<vmem>>) offsets(%dma_start3A_105 : memref<128xi32, #tpu.memory_space<vmem>>) semaphore(%dma_start3A_110 : memref<!tpu.dma_semaphore, #tpu.memory_space<semaphore_mem>>)
    %dma_wait3A_111 = arith.constant 1 : i32
    %dma_wait3A_112 = arith.constant 1 : i32
    %dma_wait3A_113 = arith.constant 1 : i32
    %dma_wait3A_114 = arith.constant 0 : i32
    %dma_wait3A_115 = arith.constant 0 : i32
    %dma_wait3A_116 = tpu.memref_slice %arg6[%dma_wait3A_112, %dma_wait3A_114, %dma_wait3A_115] : memref<5x128x128xf32, #tpu.memory_space<vmem>> -> memref<1x128x128xf32, #tpu.memory_space<vmem>>
    %dma_wait3A_117 = tpu.memref_squeeze %dma_wait3A_116 : memref<1x128x128xf32, #tpu.memory_space<vmem>> -> memref<128x128xf32, #tpu.memory_space<vmem>>
    %dma_wait3A_118 = arith.constant 0 : i32
    %dma_wait3A_119 = tpu.memref_slice %arg5[%dma_wait3A_111, %dma_wait3A_118] : memref<50x128xi32, #tpu.memory_space<vmem>> -> memref<1x128xi32, #tpu.memory_space<vmem>>
    %dma_wait3A_120 = tpu.memref_squeeze %dma_wait3A_119 : memref<1x128xi32, #tpu.memory_space<vmem>> -> memref<128xi32, #tpu.memory_space<vmem>>
    %dma_wait3A_121 = arith.constant 0 : i32
    %dma_wait3A_122 = arith.constant 0 : i32
    %dma_wait3A_123 = tpu.memref_slice %arg3[%dma_wait3A_121, %dma_wait3A_122] : memref<100000x128xf32, #tpu.memory_space<hbm>> -> memref<100000x128xf32, #tpu.memory_space<hbm>>
    %dma_wait3A_124 = tpu.memref_slice %arg7[%dma_wait3A_113] : memref<5x!tpu.dma_semaphore, #tpu.memory_space<semaphore_mem>> -> memref<1x!tpu.dma_semaphore, #tpu.memory_space<semaphore_mem>>
    %dma_wait3A_125 = tpu.memref_squeeze %dma_wait3A_124 : memref<1x!tpu.dma_semaphore, #tpu.memory_space<semaphore_mem>> -> memref<!tpu.dma_semaphore, #tpu.memory_space<semaphore_mem>>
    tpu.wait_indirect_dma semaphore(%dma_wait3A_125 : memref<!tpu.dma_semaphore, #tpu.memory_space<semaphore_mem>>) src(%dma_wait3A_123 : memref<100000x128xf32, #tpu.memory_space<hbm>>) dst(%dma_wait3A_117 : memref<128x128xf32, #tpu.memory_space<vmem>>)
    %parallel_loop3A_126 = arith.constant 0 : i32
    %parallel_loop3A_127 = arith.constant 128 : i32
    %parallel_loop3A_128 = arith.constant 1 : i32
    scf.for %parallel_loop3A_695 = %parallel_loop3A_126 to %parallel_loop3A_127 step %parallel_loop3A_128  : i32 {
      %parallel_loop3A_696 = arith.constant 1 : i32
      %parallel_loop3A_697 = arith.index_cast %parallel_loop3A_696 : i32 to index
      %parallel_loop3A_698 = arith.index_cast %parallel_loop3A_695 : i32 to index
      %parallel_loop3A_699 = arith.constant 0 : index
      %parallel_loop3A_700 = tpu.vector_load %arg6[%parallel_loop3A_697, %parallel_loop3A_698, %parallel_loop3A_699] {strides = array<i32>} : memref<5x128x128xf32, #tpu.memory_space<vmem>>, vector<1x1x16xf32>,
      %parallel_loop3A_701 = vector.shape_cast %parallel_loop3A_700 : vector<1x1x16xf32> to vector<16xf32>
      %parallel_loop3A_702 = arith.constant 11.3137083 : f32
      %parallel_loop3A_703 = vector.broadcast %parallel_loop3A_702 : f32 to vector<16xf32>
      %parallel_loop3A_704 = arith.mulf %parallel_loop3A_701, %parallel_loop3A_703 : vector<16xf32>
      %parallel_loop3A_705 = arith.constant 1 : i32
      %parallel_loop3A_706 = arith.index_cast %parallel_loop3A_705 : i32 to index
      %parallel_loop3A_707 = arith.index_cast %parallel_loop3A_695 : i32 to index
      %parallel_loop3A_708 = arith.constant 0 : index
      %parallel_loop3A_709 = tpu.vector_load %arg6[%parallel_loop3A_706, %parallel_loop3A_707, %parallel_loop3A_708] {strides = array<i32>} : memref<5x128x128xf32, #tpu.memory_space<vmem>>, vector<1x1x16xf32>,
      %parallel_loop3A_710 = vector.shape_cast %parallel_loop3A_709 : vector<1x1x16xf32> to vector<16xf32>
      %parallel_loop3A_711 = vector.shape_cast %parallel_loop3A_704 : vector<16xf32> to vector<1x1x16xf32>
      tpu.vector_store %arg6[%parallel_loop3A_706, %parallel_loop3A_707, %parallel_loop3A_708], %parallel_loop3A_711 {strides = array<i32>} : memref<5x128x128xf32, #tpu.memory_space<vmem>>, vector<1x1x16xf32>,
      %parallel_loop3A_712 = arith.constant 1 : i32
      %parallel_loop3A_713 = arith.index_cast %parallel_loop3A_712 : i32 to index
      %parallel_loop3A_714 = arith.index_cast %parallel_loop3A_695 : i32 to index
      %parallel_loop3A_715 = arith.constant 16 : index
      %parallel_loop3A_716 = tpu.vector_load %arg6[%parallel_loop3A_713, %parallel_loop3A_714, %parallel_loop3A_715] {strides = array<i32>} : memref<5x128x128xf32, #tpu.memory_space<vmem>>, vector<1x1x16xf32>,
      %parallel_loop3A_717 = vector.shape_cast %parallel_loop3A_716 : vector<1x1x16xf32> to vector<16xf32>
      %parallel_loop3A_718 = arith.constant 11.3137083 : f32
      %parallel_loop3A_719 = vector.broadcast %parallel_loop3A_718 : f32 to vector<16xf32>
      %parallel_loop3A_720 = arith.mulf %parallel_loop3A_717, %parallel_loop3A_719 : vector<16xf32>
      %parallel_loop3A_721 = arith.constant 1 : i32
      %parallel_loop3A_722 = arith.index_cast %parallel_loop3A_721 : i32 to index
      %parallel_loop3A_723 = arith.index_cast %parallel_loop3A_695 : i32 to index
      %parallel_loop3A_724 = arith.constant 16 : index
      %parallel_loop3A_725 = tpu.vector_load %arg6[%parallel_loop3A_722, %parallel_loop3A_723, %parallel_loop3A_724] {strides = array<i32>} : memref<5x128x128xf32, #tpu.memory_space<vmem>>, vector<1x1x16xf32>,
      %parallel_loop3A_726 = vector.shape_cast %parallel_loop3A_725 : vector<1x1x16xf32> to vector<16xf32>
      %parallel_loop3A_727 = vector.shape_cast %parallel_loop3A_720 : vector<16xf32> to vector<1x1x16xf32>
      tpu.vector_store %arg6[%parallel_loop3A_722, %parallel_loop3A_723, %parallel_loop3A_724], %parallel_loop3A_727 {strides = array<i32>} : memref<5x128x128xf32, #tpu.memory_space<vmem>>, vector<1x1x16xf32>,
      %parallel_loop3A_728 = arith.constant 1 : i32
      %parallel_loop3A_729 = arith.index_cast %parallel_loop3A_728 : i32 to index
      %parallel_loop3A_730 = arith.index_cast %parallel_loop3A_695 : i32 to index
      %parallel_loop3A_731 = arith.constant 32 : index
      %parallel_loop3A_732 = tpu.vector_load %arg6[%parallel_loop3A_729, %parallel_loop3A_730, %parallel_loop3A_731] {strides = array<i32>} : memref<5x128x128xf32, #tpu.memory_space<vmem>>, vector<1x1x16xf32>,
      %parallel_loop3A_733 = vector.shape_cast %parallel_loop3A_732 : vector<1x1x16xf32> to vector<16xf32>
      %parallel_loop3A_734 = arith.constant 11.3137083 : f32
      %parallel_loop3A_735 = vector.broadcast %parallel_loop3A_734 : f32 to vector<16xf32>
      %parallel_loop3A_736 = arith.mulf %parallel_loop3A_733, %parallel_loop3A_735 : vector<16xf32>
      %parallel_loop3A_737 = arith.constant 1 : i32
      %parallel_loop3A_738 = arith.index_cast %parallel_loop3A_737 : i32 to index
      %parallel_loop3A_739 = arith.index_cast %parallel_loop3A_695 : i32 to index
      %parallel_loop3A_740 = arith.constant 32 : index
      %parallel_loop3A_741 = tpu.vector_load %arg6[%parallel_loop3A_738, %parallel_loop3A_739, %parallel_loop3A_740] {strides = array<i32>} : memref<5x128x128xf32, #tpu.memory_space<vmem>>, vector<1x1x16xf32>,
      %parallel_loop3A_742 = vector.shape_cast %parallel_loop3A_741 : vector<1x1x16xf32> to vector<16xf32>
      %parallel_loop3A_743 = vector.shape_cast %parallel_loop3A_736 : vector<16xf32> to vector<1x1x16xf32>
      tpu.vector_store %arg6[%parallel_loop3A_738, %parallel_loop3A_739, %parallel_loop3A_740], %parallel_loop3A_743 {strides = array<i32>} : memref<5x128x128xf32, #tpu.memory_space<vmem>>, vector<1x1x16xf32>,
      %parallel_loop3A_744 = arith.constant 1 : i32
      %parallel_loop3A_745 = arith.index_cast %parallel_loop3A_744 : i32 to index
      %parallel_loop3A_746 = arith.index_cast %parallel_loop3A_695 : i32 to index
      %parallel_loop3A_747 = arith.constant 48 : index
      %parallel_loop3A_748 = tpu.vector_load %arg6[%parallel_loop3A_745, %parallel_loop3A_746, %parallel_loop3A_747] {strides = array<i32>} : memref<5x128x128xf32, #tpu.memory_space<vmem>>, vector<1x1x16xf32>,
      %parallel_loop3A_749 = vector.shape_cast %parallel_loop3A_748 : vector<1x1x16xf32> to vector<16xf32>
      %parallel_loop3A_750 = arith.constant 11.3137083 : f32
      %parallel_loop3A_751 = vector.broadcast %parallel_loop3A_750 : f32 to vector<16xf32>
      %parallel_loop3A_752 = arith.mulf %parallel_loop3A_749, %parallel_loop3A_751 : vector<16xf32>
      %parallel_loop3A_753 = arith.constant 1 : i32
      %parallel_loop3A_754 = arith.index_cast %parallel_loop3A_753 : i32 to index
      %parallel_loop3A_755 = arith.index_cast %parallel_loop3A_695 : i32 to index
      %parallel_loop3A_756 = arith.constant 48 : index
      %parallel_loop3A_757 = tpu.vector_load %arg6[%parallel_loop3A_754, %parallel_loop3A_755, %parallel_loop3A_756] {strides = array<i32>} : memref<5x128x128xf32, #tpu.memory_space<vmem>>, vector<1x1x16xf32>,
      %parallel_loop3A_758 = vector.shape_cast %parallel_loop3A_757 : vector<1x1x16xf32> to vector<16xf32>
      %parallel_loop3A_759 = vector.shape_cast %parallel_loop3A_752 : vector<16xf32> to vector<1x1x16xf32>
      tpu.vector_store %arg6[%parallel_loop3A_754, %parallel_loop3A_755, %parallel_loop3A_756], %parallel_loop3A_759 {strides = array<i32>} : memref<5x128x128xf32, #tpu.memory_space<vmem>>, vector<1x1x16xf32>,
      %parallel_loop3A_760 = arith.constant 1 : i32
      %parallel_loop3A_761 = arith.index_cast %parallel_loop3A_760 : i32 to index
      %parallel_loop3A_762 = arith.index_cast %parallel_loop3A_695 : i32 to index
      %parallel_loop3A_763 = arith.constant 64 : index
      %parallel_loop3A_764 = tpu.vector_load %arg6[%parallel_loop3A_761, %parallel_loop3A_762, %parallel_loop3A_763] {strides = array<i32>} : memref<5x128x128xf32, #tpu.memory_space<vmem>>, vector<1x1x16xf32>,
      %parallel_loop3A_765 = vector.shape_cast %parallel_loop3A_764 : vector<1x1x16xf32> to vector<16xf32>
      %parallel_loop3A_766 = arith.constant 11.3137083 : f32
      %parallel_loop3A_767 = vector.broadcast %parallel_loop3A_766 : f32 to vector<16xf32>
      %parallel_loop3A_768 = arith.mulf %parallel_loop3A_765, %parallel_loop3A_767 : vector<16xf32>
      %parallel_loop3A_769 = arith.constant 1 : i32
      %parallel_loop3A_770 = arith.index_cast %parallel_loop3A_769 : i32 to index
      %parallel_loop3A_771 = arith.index_cast %parallel_loop3A_695 : i32 to index
      %parallel_loop3A_772 = arith.constant 64 : index
      %parallel_loop3A_773 = tpu.vector_load %arg6[%parallel_loop3A_770, %parallel_loop3A_771, %parallel_loop3A_772] {strides = array<i32>} : memref<5x128x128xf32, #tpu.memory_space<vmem>>, vector<1x1x16xf32>,
      %parallel_loop3A_774 = vector.shape_cast %parallel_loop3A_773 : vector<1x1x16xf32> to vector<16xf32>
      %parallel_loop3A_775 = vector.shape_cast %parallel_loop3A_768 : vector<16xf32> to vector<1x1x16xf32>
      tpu.vector_store %arg6[%parallel_loop3A_770, %parallel_loop3A_771, %parallel_loop3A_772], %parallel_loop3A_775 {strides = array<i32>} : memref<5x128x128xf32, #tpu.memory_space<vmem>>, vector<1x1x16xf32>,
      %parallel_loop3A_776 = arith.constant 1 : i32
      %parallel_loop3A_777 = arith.index_cast %parallel_loop3A_776 : i32 to index
      %parallel_loop3A_778 = arith.index_cast %parallel_loop3A_695 : i32 to index
      %parallel_loop3A_779 = arith.constant 80 : index
      %parallel_loop3A_780 = tpu.vector_load %arg6[%parallel_loop3A_777, %parallel_loop3A_778, %parallel_loop3A_779] {strides = array<i32>} : memref<5x128x128xf32, #tpu.memory_space<vmem>>, vector<1x1x16xf32>,
      %parallel_loop3A_781 = vector.shape_cast %parallel_loop3A_780 : vector<1x1x16xf32> to vector<16xf32>
      %parallel_loop3A_782 = arith.constant 11.3137083 : f32
      %parallel_loop3A_783 = vector.broadcast %parallel_loop3A_782 : f32 to vector<16xf32>
      %parallel_loop3A_784 = arith.mulf %parallel_loop3A_781, %parallel_loop3A_783 : vector<16xf32>
      %parallel_loop3A_785 = arith.constant 1 : i32
      %parallel_loop3A_786 = arith.index_cast %parallel_loop3A_785 : i32 to index
      %parallel_loop3A_787 = arith.index_cast %parallel_loop3A_695 : i32 to index
      %parallel_loop3A_788 = arith.constant 80 : index
      %parallel_loop3A_789 = tpu.vector_load %arg6[%parallel_loop3A_786, %parallel_loop3A_787, %parallel_loop3A_788] {strides = array<i32>} : memref<5x128x128xf32, #tpu.memory_space<vmem>>, vector<1x1x16xf32>,
      %parallel_loop3A_790 = vector.shape_cast %parallel_loop3A_789 : vector<1x1x16xf32> to vector<16xf32>
      %parallel_loop3A_791 = vector.shape_cast %parallel_loop3A_784 : vector<16xf32> to vector<1x1x16xf32>
      tpu.vector_store %arg6[%parallel_loop3A_786, %parallel_loop3A_787, %parallel_loop3A_788], %parallel_loop3A_791 {strides = array<i32>} : memref<5x128x128xf32, #tpu.memory_space<vmem>>, vector<1x1x16xf32>,
      %parallel_loop3A_792 = arith.constant 1 : i32
      %parallel_loop3A_793 = arith.index_cast %parallel_loop3A_792 : i32 to index
      %parallel_loop3A_794 = arith.index_cast %parallel_loop3A_695 : i32 to index
      %parallel_loop3A_795 = arith.constant 96 : index
      %parallel_loop3A_796 = tpu.vector_load %arg6[%parallel_loop3A_793, %parallel_loop3A_794, %parallel_loop3A_795] {strides = array<i32>} : memref<5x128x128xf32, #tpu.memory_space<vmem>>, vector<1x1x16xf32>,
      %parallel_loop3A_797 = vector.shape_cast %parallel_loop3A_796 : vector<1x1x16xf32> to vector<16xf32>
      %parallel_loop3A_798 = arith.constant 11.3137083 : f32
      %parallel_loop3A_799 = vector.broadcast %parallel_loop3A_798 : f32 to vector<16xf32>
      %parallel_loop3A_800 = arith.mulf %parallel_loop3A_797, %parallel_loop3A_799 : vector<16xf32>
      %parallel_loop3A_801 = arith.constant 1 : i32
      %parallel_loop3A_802 = arith.index_cast %parallel_loop3A_801 : i32 to index
      %parallel_loop3A_803 = arith.index_cast %parallel_loop3A_695 : i32 to index
      %parallel_loop3A_804 = arith.constant 96 : index
      %parallel_loop3A_805 = tpu.vector_load %arg6[%parallel_loop3A_802, %parallel_loop3A_803, %parallel_loop3A_804] {strides = array<i32>} : memref<5x128x128xf32, #tpu.memory_space<vmem>>, vector<1x1x16xf32>,
      %parallel_loop3A_806 = vector.shape_cast %parallel_loop3A_805 : vector<1x1x16xf32> to vector<16xf32>
      %parallel_loop3A_807 = vector.shape_cast %parallel_loop3A_800 : vector<16xf32> to vector<1x1x16xf32>
      tpu.vector_store %arg6[%parallel_loop3A_802, %parallel_loop3A_803, %parallel_loop3A_804], %parallel_loop3A_807 {strides = array<i32>} : memref<5x128x128xf32, #tpu.memory_space<vmem>>, vector<1x1x16xf32>,
      %parallel_loop3A_808 = arith.constant 1 : i32
      %parallel_loop3A_809 = arith.index_cast %parallel_loop3A_808 : i32 to index
      %parallel_loop3A_810 = arith.index_cast %parallel_loop3A_695 : i32 to index
      %parallel_loop3A_811 = arith.constant 112 : index
      %parallel_loop3A_812 = tpu.vector_load %arg6[%parallel_loop3A_809, %parallel_loop3A_810, %parallel_loop3A_811] {strides = array<i32>} : memref<5x128x128xf32, #tpu.memory_space<vmem>>, vector<1x1x16xf32>,
      %parallel_loop3A_813 = vector.shape_cast %parallel_loop3A_812 : vector<1x1x16xf32> to vector<16xf32>
      %parallel_loop3A_814 = arith.constant 11.3137083 : f32
      %parallel_loop3A_815 = vector.broadcast %parallel_loop3A_814 : f32 to vector<16xf32>
      %parallel_loop3A_816 = arith.mulf %parallel_loop3A_813, %parallel_loop3A_815 : vector<16xf32>
      %parallel_loop3A_817 = arith.constant 1 : i32
      %parallel_loop3A_818 = arith.index_cast %parallel_loop3A_817 : i32 to index
      %parallel_loop3A_819 = arith.index_cast %parallel_loop3A_695 : i32 to index
      %parallel_loop3A_820 = arith.constant 112 : index
      %parallel_loop3A_821 = tpu.vector_load %arg6[%parallel_loop3A_818, %parallel_loop3A_819, %parallel_loop3A_820] {strides = array<i32>} : memref<5x128x128xf32, #tpu.memory_space<vmem>>, vector<1x1x16xf32>,
      %parallel_loop3A_822 = vector.shape_cast %parallel_loop3A_821 : vector<1x1x16xf32> to vector<16xf32>
      %parallel_loop3A_823 = vector.shape_cast %parallel_loop3A_816 : vector<16xf32> to vector<1x1x16xf32>
      tpu.vector_store %arg6[%parallel_loop3A_818, %parallel_loop3A_819, %parallel_loop3A_820], %parallel_loop3A_823 {strides = array<i32>} : memref<5x128x128xf32, #tpu.memory_space<vmem>>, vector<1x1x16xf32>,
    } {sc.loop_unroll_factor = 4 : i64, sc.parallel_access}
    %add3A_129 = arith.constant 128 : i32
    %add3A_130 = arith.addi %mul3A_2, %add3A_129 : i32
    %dma_start3A_131 = arith.constant 1 : i32
    %dma_start3A_132 = arith.constant 1 : i32
    %dma_start3A_133 = arith.constant 0 : i32
    %dma_start3A_134 = arith.constant 0 : i32
    %dma_start3A_135 = tpu.memref_slice %arg6[%dma_start3A_131, %dma_start3A_133, %dma_start3A_134] : memref<5x128x128xf32, #tpu.memory_space<vmem>> -> memref<1x128x128xf32, #tpu.memory_space<vmem>>
    %dma_start3A_136 = tpu.memref_squeeze %dma_start3A_135 : memref<1x128x128xf32, #tpu.memory_space<vmem>> -> memref<128x128xf32, #tpu.memory_space<vmem>>
    %dma_start3A_137 = arith.constant 0 : i32
    %dma_start3A_138 = tpu.memref_slice %arg4[%add3A_130, %dma_start3A_137] : memref<204800x128xf32, #tpu.memory_space<hbm>> -> memref<128x128xf32, #tpu.memory_space<hbm>>
    %dma_start3A_139 = tpu.memref_slice %arg8[%dma_start3A_132] : memref<5x!tpu.dma_semaphore, #tpu.memory_space<semaphore_mem>> -> memref<1x!tpu.dma_semaphore, #tpu.memory_space<semaphore_mem>>
    %dma_start3A_140 = tpu.memref_squeeze %dma_start3A_139 : memref<1x!tpu.dma_semaphore, #tpu.memory_space<semaphore_mem>> -> memref<!tpu.dma_semaphore, #tpu.memory_space<semaphore_mem>>
    %dma_start3A_141 = arith.constant 0 : i32
    %dma_start3A_142 = tpu.memref_slice %arg4[%add3A_130, %dma_start3A_141] : memref<204800x128xf32, #tpu.memory_space<hbm>> -> memref<128x128xf32, #tpu.memory_space<hbm>>
    %dma_start3A_143 = arith.constant 0 : i32
    %dma_start3A_144 = arith.constant 0 : i32
    %dma_start3A_145 = tpu.memref_slice %arg6[%dma_start3A_131, %dma_start3A_143, %dma_start3A_144] : memref<5x128x128xf32, #tpu.memory_space<vmem>> -> memref<1x128x128xf32, #tpu.memory_space<vmem>>
    %dma_start3A_146 = tpu.memref_squeeze %dma_start3A_145 : memref<1x128x128xf32, #tpu.memory_space<vmem>> -> memref<128x128xf32, #tpu.memory_space<vmem>>
    tpu.enqueue_dma source(%dma_start3A_146 : memref<128x128xf32, #tpu.memory_space<vmem>>) target(%dma_start3A_142 : memref<128x128xf32, #tpu.memory_space<hbm>>) target_semaphore(%dma_start3A_140 : memref<!tpu.dma_semaphore, #tpu.memory_space<semaphore_mem>>)
    %add3A_147 = arith.constant 0 : i32
    %add3A_148 = arith.addi %mul3A_2, %add3A_147 : i32
    %dma_wait3A_149 = arith.constant 0 : i32
    %dma_wait3A_150 = arith.constant 0 : i32
    %dma_wait3A_151 = arith.constant 0 : i32
    %dma_wait3A_152 = arith.constant 0 : i32
    %dma_wait3A_153 = tpu.memref_slice %arg6[%dma_wait3A_149, %dma_wait3A_151, %dma_wait3A_152] : memref<5x128x128xf32, #tpu.memory_space<vmem>> -> memref<1x128x128xf32, #tpu.memory_space<vmem>>
    %dma_wait3A_154 = tpu.memref_squeeze %dma_wait3A_153 : memref<1x128x128xf32, #tpu.memory_space<vmem>> -> memref<128x128xf32, #tpu.memory_space<vmem>>
    %dma_wait3A_155 = arith.constant 0 : i32
    %dma_wait3A_156 = tpu.memref_slice %arg4[%add3A_148, %dma_wait3A_155] : memref<204800x128xf32, #tpu.memory_space<hbm>> -> memref<128x128xf32, #tpu.memory_space<hbm>>
    %dma_wait3A_157 = tpu.memref_slice %arg8[%dma_wait3A_150] : memref<5x!tpu.dma_semaphore, #tpu.memory_space<semaphore_mem>> -> memref<1x!tpu.dma_semaphore, #tpu.memory_space<semaphore_mem>>
    %dma_wait3A_158 = tpu.memref_squeeze %dma_wait3A_157 : memref<1x!tpu.dma_semaphore, #tpu.memory_space<semaphore_mem>> -> memref<!tpu.dma_semaphore, #tpu.memory_space<semaphore_mem>>
    %dma_wait3A_159 = arith.constant 0 : i32
    %dma_wait3A_160 = tpu.memref_slice %arg4[%add3A_148, %dma_wait3A_159] : memref<204800x128xf32, #tpu.memory_space<hbm>> -> memref<128x128xf32, #tpu.memory_space<hbm>>
    %dma_wait3A_161 = arith.constant 0 : i32
    %dma_wait3A_162 = arith.constant 0 : i32
    %dma_wait3A_163 = tpu.memref_slice %arg6[%dma_wait3A_149, %dma_wait3A_161, %dma_wait3A_162] : memref<5x128x128xf32, #tpu.memory_space<vmem>> -> memref<1x128x128xf32, #tpu.memory_space<vmem>>
    %dma_wait3A_164 = tpu.memref_squeeze %dma_wait3A_163 : memref<1x128x128xf32, #tpu.memory_space<vmem>> -> memref<128x128xf32, #tpu.memory_space<vmem>>
    tpu.wait_dma2 semaphore(%dma_wait3A_158 : memref<!tpu.dma_semaphore, #tpu.memory_space<semaphore_mem>>) src(%dma_wait3A_164 : memref<128x128xf32, #tpu.memory_space<vmem>>) dst(%dma_wait3A_160 : memref<128x128xf32, #tpu.memory_space<hbm>>)
    %dma_start3A_165 = arith.constant 5 : i32
    %dma_start3A_166 = arith.constant 0 : i32
    %dma_start3A_167 = arith.constant 0 : i32
    %dma_start3A_168 = arith.constant 0 : i32
    %dma_start3A_169 = arith.constant 0 : i32
    %dma_start3A_170 = tpu.memref_slice %arg6[%dma_start3A_166, %dma_start3A_168, %dma_start3A_169] : memref<5x128x128xf32, #tpu.memory_space<vmem>> -> memref<1x128x128xf32, #tpu.memory_space<vmem>>
    %dma_start3A_171 = tpu.memref_squeeze %dma_start3A_170 : memref<1x128x128xf32, #tpu.memory_space<vmem>> -> memref<128x128xf32, #tpu.memory_space<vmem>>
    %dma_start3A_172 = arith.constant 0 : i32
    %dma_start3A_173 = tpu.memref_slice %arg5[%dma_start3A_165, %dma_start3A_172] : memref<50x128xi32, #tpu.memory_space<vmem>> -> memref<1x128xi32, #tpu.memory_space<vmem>>
    %dma_start3A_174 = tpu.memref_squeeze %dma_start3A_173 : memref<1x128xi32, #tpu.memory_space<vmem>> -> memref<128xi32, #tpu.memory_space<vmem>>
    %dma_start3A_175 = arith.constant 0 : i32
    %dma_start3A_176 = arith.constant 0 : i32
    %dma_start3A_177 = tpu.memref_slice %arg3[%dma_start3A_175, %dma_start3A_176] : memref<100000x128xf32, #tpu.memory_space<hbm>> -> memref<100000x128xf32, #tpu.memory_space<hbm>>
    %dma_start3A_178 = tpu.memref_slice %arg7[%dma_start3A_167] : memref<5x!tpu.dma_semaphore, #tpu.memory_space<semaphore_mem>> -> memref<1x!tpu.dma_semaphore, #tpu.memory_space<semaphore_mem>>
    %dma_start3A_179 = tpu.memref_squeeze %dma_start3A_178 : memref<1x!tpu.dma_semaphore, #tpu.memory_space<semaphore_mem>> -> memref<!tpu.dma_semaphore, #tpu.memory_space<semaphore_mem>>
    tpu.enqueue_indirect_dma source(%dma_start3A_177 : memref<100000x128xf32, #tpu.memory_space<hbm>>) target(%dma_start3A_171 : memref<128x128xf32, #tpu.memory_space<vmem>>) offsets(%dma_start3A_174 : memref<128xi32, #tpu.memory_space<vmem>>) semaphore(%dma_start3A_179 : memref<!tpu.dma_semaphore, #tpu.memory_space<semaphore_mem>>)
    %dma_wait3A_180 = arith.constant 2 : i32
    %dma_wait3A_181 = arith.constant 2 : i32
    %dma_wait3A_182 = arith.constant 2 : i32
    %dma_wait3A_183 = arith.constant 0 : i32
    %dma_wait3A_184 = arith.constant 0 : i32
    %dma_wait3A_185 = tpu.memref_slice %arg6[%dma_wait3A_181, %dma_wait3A_183, %dma_wait3A_184] : memref<5x128x128xf32, #tpu.memory_space<vmem>> -> memref<1x128x128xf32, #tpu.memory_space<vmem>>
    %dma_wait3A_186 = tpu.memref_squeeze %dma_wait3A_185 : memref<1x128x128xf32, #tpu.memory_space<vmem>> -> memref<128x128xf32, #tpu.memory_space<vmem>>
    %dma_wait3A_187 = arith.constant 0 : i32
    %dma_wait3A_188 = tpu.memref_slice %arg5[%dma_wait3A_180, %dma_wait3A_187] : memref<50x128xi32, #tpu.memory_space<vmem>> -> memref<1x128xi32, #tpu.memory_space<vmem>>
    %dma_wait3A_189 = tpu.memref_squeeze %dma_wait3A_188 : memref<1x128xi32, #tpu.memory_space<vmem>> -> memref<128xi32, #tpu.memory_space<vmem>>
    %dma_wait3A_190 = arith.constant 0 : i32
    %dma_wait3A_191 = arith.constant 0 : i32
    %dma_wait3A_192 = tpu.memref_slice %arg3[%dma_wait3A_190, %dma_wait3A_191] : memref<100000x128xf32, #tpu.memory_space<hbm>> -> memref<100000x128xf32, #tpu.memory_space<hbm>>
    %dma_wait3A_193 = tpu.memref_slice %arg7[%dma_wait3A_182] : memref<5x!tpu.dma_semaphore, #tpu.memory_space<semaphore_mem>> -> memref<1x!tpu.dma_semaphore, #tpu.memory_space<semaphore_mem>>
    %dma_wait3A_194 = tpu.memref_squeeze %dma_wait3A_193 : memref<1x!tpu.dma_semaphore, #tpu.memory_space<semaphore_mem>> -> memref<!tpu.dma_semaphore, #tpu.memory_space<semaphore_mem>>
    tpu.wait_indirect_dma semaphore(%dma_wait3A_194 : memref<!tpu.dma_semaphore, #tpu.memory_space<semaphore_mem>>) src(%dma_wait3A_192 : memref<100000x128xf32, #tpu.memory_space<hbm>>) dst(%dma_wait3A_186 : memref<128x128xf32, #tpu.memory_space<vmem>>)
    %parallel_loop3A_195 = arith.constant 0 : i32
    %parallel_loop3A_196 = arith.constant 128 : i32
    %parallel_loop3A_197 = arith.constant 1 : i32
    scf.for %parallel_loop3A_695 = %parallel_loop3A_195 to %parallel_loop3A_196 step %parallel_loop3A_197  : i32 {
      %parallel_loop3A_696 = arith.constant 2 : i32
      %parallel_loop3A_697 = arith.index_cast %parallel_loop3A_696 : i32 to index
      %parallel_loop3A_698 = arith.index_cast %parallel_loop3A_695 : i32 to index
      %parallel_loop3A_699 = arith.constant 0 : index
      %parallel_loop3A_700 = tpu.vector_load %arg6[%parallel_loop3A_697, %parallel_loop3A_698, %parallel_loop3A_699] {strides = array<i32>} : memref<5x128x128xf32, #tpu.memory_space<vmem>>, vector<1x1x16xf32>,
      %parallel_loop3A_701 = vector.shape_cast %parallel_loop3A_700 : vector<1x1x16xf32> to vector<16xf32>
      %parallel_loop3A_702 = arith.constant 11.3137083 : f32
      %parallel_loop3A_703 = vector.broadcast %parallel_loop3A_702 : f32 to vector<16xf32>
      %parallel_loop3A_704 = arith.mulf %parallel_loop3A_701, %parallel_loop3A_703 : vector<16xf32>
      %parallel_loop3A_705 = arith.constant 2 : i32
      %parallel_loop3A_706 = arith.index_cast %parallel_loop3A_705 : i32 to index
      %parallel_loop3A_707 = arith.index_cast %parallel_loop3A_695 : i32 to index
      %parallel_loop3A_708 = arith.constant 0 : index
      %parallel_loop3A_709 = tpu.vector_load %arg6[%parallel_loop3A_706, %parallel_loop3A_707, %parallel_loop3A_708] {strides = array<i32>} : memref<5x128x128xf32, #tpu.memory_space<vmem>>, vector<1x1x16xf32>,
      %parallel_loop3A_710 = vector.shape_cast %parallel_loop3A_709 : vector<1x1x16xf32> to vector<16xf32>
      %parallel_loop3A_711 = vector.shape_cast %parallel_loop3A_704 : vector<16xf32> to vector<1x1x16xf32>
      tpu.vector_store %arg6[%parallel_loop3A_706, %parallel_loop3A_707, %parallel_loop3A_708], %parallel_loop3A_711 {strides = array<i32>} : memref<5x128x128xf32, #tpu.memory_space<vmem>>, vector<1x1x16xf32>,
      %parallel_loop3A_712 = arith.constant 2 : i32
      %parallel_loop3A_713 = arith.index_cast %parallel_loop3A_712 : i32 to index
      %parallel_loop3A_714 = arith.index_cast %parallel_loop3A_695 : i32 to index
      %parallel_loop3A_715 = arith.constant 16 : index
      %parallel_loop3A_716 = tpu.vector_load %arg6[%parallel_loop3A_713, %parallel_loop3A_714, %parallel_loop3A_715] {strides = array<i32>} : memref<5x128x128xf32, #tpu.memory_space<vmem>>, vector<1x1x16xf32>,
      %parallel_loop3A_717 = vector.shape_cast %parallel_loop3A_716 : vector<1x1x16xf32> to vector<16xf32>
      %parallel_loop3A_718 = arith.constant 11.3137083 : f32
      %parallel_loop3A_719 = vector.broadcast %parallel_loop3A_718 : f32 to vector<16xf32>
      %parallel_loop3A_720 = arith.mulf %parallel_loop3A_717, %parallel_loop3A_719 : vector<16xf32>
      %parallel_loop3A_721 = arith.constant 2 : i32
      %parallel_loop3A_722 = arith.index_cast %parallel_loop3A_721 : i32 to index
      %parallel_loop3A_723 = arith.index_cast %parallel_loop3A_695 : i32 to index
      %parallel_loop3A_724 = arith.constant 16 : index
      %parallel_loop3A_725 = tpu.vector_load %arg6[%parallel_loop3A_722, %parallel_loop3A_723, %parallel_loop3A_724] {strides = array<i32>} : memref<5x128x128xf32, #tpu.memory_space<vmem>>, vector<1x1x16xf32>,
      %parallel_loop3A_726 = vector.shape_cast %parallel_loop3A_725 : vector<1x1x16xf32> to vector<16xf32>
      %parallel_loop3A_727 = vector.shape_cast %parallel_loop3A_720 : vector<16xf32> to vector<1x1x16xf32>
      tpu.vector_store %arg6[%parallel_loop3A_722, %parallel_loop3A_723, %parallel_loop3A_724], %parallel_loop3A_727 {strides = array<i32>} : memref<5x128x128xf32, #tpu.memory_space<vmem>>, vector<1x1x16xf32>,
      %parallel_loop3A_728 = arith.constant 2 : i32
      %parallel_loop3A_729 = arith.index_cast %parallel_loop3A_728 : i32 to index
      %parallel_loop3A_730 = arith.index_cast %parallel_loop3A_695 : i32 to index
      %parallel_loop3A_731 = arith.constant 32 : index
      %parallel_loop3A_732 = tpu.vector_load %arg6[%parallel_loop3A_729, %parallel_loop3A_730, %parallel_loop3A_731] {strides = array<i32>} : memref<5x128x128xf32, #tpu.memory_space<vmem>>, vector<1x1x16xf32>,
      %parallel_loop3A_733 = vector.shape_cast %parallel_loop3A_732 : vector<1x1x16xf32> to vector<16xf32>
      %parallel_loop3A_734 = arith.constant 11.3137083 : f32
      %parallel_loop3A_735 = vector.broadcast %parallel_loop3A_734 : f32 to vector<16xf32>
      %parallel_loop3A_736 = arith.mulf %parallel_loop3A_733, %parallel_loop3A_735 : vector<16xf32>
      %parallel_loop3A_737 = arith.constant 2 : i32
      %parallel_loop3A_738 = arith.index_cast %parallel_loop3A_737 : i32 to index
      %parallel_loop3A_739 = arith.index_cast %parallel_loop3A_695 : i32 to index
      %parallel_loop3A_740 = arith.constant 32 : index
      %parallel_loop3A_741 = tpu.vector_load %arg6[%parallel_loop3A_738, %parallel_loop3A_739, %parallel_loop3A_740] {strides = array<i32>} : memref<5x128x128xf32, #tpu.memory_space<vmem>>, vector<1x1x16xf32>,
      %parallel_loop3A_742 = vector.shape_cast %parallel_loop3A_741 : vector<1x1x16xf32> to vector<16xf32>
      %parallel_loop3A_743 = vector.shape_cast %parallel_loop3A_736 : vector<16xf32> to vector<1x1x16xf32>
      tpu.vector_store %arg6[%parallel_loop3A_738, %parallel_loop3A_739, %parallel_loop3A_740], %parallel_loop3A_743 {strides = array<i32>} : memref<5x128x128xf32, #tpu.memory_space<vmem>>, vector<1x1x16xf32>,
      %parallel_loop3A_744 = arith.constant 2 : i32
      %parallel_loop3A_745 = arith.index_cast %parallel_loop3A_744 : i32 to index
      %parallel_loop3A_746 = arith.index_cast %parallel_loop3A_695 : i32 to index
      %parallel_loop3A_747 = arith.constant 48 : index
      %parallel_loop3A_748 = tpu.vector_load %arg6[%parallel_loop3A_745, %parallel_loop3A_746, %parallel_loop3A_747] {strides = array<i32>} : memref<5x128x128xf32, #tpu.memory_space<vmem>>, vector<1x1x16xf32>,
      %parallel_loop3A_749 = vector.shape_cast %parallel_loop3A_748 : vector<1x1x16xf32> to vector<16xf32>
      %parallel_loop3A_750 = arith.constant 11.3137083 : f32
      %parallel_loop3A_751 = vector.broadcast %parallel_loop3A_750 : f32 to vector<16xf32>
      %parallel_loop3A_752 = arith.mulf %parallel_loop3A_749, %parallel_loop3A_751 : vector<16xf32>
      %parallel_loop3A_753 = arith.constant 2 : i32
      %parallel_loop3A_754 = arith.index_cast %parallel_loop3A_753 : i32 to index
      %parallel_loop3A_755 = arith.index_cast %parallel_loop3A_695 : i32 to index
      %parallel_loop3A_756 = arith.constant 48 : index
      %parallel_loop3A_757 = tpu.vector_load %arg6[%parallel_loop3A_754, %parallel_loop3A_755, %parallel_loop3A_756] {strides = array<i32>} : memref<5x128x128xf32, #tpu.memory_space<vmem>>, vector<1x1x16xf32>,
      %parallel_loop3A_758 = vector.shape_cast %parallel_loop3A_757 : vector<1x1x16xf32> to vector<16xf32>
      %parallel_loop3A_759 = vector.shape_cast %parallel_loop3A_752 : vector<16xf32> to vector<1x1x16xf32>
      tpu.vector_store %arg6[%parallel_loop3A_754, %parallel_loop3A_755, %parallel_loop3A_756], %parallel_loop3A_759 {strides = array<i32>} : memref<5x128x128xf32, #tpu.memory_space<vmem>>, vector<1x1x16xf32>,
      %parallel_loop3A_760 = arith.constant 2 : i32
      %parallel_loop3A_761 = arith.index_cast %parallel_loop3A_760 : i32 to index
      %parallel_loop3A_762 = arith.index_cast %parallel_loop3A_695 : i32 to index
      %parallel_loop3A_763 = arith.constant 64 : index
      %parallel_loop3A_764 = tpu.vector_load %arg6[%parallel_loop3A_761, %parallel_loop3A_762, %parallel_loop3A_763] {strides = array<i32>} : memref<5x128x128xf32, #tpu.memory_space<vmem>>, vector<1x1x16xf32>,
      %parallel_loop3A_765 = vector.shape_cast %parallel_loop3A_764 : vector<1x1x16xf32> to vector<16xf32>
      %parallel_loop3A_766 = arith.constant 11.3137083 : f32
      %parallel_loop3A_767 = vector.broadcast %parallel_loop3A_766 : f32 to vector<16xf32>
      %parallel_loop3A_768 = arith.mulf %parallel_loop3A_765, %parallel_loop3A_767 : vector<16xf32>
      %parallel_loop3A_769 = arith.constant 2 : i32
      %parallel_loop3A_770 = arith.index_cast %parallel_loop3A_769 : i32 to index
      %parallel_loop3A_771 = arith.index_cast %parallel_loop3A_695 : i32 to index
      %parallel_loop3A_772 = arith.constant 64 : index
      %parallel_loop3A_773 = tpu.vector_load %arg6[%parallel_loop3A_770, %parallel_loop3A_771, %parallel_loop3A_772] {strides = array<i32>} : memref<5x128x128xf32, #tpu.memory_space<vmem>>, vector<1x1x16xf32>,
      %parallel_loop3A_774 = vector.shape_cast %parallel_loop3A_773 : vector<1x1x16xf32> to vector<16xf32>
      %parallel_loop3A_775 = vector.shape_cast %parallel_loop3A_768 : vector<16xf32> to vector<1x1x16xf32>
      tpu.vector_store %arg6[%parallel_loop3A_770, %parallel_loop3A_771, %parallel_loop3A_772], %parallel_loop3A_775 {strides = array<i32>} : memref<5x128x128xf32, #tpu.memory_space<vmem>>, vector<1x1x16xf32>,
      %parallel_loop3A_776 = arith.constant 2 : i32
      %parallel_loop3A_777 = arith.index_cast %parallel_loop3A_776 : i32 to index
      %parallel_loop3A_778 = arith.index_cast %parallel_loop3A_695 : i32 to index
      %parallel_loop3A_779 = arith.constant 80 : index
      %parallel_loop3A_780 = tpu.vector_load %arg6[%parallel_loop3A_777, %parallel_loop3A_778, %parallel_loop3A_779] {strides = array<i32>} : memref<5x128x128xf32, #tpu.memory_space<vmem>>, vector<1x1x16xf32>,
      %parallel_loop3A_781 = vector.shape_cast %parallel_loop3A_780 : vector<1x1x16xf32> to vector<16xf32>
      %parallel_loop3A_782 = arith.constant 11.3137083 : f32
      %parallel_loop3A_783 = vector.broadcast %parallel_loop3A_782 : f32 to vector<16xf32>
      %parallel_loop3A_784 = arith.mulf %parallel_loop3A_781, %parallel_loop3A_783 : vector<16xf32>
      %parallel_loop3A_785 = arith.constant 2 : i32
      %parallel_loop3A_786 = arith.index_cast %parallel_loop3A_785 : i32 to index
      %parallel_loop3A_787 = arith.index_cast %parallel_loop3A_695 : i32 to index
      %parallel_loop3A_788 = arith.constant 80 : index
      %parallel_loop3A_789 = tpu.vector_load %arg6[%parallel_loop3A_786, %parallel_loop3A_787, %parallel_loop3A_788] {strides = array<i32>} : memref<5x128x128xf32, #tpu.memory_space<vmem>>, vector<1x1x16xf32>,
      %parallel_loop3A_790 = vector.shape_cast %parallel_loop3A_789 : vector<1x1x16xf32> to vector<16xf32>
      %parallel_loop3A_791 = vector.shape_cast %parallel_loop3A_784 : vector<16xf32> to vector<1x1x16xf32>
      tpu.vector_store %arg6[%parallel_loop3A_786, %parallel_loop3A_787, %parallel_loop3A_788], %parallel_loop3A_791 {strides = array<i32>} : memref<5x128x128xf32, #tpu.memory_space<vmem>>, vector<1x1x16xf32>,
      %parallel_loop3A_792 = arith.constant 2 : i32
      %parallel_loop3A_793 = arith.index_cast %parallel_loop3A_792 : i32 to index
      %parallel_loop3A_794 = arith.index_cast %parallel_loop3A_695 : i32 to index
      %parallel_loop3A_795 = arith.constant 96 : index
      %parallel_loop3A_796 = tpu.vector_load %arg6[%parallel_loop3A_793, %parallel_loop3A_794, %parallel_loop3A_795] {strides = array<i32>} : memref<5x128x128xf32, #tpu.memory_space<vmem>>, vector<1x1x16xf32>,
      %parallel_loop3A_797 = vector.shape_cast %parallel_loop3A_796 : vector<1x1x16xf32> to vector<16xf32>
      %parallel_loop3A_798 = arith.constant 11.3137083 : f32
      %parallel_loop3A_799 = vector.broadcast %parallel_loop3A_798 : f32 to vector<16xf32>
      %parallel_loop3A_800 = arith.mulf %parallel_loop3A_797, %parallel_loop3A_799 : vector<16xf32>
      %parallel_loop3A_801 = arith.constant 2 : i32
      %parallel_loop3A_802 = arith.index_cast %parallel_loop3A_801 : i32 to index
      %parallel_loop3A_803 = arith.index_cast %parallel_loop3A_695 : i32 to index
      %parallel_loop3A_804 = arith.constant 96 : index
      %parallel_loop3A_805 = tpu.vector_load %arg6[%parallel_loop3A_802, %parallel_loop3A_803, %parallel_loop3A_804] {strides = array<i32>} : memref<5x128x128xf32, #tpu.memory_space<vmem>>, vector<1x1x16xf32>,
      %parallel_loop3A_806 = vector.shape_cast %parallel_loop3A_805 : vector<1x1x16xf32> to vector<16xf32>
      %parallel_loop3A_807 = vector.shape_cast %parallel_loop3A_800 : vector<16xf32> to vector<1x1x16xf32>
      tpu.vector_store %arg6[%parallel_loop3A_802, %parallel_loop3A_803, %parallel_loop3A_804], %parallel_loop3A_807 {strides = array<i32>} : memref<5x128x128xf32, #tpu.memory_space<vmem>>, vector<1x1x16xf32>,
      %parallel_loop3A_808 = arith.constant 2 : i32
      %parallel_loop3A_809 = arith.index_cast %parallel_loop3A_808 : i32 to index
      %parallel_loop3A_810 = arith.index_cast %parallel_loop3A_695 : i32 to index
      %parallel_loop3A_811 = arith.constant 112 : index
      %parallel_loop3A_812 = tpu.vector_load %arg6[%parallel_loop3A_809, %parallel_loop3A_810, %parallel_loop3A_811] {strides = array<i32>} : memref<5x128x128xf32, #tpu.memory_space<vmem>>, vector<1x1x16xf32>,
      %parallel_loop3A_813 = vector.shape_cast %parallel_loop3A_812 : vector<1x1x16xf32> to vector<16xf32>
      %parallel_loop3A_814 = arith.constant 11.3137083 : f32
      %parallel_loop3A_815 = vector.broadcast %parallel_loop3A_814 : f32 to vector<16xf32>
      %parallel_loop3A_816 = arith.mulf %parallel_loop3A_813, %parallel_loop3A_815 : vector<16xf32>
      %parallel_loop3A_817 = arith.constant 2 : i32
      %parallel_loop3A_818 = arith.index_cast %parallel_loop3A_817 : i32 to index
      %parallel_loop3A_819 = arith.index_cast %parallel_loop3A_695 : i32 to index
      %parallel_loop3A_820 = arith.constant 112 : index
      %parallel_loop3A_821 = tpu.vector_load %arg6[%parallel_loop3A_818, %parallel_loop3A_819, %parallel_loop3A_820] {strides = array<i32>} : memref<5x128x128xf32, #tpu.memory_space<vmem>>, vector<1x1x16xf32>,
      %parallel_loop3A_822 = vector.shape_cast %parallel_loop3A_821 : vector<1x1x16xf32> to vector<16xf32>
      %parallel_loop3A_823 = vector.shape_cast %parallel_loop3A_816 : vector<16xf32> to vector<1x1x16xf32>
      tpu.vector_store %arg6[%parallel_loop3A_818, %parallel_loop3A_819, %parallel_loop3A_820], %parallel_loop3A_823 {strides = array<i32>} : memref<5x128x128xf32, #tpu.memory_space<vmem>>, vector<1x1x16xf32>,
    } {sc.loop_unroll_factor = 4 : i64, sc.parallel_access}
    %add3A_198 = arith.constant 256 : i32
    %add3A_199 = arith.addi %mul3A_2, %add3A_198 : i32
    %dma_start3A_200 = arith.constant 2 : i32
    %dma_start3A_201 = arith.constant 2 : i32
    %dma_start3A_202 = arith.constant 0 : i32
    %dma_start3A_203 = arith.constant 0 : i32
    %dma_start3A_204 = tpu.memref_slice %arg6[%dma_start3A_200, %dma_start3A_202, %dma_start3A_203] : memref<5x128x128xf32, #tpu.memory_space<vmem>> -> memref<1x128x128xf32, #tpu.memory_space<vmem>>
    %dma_start3A_205 = tpu.memref_squeeze %dma_start3A_204 : memref<1x128x128xf32, #tpu.memory_space<vmem>> -> memref<128x128xf32, #tpu.memory_space<vmem>>
    %dma_start3A_206 = arith.constant 0 : i32
    %dma_start3A_207 = tpu.memref_slice %arg4[%add3A_199, %dma_start3A_206] : memref<204800x128xf32, #tpu.memory_space<hbm>> -> memref<128x128xf32, #tpu.memory_space<hbm>>
    %dma_start3A_208 = tpu.memref_slice %arg8[%dma_start3A_201] : memref<5x!tpu.dma_semaphore, #tpu.memory_space<semaphore_mem>> -> memref<1x!tpu.dma_semaphore, #tpu.memory_space<semaphore_mem>>
    %dma_start3A_209 = tpu.memref_squeeze %dma_start3A_208 : memref<1x!tpu.dma_semaphore, #tpu.memory_space<semaphore_mem>> -> memref<!tpu.dma_semaphore, #tpu.memory_space<semaphore_mem>>
    %dma_start3A_210 = arith.constant 0 : i32
    %dma_start3A_211 = tpu.memref_slice %arg4[%add3A_199, %dma_start3A_210] : memref<204800x128xf32, #tpu.memory_space<hbm>> -> memref<128x128xf32, #tpu.memory_space<hbm>>
    %dma_start3A_212 = arith.constant 0 : i32
    %dma_start3A_213 = arith.constant 0 : i32
    %dma_start3A_214 = tpu.memref_slice %arg6[%dma_start3A_200, %dma_start3A_212, %dma_start3A_213] : memref<5x128x128xf32, #tpu.memory_space<vmem>> -> memref<1x128x128xf32, #tpu.memory_space<vmem>>
    %dma_start3A_215 = tpu.memref_squeeze %dma_start3A_214 : memref<1x128x128xf32, #tpu.memory_space<vmem>> -> memref<128x128xf32, #tpu.memory_space<vmem>>
    tpu.enqueue_dma source(%dma_start3A_215 : memref<128x128xf32, #tpu.memory_space<vmem>>) target(%dma_start3A_211 : memref<128x128xf32, #tpu.memory_space<hbm>>) target_semaphore(%dma_start3A_209 : memref<!tpu.dma_semaphore, #tpu.memory_space<semaphore_mem>>)
    %add3A_216 = arith.constant 128 : i32
    %add3A_217 = arith.addi %mul3A_2, %add3A_216 : i32
    %dma_wait3A_218 = arith.constant 1 : i32
    %dma_wait3A_219 = arith.constant 1 : i32
    %dma_wait3A_220 = arith.constant 0 : i32
    %dma_wait3A_221 = arith.constant 0 : i32
    %dma_wait3A_222 = tpu.memref_slice %arg6[%dma_wait3A_218, %dma_wait3A_220, %dma_wait3A_221] : memref<5x128x128xf32, #tpu.memory_space<vmem>> -> memref<1x128x128xf32, #tpu.memory_space<vmem>>
    %dma_wait3A_223 = tpu.memref_squeeze %dma_wait3A_222 : memref<1x128x128xf32, #tpu.memory_space<vmem>> -> memref<128x128xf32, #tpu.memory_space<vmem>>
    %dma_wait3A_224 = arith.constant 0 : i32
    %dma_wait3A_225 = tpu.memref_slice %arg4[%add3A_217, %dma_wait3A_224] : memref<204800x128xf32, #tpu.memory_space<hbm>> -> memref<128x128xf32, #tpu.memory_space<hbm>>
    %dma_wait3A_226 = tpu.memref_slice %arg8[%dma_wait3A_219] : memref<5x!tpu.dma_semaphore, #tpu.memory_space<semaphore_mem>> -> memref<1x!tpu.dma_semaphore, #tpu.memory_space<semaphore_mem>>
    %dma_wait3A_227 = tpu.memref_squeeze %dma_wait3A_226 : memref<1x!tpu.dma_semaphore, #tpu.memory_space<semaphore_mem>> -> memref<!tpu.dma_semaphore, #tpu.memory_space<semaphore_mem>>
    %dma_wait3A_228 = arith.constant 0 : i32
    %dma_wait3A_229 = tpu.memref_slice %arg4[%add3A_217, %dma_wait3A_228] : memref<204800x128xf32, #tpu.memory_space<hbm>> -> memref<128x128xf32, #tpu.memory_space<hbm>>
    %dma_wait3A_230 = arith.constant 0 : i32
    %dma_wait3A_231 = arith.constant 0 : i32
    %dma_wait3A_232 = tpu.memref_slice %arg6[%dma_wait3A_218, %dma_wait3A_230, %dma_wait3A_231] : memref<5x128x128xf32, #tpu.memory_space<vmem>> -> memref<1x128x128xf32, #tpu.memory_space<vmem>>
    %dma_wait3A_233 = tpu.memref_squeeze %dma_wait3A_232 : memref<1x128x128xf32, #tpu.memory_space<vmem>> -> memref<128x128xf32, #tpu.memory_space<vmem>>
    tpu.wait_dma2 semaphore(%dma_wait3A_227 : memref<!tpu.dma_semaphore, #tpu.memory_space<semaphore_mem>>) src(%dma_wait3A_233 : memref<128x128xf32, #tpu.memory_space<vmem>>) dst(%dma_wait3A_229 : memref<128x128xf32, #tpu.memory_space<hbm>>)
    %dma_start3A_234 = arith.constant 6 : i32
    %dma_start3A_235 = arith.constant 1 : i32
    %dma_start3A_236 = arith.constant 1 : i32
    %dma_start3A_237 = arith.constant 0 : i32
    %dma_start3A_238 = arith.constant 0 : i32
    %dma_start3A_239 = tpu.memref_slice %arg6[%dma_start3A_235, %dma_start3A_237, %dma_start3A_238] : memref<5x128x128xf32, #tpu.memory_space<vmem>> -> memref<1x128x128xf32, #tpu.memory_space<vmem>>
    %dma_start3A_240 = tpu.memref_squeeze %dma_start3A_239 : memref<1x128x128xf32, #tpu.memory_space<vmem>> -> memref<128x128xf32, #tpu.memory_space<vmem>>
    %dma_start3A_241 = arith.constant 0 : i32
    %dma_start3A_242 = tpu.memref_slice %arg5[%dma_start3A_234, %dma_start3A_241] : memref<50x128xi32, #tpu.memory_space<vmem>> -> memref<1x128xi32, #tpu.memory_space<vmem>>
    %dma_start3A_243 = tpu.memref_squeeze %dma_start3A_242 : memref<1x128xi32, #tpu.memory_space<vmem>> -> memref<128xi32, #tpu.memory_space<vmem>>
    %dma_start3A_244 = arith.constant 0 : i32
    %dma_start3A_245 = arith.constant 0 : i32
    %dma_start3A_246 = tpu.memref_slice %arg3[%dma_start3A_244, %dma_start3A_245] : memref<100000x128xf32, #tpu.memory_space<hbm>> -> memref<100000x128xf32, #tpu.memory_space<hbm>>
    %dma_start3A_247 = tpu.memref_slice %arg7[%dma_start3A_236] : memref<5x!tpu.dma_semaphore, #tpu.memory_space<semaphore_mem>> -> memref<1x!tpu.dma_semaphore, #tpu.memory_space<semaphore_mem>>
    %dma_start3A_248 = tpu.memref_squeeze %dma_start3A_247 : memref<1x!tpu.dma_semaphore, #tpu.memory_space<semaphore_mem>> -> memref<!tpu.dma_semaphore, #tpu.memory_space<semaphore_mem>>
    tpu.enqueue_indirect_dma source(%dma_start3A_246 : memref<100000x128xf32, #tpu.memory_space<hbm>>) target(%dma_start3A_240 : memref<128x128xf32, #tpu.memory_space<vmem>>) offsets(%dma_start3A_243 : memref<128xi32, #tpu.memory_space<vmem>>) semaphore(%dma_start3A_248 : memref<!tpu.dma_semaphore, #tpu.memory_space<semaphore_mem>>)
    %dma_wait3A_249 = arith.constant 3 : i32
    %dma_wait3A_250 = arith.constant 3 : i32
    %dma_wait3A_251 = arith.constant 3 : i32
    %dma_wait3A_252 = arith.constant 0 : i32
    %dma_wait3A_253 = arith.constant 0 : i32
    %dma_wait3A_254 = tpu.memref_slice %arg6[%dma_wait3A_250, %dma_wait3A_252, %dma_wait3A_253] : memref<5x128x128xf32, #tpu.memory_space<vmem>> -> memref<1x128x128xf32, #tpu.memory_space<vmem>>
    %dma_wait3A_255 = tpu.memref_squeeze %dma_wait3A_254 : memref<1x128x128xf32, #tpu.memory_space<vmem>> -> memref<128x128xf32, #tpu.memory_space<vmem>>
    %dma_wait3A_256 = arith.constant 0 : i32
    %dma_wait3A_257 = tpu.memref_slice %arg5[%dma_wait3A_249, %dma_wait3A_256] : memref<50x128xi32, #tpu.memory_space<vmem>> -> memref<1x128xi32, #tpu.memory_space<vmem>>
    %dma_wait3A_258 = tpu.memref_squeeze %dma_wait3A_257 : memref<1x128xi32, #tpu.memory_space<vmem>> -> memref<128xi32, #tpu.memory_space<vmem>>
    %dma_wait3A_259 = arith.constant 0 : i32
    %dma_wait3A_260 = arith.constant 0 : i32
    %dma_wait3A_261 = tpu.memref_slice %arg3[%dma_wait3A_259, %dma_wait3A_260] : memref<100000x128xf32, #tpu.memory_space<hbm>> -> memref<100000x128xf32, #tpu.memory_space<hbm>>
    %dma_wait3A_262 = tpu.memref_slice %arg7[%dma_wait3A_251] : memref<5x!tpu.dma_semaphore, #tpu.memory_space<semaphore_mem>> -> memref<1x!tpu.dma_semaphore, #tpu.memory_space<semaphore_mem>>
    %dma_wait3A_263 = tpu.memref_squeeze %dma_wait3A_262 : memref<1x!tpu.dma_semaphore, #tpu.memory_space<semaphore_mem>> -> memref<!tpu.dma_semaphore, #tpu.memory_space<semaphore_mem>>
    tpu.wait_indirect_dma semaphore(%dma_wait3A_263 : memref<!tpu.dma_semaphore, #tpu.memory_space<semaphore_mem>>) src(%dma_wait3A_261 : memref<100000x128xf32, #tpu.memory_space<hbm>>) dst(%dma_wait3A_255 : memref<128x128xf32, #tpu.memory_space<vmem>>)
    %parallel_loop3A_264 = arith.constant 0 : i32
    %parallel_loop3A_265 = arith.constant 128 : i32
    %parallel_loop3A_266 = arith.constant 1 : i32
    scf.for %parallel_loop3A_695 = %parallel_loop3A_264 to %parallel_loop3A_265 step %parallel_loop3A_266  : i32 {
      %parallel_loop3A_696 = arith.constant 3 : i32
      %parallel_loop3A_697 = arith.index_cast %parallel_loop3A_696 : i32 to index
      %parallel_loop3A_698 = arith.index_cast %parallel_loop3A_695 : i32 to index
      %parallel_loop3A_699 = arith.constant 0 : index
      %parallel_loop3A_700 = tpu.vector_load %arg6[%parallel_loop3A_697, %parallel_loop3A_698, %parallel_loop3A_699] {strides = array<i32>} : memref<5x128x128xf32, #tpu.memory_space<vmem>>, vector<1x1x16xf32>,
      %parallel_loop3A_701 = vector.shape_cast %parallel_loop3A_700 : vector<1x1x16xf32> to vector<16xf32>
      %parallel_loop3A_702 = arith.constant 11.3137083 : f32
      %parallel_loop3A_703 = vector.broadcast %parallel_loop3A_702 : f32 to vector<16xf32>
      %parallel_loop3A_704 = arith.mulf %parallel_loop3A_701, %parallel_loop3A_703 : vector<16xf32>
      %parallel_loop3A_705 = arith.constant 3 : i32
      %parallel_loop3A_706 = arith.index_cast %parallel_loop3A_705 : i32 to index
      %parallel_loop3A_707 = arith.index_cast %parallel_loop3A_695 : i32 to index
      %parallel_loop3A_708 = arith.constant 0 : index
      %parallel_loop3A_709 = tpu.vector_load %arg6[%parallel_loop3A_706, %parallel_loop3A_707, %parallel_loop3A_708] {strides = array<i32>} : memref<5x128x128xf32, #tpu.memory_space<vmem>>, vector<1x1x16xf32>,
      %parallel_loop3A_710 = vector.shape_cast %parallel_loop3A_709 : vector<1x1x16xf32> to vector<16xf32>
      %parallel_loop3A_711 = vector.shape_cast %parallel_loop3A_704 : vector<16xf32> to vector<1x1x16xf32>
      tpu.vector_store %arg6[%parallel_loop3A_706, %parallel_loop3A_707, %parallel_loop3A_708], %parallel_loop3A_711 {strides = array<i32>} : memref<5x128x128xf32, #tpu.memory_space<vmem>>, vector<1x1x16xf32>,
      %parallel_loop3A_712 = arith.constant 3 : i32
      %parallel_loop3A_713 = arith.index_cast %parallel_loop3A_712 : i32 to index
      %parallel_loop3A_714 = arith.index_cast %parallel_loop3A_695 : i32 to index
      %parallel_loop3A_715 = arith.constant 16 : index
      %parallel_loop3A_716 = tpu.vector_load %arg6[%parallel_loop3A_713, %parallel_loop3A_714, %parallel_loop3A_715] {strides = array<i32>} : memref<5x128x128xf32, #tpu.memory_space<vmem>>, vector<1x1x16xf32>,
      %parallel_loop3A_717 = vector.shape_cast %parallel_loop3A_716 : vector<1x1x16xf32> to vector<16xf32>
      %parallel_loop3A_718 = arith.constant 11.3137083 : f32
      %parallel_loop3A_719 = vector.broadcast %parallel_loop3A_718 : f32 to vector<16xf32>
      %parallel_loop3A_720 = arith.mulf %parallel_loop3A_717, %parallel_loop3A_719 : vector<16xf32>
      %parallel_loop3A_721 = arith.constant 3 : i32
      %parallel_loop3A_722 = arith.index_cast %parallel_loop3A_721 : i32 to index
      %parallel_loop3A_723 = arith.index_cast %parallel_loop3A_695 : i32 to index
      %parallel_loop3A_724 = arith.constant 16 : index
      %parallel_loop3A_725 = tpu.vector_load %arg6[%parallel_loop3A_722, %parallel_loop3A_723, %parallel_loop3A_724] {strides = array<i32>} : memref<5x128x128xf32, #tpu.memory_space<vmem>>, vector<1x1x16xf32>,
      %parallel_loop3A_726 = vector.shape_cast %parallel_loop3A_725 : vector<1x1x16xf32> to vector<16xf32>
      %parallel_loop3A_727 = vector.shape_cast %parallel_loop3A_720 : vector<16xf32> to vector<1x1x16xf32>
      tpu.vector_store %arg6[%parallel_loop3A_722, %parallel_loop3A_723, %parallel_loop3A_724], %parallel_loop3A_727 {strides = array<i32>} : memref<5x128x128xf32, #tpu.memory_space<vmem>>, vector<1x1x16xf32>,
      %parallel_loop3A_728 = arith.constant 3 : i32
      %parallel_loop3A_729 = arith.index_cast %parallel_loop3A_728 : i32 to index
      %parallel_loop3A_730 = arith.index_cast %parallel_loop3A_695 : i32 to index
      %parallel_loop3A_731 = arith.constant 32 : index
      %parallel_loop3A_732 = tpu.vector_load %arg6[%parallel_loop3A_729, %parallel_loop3A_730, %parallel_loop3A_731] {strides = array<i32>} : memref<5x128x128xf32, #tpu.memory_space<vmem>>, vector<1x1x16xf32>,
      %parallel_loop3A_733 = vector.shape_cast %parallel_loop3A_732 : vector<1x1x16xf32> to vector<16xf32>
      %parallel_loop3A_734 = arith.constant 11.3137083 : f32
      %parallel_loop3A_735 = vector.broadcast %parallel_loop3A_734 : f32 to vector<16xf32>
      %parallel_loop3A_736 = arith.mulf %parallel_loop3A_733, %parallel_loop3A_735 : vector<16xf32>
      %parallel_loop3A_737 = arith.constant 3 : i32
      %parallel_loop3A_738 = arith.index_cast %parallel_loop3A_737 : i32 to index
      %parallel_loop3A_739 = arith.index_cast %parallel_loop3A_695 : i32 to index
      %parallel_loop3A_740 = arith.constant 32 : index
      %parallel_loop3A_741 = tpu.vector_load %arg6[%parallel_loop3A_738, %parallel_loop3A_739, %parallel_loop3A_740] {strides = array<i32>} : memref<5x128x128xf32, #tpu.memory_space<vmem>>, vector<1x1x16xf32>,
      %parallel_loop3A_742 = vector.shape_cast %parallel_loop3A_741 : vector<1x1x16xf32> to vector<16xf32>
      %parallel_loop3A_743 = vector.shape_cast %parallel_loop3A_736 : vector<16xf32> to vector<1x1x16xf32>
      tpu.vector_store %arg6[%parallel_loop3A_738, %parallel_loop3A_739, %parallel_loop3A_740], %parallel_loop3A_743 {strides = array<i32>} : memref<5x128x128xf32, #tpu.memory_space<vmem>>, vector<1x1x16xf32>,
      %parallel_loop3A_744 = arith.constant 3 : i32
      %parallel_loop3A_745 = arith.index_cast %parallel_loop3A_744 : i32 to index
      %parallel_loop3A_746 = arith.index_cast %parallel_loop3A_695 : i32 to index
      %parallel_loop3A_747 = arith.constant 48 : index
      %parallel_loop3A_748 = tpu.vector_load %arg6[%parallel_loop3A_745, %parallel_loop3A_746, %parallel_loop3A_747] {strides = array<i32>} : memref<5x128x128xf32, #tpu.memory_space<vmem>>, vector<1x1x16xf32>,
      %parallel_loop3A_749 = vector.shape_cast %parallel_loop3A_748 : vector<1x1x16xf32> to vector<16xf32>
      %parallel_loop3A_750 = arith.constant 11.3137083 : f32
      %parallel_loop3A_751 = vector.broadcast %parallel_loop3A_750 : f32 to vector<16xf32>
      %parallel_loop3A_752 = arith.mulf %parallel_loop3A_749, %parallel_loop3A_751 : vector<16xf32>
      %parallel_loop3A_753 = arith.constant 3 : i32
      %parallel_loop3A_754 = arith.index_cast %parallel_loop3A_753 : i32 to index
      %parallel_loop3A_755 = arith.index_cast %parallel_loop3A_695 : i32 to index
      %parallel_loop3A_756 = arith.constant 48 : index
      %parallel_loop3A_757 = tpu.vector_load %arg6[%parallel_loop3A_754, %parallel_loop3A_755, %parallel_loop3A_756] {strides = array<i32>} : memref<5x128x128xf32, #tpu.memory_space<vmem>>, vector<1x1x16xf32>,
      %parallel_loop3A_758 = vector.shape_cast %parallel_loop3A_757 : vector<1x1x16xf32> to vector<16xf32>
      %parallel_loop3A_759 = vector.shape_cast %parallel_loop3A_752 : vector<16xf32> to vector<1x1x16xf32>
      tpu.vector_store %arg6[%parallel_loop3A_754, %parallel_loop3A_755, %parallel_loop3A_756], %parallel_loop3A_759 {strides = array<i32>} : memref<5x128x128xf32, #tpu.memory_space<vmem>>, vector<1x1x16xf32>,
      %parallel_loop3A_760 = arith.constant 3 : i32
      %parallel_loop3A_761 = arith.index_cast %parallel_loop3A_760 : i32 to index
      %parallel_loop3A_762 = arith.index_cast %parallel_loop3A_695 : i32 to index
      %parallel_loop3A_763 = arith.constant 64 : index
      %parallel_loop3A_764 = tpu.vector_load %arg6[%parallel_loop3A_761, %parallel_loop3A_762, %parallel_loop3A_763] {strides = array<i32>} : memref<5x128x128xf32, #tpu.memory_space<vmem>>, vector<1x1x16xf32>,
      %parallel_loop3A_765 = vector.shape_cast %parallel_loop3A_764 : vector<1x1x16xf32> to vector<16xf32>
      %parallel_loop3A_766 = arith.constant 11.3137083 : f32
      %parallel_loop3A_767 = vector.broadcast %parallel_loop3A_766 : f32 to vector<16xf32>
      %parallel_loop3A_768 = arith.mulf %parallel_loop3A_765, %parallel_loop3A_767 : vector<16xf32>
      %parallel_loop3A_769 = arith.constant 3 : i32
      %parallel_loop3A_770 = arith.index_cast %parallel_loop3A_769 : i32 to index
      %parallel_loop3A_771 = arith.index_cast %parallel_loop3A_695 : i32 to index
      %parallel_loop3A_772 = arith.constant 64 : index
      %parallel_loop3A_773 = tpu.vector_load %arg6[%parallel_loop3A_770, %parallel_loop3A_771, %parallel_loop3A_772] {strides = array<i32>} : memref<5x128x128xf32, #tpu.memory_space<vmem>>, vector<1x1x16xf32>,
      %parallel_loop3A_774 = vector.shape_cast %parallel_loop3A_773 : vector<1x1x16xf32> to vector<16xf32>
      %parallel_loop3A_775 = vector.shape_cast %parallel_loop3A_768 : vector<16xf32> to vector<1x1x16xf32>
      tpu.vector_store %arg6[%parallel_loop3A_770, %parallel_loop3A_771, %parallel_loop3A_772], %parallel_loop3A_775 {strides = array<i32>} : memref<5x128x128xf32, #tpu.memory_space<vmem>>, vector<1x1x16xf32>,
      %parallel_loop3A_776 = arith.constant 3 : i32
      %parallel_loop3A_777 = arith.index_cast %parallel_loop3A_776 : i32 to index
      %parallel_loop3A_778 = arith.index_cast %parallel_loop3A_695 : i32 to index
      %parallel_loop3A_779 = arith.constant 80 : index
      %parallel_loop3A_780 = tpu.vector_load %arg6[%parallel_loop3A_777, %parallel_loop3A_778, %parallel_loop3A_779] {strides = array<i32>} : memref<5x128x128xf32, #tpu.memory_space<vmem>>, vector<1x1x16xf32>,
      %parallel_loop3A_781 = vector.shape_cast %parallel_loop3A_780 : vector<1x1x16xf32> to vector<16xf32>
      %parallel_loop3A_782 = arith.constant 11.3137083 : f32
      %parallel_loop3A_783 = vector.broadcast %parallel_loop3A_782 : f32 to vector<16xf32>
      %parallel_loop3A_784 = arith.mulf %parallel_loop3A_781, %parallel_loop3A_783 : vector<16xf32>
      %parallel_loop3A_785 = arith.constant 3 : i32
      %parallel_loop3A_786 = arith.index_cast %parallel_loop3A_785 : i32 to index
      %parallel_loop3A_787 = arith.index_cast %parallel_loop3A_695 : i32 to index
      %parallel_loop3A_788 = arith.constant 80 : index
      %parallel_loop3A_789 = tpu.vector_load %arg6[%parallel_loop3A_786, %parallel_loop3A_787, %parallel_loop3A_788] {strides = array<i32>} : memref<5x128x128xf32, #tpu.memory_space<vmem>>, vector<1x1x16xf32>,
      %parallel_loop3A_790 = vector.shape_cast %parallel_loop3A_789 : vector<1x1x16xf32> to vector<16xf32>
      %parallel_loop3A_791 = vector.shape_cast %parallel_loop3A_784 : vector<16xf32> to vector<1x1x16xf32>
      tpu.vector_store %arg6[%parallel_loop3A_786, %parallel_loop3A_787, %parallel_loop3A_788], %parallel_loop3A_791 {strides = array<i32>} : memref<5x128x128xf32, #tpu.memory_space<vmem>>, vector<1x1x16xf32>,
      %parallel_loop3A_792 = arith.constant 3 : i32
      %parallel_loop3A_793 = arith.index_cast %parallel_loop3A_792 : i32 to index
      %parallel_loop3A_794 = arith.index_cast %parallel_loop3A_695 : i32 to index
      %parallel_loop3A_795 = arith.constant 96 : index
      %parallel_loop3A_796 = tpu.vector_load %arg6[%parallel_loop3A_793, %parallel_loop3A_794, %parallel_loop3A_795] {strides = array<i32>} : memref<5x128x128xf32, #tpu.memory_space<vmem>>, vector<1x1x16xf32>,
      %parallel_loop3A_797 = vector.shape_cast %parallel_loop3A_796 : vector<1x1x16xf32> to vector<16xf32>
      %parallel_loop3A_798 = arith.constant 11.3137083 : f32
      %parallel_loop3A_799 = vector.broadcast %parallel_loop3A_798 : f32 to vector<16xf32>
      %parallel_loop3A_800 = arith.mulf %parallel_loop3A_797, %parallel_loop3A_799 : vector<16xf32>
      %parallel_loop3A_801 = arith.constant 3 : i32
      %parallel_loop3A_802 = arith.index_cast %parallel_loop3A_801 : i32 to index
      %parallel_loop3A_803 = arith.index_cast %parallel_loop3A_695 : i32 to index
      %parallel_loop3A_804 = arith.constant 96 : index
      %parallel_loop3A_805 = tpu.vector_load %arg6[%parallel_loop3A_802, %parallel_loop3A_803, %parallel_loop3A_804] {strides = array<i32>} : memref<5x128x128xf32, #tpu.memory_space<vmem>>, vector<1x1x16xf32>,
      %parallel_loop3A_806 = vector.shape_cast %parallel_loop3A_805 : vector<1x1x16xf32> to vector<16xf32>
      %parallel_loop3A_807 = vector.shape_cast %parallel_loop3A_800 : vector<16xf32> to vector<1x1x16xf32>
      tpu.vector_store %arg6[%parallel_loop3A_802, %parallel_loop3A_803, %parallel_loop3A_804], %parallel_loop3A_807 {strides = array<i32>} : memref<5x128x128xf32, #tpu.memory_space<vmem>>, vector<1x1x16xf32>,
      %parallel_loop3A_808 = arith.constant 3 : i32
      %parallel_loop3A_809 = arith.index_cast %parallel_loop3A_808 : i32 to index
      %parallel_loop3A_810 = arith.index_cast %parallel_loop3A_695 : i32 to index
      %parallel_loop3A_811 = arith.constant 112 : index
      %parallel_loop3A_812 = tpu.vector_load %arg6[%parallel_loop3A_809, %parallel_loop3A_810, %parallel_loop3A_811] {strides = array<i32>} : memref<5x128x128xf32, #tpu.memory_space<vmem>>, vector<1x1x16xf32>,
      %parallel_loop3A_813 = vector.shape_cast %parallel_loop3A_812 : vector<1x1x16xf32> to vector<16xf32>
      %parallel_loop3A_814 = arith.constant 11.3137083 : f32
      %parallel_loop3A_815 = vector.broadcast %parallel_loop3A_814 : f32 to vector<16xf32>
      %parallel_loop3A_816 = arith.mulf %parallel_loop3A_813, %parallel_loop3A_815 : vector<16xf32>
      %parallel_loop3A_817 = arith.constant 3 : i32
      %parallel_loop3A_818 = arith.index_cast %parallel_loop3A_817 : i32 to index
      %parallel_loop3A_819 = arith.index_cast %parallel_loop3A_695 : i32 to index
      %parallel_loop3A_820 = arith.constant 112 : index
      %parallel_loop3A_821 = tpu.vector_load %arg6[%parallel_loop3A_818, %parallel_loop3A_819, %parallel_loop3A_820] {strides = array<i32>} : memref<5x128x128xf32, #tpu.memory_space<vmem>>, vector<1x1x16xf32>,
      %parallel_loop3A_822 = vector.shape_cast %parallel_loop3A_821 : vector<1x1x16xf32> to vector<16xf32>
      %parallel_loop3A_823 = vector.shape_cast %parallel_loop3A_816 : vector<16xf32> to vector<1x1x16xf32>
      tpu.vector_store %arg6[%parallel_loop3A_818, %parallel_loop3A_819, %parallel_loop3A_820], %parallel_loop3A_823 {strides = array<i32>} : memref<5x128x128xf32, #tpu.memory_space<vmem>>, vector<1x1x16xf32>,
    } {sc.loop_unroll_factor = 4 : i64, sc.parallel_access}
    %add3A_267 = arith.constant 384 : i32
    %add3A_268 = arith.addi %mul3A_2, %add3A_267 : i32
    %dma_start3A_269 = arith.constant 3 : i32
    %dma_start3A_270 = arith.constant 3 : i32
    %dma_start3A_271 = arith.constant 0 : i32
    %dma_start3A_272 = arith.constant 0 : i32
    %dma_start3A_273 = tpu.memref_slice %arg6[%dma_start3A_269, %dma_start3A_271, %dma_start3A_272] : memref<5x128x128xf32, #tpu.memory_space<vmem>> -> memref<1x128x128xf32, #tpu.memory_space<vmem>>
    %dma_start3A_274 = tpu.memref_squeeze %dma_start3A_273 : memref<1x128x128xf32, #tpu.memory_space<vmem>> -> memref<128x128xf32, #tpu.memory_space<vmem>>
    %dma_start3A_275 = arith.constant 0 : i32
    %dma_start3A_276 = tpu.memref_slice %arg4[%add3A_268, %dma_start3A_275] : memref<204800x128xf32, #tpu.memory_space<hbm>> -> memref<128x128xf32, #tpu.memory_space<hbm>>
    %dma_start3A_277 = tpu.memref_slice %arg8[%dma_start3A_270] : memref<5x!tpu.dma_semaphore, #tpu.memory_space<semaphore_mem>> -> memref<1x!tpu.dma_semaphore, #tpu.memory_space<semaphore_mem>>
    %dma_start3A_278 = tpu.memref_squeeze %dma_start3A_277 : memref<1x!tpu.dma_semaphore, #tpu.memory_space<semaphore_mem>> -> memref<!tpu.dma_semaphore, #tpu.memory_space<semaphore_mem>>
    %dma_start3A_279 = arith.constant 0 : i32
    %dma_start3A_280 = tpu.memref_slice %arg4[%add3A_268, %dma_start3A_279] : memref<204800x128xf32, #tpu.memory_space<hbm>> -> memref<128x128xf32, #tpu.memory_space<hbm>>
    %dma_start3A_281 = arith.constant 0 : i32
    %dma_start3A_282 = arith.constant 0 : i32
    %dma_start3A_283 = tpu.memref_slice %arg6[%dma_start3A_269, %dma_start3A_281, %dma_start3A_282] : memref<5x128x128xf32, #tpu.memory_space<vmem>> -> memref<1x128x128xf32, #tpu.memory_space<vmem>>
    %dma_start3A_284 = tpu.memref_squeeze %dma_start3A_283 : memref<1x128x128xf32, #tpu.memory_space<vmem>> -> memref<128x128xf32, #tpu.memory_space<vmem>>
    tpu.enqueue_dma source(%dma_start3A_284 : memref<128x128xf32, #tpu.memory_space<vmem>>) target(%dma_start3A_280 : memref<128x128xf32, #tpu.memory_space<hbm>>) target_semaphore(%dma_start3A_278 : memref<!tpu.dma_semaphore, #tpu.memory_space<semaphore_mem>>)
    %add3A_285 = arith.constant 256 : i32
    %add3A_286 = arith.addi %mul3A_2, %add3A_285 : i32
    %dma_wait3A_287 = arith.constant 2 : i32
    %dma_wait3A_288 = arith.constant 2 : i32
    %dma_wait3A_289 = arith.constant 0 : i32
    %dma_wait3A_290 = arith.constant 0 : i32
    %dma_wait3A_291 = tpu.memref_slice %arg6[%dma_wait3A_287, %dma_wait3A_289, %dma_wait3A_290] : memref<5x128x128xf32, #tpu.memory_space<vmem>> -> memref<1x128x128xf32, #tpu.memory_space<vmem>>
    %dma_wait3A_292 = tpu.memref_squeeze %dma_wait3A_291 : memref<1x128x128xf32, #tpu.memory_space<vmem>> -> memref<128x128xf32, #tpu.memory_space<vmem>>
    %dma_wait3A_293 = arith.constant 0 : i32
    %dma_wait3A_294 = tpu.memref_slice %arg4[%add3A_286, %dma_wait3A_293] : memref<204800x128xf32, #tpu.memory_space<hbm>> -> memref<128x128xf32, #tpu.memory_space<hbm>>
    %dma_wait3A_295 = tpu.memref_slice %arg8[%dma_wait3A_288] : memref<5x!tpu.dma_semaphore, #tpu.memory_space<semaphore_mem>> -> memref<1x!tpu.dma_semaphore, #tpu.memory_space<semaphore_mem>>
    %dma_wait3A_296 = tpu.memref_squeeze %dma_wait3A_295 : memref<1x!tpu.dma_semaphore, #tpu.memory_space<semaphore_mem>> -> memref<!tpu.dma_semaphore, #tpu.memory_space<semaphore_mem>>
    %dma_wait3A_297 = arith.constant 0 : i32
    %dma_wait3A_298 = tpu.memref_slice %arg4[%add3A_286, %dma_wait3A_297] : memref<204800x128xf32, #tpu.memory_space<hbm>> -> memref<128x128xf32, #tpu.memory_space<hbm>>
    %dma_wait3A_299 = arith.constant 0 : i32
    %dma_wait3A_300 = arith.constant 0 : i32
    %dma_wait3A_301 = tpu.memref_slice %arg6[%dma_wait3A_287, %dma_wait3A_299, %dma_wait3A_300] : memref<5x128x128xf32, #tpu.memory_space<vmem>> -> memref<1x128x128xf32, #tpu.memory_space<vmem>>
    %dma_wait3A_302 = tpu.memref_squeeze %dma_wait3A_301 : memref<1x128x128xf32, #tpu.memory_space<vmem>> -> memref<128x128xf32, #tpu.memory_space<vmem>>
    tpu.wait_dma2 semaphore(%dma_wait3A_296 : memref<!tpu.dma_semaphore, #tpu.memory_space<semaphore_mem>>) src(%dma_wait3A_302 : memref<128x128xf32, #tpu.memory_space<vmem>>) dst(%dma_wait3A_298 : memref<128x128xf32, #tpu.memory_space<hbm>>)
    %dma_start3A_303 = arith.constant 7 : i32
    %dma_start3A_304 = arith.constant 2 : i32
    %dma_start3A_305 = arith.constant 2 : i32
    %dma_start3A_306 = arith.constant 0 : i32
    %dma_start3A_307 = arith.constant 0 : i32
    %dma_start3A_308 = tpu.memref_slice %arg6[%dma_start3A_304, %dma_start3A_306, %dma_start3A_307] : memref<5x128x128xf32, #tpu.memory_space<vmem>> -> memref<1x128x128xf32, #tpu.memory_space<vmem>>
    %dma_start3A_309 = tpu.memref_squeeze %dma_start3A_308 : memref<1x128x128xf32, #tpu.memory_space<vmem>> -> memref<128x128xf32, #tpu.memory_space<vmem>>
    %dma_start3A_310 = arith.constant 0 : i32
    %dma_start3A_311 = tpu.memref_slice %arg5[%dma_start3A_303, %dma_start3A_310] : memref<50x128xi32, #tpu.memory_space<vmem>> -> memref<1x128xi32, #tpu.memory_space<vmem>>
    %dma_start3A_312 = tpu.memref_squeeze %dma_start3A_311 : memref<1x128xi32, #tpu.memory_space<vmem>> -> memref<128xi32, #tpu.memory_space<vmem>>
    %dma_start3A_313 = arith.constant 0 : i32
    %dma_start3A_314 = arith.constant 0 : i32
    %dma_start3A_315 = tpu.memref_slice %arg3[%dma_start3A_313, %dma_start3A_314] : memref<100000x128xf32, #tpu.memory_space<hbm>> -> memref<100000x128xf32, #tpu.memory_space<hbm>>
    %dma_start3A_316 = tpu.memref_slice %arg7[%dma_start3A_305] : memref<5x!tpu.dma_semaphore, #tpu.memory_space<semaphore_mem>> -> memref<1x!tpu.dma_semaphore, #tpu.memory_space<semaphore_mem>>
    %dma_start3A_317 = tpu.memref_squeeze %dma_start3A_316 : memref<1x!tpu.dma_semaphore, #tpu.memory_space<semaphore_mem>> -> memref<!tpu.dma_semaphore, #tpu.memory_space<semaphore_mem>>
    tpu.enqueue_indirect_dma source(%dma_start3A_315 : memref<100000x128xf32, #tpu.memory_space<hbm>>) target(%dma_start3A_309 : memref<128x128xf32, #tpu.memory_space<vmem>>) offsets(%dma_start3A_312 : memref<128xi32, #tpu.memory_space<vmem>>) semaphore(%dma_start3A_317 : memref<!tpu.dma_semaphore, #tpu.memory_space<semaphore_mem>>)
    %dma_wait3A_318 = arith.constant 4 : i32
    %dma_wait3A_319 = arith.constant 4 : i32
    %dma_wait3A_320 = arith.constant 4 : i32
    %dma_wait3A_321 = arith.constant 0 : i32
    %dma_wait3A_322 = arith.constant 0 : i32
    %dma_wait3A_323 = tpu.memref_slice %arg6[%dma_wait3A_319, %dma_wait3A_321, %dma_wait3A_322] : memref<5x128x128xf32, #tpu.memory_space<vmem>> -> memref<1x128x128xf32, #tpu.memory_space<vmem>>
    %dma_wait3A_324 = tpu.memref_squeeze %dma_wait3A_323 : memref<1x128x128xf32, #tpu.memory_space<vmem>> -> memref<128x128xf32, #tpu.memory_space<vmem>>
    %dma_wait3A_325 = arith.constant 0 : i32
    %dma_wait3A_326 = tpu.memref_slice %arg5[%dma_wait3A_318, %dma_wait3A_325] : memref<50x128xi32, #tpu.memory_space<vmem>> -> memref<1x128xi32, #tpu.memory_space<vmem>>
    %dma_wait3A_327 = tpu.memref_squeeze %dma_wait3A_326 : memref<1x128xi32, #tpu.memory_space<vmem>> -> memref<128xi32, #tpu.memory_space<vmem>>
    %dma_wait3A_328 = arith.constant 0 : i32
    %dma_wait3A_329 = arith.constant 0 : i32
    %dma_wait3A_330 = tpu.memref_slice %arg3[%dma_wait3A_328, %dma_wait3A_329] : memref<100000x128xf32, #tpu.memory_space<hbm>> -> memref<100000x128xf32, #tpu.memory_space<hbm>>
    %dma_wait3A_331 = tpu.memref_slice %arg7[%dma_wait3A_320] : memref<5x!tpu.dma_semaphore, #tpu.memory_space<semaphore_mem>> -> memref<1x!tpu.dma_semaphore, #tpu.memory_space<semaphore_mem>>
    %dma_wait3A_332 = tpu.memref_squeeze %dma_wait3A_331 : memref<1x!tpu.dma_semaphore, #tpu.memory_space<semaphore_mem>> -> memref<!tpu.dma_semaphore, #tpu.memory_space<semaphore_mem>>
    tpu.wait_indirect_dma semaphore(%dma_wait3A_332 : memref<!tpu.dma_semaphore, #tpu.memory_space<semaphore_mem>>) src(%dma_wait3A_330 : memref<100000x128xf32, #tpu.memory_space<hbm>>) dst(%dma_wait3A_324 : memref<128x128xf32, #tpu.memory_space<vmem>>)
    %parallel_loop3A_333 = arith.constant 0 : i32
    %parallel_loop3A_334 = arith.constant 128 : i32
    %parallel_loop3A_335 = arith.constant 1 : i32
    scf.for %parallel_loop3A_695 = %parallel_loop3A_333 to %parallel_loop3A_334 step %parallel_loop3A_335  : i32 {
      %parallel_loop3A_696 = arith.constant 4 : i32
      %parallel_loop3A_697 = arith.index_cast %parallel_loop3A_696 : i32 to index
      %parallel_loop3A_698 = arith.index_cast %parallel_loop3A_695 : i32 to index
      %parallel_loop3A_699 = arith.constant 0 : index
      %parallel_loop3A_700 = tpu.vector_load %arg6[%parallel_loop3A_697, %parallel_loop3A_698, %parallel_loop3A_699] {strides = array<i32>} : memref<5x128x128xf32, #tpu.memory_space<vmem>>, vector<1x1x16xf32>,
      %parallel_loop3A_701 = vector.shape_cast %parallel_loop3A_700 : vector<1x1x16xf32> to vector<16xf32>
      %parallel_loop3A_702 = arith.constant 11.3137083 : f32
      %parallel_loop3A_703 = vector.broadcast %parallel_loop3A_702 : f32 to vector<16xf32>
      %parallel_loop3A_704 = arith.mulf %parallel_loop3A_701, %parallel_loop3A_703 : vector<16xf32>
      %parallel_loop3A_705 = arith.constant 4 : i32
      %parallel_loop3A_706 = arith.index_cast %parallel_loop3A_705 : i32 to index
      %parallel_loop3A_707 = arith.index_cast %parallel_loop3A_695 : i32 to index
      %parallel_loop3A_708 = arith.constant 0 : index
      %parallel_loop3A_709 = tpu.vector_load %arg6[%parallel_loop3A_706, %parallel_loop3A_707, %parallel_loop3A_708] {strides = array<i32>} : memref<5x128x128xf32, #tpu.memory_space<vmem>>, vector<1x1x16xf32>,
      %parallel_loop3A_710 = vector.shape_cast %parallel_loop3A_709 : vector<1x1x16xf32> to vector<16xf32>
      %parallel_loop3A_711 = vector.shape_cast %parallel_loop3A_704 : vector<16xf32> to vector<1x1x16xf32>
      tpu.vector_store %arg6[%parallel_loop3A_706, %parallel_loop3A_707, %parallel_loop3A_708], %parallel_loop3A_711 {strides = array<i32>} : memref<5x128x128xf32, #tpu.memory_space<vmem>>, vector<1x1x16xf32>,
      %parallel_loop3A_712 = arith.constant 4 : i32
      %parallel_loop3A_713 = arith.index_cast %parallel_loop3A_712 : i32 to index
      %parallel_loop3A_714 = arith.index_cast %parallel_loop3A_695 : i32 to index
      %parallel_loop3A_715 = arith.constant 16 : index
      %parallel_loop3A_716 = tpu.vector_load %arg6[%parallel_loop3A_713, %parallel_loop3A_714, %parallel_loop3A_715] {strides = array<i32>} : memref<5x128x128xf32, #tpu.memory_space<vmem>>, vector<1x1x16xf32>,
      %parallel_loop3A_717 = vector.shape_cast %parallel_loop3A_716 : vector<1x1x16xf32> to vector<16xf32>
      %parallel_loop3A_718 = arith.constant 11.3137083 : f32
      %parallel_loop3A_719 = vector.broadcast %parallel_loop3A_718 : f32 to vector<16xf32>
      %parallel_loop3A_720 = arith.mulf %parallel_loop3A_717, %parallel_loop3A_719 : vector<16xf32>
      %parallel_loop3A_721 = arith.constant 4 : i32
      %parallel_loop3A_722 = arith.index_cast %parallel_loop3A_721 : i32 to index
      %parallel_loop3A_723 = arith.index_cast %parallel_loop3A_695 : i32 to index
      %parallel_loop3A_724 = arith.constant 16 : index
      %parallel_loop3A_725 = tpu.vector_load %arg6[%parallel_loop3A_722, %parallel_loop3A_723, %parallel_loop3A_724] {strides = array<i32>} : memref<5x128x128xf32, #tpu.memory_space<vmem>>, vector<1x1x16xf32>,
      %parallel_loop3A_726 = vector.shape_cast %parallel_loop3A_725 : vector<1x1x16xf32> to vector<16xf32>
      %parallel_loop3A_727 = vector.shape_cast %parallel_loop3A_720 : vector<16xf32> to vector<1x1x16xf32>
      tpu.vector_store %arg6[%parallel_loop3A_722, %parallel_loop3A_723, %parallel_loop3A_724], %parallel_loop3A_727 {strides = array<i32>} : memref<5x128x128xf32, #tpu.memory_space<vmem>>, vector<1x1x16xf32>,
      %parallel_loop3A_728 = arith.constant 4 : i32
      %parallel_loop3A_729 = arith.index_cast %parallel_loop3A_728 : i32 to index
      %parallel_loop3A_730 = arith.index_cast %parallel_loop3A_695 : i32 to index
      %parallel_loop3A_731 = arith.constant 32 : index
      %parallel_loop3A_732 = tpu.vector_load %arg6[%parallel_loop3A_729, %parallel_loop3A_730, %parallel_loop3A_731] {strides = array<i32>} : memref<5x128x128xf32, #tpu.memory_space<vmem>>, vector<1x1x16xf32>,
      %parallel_loop3A_733 = vector.shape_cast %parallel_loop3A_732 : vector<1x1x16xf32> to vector<16xf32>
      %parallel_loop3A_734 = arith.constant 11.3137083 : f32
      %parallel_loop3A_735 = vector.broadcast %parallel_loop3A_734 : f32 to vector<16xf32>
      %parallel_loop3A_736 = arith.mulf %parallel_loop3A_733, %parallel_loop3A_735 : vector<16xf32>
      %parallel_loop3A_737 = arith.constant 4 : i32
      %parallel_loop3A_738 = arith.index_cast %parallel_loop3A_737 : i32 to index
      %parallel_loop3A_739 = arith.index_cast %parallel_loop3A_695 : i32 to index
      %parallel_loop3A_740 = arith.constant 32 : index
      %parallel_loop3A_741 = tpu.vector_load %arg6[%parallel_loop3A_738, %parallel_loop3A_739, %parallel_loop3A_740] {strides = array<i32>} : memref<5x128x128xf32, #tpu.memory_space<vmem>>, vector<1x1x16xf32>,
      %parallel_loop3A_742 = vector.shape_cast %parallel_loop3A_741 : vector<1x1x16xf32> to vector<16xf32>
      %parallel_loop3A_743 = vector.shape_cast %parallel_loop3A_736 : vector<16xf32> to vector<1x1x16xf32>
      tpu.vector_store %arg6[%parallel_loop3A_738, %parallel_loop3A_739, %parallel_loop3A_740], %parallel_loop3A_743 {strides = array<i32>} : memref<5x128x128xf32, #tpu.memory_space<vmem>>, vector<1x1x16xf32>,
      %parallel_loop3A_744 = arith.constant 4 : i32
      %parallel_loop3A_745 = arith.index_cast %parallel_loop3A_744 : i32 to index
      %parallel_loop3A_746 = arith.index_cast %parallel_loop3A_695 : i32 to index
      %parallel_loop3A_747 = arith.constant 48 : index
      %parallel_loop3A_748 = tpu.vector_load %arg6[%parallel_loop3A_745, %parallel_loop3A_746, %parallel_loop3A_747] {strides = array<i32>} : memref<5x128x128xf32, #tpu.memory_space<vmem>>, vector<1x1x16xf32>,
      %parallel_loop3A_749 = vector.shape_cast %parallel_loop3A_748 : vector<1x1x16xf32> to vector<16xf32>
      %parallel_loop3A_750 = arith.constant 11.3137083 : f32
      %parallel_loop3A_751 = vector.broadcast %parallel_loop3A_750 : f32 to vector<16xf32>
      %parallel_loop3A_752 = arith.mulf %parallel_loop3A_749, %parallel_loop3A_751 : vector<16xf32>
      %parallel_loop3A_753 = arith.constant 4 : i32
      %parallel_loop3A_754 = arith.index_cast %parallel_loop3A_753 : i32 to index
      %parallel_loop3A_755 = arith.index_cast %parallel_loop3A_695 : i32 to index
      %parallel_loop3A_756 = arith.constant 48 : index
      %parallel_loop3A_757 = tpu.vector_load %arg6[%parallel_loop3A_754, %parallel_loop3A_755, %parallel_loop3A_756] {strides = array<i32>} : memref<5x128x128xf32, #tpu.memory_space<vmem>>, vector<1x1x16xf32>,
      %parallel_loop3A_758 = vector.shape_cast %parallel_loop3A_757 : vector<1x1x16xf32> to vector<16xf32>
      %parallel_loop3A_759 = vector.shape_cast %parallel_loop3A_752 : vector<16xf32> to vector<1x1x16xf32>
      tpu.vector_store %arg6[%parallel_loop3A_754, %parallel_loop3A_755, %parallel_loop3A_756], %parallel_loop3A_759 {strides = array<i32>} : memref<5x128x128xf32, #tpu.memory_space<vmem>>, vector<1x1x16xf32>,
      %parallel_loop3A_760 = arith.constant 4 : i32
      %parallel_loop3A_761 = arith.index_cast %parallel_loop3A_760 : i32 to index
      %parallel_loop3A_762 = arith.index_cast %parallel_loop3A_695 : i32 to index
      %parallel_loop3A_763 = arith.constant 64 : index
      %parallel_loop3A_764 = tpu.vector_load %arg6[%parallel_loop3A_761, %parallel_loop3A_762, %parallel_loop3A_763] {strides = array<i32>} : memref<5x128x128xf32, #tpu.memory_space<vmem>>, vector<1x1x16xf32>,
      %parallel_loop3A_765 = vector.shape_cast %parallel_loop3A_764 : vector<1x1x16xf32> to vector<16xf32>
      %parallel_loop3A_766 = arith.constant 11.3137083 : f32
      %parallel_loop3A_767 = vector.broadcast %parallel_loop3A_766 : f32 to vector<16xf32>
      %parallel_loop3A_768 = arith.mulf %parallel_loop3A_765, %parallel_loop3A_767 : vector<16xf32>
      %parallel_loop3A_769 = arith.constant 4 : i32
      %parallel_loop3A_770 = arith.index_cast %parallel_loop3A_769 : i32 to index
      %parallel_loop3A_771 = arith.index_cast %parallel_loop3A_695 : i32 to index
      %parallel_loop3A_772 = arith.constant 64 : index
      %parallel_loop3A_773 = tpu.vector_load %arg6[%parallel_loop3A_770, %parallel_loop3A_771, %parallel_loop3A_772] {strides = array<i32>} : memref<5x128x128xf32, #tpu.memory_space<vmem>>, vector<1x1x16xf32>,
      %parallel_loop3A_774 = vector.shape_cast %parallel_loop3A_773 : vector<1x1x16xf32> to vector<16xf32>
      %parallel_loop3A_775 = vector.shape_cast %parallel_loop3A_768 : vector<16xf32> to vector<1x1x16xf32>
      tpu.vector_store %arg6[%parallel_loop3A_770, %parallel_loop3A_771, %parallel_loop3A_772], %parallel_loop3A_775 {strides = array<i32>} : memref<5x128x128xf32, #tpu.memory_space<vmem>>, vector<1x1x16xf32>,
      %parallel_loop3A_776 = arith.constant 4 : i32
      %parallel_loop3A_777 = arith.index_cast %parallel_loop3A_776 : i32 to index
      %parallel_loop3A_778 = arith.index_cast %parallel_loop3A_695 : i32 to index
      %parallel_loop3A_779 = arith.constant 80 : index
      %parallel_loop3A_780 = tpu.vector_load %arg6[%parallel_loop3A_777, %parallel_loop3A_778, %parallel_loop3A_779] {strides = array<i32>} : memref<5x128x128xf32, #tpu.memory_space<vmem>>, vector<1x1x16xf32>,
      %parallel_loop3A_781 = vector.shape_cast %parallel_loop3A_780 : vector<1x1x16xf32> to vector<16xf32>
      %parallel_loop3A_782 = arith.constant 11.3137083 : f32
      %parallel_loop3A_783 = vector.broadcast %parallel_loop3A_782 : f32 to vector<16xf32>
      %parallel_loop3A_784 = arith.mulf %parallel_loop3A_781, %parallel_loop3A_783 : vector<16xf32>
      %parallel_loop3A_785 = arith.constant 4 : i32
      %parallel_loop3A_786 = arith.index_cast %parallel_loop3A_785 : i32 to index
      %parallel_loop3A_787 = arith.index_cast %parallel_loop3A_695 : i32 to index
      %parallel_loop3A_788 = arith.constant 80 : index
      %parallel_loop3A_789 = tpu.vector_load %arg6[%parallel_loop3A_786, %parallel_loop3A_787, %parallel_loop3A_788] {strides = array<i32>} : memref<5x128x128xf32, #tpu.memory_space<vmem>>, vector<1x1x16xf32>,
      %parallel_loop3A_790 = vector.shape_cast %parallel_loop3A_789 : vector<1x1x16xf32> to vector<16xf32>
      %parallel_loop3A_791 = vector.shape_cast %parallel_loop3A_784 : vector<16xf32> to vector<1x1x16xf32>
      tpu.vector_store %arg6[%parallel_loop3A_786, %parallel_loop3A_787, %parallel_loop3A_788], %parallel_loop3A_791 {strides = array<i32>} : memref<5x128x128xf32, #tpu.memory_space<vmem>>, vector<1x1x16xf32>,
      %parallel_loop3A_792 = arith.constant 4 : i32
      %parallel_loop3A_793 = arith.index_cast %parallel_loop3A_792 : i32 to index
      %parallel_loop3A_794 = arith.index_cast %parallel_loop3A_695 : i32 to index
      %parallel_loop3A_795 = arith.constant 96 : index
      %parallel_loop3A_796 = tpu.vector_load %arg6[%parallel_loop3A_793, %parallel_loop3A_794, %parallel_loop3A_795] {strides = array<i32>} : memref<5x128x128xf32, #tpu.memory_space<vmem>>, vector<1x1x16xf32>,
      %parallel_loop3A_797 = vector.shape_cast %parallel_loop3A_796 : vector<1x1x16xf32> to vector<16xf32>
      %parallel_loop3A_798 = arith.constant 11.3137083 : f32
      %parallel_loop3A_799 = vector.broadcast %parallel_loop3A_798 : f32 to vector<16xf32>
      %parallel_loop3A_800 = arith.mulf %parallel_loop3A_797, %parallel_loop3A_799 : vector<16xf32>
      %parallel_loop3A_801 = arith.constant 4 : i32
      %parallel_loop3A_802 = arith.index_cast %parallel_loop3A_801 : i32 to index
      %parallel_loop3A_803 = arith.index_cast %parallel_loop3A_695 : i32 to index
      %parallel_loop3A_804 = arith.constant 96 : index
      %parallel_loop3A_805 = tpu.vector_load %arg6[%parallel_loop3A_802, %parallel_loop3A_803, %parallel_loop3A_804] {strides = array<i32>} : memref<5x128x128xf32, #tpu.memory_space<vmem>>, vector<1x1x16xf32>,
      %parallel_loop3A_806 = vector.shape_cast %parallel_loop3A_805 : vector<1x1x16xf32> to vector<16xf32>
      %parallel_loop3A_807 = vector.shape_cast %parallel_loop3A_800 : vector<16xf32> to vector<1x1x16xf32>
      tpu.vector_store %arg6[%parallel_loop3A_802, %parallel_loop3A_803, %parallel_loop3A_804], %parallel_loop3A_807 {strides = array<i32>} : memref<5x128x128xf32, #tpu.memory_space<vmem>>, vector<1x1x16xf32>,
      %parallel_loop3A_808 = arith.constant 4 : i32
      %parallel_loop3A_809 = arith.index_cast %parallel_loop3A_808 : i32 to index
      %parallel_loop3A_810 = arith.index_cast %parallel_loop3A_695 : i32 to index
      %parallel_loop3A_811 = arith.constant 112 : index
      %parallel_loop3A_812 = tpu.vector_load %arg6[%parallel_loop3A_809, %parallel_loop3A_810, %parallel_loop3A_811] {strides = array<i32>} : memref<5x128x128xf32, #tpu.memory_space<vmem>>, vector<1x1x16xf32>,
      %parallel_loop3A_813 = vector.shape_cast %parallel_loop3A_812 : vector<1x1x16xf32> to vector<16xf32>
      %parallel_loop3A_814 = arith.constant 11.3137083 : f32
      %parallel_loop3A_815 = vector.broadcast %parallel_loop3A_814 : f32 to vector<16xf32>
      %parallel_loop3A_816 = arith.mulf %parallel_loop3A_813, %parallel_loop3A_815 : vector<16xf32>
      %parallel_loop3A_817 = arith.constant 4 : i32
      %parallel_loop3A_818 = arith.index_cast %parallel_loop3A_817 : i32 to index
      %parallel_loop3A_819 = arith.index_cast %parallel_loop3A_695 : i32 to index
      %parallel_loop3A_820 = arith.constant 112 : index
      %parallel_loop3A_821 = tpu.vector_load %arg6[%parallel_loop3A_818, %parallel_loop3A_819, %parallel_loop3A_820] {strides = array<i32>} : memref<5x128x128xf32, #tpu.memory_space<vmem>>, vector<1x1x16xf32>,
      %parallel_loop3A_822 = vector.shape_cast %parallel_loop3A_821 : vector<1x1x16xf32> to vector<16xf32>
      %parallel_loop3A_823 = vector.shape_cast %parallel_loop3A_816 : vector<16xf32> to vector<1x1x16xf32>
      tpu.vector_store %arg6[%parallel_loop3A_818, %parallel_loop3A_819, %parallel_loop3A_820], %parallel_loop3A_823 {strides = array<i32>} : memref<5x128x128xf32, #tpu.memory_space<vmem>>, vector<1x1x16xf32>,
    } {sc.loop_unroll_factor = 4 : i64, sc.parallel_access}
    %add3A_336 = arith.constant 512 : i32
    %add3A_337 = arith.addi %mul3A_2, %add3A_336 : i32
    %dma_start3A_338 = arith.constant 4 : i32
    %dma_start3A_339 = arith.constant 4 : i32
    %dma_start3A_340 = arith.constant 0 : i32
    %dma_start3A_341 = arith.constant 0 : i32
    %dma_start3A_342 = tpu.memref_slice %arg6[%dma_start3A_338, %dma_start3A_340, %dma_start3A_341] : memref<5x128x128xf32, #tpu.memory_space<vmem>> -> memref<1x128x128xf32, #tpu.memory_space<vmem>>
    %dma_start3A_343 = tpu.memref_squeeze %dma_start3A_342 : memref<1x128x128xf32, #tpu.memory_space<vmem>> -> memref<128x128xf32, #tpu.memory_space<vmem>>
    %dma_start3A_344 = arith.constant 0 : i32
    %dma_start3A_345 = tpu.memref_slice %arg4[%add3A_337, %dma_start3A_344] : memref<204800x128xf32, #tpu.memory_space<hbm>> -> memref<128x128xf32, #tpu.memory_space<hbm>>
    %dma_start3A_346 = tpu.memref_slice %arg8[%dma_start3A_339] : memref<5x!tpu.dma_semaphore, #tpu.memory_space<semaphore_mem>> -> memref<1x!tpu.dma_semaphore, #tpu.memory_space<semaphore_mem>>
    %dma_start3A_347 = tpu.memref_squeeze %dma_start3A_346 : memref<1x!tpu.dma_semaphore, #tpu.memory_space<semaphore_mem>> -> memref<!tpu.dma_semaphore, #tpu.memory_space<semaphore_mem>>
    %dma_start3A_348 = arith.constant 0 : i32
    %dma_start3A_349 = tpu.memref_slice %arg4[%add3A_337, %dma_start3A_348] : memref<204800x128xf32, #tpu.memory_space<hbm>> -> memref<128x128xf32, #tpu.memory_space<hbm>>
    %dma_start3A_350 = arith.constant 0 : i32
    %dma_start3A_351 = arith.constant 0 : i32
    %dma_start3A_352 = tpu.memref_slice %arg6[%dma_start3A_338, %dma_start3A_350, %dma_start3A_351] : memref<5x128x128xf32, #tpu.memory_space<vmem>> -> memref<1x128x128xf32, #tpu.memory_space<vmem>>
    %dma_start3A_353 = tpu.memref_squeeze %dma_start3A_352 : memref<1x128x128xf32, #tpu.memory_space<vmem>> -> memref<128x128xf32, #tpu.memory_space<vmem>>
    tpu.enqueue_dma source(%dma_start3A_353 : memref<128x128xf32, #tpu.memory_space<vmem>>) target(%dma_start3A_349 : memref<128x128xf32, #tpu.memory_space<hbm>>) target_semaphore(%dma_start3A_347 : memref<!tpu.dma_semaphore, #tpu.memory_space<semaphore_mem>>)
    %scan3A = arith.constant 0 : i32
    %scan3A_354 = arith.constant 1 : i32
    %scan3A_355 = arith.constant 8 : i32
    %scan3A_356 = arith.addi %scan3A_354, %scan3A_355 : i32
    %scan3A_357 = arith.constant 1 : i32
    scf.for %scan3A_695 = %scan3A_354 to %scan3A_356 step %scan3A_357  : i32 {
      %mul3A_696 = arith.constant 5 : i32
      %mul3A_697 = arith.muli %scan3A_695, %mul3A_696 : i32
      %add3A_698 = arith.constant 0 : i32
      %add3A_699 = arith.addi %mul3A_697, %add3A_698 : i32
      %add3A_700 = arith.constant 3 : i32
      %add3A_701 = arith.addi %add3A_699, %add3A_700 : i32
      %sub3A = arith.constant 5 : i32
      %sub3A_702 = arith.subi %add3A_701, %sub3A : i32
      %mul3A_703 = arith.constant 128 : i32
      %mul3A_704 = arith.muli %sub3A_702, %mul3A_703 : i32
      %add3A_705 = arith.addi %mul3A_2, %mul3A_704 : i32
      %dma_wait3A_706 = arith.constant 3 : i32
      %dma_wait3A_707 = arith.constant 3 : i32
      %dma_wait3A_708 = arith.constant 0 : i32
      %dma_wait3A_709 = arith.constant 0 : i32
      %dma_wait3A_710 = tpu.memref_slice %arg6[%dma_wait3A_706, %dma_wait3A_708, %dma_wait3A_709] : memref<5x128x128xf32, #tpu.memory_space<vmem>> -> memref<1x128x128xf32, #tpu.memory_space<vmem>>
      %dma_wait3A_711 = tpu.memref_squeeze %dma_wait3A_710 : memref<1x128x128xf32, #tpu.memory_space<vmem>> -> memref<128x128xf32, #tpu.memory_space<vmem>>
      %dma_wait3A_712 = arith.constant 0 : i32
      %dma_wait3A_713 = tpu.memref_slice %arg4[%add3A_705, %dma_wait3A_712] : memref<204800x128xf32, #tpu.memory_space<hbm>> -> memref<128x128xf32, #tpu.memory_space<hbm>>
      %dma_wait3A_714 = tpu.memref_slice %arg8[%dma_wait3A_707] : memref<5x!tpu.dma_semaphore, #tpu.memory_space<semaphore_mem>> -> memref<1x!tpu.dma_semaphore, #tpu.memory_space<semaphore_mem>>
      %dma_wait3A_715 = tpu.memref_squeeze %dma_wait3A_714 : memref<1x!tpu.dma_semaphore, #tpu.memory_space<semaphore_mem>> -> memref<!tpu.dma_semaphore, #tpu.memory_space<semaphore_mem>>
      %dma_wait3A_716 = arith.constant 0 : i32
      %dma_wait3A_717 = tpu.memref_slice %arg4[%add3A_705, %dma_wait3A_716] : memref<204800x128xf32, #tpu.memory_space<hbm>> -> memref<128x128xf32, #tpu.memory_space<hbm>>
      %dma_wait3A_718 = arith.constant 0 : i32
      %dma_wait3A_719 = arith.constant 0 : i32
      %dma_wait3A_720 = tpu.memref_slice %arg6[%dma_wait3A_706, %dma_wait3A_718, %dma_wait3A_719] : memref<5x128x128xf32, #tpu.memory_space<vmem>> -> memref<1x128x128xf32, #tpu.memory_space<vmem>>
      %dma_wait3A_721 = tpu.memref_squeeze %dma_wait3A_720 : memref<1x128x128xf32, #tpu.memory_space<vmem>> -> memref<128x128xf32, #tpu.memory_space<vmem>>
      tpu.wait_dma2 semaphore(%dma_wait3A_715 : memref<!tpu.dma_semaphore, #tpu.memory_space<semaphore_mem>>) src(%dma_wait3A_721 : memref<128x128xf32, #tpu.memory_space<vmem>>) dst(%dma_wait3A_717 : memref<128x128xf32, #tpu.memory_space<hbm>>)
      %add3A_722 = arith.constant 3 : i32
      %add3A_723 = arith.addi %add3A_699, %add3A_722 : i32
      %dma_start3A_724 = arith.constant 3 : i32
      %dma_start3A_725 = arith.constant 3 : i32
      %dma_start3A_726 = arith.constant 0 : i32
      %dma_start3A_727 = arith.constant 0 : i32
      %dma_start3A_728 = tpu.memref_slice %arg6[%dma_start3A_724, %dma_start3A_726, %dma_start3A_727] : memref<5x128x128xf32, #tpu.memory_space<vmem>> -> memref<1x128x128xf32, #tpu.memory_space<vmem>>
      %dma_start3A_729 = tpu.memref_squeeze %dma_start3A_728 : memref<1x128x128xf32, #tpu.memory_space<vmem>> -> memref<128x128xf32, #tpu.memory_space<vmem>>
      %dma_start3A_730 = arith.constant 0 : i32
      %dma_start3A_731 = tpu.memref_slice %arg5[%add3A_723, %dma_start3A_730] : memref<50x128xi32, #tpu.memory_space<vmem>> -> memref<1x128xi32, #tpu.memory_space<vmem>>
      %dma_start3A_732 = tpu.memref_squeeze %dma_start3A_731 : memref<1x128xi32, #tpu.memory_space<vmem>> -> memref<128xi32, #tpu.memory_space<vmem>>
      %dma_start3A_733 = arith.constant 0 : i32
      %dma_start3A_734 = arith.constant 0 : i32
      %dma_start3A_735 = tpu.memref_slice %arg3[%dma_start3A_733, %dma_start3A_734] : memref<100000x128xf32, #tpu.memory_space<hbm>> -> memref<100000x128xf32, #tpu.memory_space<hbm>>
      %dma_start3A_736 = tpu.memref_slice %arg7[%dma_start3A_725] : memref<5x!tpu.dma_semaphore, #tpu.memory_space<semaphore_mem>> -> memref<1x!tpu.dma_semaphore, #tpu.memory_space<semaphore_mem>>
      %dma_start3A_737 = tpu.memref_squeeze %dma_start3A_736 : memref<1x!tpu.dma_semaphore, #tpu.memory_space<semaphore_mem>> -> memref<!tpu.dma_semaphore, #tpu.memory_space<semaphore_mem>>
      tpu.enqueue_indirect_dma source(%dma_start3A_735 : memref<100000x128xf32, #tpu.memory_space<hbm>>) target(%dma_start3A_729 : memref<128x128xf32, #tpu.memory_space<vmem>>) offsets(%dma_start3A_732 : memref<128xi32, #tpu.memory_space<vmem>>) semaphore(%dma_start3A_737 : memref<!tpu.dma_semaphore, #tpu.memory_space<semaphore_mem>>)
      %dma_wait3A_738 = arith.constant 0 : i32
      %dma_wait3A_739 = arith.constant 0 : i32
      %dma_wait3A_740 = arith.constant 0 : i32
      %dma_wait3A_741 = arith.constant 0 : i32
      %dma_wait3A_742 = tpu.memref_slice %arg6[%dma_wait3A_738, %dma_wait3A_740, %dma_wait3A_741] : memref<5x128x128xf32, #tpu.memory_space<vmem>> -> memref<1x128x128xf32, #tpu.memory_space<vmem>>
      %dma_wait3A_743 = tpu.memref_squeeze %dma_wait3A_742 : memref<1x128x128xf32, #tpu.memory_space<vmem>> -> memref<128x128xf32, #tpu.memory_space<vmem>>
      %dma_wait3A_744 = arith.constant 0 : i32
      %dma_wait3A_745 = tpu.memref_slice %arg5[%add3A_699, %dma_wait3A_744] : memref<50x128xi32, #tpu.memory_space<vmem>> -> memref<1x128xi32, #tpu.memory_space<vmem>>
      %dma_wait3A_746 = tpu.memref_squeeze %dma_wait3A_745 : memref<1x128xi32, #tpu.memory_space<vmem>> -> memref<128xi32, #tpu.memory_space<vmem>>
      %dma_wait3A_747 = arith.constant 0 : i32
      %dma_wait3A_748 = arith.constant 0 : i32
      %dma_wait3A_749 = tpu.memref_slice %arg3[%dma_wait3A_747, %dma_wait3A_748] : memref<100000x128xf32, #tpu.memory_space<hbm>> -> memref<100000x128xf32, #tpu.memory_space<hbm>>
      %dma_wait3A_750 = tpu.memref_slice %arg7[%dma_wait3A_739] : memref<5x!tpu.dma_semaphore, #tpu.memory_space<semaphore_mem>> -> memref<1x!tpu.dma_semaphore, #tpu.memory_space<semaphore_mem>>
      %dma_wait3A_751 = tpu.memref_squeeze %dma_wait3A_750 : memref<1x!tpu.dma_semaphore, #tpu.memory_space<semaphore_mem>> -> memref<!tpu.dma_semaphore, #tpu.memory_space<semaphore_mem>>
      tpu.wait_indirect_dma semaphore(%dma_wait3A_751 : memref<!tpu.dma_semaphore, #tpu.memory_space<semaphore_mem>>) src(%dma_wait3A_749 : memref<100000x128xf32, #tpu.memory_space<hbm>>) dst(%dma_wait3A_743 : memref<128x128xf32, #tpu.memory_space<vmem>>)
      %parallel_loop3A_752 = arith.constant 0 : i32
      %parallel_loop3A_753 = arith.constant 128 : i32
      %parallel_loop3A_754 = arith.constant 1 : i32
      scf.for %parallel_loop3A_1082 = %parallel_loop3A_752 to %parallel_loop3A_753 step %parallel_loop3A_754  : i32 {
        %parallel_loop3A_1083 = arith.constant 0 : i32
        %parallel_loop3A_1084 = arith.index_cast %parallel_loop3A_1083 : i32 to index
        %parallel_loop3A_1085 = arith.index_cast %parallel_loop3A_1082 : i32 to index
        %parallel_loop3A_1086 = arith.constant 0 : index
        %parallel_loop3A_1087 = tpu.vector_load %arg6[%parallel_loop3A_1084, %parallel_loop3A_1085, %parallel_loop3A_1086] {strides = array<i32>} : memref<5x128x128xf32, #tpu.memory_space<vmem>>, vector<1x1x16xf32>,
        %parallel_loop3A_1088 = vector.shape_cast %parallel_loop3A_1087 : vector<1x1x16xf32> to vector<16xf32>
        %parallel_loop3A_1089 = arith.constant 11.3137083 : f32
        %parallel_loop3A_1090 = vector.broadcast %parallel_loop3A_1089 : f32 to vector<16xf32>
        %parallel_loop3A_1091 = arith.mulf %parallel_loop3A_1088, %parallel_loop3A_1090 : vector<16xf32>
        %parallel_loop3A_1092 = arith.constant 0 : i32
        %parallel_loop3A_1093 = arith.index_cast %parallel_loop3A_1092 : i32 to index
        %parallel_loop3A_1094 = arith.index_cast %parallel_loop3A_1082 : i32 to index
        %parallel_loop3A_1095 = arith.constant 0 : index
        %parallel_loop3A_1096 = tpu.vector_load %arg6[%parallel_loop3A_1093, %parallel_loop3A_1094, %parallel_loop3A_1095] {strides = array<i32>} : memref<5x128x128xf32, #tpu.memory_space<vmem>>, vector<1x1x16xf32>,
        %parallel_loop3A_1097 = vector.shape_cast %parallel_loop3A_1096 : vector<1x1x16xf32> to vector<16xf32>
        %parallel_loop3A_1098 = vector.shape_cast %parallel_loop3A_1091 : vector<16xf32> to vector<1x1x16xf32>
        tpu.vector_store %arg6[%parallel_loop3A_1093, %parallel_loop3A_1094, %parallel_loop3A_1095], %parallel_loop3A_1098 {strides = array<i32>} : memref<5x128x128xf32, #tpu.memory_space<vmem>>, vector<1x1x16xf32>,
        %parallel_loop3A_1099 = arith.constant 0 : i32
        %parallel_loop3A_1100 = arith.index_cast %parallel_loop3A_1099 : i32 to index
        %parallel_loop3A_1101 = arith.index_cast %parallel_loop3A_1082 : i32 to index
        %parallel_loop3A_1102 = arith.constant 16 : index
        %parallel_loop3A_1103 = tpu.vector_load %arg6[%parallel_loop3A_1100, %parallel_loop3A_1101, %parallel_loop3A_1102] {strides = array<i32>} : memref<5x128x128xf32, #tpu.memory_space<vmem>>, vector<1x1x16xf32>,
        %parallel_loop3A_1104 = vector.shape_cast %parallel_loop3A_1103 : vector<1x1x16xf32> to vector<16xf32>
        %parallel_loop3A_1105 = arith.constant 11.3137083 : f32
        %parallel_loop3A_1106 = vector.broadcast %parallel_loop3A_1105 : f32 to vector<16xf32>
        %parallel_loop3A_1107 = arith.mulf %parallel_loop3A_1104, %parallel_loop3A_1106 : vector<16xf32>
        %parallel_loop3A_1108 = arith.constant 0 : i32
        %parallel_loop3A_1109 = arith.index_cast %parallel_loop3A_1108 : i32 to index
        %parallel_loop3A_1110 = arith.index_cast %parallel_loop3A_1082 : i32 to index
        %parallel_loop3A_1111 = arith.constant 16 : index
        %parallel_loop3A_1112 = tpu.vector_load %arg6[%parallel_loop3A_1109, %parallel_loop3A_1110, %parallel_loop3A_1111] {strides = array<i32>} : memref<5x128x128xf32, #tpu.memory_space<vmem>>, vector<1x1x16xf32>,
        %parallel_loop3A_1113 = vector.shape_cast %parallel_loop3A_1112 : vector<1x1x16xf32> to vector<16xf32>
        %parallel_loop3A_1114 = vector.shape_cast %parallel_loop3A_1107 : vector<16xf32> to vector<1x1x16xf32>
        tpu.vector_store %arg6[%parallel_loop3A_1109, %parallel_loop3A_1110, %parallel_loop3A_1111], %parallel_loop3A_1114 {strides = array<i32>} : memref<5x128x128xf32, #tpu.memory_space<vmem>>, vector<1x1x16xf32>,
        %parallel_loop3A_1115 = arith.constant 0 : i32
        %parallel_loop3A_1116 = arith.index_cast %parallel_loop3A_1115 : i32 to index
        %parallel_loop3A_1117 = arith.index_cast %parallel_loop3A_1082 : i32 to index
        %parallel_loop3A_1118 = arith.constant 32 : index
        %parallel_loop3A_1119 = tpu.vector_load %arg6[%parallel_loop3A_1116, %parallel_loop3A_1117, %parallel_loop3A_1118] {strides = array<i32>} : memref<5x128x128xf32, #tpu.memory_space<vmem>>, vector<1x1x16xf32>,
        %parallel_loop3A_1120 = vector.shape_cast %parallel_loop3A_1119 : vector<1x1x16xf32> to vector<16xf32>
        %parallel_loop3A_1121 = arith.constant 11.3137083 : f32
        %parallel_loop3A_1122 = vector.broadcast %parallel_loop3A_1121 : f32 to vector<16xf32>
        %parallel_loop3A_1123 = arith.mulf %parallel_loop3A_1120, %parallel_loop3A_1122 : vector<16xf32>
        %parallel_loop3A_1124 = arith.constant 0 : i32
        %parallel_loop3A_1125 = arith.index_cast %parallel_loop3A_1124 : i32 to index
        %parallel_loop3A_1126 = arith.index_cast %parallel_loop3A_1082 : i32 to index
        %parallel_loop3A_1127 = arith.constant 32 : index
        %parallel_loop3A_1128 = tpu.vector_load %arg6[%parallel_loop3A_1125, %parallel_loop3A_1126, %parallel_loop3A_1127] {strides = array<i32>} : memref<5x128x128xf32, #tpu.memory_space<vmem>>, vector<1x1x16xf32>,
        %parallel_loop3A_1129 = vector.shape_cast %parallel_loop3A_1128 : vector<1x1x16xf32> to vector<16xf32>
        %parallel_loop3A_1130 = vector.shape_cast %parallel_loop3A_1123 : vector<16xf32> to vector<1x1x16xf32>
        tpu.vector_store %arg6[%parallel_loop3A_1125, %parallel_loop3A_1126, %parallel_loop3A_1127], %parallel_loop3A_1130 {strides = array<i32>} : memref<5x128x128xf32, #tpu.memory_space<vmem>>, vector<1x1x16xf32>,
        %parallel_loop3A_1131 = arith.constant 0 : i32
        %parallel_loop3A_1132 = arith.index_cast %parallel_loop3A_1131 : i32 to index
        %parallel_loop3A_1133 = arith.index_cast %parallel_loop3A_1082 : i32 to index
        %parallel_loop3A_1134 = arith.constant 48 : index
        %parallel_loop3A_1135 = tpu.vector_load %arg6[%parallel_loop3A_1132, %parallel_loop3A_1133, %parallel_loop3A_1134] {strides = array<i32>} : memref<5x128x128xf32, #tpu.memory_space<vmem>>, vector<1x1x16xf32>,
        %parallel_loop3A_1136 = vector.shape_cast %parallel_loop3A_1135 : vector<1x1x16xf32> to vector<16xf32>
        %parallel_loop3A_1137 = arith.constant 11.3137083 : f32
        %parallel_loop3A_1138 = vector.broadcast %parallel_loop3A_1137 : f32 to vector<16xf32>
        %parallel_loop3A_1139 = arith.mulf %parallel_loop3A_1136, %parallel_loop3A_1138 : vector<16xf32>
        %parallel_loop3A_1140 = arith.constant 0 : i32
        %parallel_loop3A_1141 = arith.index_cast %parallel_loop3A_1140 : i32 to index
        %parallel_loop3A_1142 = arith.index_cast %parallel_loop3A_1082 : i32 to index
        %parallel_loop3A_1143 = arith.constant 48 : index
        %parallel_loop3A_1144 = tpu.vector_load %arg6[%parallel_loop3A_1141, %parallel_loop3A_1142, %parallel_loop3A_1143] {strides = array<i32>} : memref<5x128x128xf32, #tpu.memory_space<vmem>>, vector<1x1x16xf32>,
        %parallel_loop3A_1145 = vector.shape_cast %parallel_loop3A_1144 : vector<1x1x16xf32> to vector<16xf32>
        %parallel_loop3A_1146 = vector.shape_cast %parallel_loop3A_1139 : vector<16xf32> to vector<1x1x16xf32>
        tpu.vector_store %arg6[%parallel_loop3A_1141, %parallel_loop3A_1142, %parallel_loop3A_1143], %parallel_loop3A_1146 {strides = array<i32>} : memref<5x128x128xf32, #tpu.memory_space<vmem>>, vector<1x1x16xf32>,
        %parallel_loop3A_1147 = arith.constant 0 : i32
        %parallel_loop3A_1148 = arith.index_cast %parallel_loop3A_1147 : i32 to index
        %parallel_loop3A_1149 = arith.index_cast %parallel_loop3A_1082 : i32 to index
        %parallel_loop3A_1150 = arith.constant 64 : index
        %parallel_loop3A_1151 = tpu.vector_load %arg6[%parallel_loop3A_1148, %parallel_loop3A_1149, %parallel_loop3A_1150] {strides = array<i32>} : memref<5x128x128xf32, #tpu.memory_space<vmem>>, vector<1x1x16xf32>,
        %parallel_loop3A_1152 = vector.shape_cast %parallel_loop3A_1151 : vector<1x1x16xf32> to vector<16xf32>
        %parallel_loop3A_1153 = arith.constant 11.3137083 : f32
        %parallel_loop3A_1154 = vector.broadcast %parallel_loop3A_1153 : f32 to vector<16xf32>
        %parallel_loop3A_1155 = arith.mulf %parallel_loop3A_1152, %parallel_loop3A_1154 : vector<16xf32>
        %parallel_loop3A_1156 = arith.constant 0 : i32
        %parallel_loop3A_1157 = arith.index_cast %parallel_loop3A_1156 : i32 to index
        %parallel_loop3A_1158 = arith.index_cast %parallel_loop3A_1082 : i32 to index
        %parallel_loop3A_1159 = arith.constant 64 : index
        %parallel_loop3A_1160 = tpu.vector_load %arg6[%parallel_loop3A_1157, %parallel_loop3A_1158, %parallel_loop3A_1159] {strides = array<i32>} : memref<5x128x128xf32, #tpu.memory_space<vmem>>, vector<1x1x16xf32>,
        %parallel_loop3A_1161 = vector.shape_cast %parallel_loop3A_1160 : vector<1x1x16xf32> to vector<16xf32>
        %parallel_loop3A_1162 = vector.shape_cast %parallel_loop3A_1155 : vector<16xf32> to vector<1x1x16xf32>
        tpu.vector_store %arg6[%parallel_loop3A_1157, %parallel_loop3A_1158, %parallel_loop3A_1159], %parallel_loop3A_1162 {strides = array<i32>} : memref<5x128x128xf32, #tpu.memory_space<vmem>>, vector<1x1x16xf32>,
        %parallel_loop3A_1163 = arith.constant 0 : i32
        %parallel_loop3A_1164 = arith.index_cast %parallel_loop3A_1163 : i32 to index
        %parallel_loop3A_1165 = arith.index_cast %parallel_loop3A_1082 : i32 to index
        %parallel_loop3A_1166 = arith.constant 80 : index
        %parallel_loop3A_1167 = tpu.vector_load %arg6[%parallel_loop3A_1164, %parallel_loop3A_1165, %parallel_loop3A_1166] {strides = array<i32>} : memref<5x128x128xf32, #tpu.memory_space<vmem>>, vector<1x1x16xf32>,
        %parallel_loop3A_1168 = vector.shape_cast %parallel_loop3A_1167 : vector<1x1x16xf32> to vector<16xf32>
        %parallel_loop3A_1169 = arith.constant 11.3137083 : f32
        %parallel_loop3A_1170 = vector.broadcast %parallel_loop3A_1169 : f32 to vector<16xf32>
        %parallel_loop3A_1171 = arith.mulf %parallel_loop3A_1168, %parallel_loop3A_1170 : vector<16xf32>
        %parallel_loop3A_1172 = arith.constant 0 : i32
        %parallel_loop3A_1173 = arith.index_cast %parallel_loop3A_1172 : i32 to index
        %parallel_loop3A_1174 = arith.index_cast %parallel_loop3A_1082 : i32 to index
        %parallel_loop3A_1175 = arith.constant 80 : index
        %parallel_loop3A_1176 = tpu.vector_load %arg6[%parallel_loop3A_1173, %parallel_loop3A_1174, %parallel_loop3A_1175] {strides = array<i32>} : memref<5x128x128xf32, #tpu.memory_space<vmem>>, vector<1x1x16xf32>,
        %parallel_loop3A_1177 = vector.shape_cast %parallel_loop3A_1176 : vector<1x1x16xf32> to vector<16xf32>
        %parallel_loop3A_1178 = vector.shape_cast %parallel_loop3A_1171 : vector<16xf32> to vector<1x1x16xf32>
        tpu.vector_store %arg6[%parallel_loop3A_1173, %parallel_loop3A_1174, %parallel_loop3A_1175], %parallel_loop3A_1178 {strides = array<i32>} : memref<5x128x128xf32, #tpu.memory_space<vmem>>, vector<1x1x16xf32>,
        %parallel_loop3A_1179 = arith.constant 0 : i32
        %parallel_loop3A_1180 = arith.index_cast %parallel_loop3A_1179 : i32 to index
        %parallel_loop3A_1181 = arith.index_cast %parallel_loop3A_1082 : i32 to index
        %parallel_loop3A_1182 = arith.constant 96 : index
        %parallel_loop3A_1183 = tpu.vector_load %arg6[%parallel_loop3A_1180, %parallel_loop3A_1181, %parallel_loop3A_1182] {strides = array<i32>} : memref<5x128x128xf32, #tpu.memory_space<vmem>>, vector<1x1x16xf32>,
        %parallel_loop3A_1184 = vector.shape_cast %parallel_loop3A_1183 : vector<1x1x16xf32> to vector<16xf32>
        %parallel_loop3A_1185 = arith.constant 11.3137083 : f32
        %parallel_loop3A_1186 = vector.broadcast %parallel_loop3A_1185 : f32 to vector<16xf32>
        %parallel_loop3A_1187 = arith.mulf %parallel_loop3A_1184, %parallel_loop3A_1186 : vector<16xf32>
        %parallel_loop3A_1188 = arith.constant 0 : i32
        %parallel_loop3A_1189 = arith.index_cast %parallel_loop3A_1188 : i32 to index
        %parallel_loop3A_1190 = arith.index_cast %parallel_loop3A_1082 : i32 to index
        %parallel_loop3A_1191 = arith.constant 96 : index
        %parallel_loop3A_1192 = tpu.vector_load %arg6[%parallel_loop3A_1189, %parallel_loop3A_1190, %parallel_loop3A_1191] {strides = array<i32>} : memref<5x128x128xf32, #tpu.memory_space<vmem>>, vector<1x1x16xf32>,
        %parallel_loop3A_1193 = vector.shape_cast %parallel_loop3A_1192 : vector<1x1x16xf32> to vector<16xf32>
        %parallel_loop3A_1194 = vector.shape_cast %parallel_loop3A_1187 : vector<16xf32> to vector<1x1x16xf32>
        tpu.vector_store %arg6[%parallel_loop3A_1189, %parallel_loop3A_1190, %parallel_loop3A_1191], %parallel_loop3A_1194 {strides = array<i32>} : memref<5x128x128xf32, #tpu.memory_space<vmem>>, vector<1x1x16xf32>,
        %parallel_loop3A_1195 = arith.constant 0 : i32
        %parallel_loop3A_1196 = arith.index_cast %parallel_loop3A_1195 : i32 to index
        %parallel_loop3A_1197 = arith.index_cast %parallel_loop3A_1082 : i32 to index
        %parallel_loop3A_1198 = arith.constant 112 : index
        %parallel_loop3A_1199 = tpu.vector_load %arg6[%parallel_loop3A_1196, %parallel_loop3A_1197, %parallel_loop3A_1198] {strides = array<i32>} : memref<5x128x128xf32, #tpu.memory_space<vmem>>, vector<1x1x16xf32>,
        %parallel_loop3A_1200 = vector.shape_cast %parallel_loop3A_1199 : vector<1x1x16xf32> to vector<16xf32>
        %parallel_loop3A_1201 = arith.constant 11.3137083 : f32
        %parallel_loop3A_1202 = vector.broadcast %parallel_loop3A_1201 : f32 to vector<16xf32>
        %parallel_loop3A_1203 = arith.mulf %parallel_loop3A_1200, %parallel_loop3A_1202 : vector<16xf32>
        %parallel_loop3A_1204 = arith.constant 0 : i32
        %parallel_loop3A_1205 = arith.index_cast %parallel_loop3A_1204 : i32 to index
        %parallel_loop3A_1206 = arith.index_cast %parallel_loop3A_1082 : i32 to index
        %parallel_loop3A_1207 = arith.constant 112 : index
        %parallel_loop3A_1208 = tpu.vector_load %arg6[%parallel_loop3A_1205, %parallel_loop3A_1206, %parallel_loop3A_1207] {strides = array<i32>} : memref<5x128x128xf32, #tpu.memory_space<vmem>>, vector<1x1x16xf32>,
        %parallel_loop3A_1209 = vector.shape_cast %parallel_loop3A_1208 : vector<1x1x16xf32> to vector<16xf32>
        %parallel_loop3A_1210 = vector.shape_cast %parallel_loop3A_1203 : vector<16xf32> to vector<1x1x16xf32>
        tpu.vector_store %arg6[%parallel_loop3A_1205, %parallel_loop3A_1206, %parallel_loop3A_1207], %parallel_loop3A_1210 {strides = array<i32>} : memref<5x128x128xf32, #tpu.memory_space<vmem>>, vector<1x1x16xf32>,
      } {sc.loop_unroll_factor = 4 : i64, sc.parallel_access}
      %mul3A_755 = arith.constant 128 : i32
      %mul3A_756 = arith.muli %add3A_699, %mul3A_755 : i32
      %add3A_757 = arith.addi %mul3A_2, %mul3A_756 : i32
      %dma_start3A_758 = arith.constant 0 : i32
      %dma_start3A_759 = arith.constant 0 : i32
      %dma_start3A_760 = arith.constant 0 : i32
      %dma_start3A_761 = arith.constant 0 : i32
      %dma_start3A_762 = tpu.memref_slice %arg6[%dma_start3A_758, %dma_start3A_760, %dma_start3A_761] : memref<5x128x128xf32, #tpu.memory_space<vmem>> -> memref<1x128x128xf32, #tpu.memory_space<vmem>>
      %dma_start3A_763 = tpu.memref_squeeze %dma_start3A_762 : memref<1x128x128xf32, #tpu.memory_space<vmem>> -> memref<128x128xf32, #tpu.memory_space<vmem>>
      %dma_start3A_764 = arith.constant 0 : i32
      %dma_start3A_765 = tpu.memref_slice %arg4[%add3A_757, %dma_start3A_764] : memref<204800x128xf32, #tpu.memory_space<hbm>> -> memref<128x128xf32, #tpu.memory_space<hbm>>
      %dma_start3A_766 = tpu.memref_slice %arg8[%dma_start3A_759] : memref<5x!tpu.dma_semaphore, #tpu.memory_space<semaphore_mem>> -> memref<1x!tpu.dma_semaphore, #tpu.memory_space<semaphore_mem>>
      %dma_start3A_767 = tpu.memref_squeeze %dma_start3A_766 : memref<1x!tpu.dma_semaphore, #tpu.memory_space<semaphore_mem>> -> memref<!tpu.dma_semaphore, #tpu.memory_space<semaphore_mem>>
      %dma_start3A_768 = arith.constant 0 : i32
      %dma_start3A_769 = tpu.memref_slice %arg4[%add3A_757, %dma_start3A_768] : memref<204800x128xf32, #tpu.memory_space<hbm>> -> memref<128x128xf32, #tpu.memory_space<hbm>>
      %dma_start3A_770 = arith.constant 0 : i32
      %dma_start3A_771 = arith.constant 0 : i32
      %dma_start3A_772 = tpu.memref_slice %arg6[%dma_start3A_758, %dma_start3A_770, %dma_start3A_771] : memref<5x128x128xf32, #tpu.memory_space<vmem>> -> memref<1x128x128xf32, #tpu.memory_space<vmem>>
      %dma_start3A_773 = tpu.memref_squeeze %dma_start3A_772 : memref<1x128x128xf32, #tpu.memory_space<vmem>> -> memref<128x128xf32, #tpu.memory_space<vmem>>
      tpu.enqueue_dma source(%dma_start3A_773 : memref<128x128xf32, #tpu.memory_space<vmem>>) target(%dma_start3A_769 : memref<128x128xf32, #tpu.memory_space<hbm>>) target_semaphore(%dma_start3A_767 : memref<!tpu.dma_semaphore, #tpu.memory_space<semaphore_mem>>)
      %add3A_774 = arith.constant 1 : i32
      %add3A_775 = arith.addi %mul3A_697, %add3A_774 : i32
      %add3A_776 = arith.constant 3 : i32
      %add3A_777 = arith.addi %add3A_775, %add3A_776 : i32
      %sub3A_778 = arith.constant 5 : i32
      %sub3A_779 = arith.subi %add3A_777, %sub3A_778 : i32
      %mul3A_780 = arith.constant 128 : i32
      %mul3A_781 = arith.muli %sub3A_779, %mul3A_780 : i32
      %add3A_782 = arith.addi %mul3A_2, %mul3A_781 : i32
      %dma_wait3A_783 = arith.constant 4 : i32
      %dma_wait3A_784 = arith.constant 4 : i32
      %dma_wait3A_785 = arith.constant 0 : i32
      %dma_wait3A_786 = arith.constant 0 : i32
      %dma_wait3A_787 = tpu.memref_slice %arg6[%dma_wait3A_783, %dma_wait3A_785, %dma_wait3A_786] : memref<5x128x128xf32, #tpu.memory_space<vmem>> -> memref<1x128x128xf32, #tpu.memory_space<vmem>>
      %dma_wait3A_788 = tpu.memref_squeeze %dma_wait3A_787 : memref<1x128x128xf32, #tpu.memory_space<vmem>> -> memref<128x128xf32, #tpu.memory_space<vmem>>
      %dma_wait3A_789 = arith.constant 0 : i32
      %dma_wait3A_790 = tpu.memref_slice %arg4[%add3A_782, %dma_wait3A_789] : memref<204800x128xf32, #tpu.memory_space<hbm>> -> memref<128x128xf32, #tpu.memory_space<hbm>>
      %dma_wait3A_791 = tpu.memref_slice %arg8[%dma_wait3A_784] : memref<5x!tpu.dma_semaphore, #tpu.memory_space<semaphore_mem>> -> memref<1x!tpu.dma_semaphore, #tpu.memory_space<semaphore_mem>>
      %dma_wait3A_792 = tpu.memref_squeeze %dma_wait3A_791 : memref<1x!tpu.dma_semaphore, #tpu.memory_space<semaphore_mem>> -> memref<!tpu.dma_semaphore, #tpu.memory_space<semaphore_mem>>
      %dma_wait3A_793 = arith.constant 0 : i32
      %dma_wait3A_794 = tpu.memref_slice %arg4[%add3A_782, %dma_wait3A_793] : memref<204800x128xf32, #tpu.memory_space<hbm>> -> memref<128x128xf32, #tpu.memory_space<hbm>>
      %dma_wait3A_795 = arith.constant 0 : i32
      %dma_wait3A_796 = arith.constant 0 : i32
      %dma_wait3A_797 = tpu.memref_slice %arg6[%dma_wait3A_783, %dma_wait3A_795, %dma_wait3A_796] : memref<5x128x128xf32, #tpu.memory_space<vmem>> -> memref<1x128x128xf32, #tpu.memory_space<vmem>>
      %dma_wait3A_798 = tpu.memref_squeeze %dma_wait3A_797 : memref<1x128x128xf32, #tpu.memory_space<vmem>> -> memref<128x128xf32, #tpu.memory_space<vmem>>
      tpu.wait_dma2 semaphore(%dma_wait3A_792 : memref<!tpu.dma_semaphore, #tpu.memory_space<semaphore_mem>>) src(%dma_wait3A_798 : memref<128x128xf32, #tpu.memory_space<vmem>>) dst(%dma_wait3A_794 : memref<128x128xf32, #tpu.memory_space<hbm>>)
      %add3A_799 = arith.constant 3 : i32
      %add3A_800 = arith.addi %add3A_775, %add3A_799 : i32
      %dma_start3A_801 = arith.constant 4 : i32
      %dma_start3A_802 = arith.constant 4 : i32
      %dma_start3A_803 = arith.constant 0 : i32
      %dma_start3A_804 = arith.constant 0 : i32
      %dma_start3A_805 = tpu.memref_slice %arg6[%dma_start3A_801, %dma_start3A_803, %dma_start3A_804] : memref<5x128x128xf32, #tpu.memory_space<vmem>> -> memref<1x128x128xf32, #tpu.memory_space<vmem>>
      %dma_start3A_806 = tpu.memref_squeeze %dma_start3A_805 : memref<1x128x128xf32, #tpu.memory_space<vmem>> -> memref<128x128xf32, #tpu.memory_space<vmem>>
      %dma_start3A_807 = arith.constant 0 : i32
      %dma_start3A_808 = tpu.memref_slice %arg5[%add3A_800, %dma_start3A_807] : memref<50x128xi32, #tpu.memory_space<vmem>> -> memref<1x128xi32, #tpu.memory_space<vmem>>
      %dma_start3A_809 = tpu.memref_squeeze %dma_start3A_808 : memref<1x128xi32, #tpu.memory_space<vmem>> -> memref<128xi32, #tpu.memory_space<vmem>>
      %dma_start3A_810 = arith.constant 0 : i32
      %dma_start3A_811 = arith.constant 0 : i32
      %dma_start3A_812 = tpu.memref_slice %arg3[%dma_start3A_810, %dma_start3A_811] : memref<100000x128xf32, #tpu.memory_space<hbm>> -> memref<100000x128xf32, #tpu.memory_space<hbm>>
      %dma_start3A_813 = tpu.memref_slice %arg7[%dma_start3A_802] : memref<5x!tpu.dma_semaphore, #tpu.memory_space<semaphore_mem>> -> memref<1x!tpu.dma_semaphore, #tpu.memory_space<semaphore_mem>>
      %dma_start3A_814 = tpu.memref_squeeze %dma_start3A_813 : memref<1x!tpu.dma_semaphore, #tpu.memory_space<semaphore_mem>> -> memref<!tpu.dma_semaphore, #tpu.memory_space<semaphore_mem>>
      tpu.enqueue_indirect_dma source(%dma_start3A_812 : memref<100000x128xf32, #tpu.memory_space<hbm>>) target(%dma_start3A_806 : memref<128x128xf32, #tpu.memory_space<vmem>>) offsets(%dma_start3A_809 : memref<128xi32, #tpu.memory_space<vmem>>) semaphore(%dma_start3A_814 : memref<!tpu.dma_semaphore, #tpu.memory_space<semaphore_mem>>)
      %dma_wait3A_815 = arith.constant 1 : i32
      %dma_wait3A_816 = arith.constant 1 : i32
      %dma_wait3A_817 = arith.constant 0 : i32
      %dma_wait3A_818 = arith.constant 0 : i32
      %dma_wait3A_819 = tpu.memref_slice %arg6[%dma_wait3A_815, %dma_wait3A_817, %dma_wait3A_818] : memref<5x128x128xf32, #tpu.memory_space<vmem>> -> memref<1x128x128xf32, #tpu.memory_space<vmem>>
      %dma_wait3A_820 = tpu.memref_squeeze %dma_wait3A_819 : memref<1x128x128xf32, #tpu.memory_space<vmem>> -> memref<128x128xf32, #tpu.memory_space<vmem>>
      %dma_wait3A_821 = arith.constant 0 : i32
      %dma_wait3A_822 = tpu.memref_slice %arg5[%add3A_775, %dma_wait3A_821] : memref<50x128xi32, #tpu.memory_space<vmem>> -> memref<1x128xi32, #tpu.memory_space<vmem>>
      %dma_wait3A_823 = tpu.memref_squeeze %dma_wait3A_822 : memref<1x128xi32, #tpu.memory_space<vmem>> -> memref<128xi32, #tpu.memory_space<vmem>>
      %dma_wait3A_824 = arith.constant 0 : i32
      %dma_wait3A_825 = arith.constant 0 : i32
      %dma_wait3A_826 = tpu.memref_slice %arg3[%dma_wait3A_824, %dma_wait3A_825] : memref<100000x128xf32, #tpu.memory_space<hbm>> -> memref<100000x128xf32, #tpu.memory_space<hbm>>
      %dma_wait3A_827 = tpu.memref_slice %arg7[%dma_wait3A_816] : memref<5x!tpu.dma_semaphore, #tpu.memory_space<semaphore_mem>> -> memref<1x!tpu.dma_semaphore, #tpu.memory_space<semaphore_mem>>
      %dma_wait3A_828 = tpu.memref_squeeze %dma_wait3A_827 : memref<1x!tpu.dma_semaphore, #tpu.memory_space<semaphore_mem>> -> memref<!tpu.dma_semaphore, #tpu.memory_space<semaphore_mem>>
      tpu.wait_indirect_dma semaphore(%dma_wait3A_828 : memref<!tpu.dma_semaphore, #tpu.memory_space<semaphore_mem>>) src(%dma_wait3A_826 : memref<100000x128xf32, #tpu.memory_space<hbm>>) dst(%dma_wait3A_820 : memref<128x128xf32, #tpu.memory_space<vmem>>)
      %parallel_loop3A_829 = arith.constant 0 : i32
      %parallel_loop3A_830 = arith.constant 128 : i32
      %parallel_loop3A_831 = arith.constant 1 : i32
      scf.for %parallel_loop3A_1082 = %parallel_loop3A_829 to %parallel_loop3A_830 step %parallel_loop3A_831  : i32 {
        %parallel_loop3A_1083 = arith.constant 1 : i32
        %parallel_loop3A_1084 = arith.index_cast %parallel_loop3A_1083 : i32 to index
        %parallel_loop3A_1085 = arith.index_cast %parallel_loop3A_1082 : i32 to index
        %parallel_loop3A_1086 = arith.constant 0 : index
        %parallel_loop3A_1087 = tpu.vector_load %arg6[%parallel_loop3A_1084, %parallel_loop3A_1085, %parallel_loop3A_1086] {strides = array<i32>} : memref<5x128x128xf32, #tpu.memory_space<vmem>>, vector<1x1x16xf32>,
        %parallel_loop3A_1088 = vector.shape_cast %parallel_loop3A_1087 : vector<1x1x16xf32> to vector<16xf32>
        %parallel_loop3A_1089 = arith.constant 11.3137083 : f32
        %parallel_loop3A_1090 = vector.broadcast %parallel_loop3A_1089 : f32 to vector<16xf32>
        %parallel_loop3A_1091 = arith.mulf %parallel_loop3A_1088, %parallel_loop3A_1090 : vector<16xf32>
        %parallel_loop3A_1092 = arith.constant 1 : i32
        %parallel_loop3A_1093 = arith.index_cast %parallel_loop3A_1092 : i32 to index
        %parallel_loop3A_1094 = arith.index_cast %parallel_loop3A_1082 : i32 to index
        %parallel_loop3A_1095 = arith.constant 0 : index
        %parallel_loop3A_1096 = tpu.vector_load %arg6[%parallel_loop3A_1093, %parallel_loop3A_1094, %parallel_loop3A_1095] {strides = array<i32>} : memref<5x128x128xf32, #tpu.memory_space<vmem>>, vector<1x1x16xf32>,
        %parallel_loop3A_1097 = vector.shape_cast %parallel_loop3A_1096 : vector<1x1x16xf32> to vector<16xf32>
        %parallel_loop3A_1098 = vector.shape_cast %parallel_loop3A_1091 : vector<16xf32> to vector<1x1x16xf32>
        tpu.vector_store %arg6[%parallel_loop3A_1093, %parallel_loop3A_1094, %parallel_loop3A_1095], %parallel_loop3A_1098 {strides = array<i32>} : memref<5x128x128xf32, #tpu.memory_space<vmem>>, vector<1x1x16xf32>,
        %parallel_loop3A_1099 = arith.constant 1 : i32
        %parallel_loop3A_1100 = arith.index_cast %parallel_loop3A_1099 : i32 to index
        %parallel_loop3A_1101 = arith.index_cast %parallel_loop3A_1082 : i32 to index
        %parallel_loop3A_1102 = arith.constant 16 : index
        %parallel_loop3A_1103 = tpu.vector_load %arg6[%parallel_loop3A_1100, %parallel_loop3A_1101, %parallel_loop3A_1102] {strides = array<i32>} : memref<5x128x128xf32, #tpu.memory_space<vmem>>, vector<1x1x16xf32>,
        %parallel_loop3A_1104 = vector.shape_cast %parallel_loop3A_1103 : vector<1x1x16xf32> to vector<16xf32>
        %parallel_loop3A_1105 = arith.constant 11.3137083 : f32
        %parallel_loop3A_1106 = vector.broadcast %parallel_loop3A_1105 : f32 to vector<16xf32>
        %parallel_loop3A_1107 = arith.mulf %parallel_loop3A_1104, %parallel_loop3A_1106 : vector<16xf32>
        %parallel_loop3A_1108 = arith.constant 1 : i32
        %parallel_loop3A_1109 = arith.index_cast %parallel_loop3A_1108 : i32 to index
        %parallel_loop3A_1110 = arith.index_cast %parallel_loop3A_1082 : i32 to index
        %parallel_loop3A_1111 = arith.constant 16 : index
        %parallel_loop3A_1112 = tpu.vector_load %arg6[%parallel_loop3A_1109, %parallel_loop3A_1110, %parallel_loop3A_1111] {strides = array<i32>} : memref<5x128x128xf32, #tpu.memory_space<vmem>>, vector<1x1x16xf32>,
        %parallel_loop3A_1113 = vector.shape_cast %parallel_loop3A_1112 : vector<1x1x16xf32> to vector<16xf32>
        %parallel_loop3A_1114 = vector.shape_cast %parallel_loop3A_1107 : vector<16xf32> to vector<1x1x16xf32>
        tpu.vector_store %arg6[%parallel_loop3A_1109, %parallel_loop3A_1110, %parallel_loop3A_1111], %parallel_loop3A_1114 {strides = array<i32>} : memref<5x128x128xf32, #tpu.memory_space<vmem>>, vector<1x1x16xf32>,
        %parallel_loop3A_1115 = arith.constant 1 : i32
        %parallel_loop3A_1116 = arith.index_cast %parallel_loop3A_1115 : i32 to index
        %parallel_loop3A_1117 = arith.index_cast %parallel_loop3A_1082 : i32 to index
        %parallel_loop3A_1118 = arith.constant 32 : index
        %parallel_loop3A_1119 = tpu.vector_load %arg6[%parallel_loop3A_1116, %parallel_loop3A_1117, %parallel_loop3A_1118] {strides = array<i32>} : memref<5x128x128xf32, #tpu.memory_space<vmem>>, vector<1x1x16xf32>,
        %parallel_loop3A_1120 = vector.shape_cast %parallel_loop3A_1119 : vector<1x1x16xf32> to vector<16xf32>
        %parallel_loop3A_1121 = arith.constant 11.3137083 : f32
        %parallel_loop3A_1122 = vector.broadcast %parallel_loop3A_1121 : f32 to vector<16xf32>
        %parallel_loop3A_1123 = arith.mulf %parallel_loop3A_1120, %parallel_loop3A_1122 : vector<16xf32>
        %parallel_loop3A_1124 = arith.constant 1 : i32
        %parallel_loop3A_1125 = arith.index_cast %parallel_loop3A_1124 : i32 to index
        %parallel_loop3A_1126 = arith.index_cast %parallel_loop3A_1082 : i32 to index
        %parallel_loop3A_1127 = arith.constant 32 : index
        %parallel_loop3A_1128 = tpu.vector_load %arg6[%parallel_loop3A_1125, %parallel_loop3A_1126, %parallel_loop3A_1127] {strides = array<i32>} : memref<5x128x128xf32, #tpu.memory_space<vmem>>, vector<1x1x16xf32>,
        %parallel_loop3A_1129 = vector.shape_cast %parallel_loop3A_1128 : vector<1x1x16xf32> to vector<16xf32>
        %parallel_loop3A_1130 = vector.shape_cast %parallel_loop3A_1123 : vector<16xf32> to vector<1x1x16xf32>
        tpu.vector_store %arg6[%parallel_loop3A_1125, %parallel_loop3A_1126, %parallel_loop3A_1127], %parallel_loop3A_1130 {strides = array<i32>} : memref<5x128x128xf32, #tpu.memory_space<vmem>>, vector<1x1x16xf32>,
        %parallel_loop3A_1131 = arith.constant 1 : i32
        %parallel_loop3A_1132 = arith.index_cast %parallel_loop3A_1131 : i32 to index
        %parallel_loop3A_1133 = arith.index_cast %parallel_loop3A_1082 : i32 to index
        %parallel_loop3A_1134 = arith.constant 48 : index
        %parallel_loop3A_1135 = tpu.vector_load %arg6[%parallel_loop3A_1132, %parallel_loop3A_1133, %parallel_loop3A_1134] {strides = array<i32>} : memref<5x128x128xf32, #tpu.memory_space<vmem>>, vector<1x1x16xf32>,
        %parallel_loop3A_1136 = vector.shape_cast %parallel_loop3A_1135 : vector<1x1x16xf32> to vector<16xf32>
        %parallel_loop3A_1137 = arith.constant 11.3137083 : f32
        %parallel_loop3A_1138 = vector.broadcast %parallel_loop3A_1137 : f32 to vector<16xf32>
        %parallel_loop3A_1139 = arith.mulf %parallel_loop3A_1136, %parallel_loop3A_1138 : vector<16xf32>
        %parallel_loop3A_1140 = arith.constant 1 : i32
        %parallel_loop3A_1141 = arith.index_cast %parallel_loop3A_1140 : i32 to index
        %parallel_loop3A_1142 = arith.index_cast %parallel_loop3A_1082 : i32 to index
        %parallel_loop3A_1143 = arith.constant 48 : index
        %parallel_loop3A_1144 = tpu.vector_load %arg6[%parallel_loop3A_1141, %parallel_loop3A_1142, %parallel_loop3A_1143] {strides = array<i32>} : memref<5x128x128xf32, #tpu.memory_space<vmem>>, vector<1x1x16xf32>,
        %parallel_loop3A_1145 = vector.shape_cast %parallel_loop3A_1144 : vector<1x1x16xf32> to vector<16xf32>
        %parallel_loop3A_1146 = vector.shape_cast %parallel_loop3A_1139 : vector<16xf32> to vector<1x1x16xf32>
        tpu.vector_store %arg6[%parallel_loop3A_1141, %parallel_loop3A_1142, %parallel_loop3A_1143], %parallel_loop3A_1146 {strides = array<i32>} : memref<5x128x128xf32, #tpu.memory_space<vmem>>, vector<1x1x16xf32>,
        %parallel_loop3A_1147 = arith.constant 1 : i32
        %parallel_loop3A_1148 = arith.index_cast %parallel_loop3A_1147 : i32 to index
        %parallel_loop3A_1149 = arith.index_cast %parallel_loop3A_1082 : i32 to index
        %parallel_loop3A_1150 = arith.constant 64 : index
        %parallel_loop3A_1151 = tpu.vector_load %arg6[%parallel_loop3A_1148, %parallel_loop3A_1149, %parallel_loop3A_1150] {strides = array<i32>} : memref<5x128x128xf32, #tpu.memory_space<vmem>>, vector<1x1x16xf32>,
        %parallel_loop3A_1152 = vector.shape_cast %parallel_loop3A_1151 : vector<1x1x16xf32> to vector<16xf32>
        %parallel_loop3A_1153 = arith.constant 11.3137083 : f32
        %parallel_loop3A_1154 = vector.broadcast %parallel_loop3A_1153 : f32 to vector<16xf32>
        %parallel_loop3A_1155 = arith.mulf %parallel_loop3A_1152, %parallel_loop3A_1154 : vector<16xf32>
        %parallel_loop3A_1156 = arith.constant 1 : i32
        %parallel_loop3A_1157 = arith.index_cast %parallel_loop3A_1156 : i32 to index
        %parallel_loop3A_1158 = arith.index_cast %parallel_loop3A_1082 : i32 to index
        %parallel_loop3A_1159 = arith.constant 64 : index
        %parallel_loop3A_1160 = tpu.vector_load %arg6[%parallel_loop3A_1157, %parallel_loop3A_1158, %parallel_loop3A_1159] {strides = array<i32>} : memref<5x128x128xf32, #tpu.memory_space<vmem>>, vector<1x1x16xf32>,
        %parallel_loop3A_1161 = vector.shape_cast %parallel_loop3A_1160 : vector<1x1x16xf32> to vector<16xf32>
        %parallel_loop3A_1162 = vector.shape_cast %parallel_loop3A_1155 : vector<16xf32> to vector<1x1x16xf32>
        tpu.vector_store %arg6[%parallel_loop3A_1157, %parallel_loop3A_1158, %parallel_loop3A_1159], %parallel_loop3A_1162 {strides = array<i32>} : memref<5x128x128xf32, #tpu.memory_space<vmem>>, vector<1x1x16xf32>,
        %parallel_loop3A_1163 = arith.constant 1 : i32
        %parallel_loop3A_1164 = arith.index_cast %parallel_loop3A_1163 : i32 to index
        %parallel_loop3A_1165 = arith.index_cast %parallel_loop3A_1082 : i32 to index
        %parallel_loop3A_1166 = arith.constant 80 : index
        %parallel_loop3A_1167 = tpu.vector_load %arg6[%parallel_loop3A_1164, %parallel_loop3A_1165, %parallel_loop3A_1166] {strides = array<i32>} : memref<5x128x128xf32, #tpu.memory_space<vmem>>, vector<1x1x16xf32>,
        %parallel_loop3A_1168 = vector.shape_cast %parallel_loop3A_1167 : vector<1x1x16xf32> to vector<16xf32>
        %parallel_loop3A_1169 = arith.constant 11.3137083 : f32
        %parallel_loop3A_1170 = vector.broadcast %parallel_loop3A_1169 : f32 to vector<16xf32>
        %parallel_loop3A_1171 = arith.mulf %parallel_loop3A_1168, %parallel_loop3A_1170 : vector<16xf32>
        %parallel_loop3A_1172 = arith.constant 1 : i32
        %parallel_loop3A_1173 = arith.index_cast %parallel_loop3A_1172 : i32 to index
        %parallel_loop3A_1174 = arith.index_cast %parallel_loop3A_1082 : i32 to index
        %parallel_loop3A_1175 = arith.constant 80 : index
        %parallel_loop3A_1176 = tpu.vector_load %arg6[%parallel_loop3A_1173, %parallel_loop3A_1174, %parallel_loop3A_1175] {strides = array<i32>} : memref<5x128x128xf32, #tpu.memory_space<vmem>>, vector<1x1x16xf32>,
        %parallel_loop3A_1177 = vector.shape_cast %parallel_loop3A_1176 : vector<1x1x16xf32> to vector<16xf32>
        %parallel_loop3A_1178 = vector.shape_cast %parallel_loop3A_1171 : vector<16xf32> to vector<1x1x16xf32>
        tpu.vector_store %arg6[%parallel_loop3A_1173, %parallel_loop3A_1174, %parallel_loop3A_1175], %parallel_loop3A_1178 {strides = array<i32>} : memref<5x128x128xf32, #tpu.memory_space<vmem>>, vector<1x1x16xf32>,
        %parallel_loop3A_1179 = arith.constant 1 : i32
        %parallel_loop3A_1180 = arith.index_cast %parallel_loop3A_1179 : i32 to index
        %parallel_loop3A_1181 = arith.index_cast %parallel_loop3A_1082 : i32 to index
        %parallel_loop3A_1182 = arith.constant 96 : index
        %parallel_loop3A_1183 = tpu.vector_load %arg6[%parallel_loop3A_1180, %parallel_loop3A_1181, %parallel_loop3A_1182] {strides = array<i32>} : memref<5x128x128xf32, #tpu.memory_space<vmem>>, vector<1x1x16xf32>,
        %parallel_loop3A_1184 = vector.shape_cast %parallel_loop3A_1183 : vector<1x1x16xf32> to vector<16xf32>
        %parallel_loop3A_1185 = arith.constant 11.3137083 : f32
        %parallel_loop3A_1186 = vector.broadcast %parallel_loop3A_1185 : f32 to vector<16xf32>
        %parallel_loop3A_1187 = arith.mulf %parallel_loop3A_1184, %parallel_loop3A_1186 : vector<16xf32>
        %parallel_loop3A_1188 = arith.constant 1 : i32
        %parallel_loop3A_1189 = arith.index_cast %parallel_loop3A_1188 : i32 to index
        %parallel_loop3A_1190 = arith.index_cast %parallel_loop3A_1082 : i32 to index
        %parallel_loop3A_1191 = arith.constant 96 : index
        %parallel_loop3A_1192 = tpu.vector_load %arg6[%parallel_loop3A_1189, %parallel_loop3A_1190, %parallel_loop3A_1191] {strides = array<i32>} : memref<5x128x128xf32, #tpu.memory_space<vmem>>, vector<1x1x16xf32>,
        %parallel_loop3A_1193 = vector.shape_cast %parallel_loop3A_1192 : vector<1x1x16xf32> to vector<16xf32>
        %parallel_loop3A_1194 = vector.shape_cast %parallel_loop3A_1187 : vector<16xf32> to vector<1x1x16xf32>
        tpu.vector_store %arg6[%parallel_loop3A_1189, %parallel_loop3A_1190, %parallel_loop3A_1191], %parallel_loop3A_1194 {strides = array<i32>} : memref<5x128x128xf32, #tpu.memory_space<vmem>>, vector<1x1x16xf32>,
        %parallel_loop3A_1195 = arith.constant 1 : i32
        %parallel_loop3A_1196 = arith.index_cast %parallel_loop3A_1195 : i32 to index
        %parallel_loop3A_1197 = arith.index_cast %parallel_loop3A_1082 : i32 to index
        %parallel_loop3A_1198 = arith.constant 112 : index
        %parallel_loop3A_1199 = tpu.vector_load %arg6[%parallel_loop3A_1196, %parallel_loop3A_1197, %parallel_loop3A_1198] {strides = array<i32>} : memref<5x128x128xf32, #tpu.memory_space<vmem>>, vector<1x1x16xf32>,
        %parallel_loop3A_1200 = vector.shape_cast %parallel_loop3A_1199 : vector<1x1x16xf32> to vector<16xf32>
        %parallel_loop3A_1201 = arith.constant 11.3137083 : f32
        %parallel_loop3A_1202 = vector.broadcast %parallel_loop3A_1201 : f32 to vector<16xf32>
        %parallel_loop3A_1203 = arith.mulf %parallel_loop3A_1200, %parallel_loop3A_1202 : vector<16xf32>
        %parallel_loop3A_1204 = arith.constant 1 : i32
        %parallel_loop3A_1205 = arith.index_cast %parallel_loop3A_1204 : i32 to index
        %parallel_loop3A_1206 = arith.index_cast %parallel_loop3A_1082 : i32 to index
        %parallel_loop3A_1207 = arith.constant 112 : index
        %parallel_loop3A_1208 = tpu.vector_load %arg6[%parallel_loop3A_1205, %parallel_loop3A_1206, %parallel_loop3A_1207] {strides = array<i32>} : memref<5x128x128xf32, #tpu.memory_space<vmem>>, vector<1x1x16xf32>,
        %parallel_loop3A_1209 = vector.shape_cast %parallel_loop3A_1208 : vector<1x1x16xf32> to vector<16xf32>
        %parallel_loop3A_1210 = vector.shape_cast %parallel_loop3A_1203 : vector<16xf32> to vector<1x1x16xf32>
        tpu.vector_store %arg6[%parallel_loop3A_1205, %parallel_loop3A_1206, %parallel_loop3A_1207], %parallel_loop3A_1210 {strides = array<i32>} : memref<5x128x128xf32, #tpu.memory_space<vmem>>, vector<1x1x16xf32>,
      } {sc.loop_unroll_factor = 4 : i64, sc.parallel_access}
      %mul3A_832 = arith.constant 128 : i32
      %mul3A_833 = arith.muli %add3A_775, %mul3A_832 : i32
      %add3A_834 = arith.addi %mul3A_2, %mul3A_833 : i32
      %dma_start3A_835 = arith.constant 1 : i32
      %dma_start3A_836 = arith.constant 1 : i32
      %dma_start3A_837 = arith.constant 0 : i32
      %dma_start3A_838 = arith.constant 0 : i32
      %dma_start3A_839 = tpu.memref_slice %arg6[%dma_start3A_835, %dma_start3A_837, %dma_start3A_838] : memref<5x128x128xf32, #tpu.memory_space<vmem>> -> memref<1x128x128xf32, #tpu.memory_space<vmem>>
      %dma_start3A_840 = tpu.memref_squeeze %dma_start3A_839 : memref<1x128x128xf32, #tpu.memory_space<vmem>> -> memref<128x128xf32, #tpu.memory_space<vmem>>
      %dma_start3A_841 = arith.constant 0 : i32
      %dma_start3A_842 = tpu.memref_slice %arg4[%add3A_834, %dma_start3A_841] : memref<204800x128xf32, #tpu.memory_space<hbm>> -> memref<128x128xf32, #tpu.memory_space<hbm>>
      %dma_start3A_843 = tpu.memref_slice %arg8[%dma_start3A_836] : memref<5x!tpu.dma_semaphore, #tpu.memory_space<semaphore_mem>> -> memref<1x!tpu.dma_semaphore, #tpu.memory_space<semaphore_mem>>
      %dma_start3A_844 = tpu.memref_squeeze %dma_start3A_843 : memref<1x!tpu.dma_semaphore, #tpu.memory_space<semaphore_mem>> -> memref<!tpu.dma_semaphore, #tpu.memory_space<semaphore_mem>>
      %dma_start3A_845 = arith.constant 0 : i32
      %dma_start3A_846 = tpu.memref_slice %arg4[%add3A_834, %dma_start3A_845] : memref<204800x128xf32, #tpu.memory_space<hbm>> -> memref<128x128xf32, #tpu.memory_space<hbm>>
      %dma_start3A_847 = arith.constant 0 : i32
      %dma_start3A_848 = arith.constant 0 : i32
      %dma_start3A_849 = tpu.memref_slice %arg6[%dma_start3A_835, %dma_start3A_847, %dma_start3A_848] : memref<5x128x128xf32, #tpu.memory_space<vmem>> -> memref<1x128x128xf32, #tpu.memory_space<vmem>>
      %dma_start3A_850 = tpu.memref_squeeze %dma_start3A_849 : memref<1x128x128xf32, #tpu.memory_space<vmem>> -> memref<128x128xf32, #tpu.memory_space<vmem>>
      tpu.enqueue_dma source(%dma_start3A_850 : memref<128x128xf32, #tpu.memory_space<vmem>>) target(%dma_start3A_846 : memref<128x128xf32, #tpu.memory_space<hbm>>) target_semaphore(%dma_start3A_844 : memref<!tpu.dma_semaphore, #tpu.memory_space<semaphore_mem>>)
      %add3A_851 = arith.constant 2 : i32
      %add3A_852 = arith.addi %mul3A_697, %add3A_851 : i32
      %add3A_853 = arith.constant 3 : i32
      %add3A_854 = arith.addi %add3A_852, %add3A_853 : i32
      %sub3A_855 = arith.constant 5 : i32
      %sub3A_856 = arith.subi %add3A_854, %sub3A_855 : i32
      %mul3A_857 = arith.constant 128 : i32
      %mul3A_858 = arith.muli %sub3A_856, %mul3A_857 : i32
      %add3A_859 = arith.addi %mul3A_2, %mul3A_858 : i32
      %dma_wait3A_860 = arith.constant 0 : i32
      %dma_wait3A_861 = arith.constant 0 : i32
      %dma_wait3A_862 = arith.constant 0 : i32
      %dma_wait3A_863 = arith.constant 0 : i32
      %dma_wait3A_864 = tpu.memref_slice %arg6[%dma_wait3A_860, %dma_wait3A_862, %dma_wait3A_863] : memref<5x128x128xf32, #tpu.memory_space<vmem>> -> memref<1x128x128xf32, #tpu.memory_space<vmem>>
      %dma_wait3A_865 = tpu.memref_squeeze %dma_wait3A_864 : memref<1x128x128xf32, #tpu.memory_space<vmem>> -> memref<128x128xf32, #tpu.memory_space<vmem>>
      %dma_wait3A_866 = arith.constant 0 : i32
      %dma_wait3A_867 = tpu.memref_slice %arg4[%add3A_859, %dma_wait3A_866] : memref<204800x128xf32, #tpu.memory_space<hbm>> -> memref<128x128xf32, #tpu.memory_space<hbm>>
      %dma_wait3A_868 = tpu.memref_slice %arg8[%dma_wait3A_861] : memref<5x!tpu.dma_semaphore, #tpu.memory_space<semaphore_mem>> -> memref<1x!tpu.dma_semaphore, #tpu.memory_space<semaphore_mem>>
      %dma_wait3A_869 = tpu.memref_squeeze %dma_wait3A_868 : memref<1x!tpu.dma_semaphore, #tpu.memory_space<semaphore_mem>> -> memref<!tpu.dma_semaphore, #tpu.memory_space<semaphore_mem>>
      %dma_wait3A_870 = arith.constant 0 : i32
      %dma_wait3A_871 = tpu.memref_slice %arg4[%add3A_859, %dma_wait3A_870] : memref<204800x128xf32, #tpu.memory_space<hbm>> -> memref<128x128xf32, #tpu.memory_space<hbm>>
      %dma_wait3A_872 = arith.constant 0 : i32
      %dma_wait3A_873 = arith.constant 0 : i32
      %dma_wait3A_874 = tpu.memref_slice %arg6[%dma_wait3A_860, %dma_wait3A_872, %dma_wait3A_873] : memref<5x128x128xf32, #tpu.memory_space<vmem>> -> memref<1x128x128xf32, #tpu.memory_space<vmem>>
      %dma_wait3A_875 = tpu.memref_squeeze %dma_wait3A_874 : memref<1x128x128xf32, #tpu.memory_space<vmem>> -> memref<128x128xf32, #tpu.memory_space<vmem>>
      tpu.wait_dma2 semaphore(%dma_wait3A_869 : memref<!tpu.dma_semaphore, #tpu.memory_space<semaphore_mem>>) src(%dma_wait3A_875 : memref<128x128xf32, #tpu.memory_space<vmem>>) dst(%dma_wait3A_871 : memref<128x128xf32, #tpu.memory_space<hbm>>)
      %add3A_876 = arith.constant 3 : i32
      %add3A_877 = arith.addi %add3A_852, %add3A_876 : i32
      %dma_start3A_878 = arith.constant 0 : i32
      %dma_start3A_879 = arith.constant 0 : i32
      %dma_start3A_880 = arith.constant 0 : i32
      %dma_start3A_881 = arith.constant 0 : i32
      %dma_start3A_882 = tpu.memref_slice %arg6[%dma_start3A_878, %dma_start3A_880, %dma_start3A_881] : memref<5x128x128xf32, #tpu.memory_space<vmem>> -> memref<1x128x128xf32, #tpu.memory_space<vmem>>
      %dma_start3A_883 = tpu.memref_squeeze %dma_start3A_882 : memref<1x128x128xf32, #tpu.memory_space<vmem>> -> memref<128x128xf32, #tpu.memory_space<vmem>>
      %dma_start3A_884 = arith.constant 0 : i32
      %dma_start3A_885 = tpu.memref_slice %arg5[%add3A_877, %dma_start3A_884] : memref<50x128xi32, #tpu.memory_space<vmem>> -> memref<1x128xi32, #tpu.memory_space<vmem>>
      %dma_start3A_886 = tpu.memref_squeeze %dma_start3A_885 : memref<1x128xi32, #tpu.memory_space<vmem>> -> memref<128xi32, #tpu.memory_space<vmem>>
      %dma_start3A_887 = arith.constant 0 : i32
      %dma_start3A_888 = arith.constant 0 : i32
      %dma_start3A_889 = tpu.memref_slice %arg3[%dma_start3A_887, %dma_start3A_888] : memref<100000x128xf32, #tpu.memory_space<hbm>> -> memref<100000x128xf32, #tpu.memory_space<hbm>>
      %dma_start3A_890 = tpu.memref_slice %arg7[%dma_start3A_879] : memref<5x!tpu.dma_semaphore, #tpu.memory_space<semaphore_mem>> -> memref<1x!tpu.dma_semaphore, #tpu.memory_space<semaphore_mem>>
      %dma_start3A_891 = tpu.memref_squeeze %dma_start3A_890 : memref<1x!tpu.dma_semaphore, #tpu.memory_space<semaphore_mem>> -> memref<!tpu.dma_semaphore, #tpu.memory_space<semaphore_mem>>
      tpu.enqueue_indirect_dma source(%dma_start3A_889 : memref<100000x128xf32, #tpu.memory_space<hbm>>) target(%dma_start3A_883 : memref<128x128xf32, #tpu.memory_space<vmem>>) offsets(%dma_start3A_886 : memref<128xi32, #tpu.memory_space<vmem>>) semaphore(%dma_start3A_891 : memref<!tpu.dma_semaphore, #tpu.memory_space<semaphore_mem>>)
      %dma_wait3A_892 = arith.constant 2 : i32
      %dma_wait3A_893 = arith.constant 2 : i32
      %dma_wait3A_894 = arith.constant 0 : i32
      %dma_wait3A_895 = arith.constant 0 : i32
      %dma_wait3A_896 = tpu.memref_slice %arg6[%dma_wait3A_892, %dma_wait3A_894, %dma_wait3A_895] : memref<5x128x128xf32, #tpu.memory_space<vmem>> -> memref<1x128x128xf32, #tpu.memory_space<vmem>>
      %dma_wait3A_897 = tpu.memref_squeeze %dma_wait3A_896 : memref<1x128x128xf32, #tpu.memory_space<vmem>> -> memref<128x128xf32, #tpu.memory_space<vmem>>
      %dma_wait3A_898 = arith.constant 0 : i32
      %dma_wait3A_899 = tpu.memref_slice %arg5[%add3A_852, %dma_wait3A_898] : memref<50x128xi32, #tpu.memory_space<vmem>> -> memref<1x128xi32, #tpu.memory_space<vmem>>
      %dma_wait3A_900 = tpu.memref_squeeze %dma_wait3A_899 : memref<1x128xi32, #tpu.memory_space<vmem>> -> memref<128xi32, #tpu.memory_space<vmem>>
      %dma_wait3A_901 = arith.constant 0 : i32
      %dma_wait3A_902 = arith.constant 0 : i32
      %dma_wait3A_903 = tpu.memref_slice %arg3[%dma_wait3A_901, %dma_wait3A_902] : memref<100000x128xf32, #tpu.memory_space<hbm>> -> memref<100000x128xf32, #tpu.memory_space<hbm>>
      %dma_wait3A_904 = tpu.memref_slice %arg7[%dma_wait3A_893] : memref<5x!tpu.dma_semaphore, #tpu.memory_space<semaphore_mem>> -> memref<1x!tpu.dma_semaphore, #tpu.memory_space<semaphore_mem>>
      %dma_wait3A_905 = tpu.memref_squeeze %dma_wait3A_904 : memref<1x!tpu.dma_semaphore, #tpu.memory_space<semaphore_mem>> -> memref<!tpu.dma_semaphore, #tpu.memory_space<semaphore_mem>>
      tpu.wait_indirect_dma semaphore(%dma_wait3A_905 : memref<!tpu.dma_semaphore, #tpu.memory_space<semaphore_mem>>) src(%dma_wait3A_903 : memref<100000x128xf32, #tpu.memory_space<hbm>>) dst(%dma_wait3A_897 : memref<128x128xf32, #tpu.memory_space<vmem>>)
      %parallel_loop3A_906 = arith.constant 0 : i32
      %parallel_loop3A_907 = arith.constant 128 : i32
      %parallel_loop3A_908 = arith.constant 1 : i32
      scf.for %parallel_loop3A_1082 = %parallel_loop3A_906 to %parallel_loop3A_907 step %parallel_loop3A_908  : i32 {
        %parallel_loop3A_1083 = arith.constant 2 : i32
        %parallel_loop3A_1084 = arith.index_cast %parallel_loop3A_1083 : i32 to index
        %parallel_loop3A_1085 = arith.index_cast %parallel_loop3A_1082 : i32 to index
        %parallel_loop3A_1086 = arith.constant 0 : index
        %parallel_loop3A_1087 = tpu.vector_load %arg6[%parallel_loop3A_1084, %parallel_loop3A_1085, %parallel_loop3A_1086] {strides = array<i32>} : memref<5x128x128xf32, #tpu.memory_space<vmem>>, vector<1x1x16xf32>,
        %parallel_loop3A_1088 = vector.shape_cast %parallel_loop3A_1087 : vector<1x1x16xf32> to vector<16xf32>
        %parallel_loop3A_1089 = arith.constant 11.3137083 : f32
        %parallel_loop3A_1090 = vector.broadcast %parallel_loop3A_1089 : f32 to vector<16xf32>
        %parallel_loop3A_1091 = arith.mulf %parallel_loop3A_1088, %parallel_loop3A_1090 : vector<16xf32>
        %parallel_loop3A_1092 = arith.constant 2 : i32
        %parallel_loop3A_1093 = arith.index_cast %parallel_loop3A_1092 : i32 to index
        %parallel_loop3A_1094 = arith.index_cast %parallel_loop3A_1082 : i32 to index
        %parallel_loop3A_1095 = arith.constant 0 : index
        %parallel_loop3A_1096 = tpu.vector_load %arg6[%parallel_loop3A_1093, %parallel_loop3A_1094, %parallel_loop3A_1095] {strides = array<i32>} : memref<5x128x128xf32, #tpu.memory_space<vmem>>, vector<1x1x16xf32>,
        %parallel_loop3A_1097 = vector.shape_cast %parallel_loop3A_1096 : vector<1x1x16xf32> to vector<16xf32>
        %parallel_loop3A_1098 = vector.shape_cast %parallel_loop3A_1091 : vector<16xf32> to vector<1x1x16xf32>
        tpu.vector_store %arg6[%parallel_loop3A_1093, %parallel_loop3A_1094, %parallel_loop3A_1095], %parallel_loop3A_1098 {strides = array<i32>} : memref<5x128x128xf32, #tpu.memory_space<vmem>>, vector<1x1x16xf32>,
        %parallel_loop3A_1099 = arith.constant 2 : i32
        %parallel_loop3A_1100 = arith.index_cast %parallel_loop3A_1099 : i32 to index
        %parallel_loop3A_1101 = arith.index_cast %parallel_loop3A_1082 : i32 to index
        %parallel_loop3A_1102 = arith.constant 16 : index
        %parallel_loop3A_1103 = tpu.vector_load %arg6[%parallel_loop3A_1100, %parallel_loop3A_1101, %parallel_loop3A_1102] {strides = array<i32>} : memref<5x128x128xf32, #tpu.memory_space<vmem>>, vector<1x1x16xf32>,
        %parallel_loop3A_1104 = vector.shape_cast %parallel_loop3A_1103 : vector<1x1x16xf32> to vector<16xf32>
        %parallel_loop3A_1105 = arith.constant 11.3137083 : f32
        %parallel_loop3A_1106 = vector.broadcast %parallel_loop3A_1105 : f32 to vector<16xf32>
        %parallel_loop3A_1107 = arith.mulf %parallel_loop3A_1104, %parallel_loop3A_1106 : vector<16xf32>
        %parallel_loop3A_1108 = arith.constant 2 : i32
        %parallel_loop3A_1109 = arith.index_cast %parallel_loop3A_1108 : i32 to index
        %parallel_loop3A_1110 = arith.index_cast %parallel_loop3A_1082 : i32 to index
        %parallel_loop3A_1111 = arith.constant 16 : index
        %parallel_loop3A_1112 = tpu.vector_load %arg6[%parallel_loop3A_1109, %parallel_loop3A_1110, %parallel_loop3A_1111] {strides = array<i32>} : memref<5x128x128xf32, #tpu.memory_space<vmem>>, vector<1x1x16xf32>,
        %parallel_loop3A_1113 = vector.shape_cast %parallel_loop3A_1112 : vector<1x1x16xf32> to vector<16xf32>
        %parallel_loop3A_1114 = vector.shape_cast %parallel_loop3A_1107 : vector<16xf32> to vector<1x1x16xf32>
        tpu.vector_store %arg6[%parallel_loop3A_1109, %parallel_loop3A_1110, %parallel_loop3A_1111], %parallel_loop3A_1114 {strides = array<i32>} : memref<5x128x128xf32, #tpu.memory_space<vmem>>, vector<1x1x16xf32>,
        %parallel_loop3A_1115 = arith.constant 2 : i32
        %parallel_loop3A_1116 = arith.index_cast %parallel_loop3A_1115 : i32 to index
        %parallel_loop3A_1117 = arith.index_cast %parallel_loop3A_1082 : i32 to index
        %parallel_loop3A_1118 = arith.constant 32 : index
        %parallel_loop3A_1119 = tpu.vector_load %arg6[%parallel_loop3A_1116, %parallel_loop3A_1117, %parallel_loop3A_1118] {strides = array<i32>} : memref<5x128x128xf32, #tpu.memory_space<vmem>>, vector<1x1x16xf32>,
        %parallel_loop3A_1120 = vector.shape_cast %parallel_loop3A_1119 : vector<1x1x16xf32> to vector<16xf32>
        %parallel_loop3A_1121 = arith.constant 11.3137083 : f32
        %parallel_loop3A_1122 = vector.broadcast %parallel_loop3A_1121 : f32 to vector<16xf32>
        %parallel_loop3A_1123 = arith.mulf %parallel_loop3A_1120, %parallel_loop3A_1122 : vector<16xf32>
        %parallel_loop3A_1124 = arith.constant 2 : i32
        %parallel_loop3A_1125 = arith.index_cast %parallel_loop3A_1124 : i32 to index
        %parallel_loop3A_1126 = arith.index_cast %parallel_loop3A_1082 : i32 to index
        %parallel_loop3A_1127 = arith.constant 32 : index
        %parallel_loop3A_1128 = tpu.vector_load %arg6[%parallel_loop3A_1125, %parallel_loop3A_1126, %parallel_loop3A_1127] {strides = array<i32>} : memref<5x128x128xf32, #tpu.memory_space<vmem>>, vector<1x1x16xf32>,
        %parallel_loop3A_1129 = vector.shape_cast %parallel_loop3A_1128 : vector<1x1x16xf32> to vector<16xf32>
        %parallel_loop3A_1130 = vector.shape_cast %parallel_loop3A_1123 : vector<16xf32> to vector<1x1x16xf32>
        tpu.vector_store %arg6[%parallel_loop3A_1125, %parallel_loop3A_1126, %parallel_loop3A_1127], %parallel_loop3A_1130 {strides = array<i32>} : memref<5x128x128xf32, #tpu.memory_space<vmem>>, vector<1x1x16xf32>,
        %parallel_loop3A_1131 = arith.constant 2 : i32
        %parallel_loop3A_1132 = arith.index_cast %parallel_loop3A_1131 : i32 to index
        %parallel_loop3A_1133 = arith.index_cast %parallel_loop3A_1082 : i32 to index
        %parallel_loop3A_1134 = arith.constant 48 : index
        %parallel_loop3A_1135 = tpu.vector_load %arg6[%parallel_loop3A_1132, %parallel_loop3A_1133, %parallel_loop3A_1134] {strides = array<i32>} : memref<5x128x128xf32, #tpu.memory_space<vmem>>, vector<1x1x16xf32>,
        %parallel_loop3A_1136 = vector.shape_cast %parallel_loop3A_1135 : vector<1x1x16xf32> to vector<16xf32>
        %parallel_loop3A_1137 = arith.constant 11.3137083 : f32
        %parallel_loop3A_1138 = vector.broadcast %parallel_loop3A_1137 : f32 to vector<16xf32>
        %parallel_loop3A_1139 = arith.mulf %parallel_loop3A_1136, %parallel_loop3A_1138 : vector<16xf32>
        %parallel_loop3A_1140 = arith.constant 2 : i32
        %parallel_loop3A_1141 = arith.index_cast %parallel_loop3A_1140 : i32 to index
        %parallel_loop3A_1142 = arith.index_cast %parallel_loop3A_1082 : i32 to index
        %parallel_loop3A_1143 = arith.constant 48 : index
        %parallel_loop3A_1144 = tpu.vector_load %arg6[%parallel_loop3A_1141, %parallel_loop3A_1142, %parallel_loop3A_1143] {strides = array<i32>} : memref<5x128x128xf32, #tpu.memory_space<vmem>>, vector<1x1x16xf32>,
        %parallel_loop3A_1145 = vector.shape_cast %parallel_loop3A_1144 : vector<1x1x16xf32> to vector<16xf32>
        %parallel_loop3A_1146 = vector.shape_cast %parallel_loop3A_1139 : vector<16xf32> to vector<1x1x16xf32>
        tpu.vector_store %arg6[%parallel_loop3A_1141, %parallel_loop3A_1142, %parallel_loop3A_1143], %parallel_loop3A_1146 {strides = array<i32>} : memref<5x128x128xf32, #tpu.memory_space<vmem>>, vector<1x1x16xf32>,
        %parallel_loop3A_1147 = arith.constant 2 : i32
        %parallel_loop3A_1148 = arith.index_cast %parallel_loop3A_1147 : i32 to index
        %parallel_loop3A_1149 = arith.index_cast %parallel_loop3A_1082 : i32 to index
        %parallel_loop3A_1150 = arith.constant 64 : index
        %parallel_loop3A_1151 = tpu.vector_load %arg6[%parallel_loop3A_1148, %parallel_loop3A_1149, %parallel_loop3A_1150] {strides = array<i32>} : memref<5x128x128xf32, #tpu.memory_space<vmem>>, vector<1x1x16xf32>,
        %parallel_loop3A_1152 = vector.shape_cast %parallel_loop3A_1151 : vector<1x1x16xf32> to vector<16xf32>
        %parallel_loop3A_1153 = arith.constant 11.3137083 : f32
        %parallel_loop3A_1154 = vector.broadcast %parallel_loop3A_1153 : f32 to vector<16xf32>
        %parallel_loop3A_1155 = arith.mulf %parallel_loop3A_1152, %parallel_loop3A_1154 : vector<16xf32>
        %parallel_loop3A_1156 = arith.constant 2 : i32
        %parallel_loop3A_1157 = arith.index_cast %parallel_loop3A_1156 : i32 to index
        %parallel_loop3A_1158 = arith.index_cast %parallel_loop3A_1082 : i32 to index
        %parallel_loop3A_1159 = arith.constant 64 : index
        %parallel_loop3A_1160 = tpu.vector_load %arg6[%parallel_loop3A_1157, %parallel_loop3A_1158, %parallel_loop3A_1159] {strides = array<i32>} : memref<5x128x128xf32, #tpu.memory_space<vmem>>, vector<1x1x16xf32>,
        %parallel_loop3A_1161 = vector.shape_cast %parallel_loop3A_1160 : vector<1x1x16xf32> to vector<16xf32>
        %parallel_loop3A_1162 = vector.shape_cast %parallel_loop3A_1155 : vector<16xf32> to vector<1x1x16xf32>
        tpu.vector_store %arg6[%parallel_loop3A_1157, %parallel_loop3A_1158, %parallel_loop3A_1159], %parallel_loop3A_1162 {strides = array<i32>} : memref<5x128x128xf32, #tpu.memory_space<vmem>>, vector<1x1x16xf32>,
        %parallel_loop3A_1163 = arith.constant 2 : i32
        %parallel_loop3A_1164 = arith.index_cast %parallel_loop3A_1163 : i32 to index
        %parallel_loop3A_1165 = arith.index_cast %parallel_loop3A_1082 : i32 to index
        %parallel_loop3A_1166 = arith.constant 80 : index
        %parallel_loop3A_1167 = tpu.vector_load %arg6[%parallel_loop3A_1164, %parallel_loop3A_1165, %parallel_loop3A_1166] {strides = array<i32>} : memref<5x128x128xf32, #tpu.memory_space<vmem>>, vector<1x1x16xf32>,
        %parallel_loop3A_1168 = vector.shape_cast %parallel_loop3A_1167 : vector<1x1x16xf32> to vector<16xf32>
        %parallel_loop3A_1169 = arith.constant 11.3137083 : f32
        %parallel_loop3A_1170 = vector.broadcast %parallel_loop3A_1169 : f32 to vector<16xf32>
        %parallel_loop3A_1171 = arith.mulf %parallel_loop3A_1168, %parallel_loop3A_1170 : vector<16xf32>
        %parallel_loop3A_1172 = arith.constant 2 : i32
        %parallel_loop3A_1173 = arith.index_cast %parallel_loop3A_1172 : i32 to index
        %parallel_loop3A_1174 = arith.index_cast %parallel_loop3A_1082 : i32 to index
        %parallel_loop3A_1175 = arith.constant 80 : index
        %parallel_loop3A_1176 = tpu.vector_load %arg6[%parallel_loop3A_1173, %parallel_loop3A_1174, %parallel_loop3A_1175] {strides = array<i32>} : memref<5x128x128xf32, #tpu.memory_space<vmem>>, vector<1x1x16xf32>,
        %parallel_loop3A_1177 = vector.shape_cast %parallel_loop3A_1176 : vector<1x1x16xf32> to vector<16xf32>
        %parallel_loop3A_1178 = vector.shape_cast %parallel_loop3A_1171 : vector<16xf32> to vector<1x1x16xf32>
        tpu.vector_store %arg6[%parallel_loop3A_1173, %parallel_loop3A_1174, %parallel_loop3A_1175], %parallel_loop3A_1178 {strides = array<i32>} : memref<5x128x128xf32, #tpu.memory_space<vmem>>, vector<1x1x16xf32>,
        %parallel_loop3A_1179 = arith.constant 2 : i32
        %parallel_loop3A_1180 = arith.index_cast %parallel_loop3A_1179 : i32 to index
        %parallel_loop3A_1181 = arith.index_cast %parallel_loop3A_1082 : i32 to index
        %parallel_loop3A_1182 = arith.constant 96 : index
        %parallel_loop3A_1183 = tpu.vector_load %arg6[%parallel_loop3A_1180, %parallel_loop3A_1181, %parallel_loop3A_1182] {strides = array<i32>} : memref<5x128x128xf32, #tpu.memory_space<vmem>>, vector<1x1x16xf32>,
        %parallel_loop3A_1184 = vector.shape_cast %parallel_loop3A_1183 : vector<1x1x16xf32> to vector<16xf32>
        %parallel_loop3A_1185 = arith.constant 11.3137083 : f32
        %parallel_loop3A_1186 = vector.broadcast %parallel_loop3A_1185 : f32 to vector<16xf32>
        %parallel_loop3A_1187 = arith.mulf %parallel_loop3A_1184, %parallel_loop3A_1186 : vector<16xf32>
        %parallel_loop3A_1188 = arith.constant 2 : i32
        %parallel_loop3A_1189 = arith.index_cast %parallel_loop3A_1188 : i32 to index
        %parallel_loop3A_1190 = arith.index_cast %parallel_loop3A_1082 : i32 to index
        %parallel_loop3A_1191 = arith.constant 96 : index
        %parallel_loop3A_1192 = tpu.vector_load %arg6[%parallel_loop3A_1189, %parallel_loop3A_1190, %parallel_loop3A_1191] {strides = array<i32>} : memref<5x128x128xf32, #tpu.memory_space<vmem>>, vector<1x1x16xf32>,
        %parallel_loop3A_1193 = vector.shape_cast %parallel_loop3A_1192 : vector<1x1x16xf32> to vector<16xf32>
        %parallel_loop3A_1194 = vector.shape_cast %parallel_loop3A_1187 : vector<16xf32> to vector<1x1x16xf32>
        tpu.vector_store %arg6[%parallel_loop3A_1189, %parallel_loop3A_1190, %parallel_loop3A_1191], %parallel_loop3A_1194 {strides = array<i32>} : memref<5x128x128xf32, #tpu.memory_space<vmem>>, vector<1x1x16xf32>,
        %parallel_loop3A_1195 = arith.constant 2 : i32
        %parallel_loop3A_1196 = arith.index_cast %parallel_loop3A_1195 : i32 to index
        %parallel_loop3A_1197 = arith.index_cast %parallel_loop3A_1082 : i32 to index
        %parallel_loop3A_1198 = arith.constant 112 : index
        %parallel_loop3A_1199 = tpu.vector_load %arg6[%parallel_loop3A_1196, %parallel_loop3A_1197, %parallel_loop3A_1198] {strides = array<i32>} : memref<5x128x128xf32, #tpu.memory_space<vmem>>, vector<1x1x16xf32>,
        %parallel_loop3A_1200 = vector.shape_cast %parallel_loop3A_1199 : vector<1x1x16xf32> to vector<16xf32>
        %parallel_loop3A_1201 = arith.constant 11.3137083 : f32
        %parallel_loop3A_1202 = vector.broadcast %parallel_loop3A_1201 : f32 to vector<16xf32>
        %parallel_loop3A_1203 = arith.mulf %parallel_loop3A_1200, %parallel_loop3A_1202 : vector<16xf32>
        %parallel_loop3A_1204 = arith.constant 2 : i32
        %parallel_loop3A_1205 = arith.index_cast %parallel_loop3A_1204 : i32 to index
        %parallel_loop3A_1206 = arith.index_cast %parallel_loop3A_1082 : i32 to index
        %parallel_loop3A_1207 = arith.constant 112 : index
        %parallel_loop3A_1208 = tpu.vector_load %arg6[%parallel_loop3A_1205, %parallel_loop3A_1206, %parallel_loop3A_1207] {strides = array<i32>} : memref<5x128x128xf32, #tpu.memory_space<vmem>>, vector<1x1x16xf32>,
        %parallel_loop3A_1209 = vector.shape_cast %parallel_loop3A_1208 : vector<1x1x16xf32> to vector<16xf32>
        %parallel_loop3A_1210 = vector.shape_cast %parallel_loop3A_1203 : vector<16xf32> to vector<1x1x16xf32>
        tpu.vector_store %arg6[%parallel_loop3A_1205, %parallel_loop3A_1206, %parallel_loop3A_1207], %parallel_loop3A_1210 {strides = array<i32>} : memref<5x128x128xf32, #tpu.memory_space<vmem>>, vector<1x1x16xf32>,
      } {sc.loop_unroll_factor = 4 : i64, sc.parallel_access}
      %mul3A_909 = arith.constant 128 : i32
      %mul3A_910 = arith.muli %add3A_852, %mul3A_909 : i32
      %add3A_911 = arith.addi %mul3A_2, %mul3A_910 : i32
      %dma_start3A_912 = arith.constant 2 : i32
      %dma_start3A_913 = arith.constant 2 : i32
      %dma_start3A_914 = arith.constant 0 : i32
      %dma_start3A_915 = arith.constant 0 : i32
      %dma_start3A_916 = tpu.memref_slice %arg6[%dma_start3A_912, %dma_start3A_914, %dma_start3A_915] : memref<5x128x128xf32, #tpu.memory_space<vmem>> -> memref<1x128x128xf32, #tpu.memory_space<vmem>>
      %dma_start3A_917 = tpu.memref_squeeze %dma_start3A_916 : memref<1x128x128xf32, #tpu.memory_space<vmem>> -> memref<128x128xf32, #tpu.memory_space<vmem>>
      %dma_start3A_918 = arith.constant 0 : i32
      %dma_start3A_919 = tpu.memref_slice %arg4[%add3A_911, %dma_start3A_918] : memref<204800x128xf32, #tpu.memory_space<hbm>> -> memref<128x128xf32, #tpu.memory_space<hbm>>
      %dma_start3A_920 = tpu.memref_slice %arg8[%dma_start3A_913] : memref<5x!tpu.dma_semaphore, #tpu.memory_space<semaphore_mem>> -> memref<1x!tpu.dma_semaphore, #tpu.memory_space<semaphore_mem>>
      %dma_start3A_921 = tpu.memref_squeeze %dma_start3A_920 : memref<1x!tpu.dma_semaphore, #tpu.memory_space<semaphore_mem>> -> memref<!tpu.dma_semaphore, #tpu.memory_space<semaphore_mem>>
      %dma_start3A_922 = arith.constant 0 : i32
      %dma_start3A_923 = tpu.memref_slice %arg4[%add3A_911, %dma_start3A_922] : memref<204800x128xf32, #tpu.memory_space<hbm>> -> memref<128x128xf32, #tpu.memory_space<hbm>>
      %dma_start3A_924 = arith.constant 0 : i32
      %dma_start3A_925 = arith.constant 0 : i32
      %dma_start3A_926 = tpu.memref_slice %arg6[%dma_start3A_912, %dma_start3A_924, %dma_start3A_925] : memref<5x128x128xf32, #tpu.memory_space<vmem>> -> memref<1x128x128xf32, #tpu.memory_space<vmem>>
      %dma_start3A_927 = tpu.memref_squeeze %dma_start3A_926 : memref<1x128x128xf32, #tpu.memory_space<vmem>> -> memref<128x128xf32, #tpu.memory_space<vmem>>
      tpu.enqueue_dma source(%dma_start3A_927 : memref<128x128xf32, #tpu.memory_space<vmem>>) target(%dma_start3A_923 : memref<128x128xf32, #tpu.memory_space<hbm>>) target_semaphore(%dma_start3A_921 : memref<!tpu.dma_semaphore, #tpu.memory_space<semaphore_mem>>)
      %add3A_928 = arith.constant 3 : i32
      %add3A_929 = arith.addi %mul3A_697, %add3A_928 : i32
      %add3A_930 = arith.constant 3 : i32
      %add3A_931 = arith.addi %add3A_929, %add3A_930 : i32
      %sub3A_932 = arith.constant 5 : i32
      %sub3A_933 = arith.subi %add3A_931, %sub3A_932 : i32
      %mul3A_934 = arith.constant 128 : i32
      %mul3A_935 = arith.muli %sub3A_933, %mul3A_934 : i32
      %add3A_936 = arith.addi %mul3A_2, %mul3A_935 : i32
      %dma_wait3A_937 = arith.constant 1 : i32
      %dma_wait3A_938 = arith.constant 1 : i32
      %dma_wait3A_939 = arith.constant 0 : i32
      %dma_wait3A_940 = arith.constant 0 : i32
      %dma_wait3A_941 = tpu.memref_slice %arg6[%dma_wait3A_937, %dma_wait3A_939, %dma_wait3A_940] : memref<5x128x128xf32, #tpu.memory_space<vmem>> -> memref<1x128x128xf32, #tpu.memory_space<vmem>>
      %dma_wait3A_942 = tpu.memref_squeeze %dma_wait3A_941 : memref<1x128x128xf32, #tpu.memory_space<vmem>> -> memref<128x128xf32, #tpu.memory_space<vmem>>
      %dma_wait3A_943 = arith.constant 0 : i32
      %dma_wait3A_944 = tpu.memref_slice %arg4[%add3A_936, %dma_wait3A_943] : memref<204800x128xf32, #tpu.memory_space<hbm>> -> memref<128x128xf32, #tpu.memory_space<hbm>>
      %dma_wait3A_945 = tpu.memref_slice %arg8[%dma_wait3A_938] : memref<5x!tpu.dma_semaphore, #tpu.memory_space<semaphore_mem>> -> memref<1x!tpu.dma_semaphore, #tpu.memory_space<semaphore_mem>>
      %dma_wait3A_946 = tpu.memref_squeeze %dma_wait3A_945 : memref<1x!tpu.dma_semaphore, #tpu.memory_space<semaphore_mem>> -> memref<!tpu.dma_semaphore, #tpu.memory_space<semaphore_mem>>
      %dma_wait3A_947 = arith.constant 0 : i32
      %dma_wait3A_948 = tpu.memref_slice %arg4[%add3A_936, %dma_wait3A_947] : memref<204800x128xf32, #tpu.memory_space<hbm>> -> memref<128x128xf32, #tpu.memory_space<hbm>>
      %dma_wait3A_949 = arith.constant 0 : i32
      %dma_wait3A_950 = arith.constant 0 : i32
      %dma_wait3A_951 = tpu.memref_slice %arg6[%dma_wait3A_937, %dma_wait3A_949, %dma_wait3A_950] : memref<5x128x128xf32, #tpu.memory_space<vmem>> -> memref<1x128x128xf32, #tpu.memory_space<vmem>>
      %dma_wait3A_952 = tpu.memref_squeeze %dma_wait3A_951 : memref<1x128x128xf32, #tpu.memory_space<vmem>> -> memref<128x128xf32, #tpu.memory_space<vmem>>
      tpu.wait_dma2 semaphore(%dma_wait3A_946 : memref<!tpu.dma_semaphore, #tpu.memory_space<semaphore_mem>>) src(%dma_wait3A_952 : memref<128x128xf32, #tpu.memory_space<vmem>>) dst(%dma_wait3A_948 : memref<128x128xf32, #tpu.memory_space<hbm>>)
      %add3A_953 = arith.constant 3 : i32
      %add3A_954 = arith.addi %add3A_929, %add3A_953 : i32
      %dma_start3A_955 = arith.constant 1 : i32
      %dma_start3A_956 = arith.constant 1 : i32
      %dma_start3A_957 = arith.constant 0 : i32
      %dma_start3A_958 = arith.constant 0 : i32
      %dma_start3A_959 = tpu.memref_slice %arg6[%dma_start3A_955, %dma_start3A_957, %dma_start3A_958] : memref<5x128x128xf32, #tpu.memory_space<vmem>> -> memref<1x128x128xf32, #tpu.memory_space<vmem>>
      %dma_start3A_960 = tpu.memref_squeeze %dma_start3A_959 : memref<1x128x128xf32, #tpu.memory_space<vmem>> -> memref<128x128xf32, #tpu.memory_space<vmem>>
      %dma_start3A_961 = arith.constant 0 : i32
      %dma_start3A_962 = tpu.memref_slice %arg5[%add3A_954, %dma_start3A_961] : memref<50x128xi32, #tpu.memory_space<vmem>> -> memref<1x128xi32, #tpu.memory_space<vmem>>
      %dma_start3A_963 = tpu.memref_squeeze %dma_start3A_962 : memref<1x128xi32, #tpu.memory_space<vmem>> -> memref<128xi32, #tpu.memory_space<vmem>>
      %dma_start3A_964 = arith.constant 0 : i32
      %dma_start3A_965 = arith.constant 0 : i32
      %dma_start3A_966 = tpu.memref_slice %arg3[%dma_start3A_964, %dma_start3A_965] : memref<100000x128xf32, #tpu.memory_space<hbm>> -> memref<100000x128xf32, #tpu.memory_space<hbm>>
      %dma_start3A_967 = tpu.memref_slice %arg7[%dma_start3A_956] : memref<5x!tpu.dma_semaphore, #tpu.memory_space<semaphore_mem>> -> memref<1x!tpu.dma_semaphore, #tpu.memory_space<semaphore_mem>>
      %dma_start3A_968 = tpu.memref_squeeze %dma_start3A_967 : memref<1x!tpu.dma_semaphore, #tpu.memory_space<semaphore_mem>> -> memref<!tpu.dma_semaphore, #tpu.memory_space<semaphore_mem>>
      tpu.enqueue_indirect_dma source(%dma_start3A_966 : memref<100000x128xf32, #tpu.memory_space<hbm>>) target(%dma_start3A_960 : memref<128x128xf32, #tpu.memory_space<vmem>>) offsets(%dma_start3A_963 : memref<128xi32, #tpu.memory_space<vmem>>) semaphore(%dma_start3A_968 : memref<!tpu.dma_semaphore, #tpu.memory_space<semaphore_mem>>)
      %dma_wait3A_969 = arith.constant 3 : i32
      %dma_wait3A_970 = arith.constant 3 : i32
      %dma_wait3A_971 = arith.constant 0 : i32
      %dma_wait3A_972 = arith.constant 0 : i32
      %dma_wait3A_973 = tpu.memref_slice %arg6[%dma_wait3A_969, %dma_wait3A_971, %dma_wait3A_972] : memref<5x128x128xf32, #tpu.memory_space<vmem>> -> memref<1x128x128xf32, #tpu.memory_space<vmem>>
      %dma_wait3A_974 = tpu.memref_squeeze %dma_wait3A_973 : memref<1x128x128xf32, #tpu.memory_space<vmem>> -> memref<128x128xf32, #tpu.memory_space<vmem>>
      %dma_wait3A_975 = arith.constant 0 : i32
      %dma_wait3A_976 = tpu.memref_slice %arg5[%add3A_929, %dma_wait3A_975] : memref<50x128xi32, #tpu.memory_space<vmem>> -> memref<1x128xi32, #tpu.memory_space<vmem>>
      %dma_wait3A_977 = tpu.memref_squeeze %dma_wait3A_976 : memref<1x128xi32, #tpu.memory_space<vmem>> -> memref<128xi32, #tpu.memory_space<vmem>>
      %dma_wait3A_978 = arith.constant 0 : i32
      %dma_wait3A_979 = arith.constant 0 : i32
      %dma_wait3A_980 = tpu.memref_slice %arg3[%dma_wait3A_978, %dma_wait3A_979] : memref<100000x128xf32, #tpu.memory_space<hbm>> -> memref<100000x128xf32, #tpu.memory_space<hbm>>
      %dma_wait3A_981 = tpu.memref_slice %arg7[%dma_wait3A_970] : memref<5x!tpu.dma_semaphore, #tpu.memory_space<semaphore_mem>> -> memref<1x!tpu.dma_semaphore, #tpu.memory_space<semaphore_mem>>
      %dma_wait3A_982 = tpu.memref_squeeze %dma_wait3A_981 : memref<1x!tpu.dma_semaphore, #tpu.memory_space<semaphore_mem>> -> memref<!tpu.dma_semaphore, #tpu.memory_space<semaphore_mem>>
      tpu.wait_indirect_dma semaphore(%dma_wait3A_982 : memref<!tpu.dma_semaphore, #tpu.memory_space<semaphore_mem>>) src(%dma_wait3A_980 : memref<100000x128xf32, #tpu.memory_space<hbm>>) dst(%dma_wait3A_974 : memref<128x128xf32, #tpu.memory_space<vmem>>)
      %parallel_loop3A_983 = arith.constant 0 : i32
      %parallel_loop3A_984 = arith.constant 128 : i32
      %parallel_loop3A_985 = arith.constant 1 : i32
      scf.for %parallel_loop3A_1082 = %parallel_loop3A_983 to %parallel_loop3A_984 step %parallel_loop3A_985  : i32 {
        %parallel_loop3A_1083 = arith.constant 3 : i32
        %parallel_loop3A_1084 = arith.index_cast %parallel_loop3A_1083 : i32 to index
        %parallel_loop3A_1085 = arith.index_cast %parallel_loop3A_1082 : i32 to index
        %parallel_loop3A_1086 = arith.constant 0 : index
        %parallel_loop3A_1087 = tpu.vector_load %arg6[%parallel_loop3A_1084, %parallel_loop3A_1085, %parallel_loop3A_1086] {strides = array<i32>} : memref<5x128x128xf32, #tpu.memory_space<vmem>>, vector<1x1x16xf32>,
        %parallel_loop3A_1088 = vector.shape_cast %parallel_loop3A_1087 : vector<1x1x16xf32> to vector<16xf32>
        %parallel_loop3A_1089 = arith.constant 11.3137083 : f32
        %parallel_loop3A_1090 = vector.broadcast %parallel_loop3A_1089 : f32 to vector<16xf32>
        %parallel_loop3A_1091 = arith.mulf %parallel_loop3A_1088, %parallel_loop3A_1090 : vector<16xf32>
        %parallel_loop3A_1092 = arith.constant 3 : i32
        %parallel_loop3A_1093 = arith.index_cast %parallel_loop3A_1092 : i32 to index
        %parallel_loop3A_1094 = arith.index_cast %parallel_loop3A_1082 : i32 to index
        %parallel_loop3A_1095 = arith.constant 0 : index
        %parallel_loop3A_1096 = tpu.vector_load %arg6[%parallel_loop3A_1093, %parallel_loop3A_1094, %parallel_loop3A_1095] {strides = array<i32>} : memref<5x128x128xf32, #tpu.memory_space<vmem>>, vector<1x1x16xf32>,
        %parallel_loop3A_1097 = vector.shape_cast %parallel_loop3A_1096 : vector<1x1x16xf32> to vector<16xf32>
        %parallel_loop3A_1098 = vector.shape_cast %parallel_loop3A_1091 : vector<16xf32> to vector<1x1x16xf32>
        tpu.vector_store %arg6[%parallel_loop3A_1093, %parallel_loop3A_1094, %parallel_loop3A_1095], %parallel_loop3A_1098 {strides = array<i32>} : memref<5x128x128xf32, #tpu.memory_space<vmem>>, vector<1x1x16xf32>,
        %parallel_loop3A_1099 = arith.constant 3 : i32
        %parallel_loop3A_1100 = arith.index_cast %parallel_loop3A_1099 : i32 to index
        %parallel_loop3A_1101 = arith.index_cast %parallel_loop3A_1082 : i32 to index
        %parallel_loop3A_1102 = arith.constant 16 : index
        %parallel_loop3A_1103 = tpu.vector_load %arg6[%parallel_loop3A_1100, %parallel_loop3A_1101, %parallel_loop3A_1102] {strides = array<i32>} : memref<5x128x128xf32, #tpu.memory_space<vmem>>, vector<1x1x16xf32>,
        %parallel_loop3A_1104 = vector.shape_cast %parallel_loop3A_1103 : vector<1x1x16xf32> to vector<16xf32>
        %parallel_loop3A_1105 = arith.constant 11.3137083 : f32
        %parallel_loop3A_1106 = vector.broadcast %parallel_loop3A_1105 : f32 to vector<16xf32>
        %parallel_loop3A_1107 = arith.mulf %parallel_loop3A_1104, %parallel_loop3A_1106 : vector<16xf32>
        %parallel_loop3A_1108 = arith.constant 3 : i32
        %parallel_loop3A_1109 = arith.index_cast %parallel_loop3A_1108 : i32 to index
        %parallel_loop3A_1110 = arith.index_cast %parallel_loop3A_1082 : i32 to index
        %parallel_loop3A_1111 = arith.constant 16 : index
        %parallel_loop3A_1112 = tpu.vector_load %arg6[%parallel_loop3A_1109, %parallel_loop3A_1110, %parallel_loop3A_1111] {strides = array<i32>} : memref<5x128x128xf32, #tpu.memory_space<vmem>>, vector<1x1x16xf32>,
        %parallel_loop3A_1113 = vector.shape_cast %parallel_loop3A_1112 : vector<1x1x16xf32> to vector<16xf32>
        %parallel_loop3A_1114 = vector.shape_cast %parallel_loop3A_1107 : vector<16xf32> to vector<1x1x16xf32>
        tpu.vector_store %arg6[%parallel_loop3A_1109, %parallel_loop3A_1110, %parallel_loop3A_1111], %parallel_loop3A_1114 {strides = array<i32>} : memref<5x128x128xf32, #tpu.memory_space<vmem>>, vector<1x1x16xf32>,
        %parallel_loop3A_1115 = arith.constant 3 : i32
        %parallel_loop3A_1116 = arith.index_cast %parallel_loop3A_1115 : i32 to index
        %parallel_loop3A_1117 = arith.index_cast %parallel_loop3A_1082 : i32 to index
        %parallel_loop3A_1118 = arith.constant 32 : index
        %parallel_loop3A_1119 = tpu.vector_load %arg6[%parallel_loop3A_1116, %parallel_loop3A_1117, %parallel_loop3A_1118] {strides = array<i32>} : memref<5x128x128xf32, #tpu.memory_space<vmem>>, vector<1x1x16xf32>,
        %parallel_loop3A_1120 = vector.shape_cast %parallel_loop3A_1119 : vector<1x1x16xf32> to vector<16xf32>
        %parallel_loop3A_1121 = arith.constant 11.3137083 : f32
        %parallel_loop3A_1122 = vector.broadcast %parallel_loop3A_1121 : f32 to vector<16xf32>
        %parallel_loop3A_1123 = arith.mulf %parallel_loop3A_1120, %parallel_loop3A_1122 : vector<16xf32>
        %parallel_loop3A_1124 = arith.constant 3 : i32
        %parallel_loop3A_1125 = arith.index_cast %parallel_loop3A_1124 : i32 to index
        %parallel_loop3A_1126 = arith.index_cast %parallel_loop3A_1082 : i32 to index
        %parallel_loop3A_1127 = arith.constant 32 : index
        %parallel_loop3A_1128 = tpu.vector_load %arg6[%parallel_loop3A_1125, %parallel_loop3A_1126, %parallel_loop3A_1127] {strides = array<i32>} : memref<5x128x128xf32, #tpu.memory_space<vmem>>, vector<1x1x16xf32>,
        %parallel_loop3A_1129 = vector.shape_cast %parallel_loop3A_1128 : vector<1x1x16xf32> to vector<16xf32>
        %parallel_loop3A_1130 = vector.shape_cast %parallel_loop3A_1123 : vector<16xf32> to vector<1x1x16xf32>
        tpu.vector_store %arg6[%parallel_loop3A_1125, %parallel_loop3A_1126, %parallel_loop3A_1127], %parallel_loop3A_1130 {strides = array<i32>} : memref<5x128x128xf32, #tpu.memory_space<vmem>>, vector<1x1x16xf32>,
        %parallel_loop3A_1131 = arith.constant 3 : i32
        %parallel_loop3A_1132 = arith.index_cast %parallel_loop3A_1131 : i32 to index
        %parallel_loop3A_1133 = arith.index_cast %parallel_loop3A_1082 : i32 to index
        %parallel_loop3A_1134 = arith.constant 48 : index
        %parallel_loop3A_1135 = tpu.vector_load %arg6[%parallel_loop3A_1132, %parallel_loop3A_1133, %parallel_loop3A_1134] {strides = array<i32>} : memref<5x128x128xf32, #tpu.memory_space<vmem>>, vector<1x1x16xf32>,
        %parallel_loop3A_1136 = vector.shape_cast %parallel_loop3A_1135 : vector<1x1x16xf32> to vector<16xf32>
        %parallel_loop3A_1137 = arith.constant 11.3137083 : f32
        %parallel_loop3A_1138 = vector.broadcast %parallel_loop3A_1137 : f32 to vector<16xf32>
        %parallel_loop3A_1139 = arith.mulf %parallel_loop3A_1136, %parallel_loop3A_1138 : vector<16xf32>
        %parallel_loop3A_1140 = arith.constant 3 : i32
        %parallel_loop3A_1141 = arith.index_cast %parallel_loop3A_1140 : i32 to index
        %parallel_loop3A_1142 = arith.index_cast %parallel_loop3A_1082 : i32 to index
        %parallel_loop3A_1143 = arith.constant 48 : index
        %parallel_loop3A_1144 = tpu.vector_load %arg6[%parallel_loop3A_1141, %parallel_loop3A_1142, %parallel_loop3A_1143] {strides = array<i32>} : memref<5x128x128xf32, #tpu.memory_space<vmem>>, vector<1x1x16xf32>,
        %parallel_loop3A_1145 = vector.shape_cast %parallel_loop3A_1144 : vector<1x1x16xf32> to vector<16xf32>
        %parallel_loop3A_1146 = vector.shape_cast %parallel_loop3A_1139 : vector<16xf32> to vector<1x1x16xf32>
        tpu.vector_store %arg6[%parallel_loop3A_1141, %parallel_loop3A_1142, %parallel_loop3A_1143], %parallel_loop3A_1146 {strides = array<i32>} : memref<5x128x128xf32, #tpu.memory_space<vmem>>, vector<1x1x16xf32>,
        %parallel_loop3A_1147 = arith.constant 3 : i32
        %parallel_loop3A_1148 = arith.index_cast %parallel_loop3A_1147 : i32 to index
        %parallel_loop3A_1149 = arith.index_cast %parallel_loop3A_1082 : i32 to index
        %parallel_loop3A_1150 = arith.constant 64 : index
        %parallel_loop3A_1151 = tpu.vector_load %arg6[%parallel_loop3A_1148, %parallel_loop3A_1149, %parallel_loop3A_1150] {strides = array<i32>} : memref<5x128x128xf32, #tpu.memory_space<vmem>>, vector<1x1x16xf32>,
        %parallel_loop3A_1152 = vector.shape_cast %parallel_loop3A_1151 : vector<1x1x16xf32> to vector<16xf32>
        %parallel_loop3A_1153 = arith.constant 11.3137083 : f32
        %parallel_loop3A_1154 = vector.broadcast %parallel_loop3A_1153 : f32 to vector<16xf32>
        %parallel_loop3A_1155 = arith.mulf %parallel_loop3A_1152, %parallel_loop3A_1154 : vector<16xf32>
        %parallel_loop3A_1156 = arith.constant 3 : i32
        %parallel_loop3A_1157 = arith.index_cast %parallel_loop3A_1156 : i32 to index
        %parallel_loop3A_1158 = arith.index_cast %parallel_loop3A_1082 : i32 to index
        %parallel_loop3A_1159 = arith.constant 64 : index
        %parallel_loop3A_1160 = tpu.vector_load %arg6[%parallel_loop3A_1157, %parallel_loop3A_1158, %parallel_loop3A_1159] {strides = array<i32>} : memref<5x128x128xf32, #tpu.memory_space<vmem>>, vector<1x1x16xf32>,
        %parallel_loop3A_1161 = vector.shape_cast %parallel_loop3A_1160 : vector<1x1x16xf32> to vector<16xf32>
        %parallel_loop3A_1162 = vector.shape_cast %parallel_loop3A_1155 : vector<16xf32> to vector<1x1x16xf32>
        tpu.vector_store %arg6[%parallel_loop3A_1157, %parallel_loop3A_1158, %parallel_loop3A_1159], %parallel_loop3A_1162 {strides = array<i32>} : memref<5x128x128xf32, #tpu.memory_space<vmem>>, vector<1x1x16xf32>,
        %parallel_loop3A_1163 = arith.constant 3 : i32
        %parallel_loop3A_1164 = arith.index_cast %parallel_loop3A_1163 : i32 to index
        %parallel_loop3A_1165 = arith.index_cast %parallel_loop3A_1082 : i32 to index
        %parallel_loop3A_1166 = arith.constant 80 : index
        %parallel_loop3A_1167 = tpu.vector_load %arg6[%parallel_loop3A_1164, %parallel_loop3A_1165, %parallel_loop3A_1166] {strides = array<i32>} : memref<5x128x128xf32, #tpu.memory_space<vmem>>, vector<1x1x16xf32>,
        %parallel_loop3A_1168 = vector.shape_cast %parallel_loop3A_1167 : vector<1x1x16xf32> to vector<16xf32>
        %parallel_loop3A_1169 = arith.constant 11.3137083 : f32
        %parallel_loop3A_1170 = vector.broadcast %parallel_loop3A_1169 : f32 to vector<16xf32>
        %parallel_loop3A_1171 = arith.mulf %parallel_loop3A_1168, %parallel_loop3A_1170 : vector<16xf32>
        %parallel_loop3A_1172 = arith.constant 3 : i32
        %parallel_loop3A_1173 = arith.index_cast %parallel_loop3A_1172 : i32 to index
        %parallel_loop3A_1174 = arith.index_cast %parallel_loop3A_1082 : i32 to index
        %parallel_loop3A_1175 = arith.constant 80 : index
        %parallel_loop3A_1176 = tpu.vector_load %arg6[%parallel_loop3A_1173, %parallel_loop3A_1174, %parallel_loop3A_1175] {strides = array<i32>} : memref<5x128x128xf32, #tpu.memory_space<vmem>>, vector<1x1x16xf32>,
        %parallel_loop3A_1177 = vector.shape_cast %parallel_loop3A_1176 : vector<1x1x16xf32> to vector<16xf32>
        %parallel_loop3A_1178 = vector.shape_cast %parallel_loop3A_1171 : vector<16xf32> to vector<1x1x16xf32>
        tpu.vector_store %arg6[%parallel_loop3A_1173, %parallel_loop3A_1174, %parallel_loop3A_1175], %parallel_loop3A_1178 {strides = array<i32>} : memref<5x128x128xf32, #tpu.memory_space<vmem>>, vector<1x1x16xf32>,
        %parallel_loop3A_1179 = arith.constant 3 : i32
        %parallel_loop3A_1180 = arith.index_cast %parallel_loop3A_1179 : i32 to index
        %parallel_loop3A_1181 = arith.index_cast %parallel_loop3A_1082 : i32 to index
        %parallel_loop3A_1182 = arith.constant 96 : index
        %parallel_loop3A_1183 = tpu.vector_load %arg6[%parallel_loop3A_1180, %parallel_loop3A_1181, %parallel_loop3A_1182] {strides = array<i32>} : memref<5x128x128xf32, #tpu.memory_space<vmem>>, vector<1x1x16xf32>,
        %parallel_loop3A_1184 = vector.shape_cast %parallel_loop3A_1183 : vector<1x1x16xf32> to vector<16xf32>
        %parallel_loop3A_1185 = arith.constant 11.3137083 : f32
        %parallel_loop3A_1186 = vector.broadcast %parallel_loop3A_1185 : f32 to vector<16xf32>
        %parallel_loop3A_1187 = arith.mulf %parallel_loop3A_1184, %parallel_loop3A_1186 : vector<16xf32>
        %parallel_loop3A_1188 = arith.constant 3 : i32
        %parallel_loop3A_1189 = arith.index_cast %parallel_loop3A_1188 : i32 to index
        %parallel_loop3A_1190 = arith.index_cast %parallel_loop3A_1082 : i32 to index
        %parallel_loop3A_1191 = arith.constant 96 : index
        %parallel_loop3A_1192 = tpu.vector_load %arg6[%parallel_loop3A_1189, %parallel_loop3A_1190, %parallel_loop3A_1191] {strides = array<i32>} : memref<5x128x128xf32, #tpu.memory_space<vmem>>, vector<1x1x16xf32>,
        %parallel_loop3A_1193 = vector.shape_cast %parallel_loop3A_1192 : vector<1x1x16xf32> to vector<16xf32>
        %parallel_loop3A_1194 = vector.shape_cast %parallel_loop3A_1187 : vector<16xf32> to vector<1x1x16xf32>
        tpu.vector_store %arg6[%parallel_loop3A_1189, %parallel_loop3A_1190, %parallel_loop3A_1191], %parallel_loop3A_1194 {strides = array<i32>} : memref<5x128x128xf32, #tpu.memory_space<vmem>>, vector<1x1x16xf32>,
        %parallel_loop3A_1195 = arith.constant 3 : i32
        %parallel_loop3A_1196 = arith.index_cast %parallel_loop3A_1195 : i32 to index
        %parallel_loop3A_1197 = arith.index_cast %parallel_loop3A_1082 : i32 to index
        %parallel_loop3A_1198 = arith.constant 112 : index
        %parallel_loop3A_1199 = tpu.vector_load %arg6[%parallel_loop3A_1196, %parallel_loop3A_1197, %parallel_loop3A_1198] {strides = array<i32>} : memref<5x128x128xf32, #tpu.memory_space<vmem>>, vector<1x1x16xf32>,
        %parallel_loop3A_1200 = vector.shape_cast %parallel_loop3A_1199 : vector<1x1x16xf32> to vector<16xf32>
        %parallel_loop3A_1201 = arith.constant 11.3137083 : f32
        %parallel_loop3A_1202 = vector.broadcast %parallel_loop3A_1201 : f32 to vector<16xf32>
        %parallel_loop3A_1203 = arith.mulf %parallel_loop3A_1200, %parallel_loop3A_1202 : vector<16xf32>
        %parallel_loop3A_1204 = arith.constant 3 : i32
        %parallel_loop3A_1205 = arith.index_cast %parallel_loop3A_1204 : i32 to index
        %parallel_loop3A_1206 = arith.index_cast %parallel_loop3A_1082 : i32 to index
        %parallel_loop3A_1207 = arith.constant 112 : index
        %parallel_loop3A_1208 = tpu.vector_load %arg6[%parallel_loop3A_1205, %parallel_loop3A_1206, %parallel_loop3A_1207] {strides = array<i32>} : memref<5x128x128xf32, #tpu.memory_space<vmem>>, vector<1x1x16xf32>,
        %parallel_loop3A_1209 = vector.shape_cast %parallel_loop3A_1208 : vector<1x1x16xf32> to vector<16xf32>
        %parallel_loop3A_1210 = vector.shape_cast %parallel_loop3A_1203 : vector<16xf32> to vector<1x1x16xf32>
        tpu.vector_store %arg6[%parallel_loop3A_1205, %parallel_loop3A_1206, %parallel_loop3A_1207], %parallel_loop3A_1210 {strides = array<i32>} : memref<5x128x128xf32, #tpu.memory_space<vmem>>, vector<1x1x16xf32>,
      } {sc.loop_unroll_factor = 4 : i64, sc.parallel_access}
      %mul3A_986 = arith.constant 128 : i32
      %mul3A_987 = arith.muli %add3A_929, %mul3A_986 : i32
      %add3A_988 = arith.addi %mul3A_2, %mul3A_987 : i32
      %dma_start3A_989 = arith.constant 3 : i32
      %dma_start3A_990 = arith.constant 3 : i32
      %dma_start3A_991 = arith.constant 0 : i32
      %dma_start3A_992 = arith.constant 0 : i32
      %dma_start3A_993 = tpu.memref_slice %arg6[%dma_start3A_989, %dma_start3A_991, %dma_start3A_992] : memref<5x128x128xf32, #tpu.memory_space<vmem>> -> memref<1x128x128xf32, #tpu.memory_space<vmem>>
      %dma_start3A_994 = tpu.memref_squeeze %dma_start3A_993 : memref<1x128x128xf32, #tpu.memory_space<vmem>> -> memref<128x128xf32, #tpu.memory_space<vmem>>
      %dma_start3A_995 = arith.constant 0 : i32
      %dma_start3A_996 = tpu.memref_slice %arg4[%add3A_988, %dma_start3A_995] : memref<204800x128xf32, #tpu.memory_space<hbm>> -> memref<128x128xf32, #tpu.memory_space<hbm>>
      %dma_start3A_997 = tpu.memref_slice %arg8[%dma_start3A_990] : memref<5x!tpu.dma_semaphore, #tpu.memory_space<semaphore_mem>> -> memref<1x!tpu.dma_semaphore, #tpu.memory_space<semaphore_mem>>
      %dma_start3A_998 = tpu.memref_squeeze %dma_start3A_997 : memref<1x!tpu.dma_semaphore, #tpu.memory_space<semaphore_mem>> -> memref<!tpu.dma_semaphore, #tpu.memory_space<semaphore_mem>>
      %dma_start3A_999 = arith.constant 0 : i32
      %dma_start3A_1000 = tpu.memref_slice %arg4[%add3A_988, %dma_start3A_999] : memref<204800x128xf32, #tpu.memory_space<hbm>> -> memref<128x128xf32, #tpu.memory_space<hbm>>
      %dma_start3A_1001 = arith.constant 0 : i32
      %dma_start3A_1002 = arith.constant 0 : i32
      %dma_start3A_1003 = tpu.memref_slice %arg6[%dma_start3A_989, %dma_start3A_1001, %dma_start3A_1002] : memref<5x128x128xf32, #tpu.memory_space<vmem>> -> memref<1x128x128xf32, #tpu.memory_space<vmem>>
      %dma_start3A_1004 = tpu.memref_squeeze %dma_start3A_1003 : memref<1x128x128xf32, #tpu.memory_space<vmem>> -> memref<128x128xf32, #tpu.memory_space<vmem>>
      tpu.enqueue_dma source(%dma_start3A_1004 : memref<128x128xf32, #tpu.memory_space<vmem>>) target(%dma_start3A_1000 : memref<128x128xf32, #tpu.memory_space<hbm>>) target_semaphore(%dma_start3A_998 : memref<!tpu.dma_semaphore, #tpu.memory_space<semaphore_mem>>)
      %add3A_1005 = arith.constant 4 : i32
      %add3A_1006 = arith.addi %mul3A_697, %add3A_1005 : i32
      %add3A_1007 = arith.constant 3 : i32
      %add3A_1008 = arith.addi %add3A_1006, %add3A_1007 : i32
      %sub3A_1009 = arith.constant 5 : i32
      %sub3A_1010 = arith.subi %add3A_1008, %sub3A_1009 : i32
      %mul3A_1011 = arith.constant 128 : i32
      %mul3A_1012 = arith.muli %sub3A_1010, %mul3A_1011 : i32
      %add3A_1013 = arith.addi %mul3A_2, %mul3A_1012 : i32
      %dma_wait3A_1014 = arith.constant 2 : i32
      %dma_wait3A_1015 = arith.constant 2 : i32
      %dma_wait3A_1016 = arith.constant 0 : i32
      %dma_wait3A_1017 = arith.constant 0 : i32
      %dma_wait3A_1018 = tpu.memref_slice %arg6[%dma_wait3A_1014, %dma_wait3A_1016, %dma_wait3A_1017] : memref<5x128x128xf32, #tpu.memory_space<vmem>> -> memref<1x128x128xf32, #tpu.memory_space<vmem>>
      %dma_wait3A_1019 = tpu.memref_squeeze %dma_wait3A_1018 : memref<1x128x128xf32, #tpu.memory_space<vmem>> -> memref<128x128xf32, #tpu.memory_space<vmem>>
      %dma_wait3A_1020 = arith.constant 0 : i32
      %dma_wait3A_1021 = tpu.memref_slice %arg4[%add3A_1013, %dma_wait3A_1020] : memref<204800x128xf32, #tpu.memory_space<hbm>> -> memref<128x128xf32, #tpu.memory_space<hbm>>
      %dma_wait3A_1022 = tpu.memref_slice %arg8[%dma_wait3A_1015] : memref<5x!tpu.dma_semaphore, #tpu.memory_space<semaphore_mem>> -> memref<1x!tpu.dma_semaphore, #tpu.memory_space<semaphore_mem>>
      %dma_wait3A_1023 = tpu.memref_squeeze %dma_wait3A_1022 : memref<1x!tpu.dma_semaphore, #tpu.memory_space<semaphore_mem>> -> memref<!tpu.dma_semaphore, #tpu.memory_space<semaphore_mem>>
      %dma_wait3A_1024 = arith.constant 0 : i32
      %dma_wait3A_1025 = tpu.memref_slice %arg4[%add3A_1013, %dma_wait3A_1024] : memref<204800x128xf32, #tpu.memory_space<hbm>> -> memref<128x128xf32, #tpu.memory_space<hbm>>
      %dma_wait3A_1026 = arith.constant 0 : i32
      %dma_wait3A_1027 = arith.constant 0 : i32
      %dma_wait3A_1028 = tpu.memref_slice %arg6[%dma_wait3A_1014, %dma_wait3A_1026, %dma_wait3A_1027] : memref<5x128x128xf32, #tpu.memory_space<vmem>> -> memref<1x128x128xf32, #tpu.memory_space<vmem>>
      %dma_wait3A_1029 = tpu.memref_squeeze %dma_wait3A_1028 : memref<1x128x128xf32, #tpu.memory_space<vmem>> -> memref<128x128xf32, #tpu.memory_space<vmem>>
      tpu.wait_dma2 semaphore(%dma_wait3A_1023 : memref<!tpu.dma_semaphore, #tpu.memory_space<semaphore_mem>>) src(%dma_wait3A_1029 : memref<128x128xf32, #tpu.memory_space<vmem>>) dst(%dma_wait3A_1025 : memref<128x128xf32, #tpu.memory_space<hbm>>)
      %add3A_1030 = arith.constant 3 : i32
      %add3A_1031 = arith.addi %add3A_1006, %add3A_1030 : i32
      %dma_start3A_1032 = arith.constant 2 : i32
      %dma_start3A_1033 = arith.constant 2 : i32
      %dma_start3A_1034 = arith.constant 0 : i32
      %dma_start3A_1035 = arith.constant 0 : i32
      %dma_start3A_1036 = tpu.memref_slice %arg6[%dma_start3A_1032, %dma_start3A_1034, %dma_start3A_1035] : memref<5x128x128xf32, #tpu.memory_space<vmem>> -> memref<1x128x128xf32, #tpu.memory_space<vmem>>
      %dma_start3A_1037 = tpu.memref_squeeze %dma_start3A_1036 : memref<1x128x128xf32, #tpu.memory_space<vmem>> -> memref<128x128xf32, #tpu.memory_space<vmem>>
      %dma_start3A_1038 = arith.constant 0 : i32
      %dma_start3A_1039 = tpu.memref_slice %arg5[%add3A_1031, %dma_start3A_1038] : memref<50x128xi32, #tpu.memory_space<vmem>> -> memref<1x128xi32, #tpu.memory_space<vmem>>
      %dma_start3A_1040 = tpu.memref_squeeze %dma_start3A_1039 : memref<1x128xi32, #tpu.memory_space<vmem>> -> memref<128xi32, #tpu.memory_space<vmem>>
      %dma_start3A_1041 = arith.constant 0 : i32
      %dma_start3A_1042 = arith.constant 0 : i32
      %dma_start3A_1043 = tpu.memref_slice %arg3[%dma_start3A_1041, %dma_start3A_1042] : memref<100000x128xf32, #tpu.memory_space<hbm>> -> memref<100000x128xf32, #tpu.memory_space<hbm>>
      %dma_start3A_1044 = tpu.memref_slice %arg7[%dma_start3A_1033] : memref<5x!tpu.dma_semaphore, #tpu.memory_space<semaphore_mem>> -> memref<1x!tpu.dma_semaphore, #tpu.memory_space<semaphore_mem>>
      %dma_start3A_1045 = tpu.memref_squeeze %dma_start3A_1044 : memref<1x!tpu.dma_semaphore, #tpu.memory_space<semaphore_mem>> -> memref<!tpu.dma_semaphore, #tpu.memory_space<semaphore_mem>>
      tpu.enqueue_indirect_dma source(%dma_start3A_1043 : memref<100000x128xf32, #tpu.memory_space<hbm>>) target(%dma_start3A_1037 : memref<128x128xf32, #tpu.memory_space<vmem>>) offsets(%dma_start3A_1040 : memref<128xi32, #tpu.memory_space<vmem>>) semaphore(%dma_start3A_1045 : memref<!tpu.dma_semaphore, #tpu.memory_space<semaphore_mem>>)
      %dma_wait3A_1046 = arith.constant 4 : i32
      %dma_wait3A_1047 = arith.constant 4 : i32
      %dma_wait3A_1048 = arith.constant 0 : i32
      %dma_wait3A_1049 = arith.constant 0 : i32
      %dma_wait3A_1050 = tpu.memref_slice %arg6[%dma_wait3A_1046, %dma_wait3A_1048, %dma_wait3A_1049] : memref<5x128x128xf32, #tpu.memory_space<vmem>> -> memref<1x128x128xf32, #tpu.memory_space<vmem>>
      %dma_wait3A_1051 = tpu.memref_squeeze %dma_wait3A_1050 : memref<1x128x128xf32, #tpu.memory_space<vmem>> -> memref<128x128xf32, #tpu.memory_space<vmem>>
      %dma_wait3A_1052 = arith.constant 0 : i32
      %dma_wait3A_1053 = tpu.memref_slice %arg5[%add3A_1006, %dma_wait3A_1052] : memref<50x128xi32, #tpu.memory_space<vmem>> -> memref<1x128xi32, #tpu.memory_space<vmem>>
      %dma_wait3A_1054 = tpu.memref_squeeze %dma_wait3A_1053 : memref<1x128xi32, #tpu.memory_space<vmem>> -> memref<128xi32, #tpu.memory_space<vmem>>
      %dma_wait3A_1055 = arith.constant 0 : i32
      %dma_wait3A_1056 = arith.constant 0 : i32
      %dma_wait3A_1057 = tpu.memref_slice %arg3[%dma_wait3A_1055, %dma_wait3A_1056] : memref<100000x128xf32, #tpu.memory_space<hbm>> -> memref<100000x128xf32, #tpu.memory_space<hbm>>
      %dma_wait3A_1058 = tpu.memref_slice %arg7[%dma_wait3A_1047] : memref<5x!tpu.dma_semaphore, #tpu.memory_space<semaphore_mem>> -> memref<1x!tpu.dma_semaphore, #tpu.memory_space<semaphore_mem>>
      %dma_wait3A_1059 = tpu.memref_squeeze %dma_wait3A_1058 : memref<1x!tpu.dma_semaphore, #tpu.memory_space<semaphore_mem>> -> memref<!tpu.dma_semaphore, #tpu.memory_space<semaphore_mem>>
      tpu.wait_indirect_dma semaphore(%dma_wait3A_1059 : memref<!tpu.dma_semaphore, #tpu.memory_space<semaphore_mem>>) src(%dma_wait3A_1057 : memref<100000x128xf32, #tpu.memory_space<hbm>>) dst(%dma_wait3A_1051 : memref<128x128xf32, #tpu.memory_space<vmem>>)
      %parallel_loop3A_1060 = arith.constant 0 : i32
      %parallel_loop3A_1061 = arith.constant 128 : i32
      %parallel_loop3A_1062 = arith.constant 1 : i32
      scf.for %parallel_loop3A_1082 = %parallel_loop3A_1060 to %parallel_loop3A_1061 step %parallel_loop3A_1062  : i32 {
        %parallel_loop3A_1083 = arith.constant 4 : i32
        %parallel_loop3A_1084 = arith.index_cast %parallel_loop3A_1083 : i32 to index
        %parallel_loop3A_1085 = arith.index_cast %parallel_loop3A_1082 : i32 to index
        %parallel_loop3A_1086 = arith.constant 0 : index
        %parallel_loop3A_1087 = tpu.vector_load %arg6[%parallel_loop3A_1084, %parallel_loop3A_1085, %parallel_loop3A_1086] {strides = array<i32>} : memref<5x128x128xf32, #tpu.memory_space<vmem>>, vector<1x1x16xf32>,
        %parallel_loop3A_1088 = vector.shape_cast %parallel_loop3A_1087 : vector<1x1x16xf32> to vector<16xf32>
        %parallel_loop3A_1089 = arith.constant 11.3137083 : f32
        %parallel_loop3A_1090 = vector.broadcast %parallel_loop3A_1089 : f32 to vector<16xf32>
        %parallel_loop3A_1091 = arith.mulf %parallel_loop3A_1088, %parallel_loop3A_1090 : vector<16xf32>
        %parallel_loop3A_1092 = arith.constant 4 : i32
        %parallel_loop3A_1093 = arith.index_cast %parallel_loop3A_1092 : i32 to index
        %parallel_loop3A_1094 = arith.index_cast %parallel_loop3A_1082 : i32 to index
        %parallel_loop3A_1095 = arith.constant 0 : index
        %parallel_loop3A_1096 = tpu.vector_load %arg6[%parallel_loop3A_1093, %parallel_loop3A_1094, %parallel_loop3A_1095] {strides = array<i32>} : memref<5x128x128xf32, #tpu.memory_space<vmem>>, vector<1x1x16xf32>,
        %parallel_loop3A_1097 = vector.shape_cast %parallel_loop3A_1096 : vector<1x1x16xf32> to vector<16xf32>
        %parallel_loop3A_1098 = vector.shape_cast %parallel_loop3A_1091 : vector<16xf32> to vector<1x1x16xf32>
        tpu.vector_store %arg6[%parallel_loop3A_1093, %parallel_loop3A_1094, %parallel_loop3A_1095], %parallel_loop3A_1098 {strides = array<i32>} : memref<5x128x128xf32, #tpu.memory_space<vmem>>, vector<1x1x16xf32>,
        %parallel_loop3A_1099 = arith.constant 4 : i32
        %parallel_loop3A_1100 = arith.index_cast %parallel_loop3A_1099 : i32 to index
        %parallel_loop3A_1101 = arith.index_cast %parallel_loop3A_1082 : i32 to index
        %parallel_loop3A_1102 = arith.constant 16 : index
        %parallel_loop3A_1103 = tpu.vector_load %arg6[%parallel_loop3A_1100, %parallel_loop3A_1101, %parallel_loop3A_1102] {strides = array<i32>} : memref<5x128x128xf32, #tpu.memory_space<vmem>>, vector<1x1x16xf32>,
        %parallel_loop3A_1104 = vector.shape_cast %parallel_loop3A_1103 : vector<1x1x16xf32> to vector<16xf32>
        %parallel_loop3A_1105 = arith.constant 11.3137083 : f32
        %parallel_loop3A_1106 = vector.broadcast %parallel_loop3A_1105 : f32 to vector<16xf32>
        %parallel_loop3A_1107 = arith.mulf %parallel_loop3A_1104, %parallel_loop3A_1106 : vector<16xf32>
        %parallel_loop3A_1108 = arith.constant 4 : i32
        %parallel_loop3A_1109 = arith.index_cast %parallel_loop3A_1108 : i32 to index
        %parallel_loop3A_1110 = arith.index_cast %parallel_loop3A_1082 : i32 to index
        %parallel_loop3A_1111 = arith.constant 16 : index
        %parallel_loop3A_1112 = tpu.vector_load %arg6[%parallel_loop3A_1109, %parallel_loop3A_1110, %parallel_loop3A_1111] {strides = array<i32>} : memref<5x128x128xf32, #tpu.memory_space<vmem>>, vector<1x1x16xf32>,
        %parallel_loop3A_1113 = vector.shape_cast %parallel_loop3A_1112 : vector<1x1x16xf32> to vector<16xf32>
        %parallel_loop3A_1114 = vector.shape_cast %parallel_loop3A_1107 : vector<16xf32> to vector<1x1x16xf32>
        tpu.vector_store %arg6[%parallel_loop3A_1109, %parallel_loop3A_1110, %parallel_loop3A_1111], %parallel_loop3A_1114 {strides = array<i32>} : memref<5x128x128xf32, #tpu.memory_space<vmem>>, vector<1x1x16xf32>,
        %parallel_loop3A_1115 = arith.constant 4 : i32
        %parallel_loop3A_1116 = arith.index_cast %parallel_loop3A_1115 : i32 to index
        %parallel_loop3A_1117 = arith.index_cast %parallel_loop3A_1082 : i32 to index
        %parallel_loop3A_1118 = arith.constant 32 : index
        %parallel_loop3A_1119 = tpu.vector_load %arg6[%parallel_loop3A_1116, %parallel_loop3A_1117, %parallel_loop3A_1118] {strides = array<i32>} : memref<5x128x128xf32, #tpu.memory_space<vmem>>, vector<1x1x16xf32>,
        %parallel_loop3A_1120 = vector.shape_cast %parallel_loop3A_1119 : vector<1x1x16xf32> to vector<16xf32>
        %parallel_loop3A_1121 = arith.constant 11.3137083 : f32
        %parallel_loop3A_1122 = vector.broadcast %parallel_loop3A_1121 : f32 to vector<16xf32>
        %parallel_loop3A_1123 = arith.mulf %parallel_loop3A_1120, %parallel_loop3A_1122 : vector<16xf32>
        %parallel_loop3A_1124 = arith.constant 4 : i32
        %parallel_loop3A_1125 = arith.index_cast %parallel_loop3A_1124 : i32 to index
        %parallel_loop3A_1126 = arith.index_cast %parallel_loop3A_1082 : i32 to index
        %parallel_loop3A_1127 = arith.constant 32 : index
        %parallel_loop3A_1128 = tpu.vector_load %arg6[%parallel_loop3A_1125, %parallel_loop3A_1126, %parallel_loop3A_1127] {strides = array<i32>} : memref<5x128x128xf32, #tpu.memory_space<vmem>>, vector<1x1x16xf32>,
        %parallel_loop3A_1129 = vector.shape_cast %parallel_loop3A_1128 : vector<1x1x16xf32> to vector<16xf32>
        %parallel_loop3A_1130 = vector.shape_cast %parallel_loop3A_1123 : vector<16xf32> to vector<1x1x16xf32>
        tpu.vector_store %arg6[%parallel_loop3A_1125, %parallel_loop3A_1126, %parallel_loop3A_1127], %parallel_loop3A_1130 {strides = array<i32>} : memref<5x128x128xf32, #tpu.memory_space<vmem>>, vector<1x1x16xf32>,
        %parallel_loop3A_1131 = arith.constant 4 : i32
        %parallel_loop3A_1132 = arith.index_cast %parallel_loop3A_1131 : i32 to index
        %parallel_loop3A_1133 = arith.index_cast %parallel_loop3A_1082 : i32 to index
        %parallel_loop3A_1134 = arith.constant 48 : index
        %parallel_loop3A_1135 = tpu.vector_load %arg6[%parallel_loop3A_1132, %parallel_loop3A_1133, %parallel_loop3A_1134] {strides = array<i32>} : memref<5x128x128xf32, #tpu.memory_space<vmem>>, vector<1x1x16xf32>,
        %parallel_loop3A_1136 = vector.shape_cast %parallel_loop3A_1135 : vector<1x1x16xf32> to vector<16xf32>
        %parallel_loop3A_1137 = arith.constant 11.3137083 : f32
        %parallel_loop3A_1138 = vector.broadcast %parallel_loop3A_1137 : f32 to vector<16xf32>
        %parallel_loop3A_1139 = arith.mulf %parallel_loop3A_1136, %parallel_loop3A_1138 : vector<16xf32>
        %parallel_loop3A_1140 = arith.constant 4 : i32
        %parallel_loop3A_1141 = arith.index_cast %parallel_loop3A_1140 : i32 to index
        %parallel_loop3A_1142 = arith.index_cast %parallel_loop3A_1082 : i32 to index
        %parallel_loop3A_1143 = arith.constant 48 : index
        %parallel_loop3A_1144 = tpu.vector_load %arg6[%parallel_loop3A_1141, %parallel_loop3A_1142, %parallel_loop3A_1143] {strides = array<i32>} : memref<5x128x128xf32, #tpu.memory_space<vmem>>, vector<1x1x16xf32>,
        %parallel_loop3A_1145 = vector.shape_cast %parallel_loop3A_1144 : vector<1x1x16xf32> to vector<16xf32>
        %parallel_loop3A_1146 = vector.shape_cast %parallel_loop3A_1139 : vector<16xf32> to vector<1x1x16xf32>
        tpu.vector_store %arg6[%parallel_loop3A_1141, %parallel_loop3A_1142, %parallel_loop3A_1143], %parallel_loop3A_1146 {strides = array<i32>} : memref<5x128x128xf32, #tpu.memory_space<vmem>>, vector<1x1x16xf32>,
        %parallel_loop3A_1147 = arith.constant 4 : i32
        %parallel_loop3A_1148 = arith.index_cast %parallel_loop3A_1147 : i32 to index
        %parallel_loop3A_1149 = arith.index_cast %parallel_loop3A_1082 : i32 to index
        %parallel_loop3A_1150 = arith.constant 64 : index
        %parallel_loop3A_1151 = tpu.vector_load %arg6[%parallel_loop3A_1148, %parallel_loop3A_1149, %parallel_loop3A_1150] {strides = array<i32>} : memref<5x128x128xf32, #tpu.memory_space<vmem>>, vector<1x1x16xf32>,
        %parallel_loop3A_1152 = vector.shape_cast %parallel_loop3A_1151 : vector<1x1x16xf32> to vector<16xf32>
        %parallel_loop3A_1153 = arith.constant 11.3137083 : f32
        %parallel_loop3A_1154 = vector.broadcast %parallel_loop3A_1153 : f32 to vector<16xf32>
        %parallel_loop3A_1155 = arith.mulf %parallel_loop3A_1152, %parallel_loop3A_1154 : vector<16xf32>
        %parallel_loop3A_1156 = arith.constant 4 : i32
        %parallel_loop3A_1157 = arith.index_cast %parallel_loop3A_1156 : i32 to index
        %parallel_loop3A_1158 = arith.index_cast %parallel_loop3A_1082 : i32 to index
        %parallel_loop3A_1159 = arith.constant 64 : index
        %parallel_loop3A_1160 = tpu.vector_load %arg6[%parallel_loop3A_1157, %parallel_loop3A_1158, %parallel_loop3A_1159] {strides = array<i32>} : memref<5x128x128xf32, #tpu.memory_space<vmem>>, vector<1x1x16xf32>,
        %parallel_loop3A_1161 = vector.shape_cast %parallel_loop3A_1160 : vector<1x1x16xf32> to vector<16xf32>
        %parallel_loop3A_1162 = vector.shape_cast %parallel_loop3A_1155 : vector<16xf32> to vector<1x1x16xf32>
        tpu.vector_store %arg6[%parallel_loop3A_1157, %parallel_loop3A_1158, %parallel_loop3A_1159], %parallel_loop3A_1162 {strides = array<i32>} : memref<5x128x128xf32, #tpu.memory_space<vmem>>, vector<1x1x16xf32>,
        %parallel_loop3A_1163 = arith.constant 4 : i32
        %parallel_loop3A_1164 = arith.index_cast %parallel_loop3A_1163 : i32 to index
        %parallel_loop3A_1165 = arith.index_cast %parallel_loop3A_1082 : i32 to index
        %parallel_loop3A_1166 = arith.constant 80 : index
        %parallel_loop3A_1167 = tpu.vector_load %arg6[%parallel_loop3A_1164, %parallel_loop3A_1165, %parallel_loop3A_1166] {strides = array<i32>} : memref<5x128x128xf32, #tpu.memory_space<vmem>>, vector<1x1x16xf32>,
        %parallel_loop3A_1168 = vector.shape_cast %parallel_loop3A_1167 : vector<1x1x16xf32> to vector<16xf32>
        %parallel_loop3A_1169 = arith.constant 11.3137083 : f32
        %parallel_loop3A_1170 = vector.broadcast %parallel_loop3A_1169 : f32 to vector<16xf32>
        %parallel_loop3A_1171 = arith.mulf %parallel_loop3A_1168, %parallel_loop3A_1170 : vector<16xf32>
        %parallel_loop3A_1172 = arith.constant 4 : i32
        %parallel_loop3A_1173 = arith.index_cast %parallel_loop3A_1172 : i32 to index
        %parallel_loop3A_1174 = arith.index_cast %parallel_loop3A_1082 : i32 to index
        %parallel_loop3A_1175 = arith.constant 80 : index
        %parallel_loop3A_1176 = tpu.vector_load %arg6[%parallel_loop3A_1173, %parallel_loop3A_1174, %parallel_loop3A_1175] {strides = array<i32>} : memref<5x128x128xf32, #tpu.memory_space<vmem>>, vector<1x1x16xf32>,
        %parallel_loop3A_1177 = vector.shape_cast %parallel_loop3A_1176 : vector<1x1x16xf32> to vector<16xf32>
        %parallel_loop3A_1178 = vector.shape_cast %parallel_loop3A_1171 : vector<16xf32> to vector<1x1x16xf32>
        tpu.vector_store %arg6[%parallel_loop3A_1173, %parallel_loop3A_1174, %parallel_loop3A_1175], %parallel_loop3A_1178 {strides = array<i32>} : memref<5x128x128xf32, #tpu.memory_space<vmem>>, vector<1x1x16xf32>,
        %parallel_loop3A_1179 = arith.constant 4 : i32
        %parallel_loop3A_1180 = arith.index_cast %parallel_loop3A_1179 : i32 to index
        %parallel_loop3A_1181 = arith.index_cast %parallel_loop3A_1082 : i32 to index
        %parallel_loop3A_1182 = arith.constant 96 : index
        %parallel_loop3A_1183 = tpu.vector_load %arg6[%parallel_loop3A_1180, %parallel_loop3A_1181, %parallel_loop3A_1182] {strides = array<i32>} : memref<5x128x128xf32, #tpu.memory_space<vmem>>, vector<1x1x16xf32>,
        %parallel_loop3A_1184 = vector.shape_cast %parallel_loop3A_1183 : vector<1x1x16xf32> to vector<16xf32>
        %parallel_loop3A_1185 = arith.constant 11.3137083 : f32
        %parallel_loop3A_1186 = vector.broadcast %parallel_loop3A_1185 : f32 to vector<16xf32>
        %parallel_loop3A_1187 = arith.mulf %parallel_loop3A_1184, %parallel_loop3A_1186 : vector<16xf32>
        %parallel_loop3A_1188 = arith.constant 4 : i32
        %parallel_loop3A_1189 = arith.index_cast %parallel_loop3A_1188 : i32 to index
        %parallel_loop3A_1190 = arith.index_cast %parallel_loop3A_1082 : i32 to index
        %parallel_loop3A_1191 = arith.constant 96 : index
        %parallel_loop3A_1192 = tpu.vector_load %arg6[%parallel_loop3A_1189, %parallel_loop3A_1190, %parallel_loop3A_1191] {strides = array<i32>} : memref<5x128x128xf32, #tpu.memory_space<vmem>>, vector<1x1x16xf32>,
        %parallel_loop3A_1193 = vector.shape_cast %parallel_loop3A_1192 : vector<1x1x16xf32> to vector<16xf32>
        %parallel_loop3A_1194 = vector.shape_cast %parallel_loop3A_1187 : vector<16xf32> to vector<1x1x16xf32>
        tpu.vector_store %arg6[%parallel_loop3A_1189, %parallel_loop3A_1190, %parallel_loop3A_1191], %parallel_loop3A_1194 {strides = array<i32>} : memref<5x128x128xf32, #tpu.memory_space<vmem>>, vector<1x1x16xf32>,
        %parallel_loop3A_1195 = arith.constant 4 : i32
        %parallel_loop3A_1196 = arith.index_cast %parallel_loop3A_1195 : i32 to index
        %parallel_loop3A_1197 = arith.index_cast %parallel_loop3A_1082 : i32 to index
        %parallel_loop3A_1198 = arith.constant 112 : index
        %parallel_loop3A_1199 = tpu.vector_load %arg6[%parallel_loop3A_1196, %parallel_loop3A_1197, %parallel_loop3A_1198] {strides = array<i32>} : memref<5x128x128xf32, #tpu.memory_space<vmem>>, vector<1x1x16xf32>,
        %parallel_loop3A_1200 = vector.shape_cast %parallel_loop3A_1199 : vector<1x1x16xf32> to vector<16xf32>
        %parallel_loop3A_1201 = arith.constant 11.3137083 : f32
        %parallel_loop3A_1202 = vector.broadcast %parallel_loop3A_1201 : f32 to vector<16xf32>
        %parallel_loop3A_1203 = arith.mulf %parallel_loop3A_1200, %parallel_loop3A_1202 : vector<16xf32>
        %parallel_loop3A_1204 = arith.constant 4 : i32
        %parallel_loop3A_1205 = arith.index_cast %parallel_loop3A_1204 : i32 to index
        %parallel_loop3A_1206 = arith.index_cast %parallel_loop3A_1082 : i32 to index
        %parallel_loop3A_1207 = arith.constant 112 : index
        %parallel_loop3A_1208 = tpu.vector_load %arg6[%parallel_loop3A_1205, %parallel_loop3A_1206, %parallel_loop3A_1207] {strides = array<i32>} : memref<5x128x128xf32, #tpu.memory_space<vmem>>, vector<1x1x16xf32>,
        %parallel_loop3A_1209 = vector.shape_cast %parallel_loop3A_1208 : vector<1x1x16xf32> to vector<16xf32>
        %parallel_loop3A_1210 = vector.shape_cast %parallel_loop3A_1203 : vector<16xf32> to vector<1x1x16xf32>
        tpu.vector_store %arg6[%parallel_loop3A_1205, %parallel_loop3A_1206, %parallel_loop3A_1207], %parallel_loop3A_1210 {strides = array<i32>} : memref<5x128x128xf32, #tpu.memory_space<vmem>>, vector<1x1x16xf32>,
      } {sc.loop_unroll_factor = 4 : i64, sc.parallel_access}
      %mul3A_1063 = arith.constant 128 : i32
      %mul3A_1064 = arith.muli %add3A_1006, %mul3A_1063 : i32
      %add3A_1065 = arith.addi %mul3A_2, %mul3A_1064 : i32
      %dma_start3A_1066 = arith.constant 4 : i32
      %dma_start3A_1067 = arith.constant 4 : i32
      %dma_start3A_1068 = arith.constant 0 : i32
      %dma_start3A_1069 = arith.constant 0 : i32
      %dma_start3A_1070 = tpu.memref_slice %arg6[%dma_start3A_1066, %dma_start3A_1068, %dma_start3A_1069] : memref<5x128x128xf32, #tpu.memory_space<vmem>> -> memref<1x128x128xf32, #tpu.memory_space<vmem>>
      %dma_start3A_1071 = tpu.memref_squeeze %dma_start3A_1070 : memref<1x128x128xf32, #tpu.memory_space<vmem>> -> memref<128x128xf32, #tpu.memory_space<vmem>>
      %dma_start3A_1072 = arith.constant 0 : i32
      %dma_start3A_1073 = tpu.memref_slice %arg4[%add3A_1065, %dma_start3A_1072] : memref<204800x128xf32, #tpu.memory_space<hbm>> -> memref<128x128xf32, #tpu.memory_space<hbm>>
      %dma_start3A_1074 = tpu.memref_slice %arg8[%dma_start3A_1067] : memref<5x!tpu.dma_semaphore, #tpu.memory_space<semaphore_mem>> -> memref<1x!tpu.dma_semaphore, #tpu.memory_space<semaphore_mem>>
      %dma_start3A_1075 = tpu.memref_squeeze %dma_start3A_1074 : memref<1x!tpu.dma_semaphore, #tpu.memory_space<semaphore_mem>> -> memref<!tpu.dma_semaphore, #tpu.memory_space<semaphore_mem>>
      %dma_start3A_1076 = arith.constant 0 : i32
      %dma_start3A_1077 = tpu.memref_slice %arg4[%add3A_1065, %dma_start3A_1076] : memref<204800x128xf32, #tpu.memory_space<hbm>> -> memref<128x128xf32, #tpu.memory_space<hbm>>
      %dma_start3A_1078 = arith.constant 0 : i32
      %dma_start3A_1079 = arith.constant 0 : i32
      %dma_start3A_1080 = tpu.memref_slice %arg6[%dma_start3A_1066, %dma_start3A_1078, %dma_start3A_1079] : memref<5x128x128xf32, #tpu.memory_space<vmem>> -> memref<1x128x128xf32, #tpu.memory_space<vmem>>
      %dma_start3A_1081 = tpu.memref_squeeze %dma_start3A_1080 : memref<1x128x128xf32, #tpu.memory_space<vmem>> -> memref<128x128xf32, #tpu.memory_space<vmem>>
      tpu.enqueue_dma source(%dma_start3A_1081 : memref<128x128xf32, #tpu.memory_space<vmem>>) target(%dma_start3A_1077 : memref<128x128xf32, #tpu.memory_space<hbm>>) target_semaphore(%dma_start3A_1075 : memref<!tpu.dma_semaphore, #tpu.memory_space<semaphore_mem>>)
    }
    %scan3A_358 = arith.constant 8 : i32
    %add3A_359 = arith.constant 5504 : i32
    %add3A_360 = arith.addi %mul3A_2, %add3A_359 : i32
    %dma_wait3A_361 = arith.constant 3 : i32
    %dma_wait3A_362 = arith.constant 3 : i32
    %dma_wait3A_363 = arith.constant 0 : i32
    %dma_wait3A_364 = arith.constant 0 : i32
    %dma_wait3A_365 = tpu.memref_slice %arg6[%dma_wait3A_361, %dma_wait3A_363, %dma_wait3A_364] : memref<5x128x128xf32, #tpu.memory_space<vmem>> -> memref<1x128x128xf32, #tpu.memory_space<vmem>>
    %dma_wait3A_366 = tpu.memref_squeeze %dma_wait3A_365 : memref<1x128x128xf32, #tpu.memory_space<vmem>> -> memref<128x128xf32, #tpu.memory_space<vmem>>
    %dma_wait3A_367 = arith.constant 0 : i32
    %dma_wait3A_368 = tpu.memref_slice %arg4[%add3A_360, %dma_wait3A_367] : memref<204800x128xf32, #tpu.memory_space<hbm>> -> memref<128x128xf32, #tpu.memory_space<hbm>>
    %dma_wait3A_369 = tpu.memref_slice %arg8[%dma_wait3A_362] : memref<5x!tpu.dma_semaphore, #tpu.memory_space<semaphore_mem>> -> memref<1x!tpu.dma_semaphore, #tpu.memory_space<semaphore_mem>>
    %dma_wait3A_370 = tpu.memref_squeeze %dma_wait3A_369 : memref<1x!tpu.dma_semaphore, #tpu.memory_space<semaphore_mem>> -> memref<!tpu.dma_semaphore, #tpu.memory_space<semaphore_mem>>
    %dma_wait3A_371 = arith.constant 0 : i32
    %dma_wait3A_372 = tpu.memref_slice %arg4[%add3A_360, %dma_wait3A_371] : memref<204800x128xf32, #tpu.memory_space<hbm>> -> memref<128x128xf32, #tpu.memory_space<hbm>>
    %dma_wait3A_373 = arith.constant 0 : i32
    %dma_wait3A_374 = arith.constant 0 : i32
    %dma_wait3A_375 = tpu.memref_slice %arg6[%dma_wait3A_361, %dma_wait3A_373, %dma_wait3A_374] : memref<5x128x128xf32, #tpu.memory_space<vmem>> -> memref<1x128x128xf32, #tpu.memory_space<vmem>>
    %dma_wait3A_376 = tpu.memref_squeeze %dma_wait3A_375 : memref<1x128x128xf32, #tpu.memory_space<vmem>> -> memref<128x128xf32, #tpu.memory_space<vmem>>
    tpu.wait_dma2 semaphore(%dma_wait3A_370 : memref<!tpu.dma_semaphore, #tpu.memory_space<semaphore_mem>>) src(%dma_wait3A_376 : memref<128x128xf32, #tpu.memory_space<vmem>>) dst(%dma_wait3A_372 : memref<128x128xf32, #tpu.memory_space<hbm>>)
    %dma_start3A_377 = arith.constant 48 : i32
    %dma_start3A_378 = arith.constant 3 : i32
    %dma_start3A_379 = arith.constant 3 : i32
    %dma_start3A_380 = arith.constant 0 : i32
    %dma_start3A_381 = arith.constant 0 : i32
    %dma_start3A_382 = tpu.memref_slice %arg6[%dma_start3A_378, %dma_start3A_380, %dma_start3A_381] : memref<5x128x128xf32, #tpu.memory_space<vmem>> -> memref<1x128x128xf32, #tpu.memory_space<vmem>>
    %dma_start3A_383 = tpu.memref_squeeze %dma_start3A_382 : memref<1x128x128xf32, #tpu.memory_space<vmem>> -> memref<128x128xf32, #tpu.memory_space<vmem>>
    %dma_start3A_384 = arith.constant 0 : i32
    %dma_start3A_385 = tpu.memref_slice %arg5[%dma_start3A_377, %dma_start3A_384] : memref<50x128xi32, #tpu.memory_space<vmem>> -> memref<1x128xi32, #tpu.memory_space<vmem>>
    %dma_start3A_386 = tpu.memref_squeeze %dma_start3A_385 : memref<1x128xi32, #tpu.memory_space<vmem>> -> memref<128xi32, #tpu.memory_space<vmem>>
    %dma_start3A_387 = arith.constant 0 : i32
    %dma_start3A_388 = arith.constant 0 : i32
    %dma_start3A_389 = tpu.memref_slice %arg3[%dma_start3A_387, %dma_start3A_388] : memref<100000x128xf32, #tpu.memory_space<hbm>> -> memref<100000x128xf32, #tpu.memory_space<hbm>>
    %dma_start3A_390 = tpu.memref_slice %arg7[%dma_start3A_379] : memref<5x!tpu.dma_semaphore, #tpu.memory_space<semaphore_mem>> -> memref<1x!tpu.dma_semaphore, #tpu.memory_space<semaphore_mem>>
    %dma_start3A_391 = tpu.memref_squeeze %dma_start3A_390 : memref<1x!tpu.dma_semaphore, #tpu.memory_space<semaphore_mem>> -> memref<!tpu.dma_semaphore, #tpu.memory_space<semaphore_mem>>
    tpu.enqueue_indirect_dma source(%dma_start3A_389 : memref<100000x128xf32, #tpu.memory_space<hbm>>) target(%dma_start3A_383 : memref<128x128xf32, #tpu.memory_space<vmem>>) offsets(%dma_start3A_386 : memref<128xi32, #tpu.memory_space<vmem>>) semaphore(%dma_start3A_391 : memref<!tpu.dma_semaphore, #tpu.memory_space<semaphore_mem>>)
    %dma_wait3A_392 = arith.constant 45 : i32
    %dma_wait3A_393 = arith.constant 0 : i32
    %dma_wait3A_394 = arith.constant 0 : i32
    %dma_wait3A_395 = arith.constant 0 : i32
    %dma_wait3A_396 = arith.constant 0 : i32
    %dma_wait3A_397 = tpu.memref_slice %arg6[%dma_wait3A_393, %dma_wait3A_395, %dma_wait3A_396] : memref<5x128x128xf32, #tpu.memory_space<vmem>> -> memref<1x128x128xf32, #tpu.memory_space<vmem>>
    %dma_wait3A_398 = tpu.memref_squeeze %dma_wait3A_397 : memref<1x128x128xf32, #tpu.memory_space<vmem>> -> memref<128x128xf32, #tpu.memory_space<vmem>>
    %dma_wait3A_399 = arith.constant 0 : i32
    %dma_wait3A_400 = tpu.memref_slice %arg5[%dma_wait3A_392, %dma_wait3A_399] : memref<50x128xi32, #tpu.memory_space<vmem>> -> memref<1x128xi32, #tpu.memory_space<vmem>>
    %dma_wait3A_401 = tpu.memref_squeeze %dma_wait3A_400 : memref<1x128xi32, #tpu.memory_space<vmem>> -> memref<128xi32, #tpu.memory_space<vmem>>
    %dma_wait3A_402 = arith.constant 0 : i32
    %dma_wait3A_403 = arith.constant 0 : i32
    %dma_wait3A_404 = tpu.memref_slice %arg3[%dma_wait3A_402, %dma_wait3A_403] : memref<100000x128xf32, #tpu.memory_space<hbm>> -> memref<100000x128xf32, #tpu.memory_space<hbm>>
    %dma_wait3A_405 = tpu.memref_slice %arg7[%dma_wait3A_394] : memref<5x!tpu.dma_semaphore, #tpu.memory_space<semaphore_mem>> -> memref<1x!tpu.dma_semaphore, #tpu.memory_space<semaphore_mem>>
    %dma_wait3A_406 = tpu.memref_squeeze %dma_wait3A_405 : memref<1x!tpu.dma_semaphore, #tpu.memory_space<semaphore_mem>> -> memref<!tpu.dma_semaphore, #tpu.memory_space<semaphore_mem>>
    tpu.wait_indirect_dma semaphore(%dma_wait3A_406 : memref<!tpu.dma_semaphore, #tpu.memory_space<semaphore_mem>>) src(%dma_wait3A_404 : memref<100000x128xf32, #tpu.memory_space<hbm>>) dst(%dma_wait3A_398 : memref<128x128xf32, #tpu.memory_space<vmem>>)
    %parallel_loop3A_407 = arith.constant 0 : i32
    %parallel_loop3A_408 = arith.constant 128 : i32
    %parallel_loop3A_409 = arith.constant 1 : i32
    scf.for %parallel_loop3A_695 = %parallel_loop3A_407 to %parallel_loop3A_408 step %parallel_loop3A_409  : i32 {
      %parallel_loop3A_696 = arith.constant 0 : i32
      %parallel_loop3A_697 = arith.index_cast %parallel_loop3A_696 : i32 to index
      %parallel_loop3A_698 = arith.index_cast %parallel_loop3A_695 : i32 to index
      %parallel_loop3A_699 = arith.constant 0 : index
      %parallel_loop3A_700 = tpu.vector_load %arg6[%parallel_loop3A_697, %parallel_loop3A_698, %parallel_loop3A_699] {strides = array<i32>} : memref<5x128x128xf32, #tpu.memory_space<vmem>>, vector<1x1x16xf32>,
      %parallel_loop3A_701 = vector.shape_cast %parallel_loop3A_700 : vector<1x1x16xf32> to vector<16xf32>
      %parallel_loop3A_702 = arith.constant 11.3137083 : f32
      %parallel_loop3A_703 = vector.broadcast %parallel_loop3A_702 : f32 to vector<16xf32>
      %parallel_loop3A_704 = arith.mulf %parallel_loop3A_701, %parallel_loop3A_703 : vector<16xf32>
      %parallel_loop3A_705 = arith.constant 0 : i32
      %parallel_loop3A_706 = arith.index_cast %parallel_loop3A_705 : i32 to index
      %parallel_loop3A_707 = arith.index_cast %parallel_loop3A_695 : i32 to index
      %parallel_loop3A_708 = arith.constant 0 : index
      %parallel_loop3A_709 = tpu.vector_load %arg6[%parallel_loop3A_706, %parallel_loop3A_707, %parallel_loop3A_708] {strides = array<i32>} : memref<5x128x128xf32, #tpu.memory_space<vmem>>, vector<1x1x16xf32>,
      %parallel_loop3A_710 = vector.shape_cast %parallel_loop3A_709 : vector<1x1x16xf32> to vector<16xf32>
      %parallel_loop3A_711 = vector.shape_cast %parallel_loop3A_704 : vector<16xf32> to vector<1x1x16xf32>
      tpu.vector_store %arg6[%parallel_loop3A_706, %parallel_loop3A_707, %parallel_loop3A_708], %parallel_loop3A_711 {strides = array<i32>} : memref<5x128x128xf32, #tpu.memory_space<vmem>>, vector<1x1x16xf32>,
      %parallel_loop3A_712 = arith.constant 0 : i32
      %parallel_loop3A_713 = arith.index_cast %parallel_loop3A_712 : i32 to index
      %parallel_loop3A_714 = arith.index_cast %parallel_loop3A_695 : i32 to index
      %parallel_loop3A_715 = arith.constant 16 : index
      %parallel_loop3A_716 = tpu.vector_load %arg6[%parallel_loop3A_713, %parallel_loop3A_714, %parallel_loop3A_715] {strides = array<i32>} : memref<5x128x128xf32, #tpu.memory_space<vmem>>, vector<1x1x16xf32>,
      %parallel_loop3A_717 = vector.shape_cast %parallel_loop3A_716 : vector<1x1x16xf32> to vector<16xf32>
      %parallel_loop3A_718 = arith.constant 11.3137083 : f32
      %parallel_loop3A_719 = vector.broadcast %parallel_loop3A_718 : f32 to vector<16xf32>
      %parallel_loop3A_720 = arith.mulf %parallel_loop3A_717, %parallel_loop3A_719 : vector<16xf32>
      %parallel_loop3A_721 = arith.constant 0 : i32
      %parallel_loop3A_722 = arith.index_cast %parallel_loop3A_721 : i32 to index
      %parallel_loop3A_723 = arith.index_cast %parallel_loop3A_695 : i32 to index
      %parallel_loop3A_724 = arith.constant 16 : index
      %parallel_loop3A_725 = tpu.vector_load %arg6[%parallel_loop3A_722, %parallel_loop3A_723, %parallel_loop3A_724] {strides = array<i32>} : memref<5x128x128xf32, #tpu.memory_space<vmem>>, vector<1x1x16xf32>,
      %parallel_loop3A_726 = vector.shape_cast %parallel_loop3A_725 : vector<1x1x16xf32> to vector<16xf32>
      %parallel_loop3A_727 = vector.shape_cast %parallel_loop3A_720 : vector<16xf32> to vector<1x1x16xf32>
      tpu.vector_store %arg6[%parallel_loop3A_722, %parallel_loop3A_723, %parallel_loop3A_724], %parallel_loop3A_727 {strides = array<i32>} : memref<5x128x128xf32, #tpu.memory_space<vmem>>, vector<1x1x16xf32>,
      %parallel_loop3A_728 = arith.constant 0 : i32
      %parallel_loop3A_729 = arith.index_cast %parallel_loop3A_728 : i32 to index
      %parallel_loop3A_730 = arith.index_cast %parallel_loop3A_695 : i32 to index
      %parallel_loop3A_731 = arith.constant 32 : index
      %parallel_loop3A_732 = tpu.vector_load %arg6[%parallel_loop3A_729, %parallel_loop3A_730, %parallel_loop3A_731] {strides = array<i32>} : memref<5x128x128xf32, #tpu.memory_space<vmem>>, vector<1x1x16xf32>,
      %parallel_loop3A_733 = vector.shape_cast %parallel_loop3A_732 : vector<1x1x16xf32> to vector<16xf32>
      %parallel_loop3A_734 = arith.constant 11.3137083 : f32
      %parallel_loop3A_735 = vector.broadcast %parallel_loop3A_734 : f32 to vector<16xf32>
      %parallel_loop3A_736 = arith.mulf %parallel_loop3A_733, %parallel_loop3A_735 : vector<16xf32>
      %parallel_loop3A_737 = arith.constant 0 : i32
      %parallel_loop3A_738 = arith.index_cast %parallel_loop3A_737 : i32 to index
      %parallel_loop3A_739 = arith.index_cast %parallel_loop3A_695 : i32 to index
      %parallel_loop3A_740 = arith.constant 32 : index
      %parallel_loop3A_741 = tpu.vector_load %arg6[%parallel_loop3A_738, %parallel_loop3A_739, %parallel_loop3A_740] {strides = array<i32>} : memref<5x128x128xf32, #tpu.memory_space<vmem>>, vector<1x1x16xf32>,
      %parallel_loop3A_742 = vector.shape_cast %parallel_loop3A_741 : vector<1x1x16xf32> to vector<16xf32>
      %parallel_loop3A_743 = vector.shape_cast %parallel_loop3A_736 : vector<16xf32> to vector<1x1x16xf32>
      tpu.vector_store %arg6[%parallel_loop3A_738, %parallel_loop3A_739, %parallel_loop3A_740], %parallel_loop3A_743 {strides = array<i32>} : memref<5x128x128xf32, #tpu.memory_space<vmem>>, vector<1x1x16xf32>,
      %parallel_loop3A_744 = arith.constant 0 : i32
      %parallel_loop3A_745 = arith.index_cast %parallel_loop3A_744 : i32 to index
      %parallel_loop3A_746 = arith.index_cast %parallel_loop3A_695 : i32 to index
      %parallel_loop3A_747 = arith.constant 48 : index
      %parallel_loop3A_748 = tpu.vector_load %arg6[%parallel_loop3A_745, %parallel_loop3A_746, %parallel_loop3A_747] {strides = array<i32>} : memref<5x128x128xf32, #tpu.memory_space<vmem>>, vector<1x1x16xf32>,
      %parallel_loop3A_749 = vector.shape_cast %parallel_loop3A_748 : vector<1x1x16xf32> to vector<16xf32>
      %parallel_loop3A_750 = arith.constant 11.3137083 : f32
      %parallel_loop3A_751 = vector.broadcast %parallel_loop3A_750 : f32 to vector<16xf32>
      %parallel_loop3A_752 = arith.mulf %parallel_loop3A_749, %parallel_loop3A_751 : vector<16xf32>
      %parallel_loop3A_753 = arith.constant 0 : i32
      %parallel_loop3A_754 = arith.index_cast %parallel_loop3A_753 : i32 to index
      %parallel_loop3A_755 = arith.index_cast %parallel_loop3A_695 : i32 to index
      %parallel_loop3A_756 = arith.constant 48 : index
      %parallel_loop3A_757 = tpu.vector_load %arg6[%parallel_loop3A_754, %parallel_loop3A_755, %parallel_loop3A_756] {strides = array<i32>} : memref<5x128x128xf32, #tpu.memory_space<vmem>>, vector<1x1x16xf32>,
      %parallel_loop3A_758 = vector.shape_cast %parallel_loop3A_757 : vector<1x1x16xf32> to vector<16xf32>
      %parallel_loop3A_759 = vector.shape_cast %parallel_loop3A_752 : vector<16xf32> to vector<1x1x16xf32>
      tpu.vector_store %arg6[%parallel_loop3A_754, %parallel_loop3A_755, %parallel_loop3A_756], %parallel_loop3A_759 {strides = array<i32>} : memref<5x128x128xf32, #tpu.memory_space<vmem>>, vector<1x1x16xf32>,
      %parallel_loop3A_760 = arith.constant 0 : i32
      %parallel_loop3A_761 = arith.index_cast %parallel_loop3A_760 : i32 to index
      %parallel_loop3A_762 = arith.index_cast %parallel_loop3A_695 : i32 to index
      %parallel_loop3A_763 = arith.constant 64 : index
      %parallel_loop3A_764 = tpu.vector_load %arg6[%parallel_loop3A_761, %parallel_loop3A_762, %parallel_loop3A_763] {strides = array<i32>} : memref<5x128x128xf32, #tpu.memory_space<vmem>>, vector<1x1x16xf32>,
      %parallel_loop3A_765 = vector.shape_cast %parallel_loop3A_764 : vector<1x1x16xf32> to vector<16xf32>
      %parallel_loop3A_766 = arith.constant 11.3137083 : f32
      %parallel_loop3A_767 = vector.broadcast %parallel_loop3A_766 : f32 to vector<16xf32>
      %parallel_loop3A_768 = arith.mulf %parallel_loop3A_765, %parallel_loop3A_767 : vector<16xf32>
      %parallel_loop3A_769 = arith.constant 0 : i32
      %parallel_loop3A_770 = arith.index_cast %parallel_loop3A_769 : i32 to index
      %parallel_loop3A_771 = arith.index_cast %parallel_loop3A_695 : i32 to index
      %parallel_loop3A_772 = arith.constant 64 : index
      %parallel_loop3A_773 = tpu.vector_load %arg6[%parallel_loop3A_770, %parallel_loop3A_771, %parallel_loop3A_772] {strides = array<i32>} : memref<5x128x128xf32, #tpu.memory_space<vmem>>, vector<1x1x16xf32>,
      %parallel_loop3A_774 = vector.shape_cast %parallel_loop3A_773 : vector<1x1x16xf32> to vector<16xf32>
      %parallel_loop3A_775 = vector.shape_cast %parallel_loop3A_768 : vector<16xf32> to vector<1x1x16xf32>
      tpu.vector_store %arg6[%parallel_loop3A_770, %parallel_loop3A_771, %parallel_loop3A_772], %parallel_loop3A_775 {strides = array<i32>} : memref<5x128x128xf32, #tpu.memory_space<vmem>>, vector<1x1x16xf32>,
      %parallel_loop3A_776 = arith.constant 0 : i32
      %parallel_loop3A_777 = arith.index_cast %parallel_loop3A_776 : i32 to index
      %parallel_loop3A_778 = arith.index_cast %parallel_loop3A_695 : i32 to index
      %parallel_loop3A_779 = arith.constant 80 : index
      %parallel_loop3A_780 = tpu.vector_load %arg6[%parallel_loop3A_777, %parallel_loop3A_778, %parallel_loop3A_779] {strides = array<i32>} : memref<5x128x128xf32, #tpu.memory_space<vmem>>, vector<1x1x16xf32>,
      %parallel_loop3A_781 = vector.shape_cast %parallel_loop3A_780 : vector<1x1x16xf32> to vector<16xf32>
      %parallel_loop3A_782 = arith.constant 11.3137083 : f32
      %parallel_loop3A_783 = vector.broadcast %parallel_loop3A_782 : f32 to vector<16xf32>
      %parallel_loop3A_784 = arith.mulf %parallel_loop3A_781, %parallel_loop3A_783 : vector<16xf32>
      %parallel_loop3A_785 = arith.constant 0 : i32
      %parallel_loop3A_786 = arith.index_cast %parallel_loop3A_785 : i32 to index
      %parallel_loop3A_787 = arith.index_cast %parallel_loop3A_695 : i32 to index
      %parallel_loop3A_788 = arith.constant 80 : index
      %parallel_loop3A_789 = tpu.vector_load %arg6[%parallel_loop3A_786, %parallel_loop3A_787, %parallel_loop3A_788] {strides = array<i32>} : memref<5x128x128xf32, #tpu.memory_space<vmem>>, vector<1x1x16xf32>,
      %parallel_loop3A_790 = vector.shape_cast %parallel_loop3A_789 : vector<1x1x16xf32> to vector<16xf32>
      %parallel_loop3A_791 = vector.shape_cast %parallel_loop3A_784 : vector<16xf32> to vector<1x1x16xf32>
      tpu.vector_store %arg6[%parallel_loop3A_786, %parallel_loop3A_787, %parallel_loop3A_788], %parallel_loop3A_791 {strides = array<i32>} : memref<5x128x128xf32, #tpu.memory_space<vmem>>, vector<1x1x16xf32>,
      %parallel_loop3A_792 = arith.constant 0 : i32
      %parallel_loop3A_793 = arith.index_cast %parallel_loop3A_792 : i32 to index
      %parallel_loop3A_794 = arith.index_cast %parallel_loop3A_695 : i32 to index
      %parallel_loop3A_795 = arith.constant 96 : index
      %parallel_loop3A_796 = tpu.vector_load %arg6[%parallel_loop3A_793, %parallel_loop3A_794, %parallel_loop3A_795] {strides = array<i32>} : memref<5x128x128xf32, #tpu.memory_space<vmem>>, vector<1x1x16xf32>,
      %parallel_loop3A_797 = vector.shape_cast %parallel_loop3A_796 : vector<1x1x16xf32> to vector<16xf32>
      %parallel_loop3A_798 = arith.constant 11.3137083 : f32
      %parallel_loop3A_799 = vector.broadcast %parallel_loop3A_798 : f32 to vector<16xf32>
      %parallel_loop3A_800 = arith.mulf %parallel_loop3A_797, %parallel_loop3A_799 : vector<16xf32>
      %parallel_loop3A_801 = arith.constant 0 : i32
      %parallel_loop3A_802 = arith.index_cast %parallel_loop3A_801 : i32 to index
      %parallel_loop3A_803 = arith.index_cast %parallel_loop3A_695 : i32 to index
      %parallel_loop3A_804 = arith.constant 96 : index
      %parallel_loop3A_805 = tpu.vector_load %arg6[%parallel_loop3A_802, %parallel_loop3A_803, %parallel_loop3A_804] {strides = array<i32>} : memref<5x128x128xf32, #tpu.memory_space<vmem>>, vector<1x1x16xf32>,
      %parallel_loop3A_806 = vector.shape_cast %parallel_loop3A_805 : vector<1x1x16xf32> to vector<16xf32>
      %parallel_loop3A_807 = vector.shape_cast %parallel_loop3A_800 : vector<16xf32> to vector<1x1x16xf32>
      tpu.vector_store %arg6[%parallel_loop3A_802, %parallel_loop3A_803, %parallel_loop3A_804], %parallel_loop3A_807 {strides = array<i32>} : memref<5x128x128xf32, #tpu.memory_space<vmem>>, vector<1x1x16xf32>,
      %parallel_loop3A_808 = arith.constant 0 : i32
      %parallel_loop3A_809 = arith.index_cast %parallel_loop3A_808 : i32 to index
      %parallel_loop3A_810 = arith.index_cast %parallel_loop3A_695 : i32 to index
      %parallel_loop3A_811 = arith.constant 112 : index
      %parallel_loop3A_812 = tpu.vector_load %arg6[%parallel_loop3A_809, %parallel_loop3A_810, %parallel_loop3A_811] {strides = array<i32>} : memref<5x128x128xf32, #tpu.memory_space<vmem>>, vector<1x1x16xf32>,
      %parallel_loop3A_813 = vector.shape_cast %parallel_loop3A_812 : vector<1x1x16xf32> to vector<16xf32>
      %parallel_loop3A_814 = arith.constant 11.3137083 : f32
      %parallel_loop3A_815 = vector.broadcast %parallel_loop3A_814 : f32 to vector<16xf32>
      %parallel_loop3A_816 = arith.mulf %parallel_loop3A_813, %parallel_loop3A_815 : vector<16xf32>
      %parallel_loop3A_817 = arith.constant 0 : i32
      %parallel_loop3A_818 = arith.index_cast %parallel_loop3A_817 : i32 to index
      %parallel_loop3A_819 = arith.index_cast %parallel_loop3A_695 : i32 to index
      %parallel_loop3A_820 = arith.constant 112 : index
      %parallel_loop3A_821 = tpu.vector_load %arg6[%parallel_loop3A_818, %parallel_loop3A_819, %parallel_loop3A_820] {strides = array<i32>} : memref<5x128x128xf32, #tpu.memory_space<vmem>>, vector<1x1x16xf32>,
      %parallel_loop3A_822 = vector.shape_cast %parallel_loop3A_821 : vector<1x1x16xf32> to vector<16xf32>
      %parallel_loop3A_823 = vector.shape_cast %parallel_loop3A_816 : vector<16xf32> to vector<1x1x16xf32>
      tpu.vector_store %arg6[%parallel_loop3A_818, %parallel_loop3A_819, %parallel_loop3A_820], %parallel_loop3A_823 {strides = array<i32>} : memref<5x128x128xf32, #tpu.memory_space<vmem>>, vector<1x1x16xf32>,
    } {sc.loop_unroll_factor = 4 : i64, sc.parallel_access}
    %add3A_410 = arith.constant 5760 : i32
    %add3A_411 = arith.addi %mul3A_2, %add3A_410 : i32
    %dma_start3A_412 = arith.constant 0 : i32
    %dma_start3A_413 = arith.constant 0 : i32
    %dma_start3A_414 = arith.constant 0 : i32
    %dma_start3A_415 = arith.constant 0 : i32
    %dma_start3A_416 = tpu.memref_slice %arg6[%dma_start3A_412, %dma_start3A_414, %dma_start3A_415] : memref<5x128x128xf32, #tpu.memory_space<vmem>> -> memref<1x128x128xf32, #tpu.memory_space<vmem>>
    %dma_start3A_417 = tpu.memref_squeeze %dma_start3A_416 : memref<1x128x128xf32, #tpu.memory_space<vmem>> -> memref<128x128xf32, #tpu.memory_space<vmem>>
    %dma_start3A_418 = arith.constant 0 : i32
    %dma_start3A_419 = tpu.memref_slice %arg4[%add3A_411, %dma_start3A_418] : memref<204800x128xf32, #tpu.memory_space<hbm>> -> memref<128x128xf32, #tpu.memory_space<hbm>>
    %dma_start3A_420 = tpu.memref_slice %arg8[%dma_start3A_413] : memref<5x!tpu.dma_semaphore, #tpu.memory_space<semaphore_mem>> -> memref<1x!tpu.dma_semaphore, #tpu.memory_space<semaphore_mem>>
    %dma_start3A_421 = tpu.memref_squeeze %dma_start3A_420 : memref<1x!tpu.dma_semaphore, #tpu.memory_space<semaphore_mem>> -> memref<!tpu.dma_semaphore, #tpu.memory_space<semaphore_mem>>
    %dma_start3A_422 = arith.constant 0 : i32
    %dma_start3A_423 = tpu.memref_slice %arg4[%add3A_411, %dma_start3A_422] : memref<204800x128xf32, #tpu.memory_space<hbm>> -> memref<128x128xf32, #tpu.memory_space<hbm>>
    %dma_start3A_424 = arith.constant 0 : i32
    %dma_start3A_425 = arith.constant 0 : i32
    %dma_start3A_426 = tpu.memref_slice %arg6[%dma_start3A_412, %dma_start3A_424, %dma_start3A_425] : memref<5x128x128xf32, #tpu.memory_space<vmem>> -> memref<1x128x128xf32, #tpu.memory_space<vmem>>
    %dma_start3A_427 = tpu.memref_squeeze %dma_start3A_426 : memref<1x128x128xf32, #tpu.memory_space<vmem>> -> memref<128x128xf32, #tpu.memory_space<vmem>>
    tpu.enqueue_dma source(%dma_start3A_427 : memref<128x128xf32, #tpu.memory_space<vmem>>) target(%dma_start3A_423 : memref<128x128xf32, #tpu.memory_space<hbm>>) target_semaphore(%dma_start3A_421 : memref<!tpu.dma_semaphore, #tpu.memory_space<semaphore_mem>>)
    %add3A_428 = arith.constant 5632 : i32
    %add3A_429 = arith.addi %mul3A_2, %add3A_428 : i32
    %dma_wait3A_430 = arith.constant 4 : i32
    %dma_wait3A_431 = arith.constant 4 : i32
    %dma_wait3A_432 = arith.constant 0 : i32
    %dma_wait3A_433 = arith.constant 0 : i32
    %dma_wait3A_434 = tpu.memref_slice %arg6[%dma_wait3A_430, %dma_wait3A_432, %dma_wait3A_433] : memref<5x128x128xf32, #tpu.memory_space<vmem>> -> memref<1x128x128xf32, #tpu.memory_space<vmem>>
    %dma_wait3A_435 = tpu.memref_squeeze %dma_wait3A_434 : memref<1x128x128xf32, #tpu.memory_space<vmem>> -> memref<128x128xf32, #tpu.memory_space<vmem>>
    %dma_wait3A_436 = arith.constant 0 : i32
    %dma_wait3A_437 = tpu.memref_slice %arg4[%add3A_429, %dma_wait3A_436] : memref<204800x128xf32, #tpu.memory_space<hbm>> -> memref<128x128xf32, #tpu.memory_space<hbm>>
    %dma_wait3A_438 = tpu.memref_slice %arg8[%dma_wait3A_431] : memref<5x!tpu.dma_semaphore, #tpu.memory_space<semaphore_mem>> -> memref<1x!tpu.dma_semaphore, #tpu.memory_space<semaphore_mem>>
    %dma_wait3A_439 = tpu.memref_squeeze %dma_wait3A_438 : memref<1x!tpu.dma_semaphore, #tpu.memory_space<semaphore_mem>> -> memref<!tpu.dma_semaphore, #tpu.memory_space<semaphore_mem>>
    %dma_wait3A_440 = arith.constant 0 : i32
    %dma_wait3A_441 = tpu.memref_slice %arg4[%add3A_429, %dma_wait3A_440] : memref<204800x128xf32, #tpu.memory_space<hbm>> -> memref<128x128xf32, #tpu.memory_space<hbm>>
    %dma_wait3A_442 = arith.constant 0 : i32
    %dma_wait3A_443 = arith.constant 0 : i32
    %dma_wait3A_444 = tpu.memref_slice %arg6[%dma_wait3A_430, %dma_wait3A_442, %dma_wait3A_443] : memref<5x128x128xf32, #tpu.memory_space<vmem>> -> memref<1x128x128xf32, #tpu.memory_space<vmem>>
    %dma_wait3A_445 = tpu.memref_squeeze %dma_wait3A_444 : memref<1x128x128xf32, #tpu.memory_space<vmem>> -> memref<128x128xf32, #tpu.memory_space<vmem>>
    tpu.wait_dma2 semaphore(%dma_wait3A_439 : memref<!tpu.dma_semaphore, #tpu.memory_space<semaphore_mem>>) src(%dma_wait3A_445 : memref<128x128xf32, #tpu.memory_space<vmem>>) dst(%dma_wait3A_441 : memref<128x128xf32, #tpu.memory_space<hbm>>)
    %dma_start3A_446 = arith.constant 49 : i32
    %dma_start3A_447 = arith.constant 4 : i32
    %dma_start3A_448 = arith.constant 4 : i32
    %dma_start3A_449 = arith.constant 0 : i32
    %dma_start3A_450 = arith.constant 0 : i32
    %dma_start3A_451 = tpu.memref_slice %arg6[%dma_start3A_447, %dma_start3A_449, %dma_start3A_450] : memref<5x128x128xf32, #tpu.memory_space<vmem>> -> memref<1x128x128xf32, #tpu.memory_space<vmem>>
    %dma_start3A_452 = tpu.memref_squeeze %dma_start3A_451 : memref<1x128x128xf32, #tpu.memory_space<vmem>> -> memref<128x128xf32, #tpu.memory_space<vmem>>
    %dma_start3A_453 = arith.constant 0 : i32
    %dma_start3A_454 = tpu.memref_slice %arg5[%dma_start3A_446, %dma_start3A_453] : memref<50x128xi32, #tpu.memory_space<vmem>> -> memref<1x128xi32, #tpu.memory_space<vmem>>
    %dma_start3A_455 = tpu.memref_squeeze %dma_start3A_454 : memref<1x128xi32, #tpu.memory_space<vmem>> -> memref<128xi32, #tpu.memory_space<vmem>>
    %dma_start3A_456 = arith.constant 0 : i32
    %dma_start3A_457 = arith.constant 0 : i32
    %dma_start3A_458 = tpu.memref_slice %arg3[%dma_start3A_456, %dma_start3A_457] : memref<100000x128xf32, #tpu.memory_space<hbm>> -> memref<100000x128xf32, #tpu.memory_space<hbm>>
    %dma_start3A_459 = tpu.memref_slice %arg7[%dma_start3A_448] : memref<5x!tpu.dma_semaphore, #tpu.memory_space<semaphore_mem>> -> memref<1x!tpu.dma_semaphore, #tpu.memory_space<semaphore_mem>>
    %dma_start3A_460 = tpu.memref_squeeze %dma_start3A_459 : memref<1x!tpu.dma_semaphore, #tpu.memory_space<semaphore_mem>> -> memref<!tpu.dma_semaphore, #tpu.memory_space<semaphore_mem>>
    tpu.enqueue_indirect_dma source(%dma_start3A_458 : memref<100000x128xf32, #tpu.memory_space<hbm>>) target(%dma_start3A_452 : memref<128x128xf32, #tpu.memory_space<vmem>>) offsets(%dma_start3A_455 : memref<128xi32, #tpu.memory_space<vmem>>) semaphore(%dma_start3A_460 : memref<!tpu.dma_semaphore, #tpu.memory_space<semaphore_mem>>)
    %dma_wait3A_461 = arith.constant 46 : i32
    %dma_wait3A_462 = arith.constant 1 : i32
    %dma_wait3A_463 = arith.constant 1 : i32
    %dma_wait3A_464 = arith.constant 0 : i32
    %dma_wait3A_465 = arith.constant 0 : i32
    %dma_wait3A_466 = tpu.memref_slice %arg6[%dma_wait3A_462, %dma_wait3A_464, %dma_wait3A_465] : memref<5x128x128xf32, #tpu.memory_space<vmem>> -> memref<1x128x128xf32, #tpu.memory_space<vmem>>
    %dma_wait3A_467 = tpu.memref_squeeze %dma_wait3A_466 : memref<1x128x128xf32, #tpu.memory_space<vmem>> -> memref<128x128xf32, #tpu.memory_space<vmem>>
    %dma_wait3A_468 = arith.constant 0 : i32
    %dma_wait3A_469 = tpu.memref_slice %arg5[%dma_wait3A_461, %dma_wait3A_468] : memref<50x128xi32, #tpu.memory_space<vmem>> -> memref<1x128xi32, #tpu.memory_space<vmem>>
    %dma_wait3A_470 = tpu.memref_squeeze %dma_wait3A_469 : memref<1x128xi32, #tpu.memory_space<vmem>> -> memref<128xi32, #tpu.memory_space<vmem>>
    %dma_wait3A_471 = arith.constant 0 : i32
    %dma_wait3A_472 = arith.constant 0 : i32
    %dma_wait3A_473 = tpu.memref_slice %arg3[%dma_wait3A_471, %dma_wait3A_472] : memref<100000x128xf32, #tpu.memory_space<hbm>> -> memref<100000x128xf32, #tpu.memory_space<hbm>>
    %dma_wait3A_474 = tpu.memref_slice %arg7[%dma_wait3A_463] : memref<5x!tpu.dma_semaphore, #tpu.memory_space<semaphore_mem>> -> memref<1x!tpu.dma_semaphore, #tpu.memory_space<semaphore_mem>>
    %dma_wait3A_475 = tpu.memref_squeeze %dma_wait3A_474 : memref<1x!tpu.dma_semaphore, #tpu.memory_space<semaphore_mem>> -> memref<!tpu.dma_semaphore, #tpu.memory_space<semaphore_mem>>
    tpu.wait_indirect_dma semaphore(%dma_wait3A_475 : memref<!tpu.dma_semaphore, #tpu.memory_space<semaphore_mem>>) src(%dma_wait3A_473 : memref<100000x128xf32, #tpu.memory_space<hbm>>) dst(%dma_wait3A_467 : memref<128x128xf32, #tpu.memory_space<vmem>>)
    %parallel_loop3A_476 = arith.constant 0 : i32
    %parallel_loop3A_477 = arith.constant 128 : i32
    %parallel_loop3A_478 = arith.constant 1 : i32
    scf.for %parallel_loop3A_695 = %parallel_loop3A_476 to %parallel_loop3A_477 step %parallel_loop3A_478  : i32 {
      %parallel_loop3A_696 = arith.constant 1 : i32
      %parallel_loop3A_697 = arith.index_cast %parallel_loop3A_696 : i32 to index
      %parallel_loop3A_698 = arith.index_cast %parallel_loop3A_695 : i32 to index
      %parallel_loop3A_699 = arith.constant 0 : index
      %parallel_loop3A_700 = tpu.vector_load %arg6[%parallel_loop3A_697, %parallel_loop3A_698, %parallel_loop3A_699] {strides = array<i32>} : memref<5x128x128xf32, #tpu.memory_space<vmem>>, vector<1x1x16xf32>,
      %parallel_loop3A_701 = vector.shape_cast %parallel_loop3A_700 : vector<1x1x16xf32> to vector<16xf32>
      %parallel_loop3A_702 = arith.constant 11.3137083 : f32
      %parallel_loop3A_703 = vector.broadcast %parallel_loop3A_702 : f32 to vector<16xf32>
      %parallel_loop3A_704 = arith.mulf %parallel_loop3A_701, %parallel_loop3A_703 : vector<16xf32>
      %parallel_loop3A_705 = arith.constant 1 : i32
      %parallel_loop3A_706 = arith.index_cast %parallel_loop3A_705 : i32 to index
      %parallel_loop3A_707 = arith.index_cast %parallel_loop3A_695 : i32 to index
      %parallel_loop3A_708 = arith.constant 0 : index
      %parallel_loop3A_709 = tpu.vector_load %arg6[%parallel_loop3A_706, %parallel_loop3A_707, %parallel_loop3A_708] {strides = array<i32>} : memref<5x128x128xf32, #tpu.memory_space<vmem>>, vector<1x1x16xf32>,
      %parallel_loop3A_710 = vector.shape_cast %parallel_loop3A_709 : vector<1x1x16xf32> to vector<16xf32>
      %parallel_loop3A_711 = vector.shape_cast %parallel_loop3A_704 : vector<16xf32> to vector<1x1x16xf32>
      tpu.vector_store %arg6[%parallel_loop3A_706, %parallel_loop3A_707, %parallel_loop3A_708], %parallel_loop3A_711 {strides = array<i32>} : memref<5x128x128xf32, #tpu.memory_space<vmem>>, vector<1x1x16xf32>,
      %parallel_loop3A_712 = arith.constant 1 : i32
      %parallel_loop3A_713 = arith.index_cast %parallel_loop3A_712 : i32 to index
      %parallel_loop3A_714 = arith.index_cast %parallel_loop3A_695 : i32 to index
      %parallel_loop3A_715 = arith.constant 16 : index
      %parallel_loop3A_716 = tpu.vector_load %arg6[%parallel_loop3A_713, %parallel_loop3A_714, %parallel_loop3A_715] {strides = array<i32>} : memref<5x128x128xf32, #tpu.memory_space<vmem>>, vector<1x1x16xf32>,
      %parallel_loop3A_717 = vector.shape_cast %parallel_loop3A_716 : vector<1x1x16xf32> to vector<16xf32>
      %parallel_loop3A_718 = arith.constant 11.3137083 : f32
      %parallel_loop3A_719 = vector.broadcast %parallel_loop3A_718 : f32 to vector<16xf32>
      %parallel_loop3A_720 = arith.mulf %parallel_loop3A_717, %parallel_loop3A_719 : vector<16xf32>
      %parallel_loop3A_721 = arith.constant 1 : i32
      %parallel_loop3A_722 = arith.index_cast %parallel_loop3A_721 : i32 to index
      %parallel_loop3A_723 = arith.index_cast %parallel_loop3A_695 : i32 to index
      %parallel_loop3A_724 = arith.constant 16 : index
      %parallel_loop3A_725 = tpu.vector_load %arg6[%parallel_loop3A_722, %parallel_loop3A_723, %parallel_loop3A_724] {strides = array<i32>} : memref<5x128x128xf32, #tpu.memory_space<vmem>>, vector<1x1x16xf32>,
      %parallel_loop3A_726 = vector.shape_cast %parallel_loop3A_725 : vector<1x1x16xf32> to vector<16xf32>
      %parallel_loop3A_727 = vector.shape_cast %parallel_loop3A_720 : vector<16xf32> to vector<1x1x16xf32>
      tpu.vector_store %arg6[%parallel_loop3A_722, %parallel_loop3A_723, %parallel_loop3A_724], %parallel_loop3A_727 {strides = array<i32>} : memref<5x128x128xf32, #tpu.memory_space<vmem>>, vector<1x1x16xf32>,
      %parallel_loop3A_728 = arith.constant 1 : i32
      %parallel_loop3A_729 = arith.index_cast %parallel_loop3A_728 : i32 to index
      %parallel_loop3A_730 = arith.index_cast %parallel_loop3A_695 : i32 to index
      %parallel_loop3A_731 = arith.constant 32 : index
      %parallel_loop3A_732 = tpu.vector_load %arg6[%parallel_loop3A_729, %parallel_loop3A_730, %parallel_loop3A_731] {strides = array<i32>} : memref<5x128x128xf32, #tpu.memory_space<vmem>>, vector<1x1x16xf32>,
      %parallel_loop3A_733 = vector.shape_cast %parallel_loop3A_732 : vector<1x1x16xf32> to vector<16xf32>
      %parallel_loop3A_734 = arith.constant 11.3137083 : f32
      %parallel_loop3A_735 = vector.broadcast %parallel_loop3A_734 : f32 to vector<16xf32>
      %parallel_loop3A_736 = arith.mulf %parallel_loop3A_733, %parallel_loop3A_735 : vector<16xf32>
      %parallel_loop3A_737 = arith.constant 1 : i32
      %parallel_loop3A_738 = arith.index_cast %parallel_loop3A_737 : i32 to index
      %parallel_loop3A_739 = arith.index_cast %parallel_loop3A_695 : i32 to index
      %parallel_loop3A_740 = arith.constant 32 : index
      %parallel_loop3A_741 = tpu.vector_load %arg6[%parallel_loop3A_738, %parallel_loop3A_739, %parallel_loop3A_740] {strides = array<i32>} : memref<5x128x128xf32, #tpu.memory_space<vmem>>, vector<1x1x16xf32>,
      %parallel_loop3A_742 = vector.shape_cast %parallel_loop3A_741 : vector<1x1x16xf32> to vector<16xf32>
      %parallel_loop3A_743 = vector.shape_cast %parallel_loop3A_736 : vector<16xf32> to vector<1x1x16xf32>
      tpu.vector_store %arg6[%parallel_loop3A_738, %parallel_loop3A_739, %parallel_loop3A_740], %parallel_loop3A_743 {strides = array<i32>} : memref<5x128x128xf32, #tpu.memory_space<vmem>>, vector<1x1x16xf32>,
      %parallel_loop3A_744 = arith.constant 1 : i32
      %parallel_loop3A_745 = arith.index_cast %parallel_loop3A_744 : i32 to index
      %parallel_loop3A_746 = arith.index_cast %parallel_loop3A_695 : i32 to index
      %parallel_loop3A_747 = arith.constant 48 : index
      %parallel_loop3A_748 = tpu.vector_load %arg6[%parallel_loop3A_745, %parallel_loop3A_746, %parallel_loop3A_747] {strides = array<i32>} : memref<5x128x128xf32, #tpu.memory_space<vmem>>, vector<1x1x16xf32>,
      %parallel_loop3A_749 = vector.shape_cast %parallel_loop3A_748 : vector<1x1x16xf32> to vector<16xf32>
      %parallel_loop3A_750 = arith.constant 11.3137083 : f32
      %parallel_loop3A_751 = vector.broadcast %parallel_loop3A_750 : f32 to vector<16xf32>
      %parallel_loop3A_752 = arith.mulf %parallel_loop3A_749, %parallel_loop3A_751 : vector<16xf32>
      %parallel_loop3A_753 = arith.constant 1 : i32
      %parallel_loop3A_754 = arith.index_cast %parallel_loop3A_753 : i32 to index
      %parallel_loop3A_755 = arith.index_cast %parallel_loop3A_695 : i32 to index
      %parallel_loop3A_756 = arith.constant 48 : index
      %parallel_loop3A_757 = tpu.vector_load %arg6[%parallel_loop3A_754, %parallel_loop3A_755, %parallel_loop3A_756] {strides = array<i32>} : memref<5x128x128xf32, #tpu.memory_space<vmem>>, vector<1x1x16xf32>,
      %parallel_loop3A_758 = vector.shape_cast %parallel_loop3A_757 : vector<1x1x16xf32> to vector<16xf32>
      %parallel_loop3A_759 = vector.shape_cast %parallel_loop3A_752 : vector<16xf32> to vector<1x1x16xf32>
      tpu.vector_store %arg6[%parallel_loop3A_754, %parallel_loop3A_755, %parallel_loop3A_756], %parallel_loop3A_759 {strides = array<i32>} : memref<5x128x128xf32, #tpu.memory_space<vmem>>, vector<1x1x16xf32>,
      %parallel_loop3A_760 = arith.constant 1 : i32
      %parallel_loop3A_761 = arith.index_cast %parallel_loop3A_760 : i32 to index
      %parallel_loop3A_762 = arith.index_cast %parallel_loop3A_695 : i32 to index
      %parallel_loop3A_763 = arith.constant 64 : index
      %parallel_loop3A_764 = tpu.vector_load %arg6[%parallel_loop3A_761, %parallel_loop3A_762, %parallel_loop3A_763] {strides = array<i32>} : memref<5x128x128xf32, #tpu.memory_space<vmem>>, vector<1x1x16xf32>,
      %parallel_loop3A_765 = vector.shape_cast %parallel_loop3A_764 : vector<1x1x16xf32> to vector<16xf32>
      %parallel_loop3A_766 = arith.constant 11.3137083 : f32
      %parallel_loop3A_767 = vector.broadcast %parallel_loop3A_766 : f32 to vector<16xf32>
      %parallel_loop3A_768 = arith.mulf %parallel_loop3A_765, %parallel_loop3A_767 : vector<16xf32>
      %parallel_loop3A_769 = arith.constant 1 : i32
      %parallel_loop3A_770 = arith.index_cast %parallel_loop3A_769 : i32 to index
      %parallel_loop3A_771 = arith.index_cast %parallel_loop3A_695 : i32 to index
      %parallel_loop3A_772 = arith.constant 64 : index
      %parallel_loop3A_773 = tpu.vector_load %arg6[%parallel_loop3A_770, %parallel_loop3A_771, %parallel_loop3A_772] {strides = array<i32>} : memref<5x128x128xf32, #tpu.memory_space<vmem>>, vector<1x1x16xf32>,
      %parallel_loop3A_774 = vector.shape_cast %parallel_loop3A_773 : vector<1x1x16xf32> to vector<16xf32>
      %parallel_loop3A_775 = vector.shape_cast %parallel_loop3A_768 : vector<16xf32> to vector<1x1x16xf32>
      tpu.vector_store %arg6[%parallel_loop3A_770, %parallel_loop3A_771, %parallel_loop3A_772], %parallel_loop3A_775 {strides = array<i32>} : memref<5x128x128xf32, #tpu.memory_space<vmem>>, vector<1x1x16xf32>,
      %parallel_loop3A_776 = arith.constant 1 : i32
      %parallel_loop3A_777 = arith.index_cast %parallel_loop3A_776 : i32 to index
      %parallel_loop3A_778 = arith.index_cast %parallel_loop3A_695 : i32 to index
      %parallel_loop3A_779 = arith.constant 80 : index
      %parallel_loop3A_780 = tpu.vector_load %arg6[%parallel_loop3A_777, %parallel_loop3A_778, %parallel_loop3A_779] {strides = array<i32>} : memref<5x128x128xf32, #tpu.memory_space<vmem>>, vector<1x1x16xf32>,
      %parallel_loop3A_781 = vector.shape_cast %parallel_loop3A_780 : vector<1x1x16xf32> to vector<16xf32>
      %parallel_loop3A_782 = arith.constant 11.3137083 : f32
      %parallel_loop3A_783 = vector.broadcast %parallel_loop3A_782 : f32 to vector<16xf32>
      %parallel_loop3A_784 = arith.mulf %parallel_loop3A_781, %parallel_loop3A_783 : vector<16xf32>
      %parallel_loop3A_785 = arith.constant 1 : i32
      %parallel_loop3A_786 = arith.index_cast %parallel_loop3A_785 : i32 to index
      %parallel_loop3A_787 = arith.index_cast %parallel_loop3A_695 : i32 to index
      %parallel_loop3A_788 = arith.constant 80 : index
      %parallel_loop3A_789 = tpu.vector_load %arg6[%parallel_loop3A_786, %parallel_loop3A_787, %parallel_loop3A_788] {strides = array<i32>} : memref<5x128x128xf32, #tpu.memory_space<vmem>>, vector<1x1x16xf32>,
      %parallel_loop3A_790 = vector.shape_cast %parallel_loop3A_789 : vector<1x1x16xf32> to vector<16xf32>
      %parallel_loop3A_791 = vector.shape_cast %parallel_loop3A_784 : vector<16xf32> to vector<1x1x16xf32>
      tpu.vector_store %arg6[%parallel_loop3A_786, %parallel_loop3A_787, %parallel_loop3A_788], %parallel_loop3A_791 {strides = array<i32>} : memref<5x128x128xf32, #tpu.memory_space<vmem>>, vector<1x1x16xf32>,
      %parallel_loop3A_792 = arith.constant 1 : i32
      %parallel_loop3A_793 = arith.index_cast %parallel_loop3A_792 : i32 to index
      %parallel_loop3A_794 = arith.index_cast %parallel_loop3A_695 : i32 to index
      %parallel_loop3A_795 = arith.constant 96 : index
      %parallel_loop3A_796 = tpu.vector_load %arg6[%parallel_loop3A_793, %parallel_loop3A_794, %parallel_loop3A_795] {strides = array<i32>} : memref<5x128x128xf32, #tpu.memory_space<vmem>>, vector<1x1x16xf32>,
      %parallel_loop3A_797 = vector.shape_cast %parallel_loop3A_796 : vector<1x1x16xf32> to vector<16xf32>
      %parallel_loop3A_798 = arith.constant 11.3137083 : f32
      %parallel_loop3A_799 = vector.broadcast %parallel_loop3A_798 : f32 to vector<16xf32>
      %parallel_loop3A_800 = arith.mulf %parallel_loop3A_797, %parallel_loop3A_799 : vector<16xf32>
      %parallel_loop3A_801 = arith.constant 1 : i32
      %parallel_loop3A_802 = arith.index_cast %parallel_loop3A_801 : i32 to index
      %parallel_loop3A_803 = arith.index_cast %parallel_loop3A_695 : i32 to index
      %parallel_loop3A_804 = arith.constant 96 : index
      %parallel_loop3A_805 = tpu.vector_load %arg6[%parallel_loop3A_802, %parallel_loop3A_803, %parallel_loop3A_804] {strides = array<i32>} : memref<5x128x128xf32, #tpu.memory_space<vmem>>, vector<1x1x16xf32>,
      %parallel_loop3A_806 = vector.shape_cast %parallel_loop3A_805 : vector<1x1x16xf32> to vector<16xf32>
      %parallel_loop3A_807 = vector.shape_cast %parallel_loop3A_800 : vector<16xf32> to vector<1x1x16xf32>
      tpu.vector_store %arg6[%parallel_loop3A_802, %parallel_loop3A_803, %parallel_loop3A_804], %parallel_loop3A_807 {strides = array<i32>} : memref<5x128x128xf32, #tpu.memory_space<vmem>>, vector<1x1x16xf32>,
      %parallel_loop3A_808 = arith.constant 1 : i32
      %parallel_loop3A_809 = arith.index_cast %parallel_loop3A_808 : i32 to index
      %parallel_loop3A_810 = arith.index_cast %parallel_loop3A_695 : i32 to index
      %parallel_loop3A_811 = arith.constant 112 : index
      %parallel_loop3A_812 = tpu.vector_load %arg6[%parallel_loop3A_809, %parallel_loop3A_810, %parallel_loop3A_811] {strides = array<i32>} : memref<5x128x128xf32, #tpu.memory_space<vmem>>, vector<1x1x16xf32>,
      %parallel_loop3A_813 = vector.shape_cast %parallel_loop3A_812 : vector<1x1x16xf32> to vector<16xf32>
      %parallel_loop3A_814 = arith.constant 11.3137083 : f32
      %parallel_loop3A_815 = vector.broadcast %parallel_loop3A_814 : f32 to vector<16xf32>
      %parallel_loop3A_816 = arith.mulf %parallel_loop3A_813, %parallel_loop3A_815 : vector<16xf32>
      %parallel_loop3A_817 = arith.constant 1 : i32
      %parallel_loop3A_818 = arith.index_cast %parallel_loop3A_817 : i32 to index
      %parallel_loop3A_819 = arith.index_cast %parallel_loop3A_695 : i32 to index
      %parallel_loop3A_820 = arith.constant 112 : index
      %parallel_loop3A_821 = tpu.vector_load %arg6[%parallel_loop3A_818, %parallel_loop3A_819, %parallel_loop3A_820] {strides = array<i32>} : memref<5x128x128xf32, #tpu.memory_space<vmem>>, vector<1x1x16xf32>,
      %parallel_loop3A_822 = vector.shape_cast %parallel_loop3A_821 : vector<1x1x16xf32> to vector<16xf32>
      %parallel_loop3A_823 = vector.shape_cast %parallel_loop3A_816 : vector<16xf32> to vector<1x1x16xf32>
      tpu.vector_store %arg6[%parallel_loop3A_818, %parallel_loop3A_819, %parallel_loop3A_820], %parallel_loop3A_823 {strides = array<i32>} : memref<5x128x128xf32, #tpu.memory_space<vmem>>, vector<1x1x16xf32>,
    } {sc.loop_unroll_factor = 4 : i64, sc.parallel_access}
    %add3A_479 = arith.constant 5888 : i32
    %add3A_480 = arith.addi %mul3A_2, %add3A_479 : i32
    %dma_start3A_481 = arith.constant 1 : i32
    %dma_start3A_482 = arith.constant 1 : i32
    %dma_start3A_483 = arith.constant 0 : i32
    %dma_start3A_484 = arith.constant 0 : i32
    %dma_start3A_485 = tpu.memref_slice %arg6[%dma_start3A_481, %dma_start3A_483, %dma_start3A_484] : memref<5x128x128xf32, #tpu.memory_space<vmem>> -> memref<1x128x128xf32, #tpu.memory_space<vmem>>
    %dma_start3A_486 = tpu.memref_squeeze %dma_start3A_485 : memref<1x128x128xf32, #tpu.memory_space<vmem>> -> memref<128x128xf32, #tpu.memory_space<vmem>>
    %dma_start3A_487 = arith.constant 0 : i32
    %dma_start3A_488 = tpu.memref_slice %arg4[%add3A_480, %dma_start3A_487] : memref<204800x128xf32, #tpu.memory_space<hbm>> -> memref<128x128xf32, #tpu.memory_space<hbm>>
    %dma_start3A_489 = tpu.memref_slice %arg8[%dma_start3A_482] : memref<5x!tpu.dma_semaphore, #tpu.memory_space<semaphore_mem>> -> memref<1x!tpu.dma_semaphore, #tpu.memory_space<semaphore_mem>>
    %dma_start3A_490 = tpu.memref_squeeze %dma_start3A_489 : memref<1x!tpu.dma_semaphore, #tpu.memory_space<semaphore_mem>> -> memref<!tpu.dma_semaphore, #tpu.memory_space<semaphore_mem>>
    %dma_start3A_491 = arith.constant 0 : i32
    %dma_start3A_492 = tpu.memref_slice %arg4[%add3A_480, %dma_start3A_491] : memref<204800x128xf32, #tpu.memory_space<hbm>> -> memref<128x128xf32, #tpu.memory_space<hbm>>
    %dma_start3A_493 = arith.constant 0 : i32
    %dma_start3A_494 = arith.constant 0 : i32
    %dma_start3A_495 = tpu.memref_slice %arg6[%dma_start3A_481, %dma_start3A_493, %dma_start3A_494] : memref<5x128x128xf32, #tpu.memory_space<vmem>> -> memref<1x128x128xf32, #tpu.memory_space<vmem>>
    %dma_start3A_496 = tpu.memref_squeeze %dma_start3A_495 : memref<1x128x128xf32, #tpu.memory_space<vmem>> -> memref<128x128xf32, #tpu.memory_space<vmem>>
    tpu.enqueue_dma source(%dma_start3A_496 : memref<128x128xf32, #tpu.memory_space<vmem>>) target(%dma_start3A_492 : memref<128x128xf32, #tpu.memory_space<hbm>>) target_semaphore(%dma_start3A_490 : memref<!tpu.dma_semaphore, #tpu.memory_space<semaphore_mem>>)
    %dma_wait3A_497 = arith.constant 47 : i32
    %dma_wait3A_498 = arith.constant 2 : i32
    %dma_wait3A_499 = arith.constant 2 : i32
    %dma_wait3A_500 = arith.constant 0 : i32
    %dma_wait3A_501 = arith.constant 0 : i32
    %dma_wait3A_502 = tpu.memref_slice %arg6[%dma_wait3A_498, %dma_wait3A_500, %dma_wait3A_501] : memref<5x128x128xf32, #tpu.memory_space<vmem>> -> memref<1x128x128xf32, #tpu.memory_space<vmem>>
    %dma_wait3A_503 = tpu.memref_squeeze %dma_wait3A_502 : memref<1x128x128xf32, #tpu.memory_space<vmem>> -> memref<128x128xf32, #tpu.memory_space<vmem>>
    %dma_wait3A_504 = arith.constant 0 : i32
    %dma_wait3A_505 = tpu.memref_slice %arg5[%dma_wait3A_497, %dma_wait3A_504] : memref<50x128xi32, #tpu.memory_space<vmem>> -> memref<1x128xi32, #tpu.memory_space<vmem>>
    %dma_wait3A_506 = tpu.memref_squeeze %dma_wait3A_505 : memref<1x128xi32, #tpu.memory_space<vmem>> -> memref<128xi32, #tpu.memory_space<vmem>>
    %dma_wait3A_507 = arith.constant 0 : i32
    %dma_wait3A_508 = arith.constant 0 : i32
    %dma_wait3A_509 = tpu.memref_slice %arg3[%dma_wait3A_507, %dma_wait3A_508] : memref<100000x128xf32, #tpu.memory_space<hbm>> -> memref<100000x128xf32, #tpu.memory_space<hbm>>
    %dma_wait3A_510 = tpu.memref_slice %arg7[%dma_wait3A_499] : memref<5x!tpu.dma_semaphore, #tpu.memory_space<semaphore_mem>> -> memref<1x!tpu.dma_semaphore, #tpu.memory_space<semaphore_mem>>
    %dma_wait3A_511 = tpu.memref_squeeze %dma_wait3A_510 : memref<1x!tpu.dma_semaphore, #tpu.memory_space<semaphore_mem>> -> memref<!tpu.dma_semaphore, #tpu.memory_space<semaphore_mem>>
    tpu.wait_indirect_dma semaphore(%dma_wait3A_511 : memref<!tpu.dma_semaphore, #tpu.memory_space<semaphore_mem>>) src(%dma_wait3A_509 : memref<100000x128xf32, #tpu.memory_space<hbm>>) dst(%dma_wait3A_503 : memref<128x128xf32, #tpu.memory_space<vmem>>)
    %parallel_loop3A_512 = arith.constant 0 : i32
    %parallel_loop3A_513 = arith.constant 128 : i32
    %parallel_loop3A_514 = arith.constant 1 : i32
    scf.for %parallel_loop3A_695 = %parallel_loop3A_512 to %parallel_loop3A_513 step %parallel_loop3A_514  : i32 {
      %parallel_loop3A_696 = arith.constant 2 : i32
      %parallel_loop3A_697 = arith.index_cast %parallel_loop3A_696 : i32 to index
      %parallel_loop3A_698 = arith.index_cast %parallel_loop3A_695 : i32 to index
      %parallel_loop3A_699 = arith.constant 0 : index
      %parallel_loop3A_700 = tpu.vector_load %arg6[%parallel_loop3A_697, %parallel_loop3A_698, %parallel_loop3A_699] {strides = array<i32>} : memref<5x128x128xf32, #tpu.memory_space<vmem>>, vector<1x1x16xf32>,
      %parallel_loop3A_701 = vector.shape_cast %parallel_loop3A_700 : vector<1x1x16xf32> to vector<16xf32>
      %parallel_loop3A_702 = arith.constant 11.3137083 : f32
      %parallel_loop3A_703 = vector.broadcast %parallel_loop3A_702 : f32 to vector<16xf32>
      %parallel_loop3A_704 = arith.mulf %parallel_loop3A_701, %parallel_loop3A_703 : vector<16xf32>
      %parallel_loop3A_705 = arith.constant 2 : i32
      %parallel_loop3A_706 = arith.index_cast %parallel_loop3A_705 : i32 to index
      %parallel_loop3A_707 = arith.index_cast %parallel_loop3A_695 : i32 to index
      %parallel_loop3A_708 = arith.constant 0 : index
      %parallel_loop3A_709 = tpu.vector_load %arg6[%parallel_loop3A_706, %parallel_loop3A_707, %parallel_loop3A_708] {strides = array<i32>} : memref<5x128x128xf32, #tpu.memory_space<vmem>>, vector<1x1x16xf32>,
      %parallel_loop3A_710 = vector.shape_cast %parallel_loop3A_709 : vector<1x1x16xf32> to vector<16xf32>
      %parallel_loop3A_711 = vector.shape_cast %parallel_loop3A_704 : vector<16xf32> to vector<1x1x16xf32>
      tpu.vector_store %arg6[%parallel_loop3A_706, %parallel_loop3A_707, %parallel_loop3A_708], %parallel_loop3A_711 {strides = array<i32>} : memref<5x128x128xf32, #tpu.memory_space<vmem>>, vector<1x1x16xf32>,
      %parallel_loop3A_712 = arith.constant 2 : i32
      %parallel_loop3A_713 = arith.index_cast %parallel_loop3A_712 : i32 to index
      %parallel_loop3A_714 = arith.index_cast %parallel_loop3A_695 : i32 to index
      %parallel_loop3A_715 = arith.constant 16 : index
      %parallel_loop3A_716 = tpu.vector_load %arg6[%parallel_loop3A_713, %parallel_loop3A_714, %parallel_loop3A_715] {strides = array<i32>} : memref<5x128x128xf32, #tpu.memory_space<vmem>>, vector<1x1x16xf32>,
      %parallel_loop3A_717 = vector.shape_cast %parallel_loop3A_716 : vector<1x1x16xf32> to vector<16xf32>
      %parallel_loop3A_718 = arith.constant 11.3137083 : f32
      %parallel_loop3A_719 = vector.broadcast %parallel_loop3A_718 : f32 to vector<16xf32>
      %parallel_loop3A_720 = arith.mulf %parallel_loop3A_717, %parallel_loop3A_719 : vector<16xf32>
      %parallel_loop3A_721 = arith.constant 2 : i32
      %parallel_loop3A_722 = arith.index_cast %parallel_loop3A_721 : i32 to index
      %parallel_loop3A_723 = arith.index_cast %parallel_loop3A_695 : i32 to index
      %parallel_loop3A_724 = arith.constant 16 : index
      %parallel_loop3A_725 = tpu.vector_load %arg6[%parallel_loop3A_722, %parallel_loop3A_723, %parallel_loop3A_724] {strides = array<i32>} : memref<5x128x128xf32, #tpu.memory_space<vmem>>, vector<1x1x16xf32>,
      %parallel_loop3A_726 = vector.shape_cast %parallel_loop3A_725 : vector<1x1x16xf32> to vector<16xf32>
      %parallel_loop3A_727 = vector.shape_cast %parallel_loop3A_720 : vector<16xf32> to vector<1x1x16xf32>
      tpu.vector_store %arg6[%parallel_loop3A_722, %parallel_loop3A_723, %parallel_loop3A_724], %parallel_loop3A_727 {strides = array<i32>} : memref<5x128x128xf32, #tpu.memory_space<vmem>>, vector<1x1x16xf32>,
      %parallel_loop3A_728 = arith.constant 2 : i32
      %parallel_loop3A_729 = arith.index_cast %parallel_loop3A_728 : i32 to index
      %parallel_loop3A_730 = arith.index_cast %parallel_loop3A_695 : i32 to index
      %parallel_loop3A_731 = arith.constant 32 : index
      %parallel_loop3A_732 = tpu.vector_load %arg6[%parallel_loop3A_729, %parallel_loop3A_730, %parallel_loop3A_731] {strides = array<i32>} : memref<5x128x128xf32, #tpu.memory_space<vmem>>, vector<1x1x16xf32>,
      %parallel_loop3A_733 = vector.shape_cast %parallel_loop3A_732 : vector<1x1x16xf32> to vector<16xf32>
      %parallel_loop3A_734 = arith.constant 11.3137083 : f32
      %parallel_loop3A_735 = vector.broadcast %parallel_loop3A_734 : f32 to vector<16xf32>
      %parallel_loop3A_736 = arith.mulf %parallel_loop3A_733, %parallel_loop3A_735 : vector<16xf32>
      %parallel_loop3A_737 = arith.constant 2 : i32
      %parallel_loop3A_738 = arith.index_cast %parallel_loop3A_737 : i32 to index
      %parallel_loop3A_739 = arith.index_cast %parallel_loop3A_695 : i32 to index
      %parallel_loop3A_740 = arith.constant 32 : index
      %parallel_loop3A_741 = tpu.vector_load %arg6[%parallel_loop3A_738, %parallel_loop3A_739, %parallel_loop3A_740] {strides = array<i32>} : memref<5x128x128xf32, #tpu.memory_space<vmem>>, vector<1x1x16xf32>,
      %parallel_loop3A_742 = vector.shape_cast %parallel_loop3A_741 : vector<1x1x16xf32> to vector<16xf32>
      %parallel_loop3A_743 = vector.shape_cast %parallel_loop3A_736 : vector<16xf32> to vector<1x1x16xf32>
      tpu.vector_store %arg6[%parallel_loop3A_738, %parallel_loop3A_739, %parallel_loop3A_740], %parallel_loop3A_743 {strides = array<i32>} : memref<5x128x128xf32, #tpu.memory_space<vmem>>, vector<1x1x16xf32>,
      %parallel_loop3A_744 = arith.constant 2 : i32
      %parallel_loop3A_745 = arith.index_cast %parallel_loop3A_744 : i32 to index
      %parallel_loop3A_746 = arith.index_cast %parallel_loop3A_695 : i32 to index
      %parallel_loop3A_747 = arith.constant 48 : index
      %parallel_loop3A_748 = tpu.vector_load %arg6[%parallel_loop3A_745, %parallel_loop3A_746, %parallel_loop3A_747] {strides = array<i32>} : memref<5x128x128xf32, #tpu.memory_space<vmem>>, vector<1x1x16xf32>,
      %parallel_loop3A_749 = vector.shape_cast %parallel_loop3A_748 : vector<1x1x16xf32> to vector<16xf32>
      %parallel_loop3A_750 = arith.constant 11.3137083 : f32
      %parallel_loop3A_751 = vector.broadcast %parallel_loop3A_750 : f32 to vector<16xf32>
      %parallel_loop3A_752 = arith.mulf %parallel_loop3A_749, %parallel_loop3A_751 : vector<16xf32>
      %parallel_loop3A_753 = arith.constant 2 : i32
      %parallel_loop3A_754 = arith.index_cast %parallel_loop3A_753 : i32 to index
      %parallel_loop3A_755 = arith.index_cast %parallel_loop3A_695 : i32 to index
      %parallel_loop3A_756 = arith.constant 48 : index
      %parallel_loop3A_757 = tpu.vector_load %arg6[%parallel_loop3A_754, %parallel_loop3A_755, %parallel_loop3A_756] {strides = array<i32>} : memref<5x128x128xf32, #tpu.memory_space<vmem>>, vector<1x1x16xf32>,
      %parallel_loop3A_758 = vector.shape_cast %parallel_loop3A_757 : vector<1x1x16xf32> to vector<16xf32>
      %parallel_loop3A_759 = vector.shape_cast %parallel_loop3A_752 : vector<16xf32> to vector<1x1x16xf32>
      tpu.vector_store %arg6[%parallel_loop3A_754, %parallel_loop3A_755, %parallel_loop3A_756], %parallel_loop3A_759 {strides = array<i32>} : memref<5x128x128xf32, #tpu.memory_space<vmem>>, vector<1x1x16xf32>,
      %parallel_loop3A_760 = arith.constant 2 : i32
      %parallel_loop3A_761 = arith.index_cast %parallel_loop3A_760 : i32 to index
      %parallel_loop3A_762 = arith.index_cast %parallel_loop3A_695 : i32 to index
      %parallel_loop3A_763 = arith.constant 64 : index
      %parallel_loop3A_764 = tpu.vector_load %arg6[%parallel_loop3A_761, %parallel_loop3A_762, %parallel_loop3A_763] {strides = array<i32>} : memref<5x128x128xf32, #tpu.memory_space<vmem>>, vector<1x1x16xf32>,
      %parallel_loop3A_765 = vector.shape_cast %parallel_loop3A_764 : vector<1x1x16xf32> to vector<16xf32>
      %parallel_loop3A_766 = arith.constant 11.3137083 : f32
      %parallel_loop3A_767 = vector.broadcast %parallel_loop3A_766 : f32 to vector<16xf32>
      %parallel_loop3A_768 = arith.mulf %parallel_loop3A_765, %parallel_loop3A_767 : vector<16xf32>
      %parallel_loop3A_769 = arith.constant 2 : i32
      %parallel_loop3A_770 = arith.index_cast %parallel_loop3A_769 : i32 to index
      %parallel_loop3A_771 = arith.index_cast %parallel_loop3A_695 : i32 to index
      %parallel_loop3A_772 = arith.constant 64 : index
      %parallel_loop3A_773 = tpu.vector_load %arg6[%parallel_loop3A_770, %parallel_loop3A_771, %parallel_loop3A_772] {strides = array<i32>} : memref<5x128x128xf32, #tpu.memory_space<vmem>>, vector<1x1x16xf32>,
      %parallel_loop3A_774 = vector.shape_cast %parallel_loop3A_773 : vector<1x1x16xf32> to vector<16xf32>
      %parallel_loop3A_775 = vector.shape_cast %parallel_loop3A_768 : vector<16xf32> to vector<1x1x16xf32>
      tpu.vector_store %arg6[%parallel_loop3A_770, %parallel_loop3A_771, %parallel_loop3A_772], %parallel_loop3A_775 {strides = array<i32>} : memref<5x128x128xf32, #tpu.memory_space<vmem>>, vector<1x1x16xf32>,
      %parallel_loop3A_776 = arith.constant 2 : i32
      %parallel_loop3A_777 = arith.index_cast %parallel_loop3A_776 : i32 to index
      %parallel_loop3A_778 = arith.index_cast %parallel_loop3A_695 : i32 to index
      %parallel_loop3A_779 = arith.constant 80 : index
      %parallel_loop3A_780 = tpu.vector_load %arg6[%parallel_loop3A_777, %parallel_loop3A_778, %parallel_loop3A_779] {strides = array<i32>} : memref<5x128x128xf32, #tpu.memory_space<vmem>>, vector<1x1x16xf32>,
      %parallel_loop3A_781 = vector.shape_cast %parallel_loop3A_780 : vector<1x1x16xf32> to vector<16xf32>
      %parallel_loop3A_782 = arith.constant 11.3137083 : f32
      %parallel_loop3A_783 = vector.broadcast %parallel_loop3A_782 : f32 to vector<16xf32>
      %parallel_loop3A_784 = arith.mulf %parallel_loop3A_781, %parallel_loop3A_783 : vector<16xf32>
      %parallel_loop3A_785 = arith.constant 2 : i32
      %parallel_loop3A_786 = arith.index_cast %parallel_loop3A_785 : i32 to index
      %parallel_loop3A_787 = arith.index_cast %parallel_loop3A_695 : i32 to index
      %parallel_loop3A_788 = arith.constant 80 : index
      %parallel_loop3A_789 = tpu.vector_load %arg6[%parallel_loop3A_786, %parallel_loop3A_787, %parallel_loop3A_788] {strides = array<i32>} : memref<5x128x128xf32, #tpu.memory_space<vmem>>, vector<1x1x16xf32>,
      %parallel_loop3A_790 = vector.shape_cast %parallel_loop3A_789 : vector<1x1x16xf32> to vector<16xf32>
      %parallel_loop3A_791 = vector.shape_cast %parallel_loop3A_784 : vector<16xf32> to vector<1x1x16xf32>
      tpu.vector_store %arg6[%parallel_loop3A_786, %parallel_loop3A_787, %parallel_loop3A_788], %parallel_loop3A_791 {strides = array<i32>} : memref<5x128x128xf32, #tpu.memory_space<vmem>>, vector<1x1x16xf32>,
      %parallel_loop3A_792 = arith.constant 2 : i32
      %parallel_loop3A_793 = arith.index_cast %parallel_loop3A_792 : i32 to index
      %parallel_loop3A_794 = arith.index_cast %parallel_loop3A_695 : i32 to index
      %parallel_loop3A_795 = arith.constant 96 : index
      %parallel_loop3A_796 = tpu.vector_load %arg6[%parallel_loop3A_793, %parallel_loop3A_794, %parallel_loop3A_795] {strides = array<i32>} : memref<5x128x128xf32, #tpu.memory_space<vmem>>, vector<1x1x16xf32>,
      %parallel_loop3A_797 = vector.shape_cast %parallel_loop3A_796 : vector<1x1x16xf32> to vector<16xf32>
      %parallel_loop3A_798 = arith.constant 11.3137083 : f32
      %parallel_loop3A_799 = vector.broadcast %parallel_loop3A_798 : f32 to vector<16xf32>
      %parallel_loop3A_800 = arith.mulf %parallel_loop3A_797, %parallel_loop3A_799 : vector<16xf32>
      %parallel_loop3A_801 = arith.constant 2 : i32
      %parallel_loop3A_802 = arith.index_cast %parallel_loop3A_801 : i32 to index
      %parallel_loop3A_803 = arith.index_cast %parallel_loop3A_695 : i32 to index
      %parallel_loop3A_804 = arith.constant 96 : index
      %parallel_loop3A_805 = tpu.vector_load %arg6[%parallel_loop3A_802, %parallel_loop3A_803, %parallel_loop3A_804] {strides = array<i32>} : memref<5x128x128xf32, #tpu.memory_space<vmem>>, vector<1x1x16xf32>,
      %parallel_loop3A_806 = vector.shape_cast %parallel_loop3A_805 : vector<1x1x16xf32> to vector<16xf32>
      %parallel_loop3A_807 = vector.shape_cast %parallel_loop3A_800 : vector<16xf32> to vector<1x1x16xf32>
      tpu.vector_store %arg6[%parallel_loop3A_802, %parallel_loop3A_803, %parallel_loop3A_804], %parallel_loop3A_807 {strides = array<i32>} : memref<5x128x128xf32, #tpu.memory_space<vmem>>, vector<1x1x16xf32>,
      %parallel_loop3A_808 = arith.constant 2 : i32
      %parallel_loop3A_809 = arith.index_cast %parallel_loop3A_808 : i32 to index
      %parallel_loop3A_810 = arith.index_cast %parallel_loop3A_695 : i32 to index
      %parallel_loop3A_811 = arith.constant 112 : index
      %parallel_loop3A_812 = tpu.vector_load %arg6[%parallel_loop3A_809, %parallel_loop3A_810, %parallel_loop3A_811] {strides = array<i32>} : memref<5x128x128xf32, #tpu.memory_space<vmem>>, vector<1x1x16xf32>,
      %parallel_loop3A_813 = vector.shape_cast %parallel_loop3A_812 : vector<1x1x16xf32> to vector<16xf32>
      %parallel_loop3A_814 = arith.constant 11.3137083 : f32
      %parallel_loop3A_815 = vector.broadcast %parallel_loop3A_814 : f32 to vector<16xf32>
      %parallel_loop3A_816 = arith.mulf %parallel_loop3A_813, %parallel_loop3A_815 : vector<16xf32>
      %parallel_loop3A_817 = arith.constant 2 : i32
      %parallel_loop3A_818 = arith.index_cast %parallel_loop3A_817 : i32 to index
      %parallel_loop3A_819 = arith.index_cast %parallel_loop3A_695 : i32 to index
      %parallel_loop3A_820 = arith.constant 112 : index
      %parallel_loop3A_821 = tpu.vector_load %arg6[%parallel_loop3A_818, %parallel_loop3A_819, %parallel_loop3A_820] {strides = array<i32>} : memref<5x128x128xf32, #tpu.memory_space<vmem>>, vector<1x1x16xf32>,
      %parallel_loop3A_822 = vector.shape_cast %parallel_loop3A_821 : vector<1x1x16xf32> to vector<16xf32>
      %parallel_loop3A_823 = vector.shape_cast %parallel_loop3A_816 : vector<16xf32> to vector<1x1x16xf32>
      tpu.vector_store %arg6[%parallel_loop3A_818, %parallel_loop3A_819, %parallel_loop3A_820], %parallel_loop3A_823 {strides = array<i32>} : memref<5x128x128xf32, #tpu.memory_space<vmem>>, vector<1x1x16xf32>,
    } {sc.loop_unroll_factor = 4 : i64, sc.parallel_access}
    %add3A_515 = arith.constant 6016 : i32
    %add3A_516 = arith.addi %mul3A_2, %add3A_515 : i32
    %dma_start3A_517 = arith.constant 2 : i32
    %dma_start3A_518 = arith.constant 2 : i32
    %dma_start3A_519 = arith.constant 0 : i32
    %dma_start3A_520 = arith.constant 0 : i32
    %dma_start3A_521 = tpu.memref_slice %arg6[%dma_start3A_517, %dma_start3A_519, %dma_start3A_520] : memref<5x128x128xf32, #tpu.memory_space<vmem>> -> memref<1x128x128xf32, #tpu.memory_space<vmem>>
    %dma_start3A_522 = tpu.memref_squeeze %dma_start3A_521 : memref<1x128x128xf32, #tpu.memory_space<vmem>> -> memref<128x128xf32, #tpu.memory_space<vmem>>
    %dma_start3A_523 = arith.constant 0 : i32
    %dma_start3A_524 = tpu.memref_slice %arg4[%add3A_516, %dma_start3A_523] : memref<204800x128xf32, #tpu.memory_space<hbm>> -> memref<128x128xf32, #tpu.memory_space<hbm>>
    %dma_start3A_525 = tpu.memref_slice %arg8[%dma_start3A_518] : memref<5x!tpu.dma_semaphore, #tpu.memory_space<semaphore_mem>> -> memref<1x!tpu.dma_semaphore, #tpu.memory_space<semaphore_mem>>
    %dma_start3A_526 = tpu.memref_squeeze %dma_start3A_525 : memref<1x!tpu.dma_semaphore, #tpu.memory_space<semaphore_mem>> -> memref<!tpu.dma_semaphore, #tpu.memory_space<semaphore_mem>>
    %dma_start3A_527 = arith.constant 0 : i32
    %dma_start3A_528 = tpu.memref_slice %arg4[%add3A_516, %dma_start3A_527] : memref<204800x128xf32, #tpu.memory_space<hbm>> -> memref<128x128xf32, #tpu.memory_space<hbm>>
    %dma_start3A_529 = arith.constant 0 : i32
    %dma_start3A_530 = arith.constant 0 : i32
    %dma_start3A_531 = tpu.memref_slice %arg6[%dma_start3A_517, %dma_start3A_529, %dma_start3A_530] : memref<5x128x128xf32, #tpu.memory_space<vmem>> -> memref<1x128x128xf32, #tpu.memory_space<vmem>>
    %dma_start3A_532 = tpu.memref_squeeze %dma_start3A_531 : memref<1x128x128xf32, #tpu.memory_space<vmem>> -> memref<128x128xf32, #tpu.memory_space<vmem>>
    tpu.enqueue_dma source(%dma_start3A_532 : memref<128x128xf32, #tpu.memory_space<vmem>>) target(%dma_start3A_528 : memref<128x128xf32, #tpu.memory_space<hbm>>) target_semaphore(%dma_start3A_526 : memref<!tpu.dma_semaphore, #tpu.memory_space<semaphore_mem>>)
    %dma_wait3A_533 = arith.constant 48 : i32
    %dma_wait3A_534 = arith.constant 3 : i32
    %dma_wait3A_535 = arith.constant 3 : i32
    %dma_wait3A_536 = arith.constant 0 : i32
    %dma_wait3A_537 = arith.constant 0 : i32
    %dma_wait3A_538 = tpu.memref_slice %arg6[%dma_wait3A_534, %dma_wait3A_536, %dma_wait3A_537] : memref<5x128x128xf32, #tpu.memory_space<vmem>> -> memref<1x128x128xf32, #tpu.memory_space<vmem>>
    %dma_wait3A_539 = tpu.memref_squeeze %dma_wait3A_538 : memref<1x128x128xf32, #tpu.memory_space<vmem>> -> memref<128x128xf32, #tpu.memory_space<vmem>>
    %dma_wait3A_540 = arith.constant 0 : i32
    %dma_wait3A_541 = tpu.memref_slice %arg5[%dma_wait3A_533, %dma_wait3A_540] : memref<50x128xi32, #tpu.memory_space<vmem>> -> memref<1x128xi32, #tpu.memory_space<vmem>>
    %dma_wait3A_542 = tpu.memref_squeeze %dma_wait3A_541 : memref<1x128xi32, #tpu.memory_space<vmem>> -> memref<128xi32, #tpu.memory_space<vmem>>
    %dma_wait3A_543 = arith.constant 0 : i32
    %dma_wait3A_544 = arith.constant 0 : i32
    %dma_wait3A_545 = tpu.memref_slice %arg3[%dma_wait3A_543, %dma_wait3A_544] : memref<100000x128xf32, #tpu.memory_space<hbm>> -> memref<100000x128xf32, #tpu.memory_space<hbm>>
    %dma_wait3A_546 = tpu.memref_slice %arg7[%dma_wait3A_535] : memref<5x!tpu.dma_semaphore, #tpu.memory_space<semaphore_mem>> -> memref<1x!tpu.dma_semaphore, #tpu.memory_space<semaphore_mem>>
    %dma_wait3A_547 = tpu.memref_squeeze %dma_wait3A_546 : memref<1x!tpu.dma_semaphore, #tpu.memory_space<semaphore_mem>> -> memref<!tpu.dma_semaphore, #tpu.memory_space<semaphore_mem>>
    tpu.wait_indirect_dma semaphore(%dma_wait3A_547 : memref<!tpu.dma_semaphore, #tpu.memory_space<semaphore_mem>>) src(%dma_wait3A_545 : memref<100000x128xf32, #tpu.memory_space<hbm>>) dst(%dma_wait3A_539 : memref<128x128xf32, #tpu.memory_space<vmem>>)
    %parallel_loop3A_548 = arith.constant 0 : i32
    %parallel_loop3A_549 = arith.constant 128 : i32
    %parallel_loop3A_550 = arith.constant 1 : i32
    scf.for %parallel_loop3A_695 = %parallel_loop3A_548 to %parallel_loop3A_549 step %parallel_loop3A_550  : i32 {
      %parallel_loop3A_696 = arith.constant 3 : i32
      %parallel_loop3A_697 = arith.index_cast %parallel_loop3A_696 : i32 to index
      %parallel_loop3A_698 = arith.index_cast %parallel_loop3A_695 : i32 to index
      %parallel_loop3A_699 = arith.constant 0 : index
      %parallel_loop3A_700 = tpu.vector_load %arg6[%parallel_loop3A_697, %parallel_loop3A_698, %parallel_loop3A_699] {strides = array<i32>} : memref<5x128x128xf32, #tpu.memory_space<vmem>>, vector<1x1x16xf32>,
      %parallel_loop3A_701 = vector.shape_cast %parallel_loop3A_700 : vector<1x1x16xf32> to vector<16xf32>
      %parallel_loop3A_702 = arith.constant 11.3137083 : f32
      %parallel_loop3A_703 = vector.broadcast %parallel_loop3A_702 : f32 to vector<16xf32>
      %parallel_loop3A_704 = arith.mulf %parallel_loop3A_701, %parallel_loop3A_703 : vector<16xf32>
      %parallel_loop3A_705 = arith.constant 3 : i32
      %parallel_loop3A_706 = arith.index_cast %parallel_loop3A_705 : i32 to index
      %parallel_loop3A_707 = arith.index_cast %parallel_loop3A_695 : i32 to index
      %parallel_loop3A_708 = arith.constant 0 : index
      %parallel_loop3A_709 = tpu.vector_load %arg6[%parallel_loop3A_706, %parallel_loop3A_707, %parallel_loop3A_708] {strides = array<i32>} : memref<5x128x128xf32, #tpu.memory_space<vmem>>, vector<1x1x16xf32>,
      %parallel_loop3A_710 = vector.shape_cast %parallel_loop3A_709 : vector<1x1x16xf32> to vector<16xf32>
      %parallel_loop3A_711 = vector.shape_cast %parallel_loop3A_704 : vector<16xf32> to vector<1x1x16xf32>
      tpu.vector_store %arg6[%parallel_loop3A_706, %parallel_loop3A_707, %parallel_loop3A_708], %parallel_loop3A_711 {strides = array<i32>} : memref<5x128x128xf32, #tpu.memory_space<vmem>>, vector<1x1x16xf32>,
      %parallel_loop3A_712 = arith.constant 3 : i32
      %parallel_loop3A_713 = arith.index_cast %parallel_loop3A_712 : i32 to index
      %parallel_loop3A_714 = arith.index_cast %parallel_loop3A_695 : i32 to index
      %parallel_loop3A_715 = arith.constant 16 : index
      %parallel_loop3A_716 = tpu.vector_load %arg6[%parallel_loop3A_713, %parallel_loop3A_714, %parallel_loop3A_715] {strides = array<i32>} : memref<5x128x128xf32, #tpu.memory_space<vmem>>, vector<1x1x16xf32>,
      %parallel_loop3A_717 = vector.shape_cast %parallel_loop3A_716 : vector<1x1x16xf32> to vector<16xf32>
      %parallel_loop3A_718 = arith.constant 11.3137083 : f32
      %parallel_loop3A_719 = vector.broadcast %parallel_loop3A_718 : f32 to vector<16xf32>
      %parallel_loop3A_720 = arith.mulf %parallel_loop3A_717, %parallel_loop3A_719 : vector<16xf32>
      %parallel_loop3A_721 = arith.constant 3 : i32
      %parallel_loop3A_722 = arith.index_cast %parallel_loop3A_721 : i32 to index
      %parallel_loop3A_723 = arith.index_cast %parallel_loop3A_695 : i32 to index
      %parallel_loop3A_724 = arith.constant 16 : index
      %parallel_loop3A_725 = tpu.vector_load %arg6[%parallel_loop3A_722, %parallel_loop3A_723, %parallel_loop3A_724] {strides = array<i32>} : memref<5x128x128xf32, #tpu.memory_space<vmem>>, vector<1x1x16xf32>,
      %parallel_loop3A_726 = vector.shape_cast %parallel_loop3A_725 : vector<1x1x16xf32> to vector<16xf32>
      %parallel_loop3A_727 = vector.shape_cast %parallel_loop3A_720 : vector<16xf32> to vector<1x1x16xf32>
      tpu.vector_store %arg6[%parallel_loop3A_722, %parallel_loop3A_723, %parallel_loop3A_724], %parallel_loop3A_727 {strides = array<i32>} : memref<5x128x128xf32, #tpu.memory_space<vmem>>, vector<1x1x16xf32>,
      %parallel_loop3A_728 = arith.constant 3 : i32
      %parallel_loop3A_729 = arith.index_cast %parallel_loop3A_728 : i32 to index
      %parallel_loop3A_730 = arith.index_cast %parallel_loop3A_695 : i32 to index
      %parallel_loop3A_731 = arith.constant 32 : index
      %parallel_loop3A_732 = tpu.vector_load %arg6[%parallel_loop3A_729, %parallel_loop3A_730, %parallel_loop3A_731] {strides = array<i32>} : memref<5x128x128xf32, #tpu.memory_space<vmem>>, vector<1x1x16xf32>,
      %parallel_loop3A_733 = vector.shape_cast %parallel_loop3A_732 : vector<1x1x16xf32> to vector<16xf32>
      %parallel_loop3A_734 = arith.constant 11.3137083 : f32
      %parallel_loop3A_735 = vector.broadcast %parallel_loop3A_734 : f32 to vector<16xf32>
      %parallel_loop3A_736 = arith.mulf %parallel_loop3A_733, %parallel_loop3A_735 : vector<16xf32>
      %parallel_loop3A_737 = arith.constant 3 : i32
      %parallel_loop3A_738 = arith.index_cast %parallel_loop3A_737 : i32 to index
      %parallel_loop3A_739 = arith.index_cast %parallel_loop3A_695 : i32 to index
      %parallel_loop3A_740 = arith.constant 32 : index
      %parallel_loop3A_741 = tpu.vector_load %arg6[%parallel_loop3A_738, %parallel_loop3A_739, %parallel_loop3A_740] {strides = array<i32>} : memref<5x128x128xf32, #tpu.memory_space<vmem>>, vector<1x1x16xf32>,
      %parallel_loop3A_742 = vector.shape_cast %parallel_loop3A_741 : vector<1x1x16xf32> to vector<16xf32>
      %parallel_loop3A_743 = vector.shape_cast %parallel_loop3A_736 : vector<16xf32> to vector<1x1x16xf32>
      tpu.vector_store %arg6[%parallel_loop3A_738, %parallel_loop3A_739, %parallel_loop3A_740], %parallel_loop3A_743 {strides = array<i32>} : memref<5x128x128xf32, #tpu.memory_space<vmem>>, vector<1x1x16xf32>,
      %parallel_loop3A_744 = arith.constant 3 : i32
      %parallel_loop3A_745 = arith.index_cast %parallel_loop3A_744 : i32 to index
      %parallel_loop3A_746 = arith.index_cast %parallel_loop3A_695 : i32 to index
      %parallel_loop3A_747 = arith.constant 48 : index
      %parallel_loop3A_748 = tpu.vector_load %arg6[%parallel_loop3A_745, %parallel_loop3A_746, %parallel_loop3A_747] {strides = array<i32>} : memref<5x128x128xf32, #tpu.memory_space<vmem>>, vector<1x1x16xf32>,
      %parallel_loop3A_749 = vector.shape_cast %parallel_loop3A_748 : vector<1x1x16xf32> to vector<16xf32>
      %parallel_loop3A_750 = arith.constant 11.3137083 : f32
      %parallel_loop3A_751 = vector.broadcast %parallel_loop3A_750 : f32 to vector<16xf32>
      %parallel_loop3A_752 = arith.mulf %parallel_loop3A_749, %parallel_loop3A_751 : vector<16xf32>
      %parallel_loop3A_753 = arith.constant 3 : i32
      %parallel_loop3A_754 = arith.index_cast %parallel_loop3A_753 : i32 to index
      %parallel_loop3A_755 = arith.index_cast %parallel_loop3A_695 : i32 to index
      %parallel_loop3A_756 = arith.constant 48 : index
      %parallel_loop3A_757 = tpu.vector_load %arg6[%parallel_loop3A_754, %parallel_loop3A_755, %parallel_loop3A_756] {strides = array<i32>} : memref<5x128x128xf32, #tpu.memory_space<vmem>>, vector<1x1x16xf32>,
      %parallel_loop3A_758 = vector.shape_cast %parallel_loop3A_757 : vector<1x1x16xf32> to vector<16xf32>
      %parallel_loop3A_759 = vector.shape_cast %parallel_loop3A_752 : vector<16xf32> to vector<1x1x16xf32>
      tpu.vector_store %arg6[%parallel_loop3A_754, %parallel_loop3A_755, %parallel_loop3A_756], %parallel_loop3A_759 {strides = array<i32>} : memref<5x128x128xf32, #tpu.memory_space<vmem>>, vector<1x1x16xf32>,
      %parallel_loop3A_760 = arith.constant 3 : i32
      %parallel_loop3A_761 = arith.index_cast %parallel_loop3A_760 : i32 to index
      %parallel_loop3A_762 = arith.index_cast %parallel_loop3A_695 : i32 to index
      %parallel_loop3A_763 = arith.constant 64 : index
      %parallel_loop3A_764 = tpu.vector_load %arg6[%parallel_loop3A_761, %parallel_loop3A_762, %parallel_loop3A_763] {strides = array<i32>} : memref<5x128x128xf32, #tpu.memory_space<vmem>>, vector<1x1x16xf32>,
      %parallel_loop3A_765 = vector.shape_cast %parallel_loop3A_764 : vector<1x1x16xf32> to vector<16xf32>
      %parallel_loop3A_766 = arith.constant 11.3137083 : f32
      %parallel_loop3A_767 = vector.broadcast %parallel_loop3A_766 : f32 to vector<16xf32>
      %parallel_loop3A_768 = arith.mulf %parallel_loop3A_765, %parallel_loop3A_767 : vector<16xf32>
      %parallel_loop3A_769 = arith.constant 3 : i32
      %parallel_loop3A_770 = arith.index_cast %parallel_loop3A_769 : i32 to index
      %parallel_loop3A_771 = arith.index_cast %parallel_loop3A_695 : i32 to index
      %parallel_loop3A_772 = arith.constant 64 : index
      %parallel_loop3A_773 = tpu.vector_load %arg6[%parallel_loop3A_770, %parallel_loop3A_771, %parallel_loop3A_772] {strides = array<i32>} : memref<5x128x128xf32, #tpu.memory_space<vmem>>, vector<1x1x16xf32>,
      %parallel_loop3A_774 = vector.shape_cast %parallel_loop3A_773 : vector<1x1x16xf32> to vector<16xf32>
      %parallel_loop3A_775 = vector.shape_cast %parallel_loop3A_768 : vector<16xf32> to vector<1x1x16xf32>
      tpu.vector_store %arg6[%parallel_loop3A_770, %parallel_loop3A_771, %parallel_loop3A_772], %parallel_loop3A_775 {strides = array<i32>} : memref<5x128x128xf32, #tpu.memory_space<vmem>>, vector<1x1x16xf32>,
      %parallel_loop3A_776 = arith.constant 3 : i32
      %parallel_loop3A_777 = arith.index_cast %parallel_loop3A_776 : i32 to index
      %parallel_loop3A_778 = arith.index_cast %parallel_loop3A_695 : i32 to index
      %parallel_loop3A_779 = arith.constant 80 : index
      %parallel_loop3A_780 = tpu.vector_load %arg6[%parallel_loop3A_777, %parallel_loop3A_778, %parallel_loop3A_779] {strides = array<i32>} : memref<5x128x128xf32, #tpu.memory_space<vmem>>, vector<1x1x16xf32>,
      %parallel_loop3A_781 = vector.shape_cast %parallel_loop3A_780 : vector<1x1x16xf32> to vector<16xf32>
      %parallel_loop3A_782 = arith.constant 11.3137083 : f32
      %parallel_loop3A_783 = vector.broadcast %parallel_loop3A_782 : f32 to vector<16xf32>
      %parallel_loop3A_784 = arith.mulf %parallel_loop3A_781, %parallel_loop3A_783 : vector<16xf32>
      %parallel_loop3A_785 = arith.constant 3 : i32
      %parallel_loop3A_786 = arith.index_cast %parallel_loop3A_785 : i32 to index
      %parallel_loop3A_787 = arith.index_cast %parallel_loop3A_695 : i32 to index
      %parallel_loop3A_788 = arith.constant 80 : index
      %parallel_loop3A_789 = tpu.vector_load %arg6[%parallel_loop3A_786, %parallel_loop3A_787, %parallel_loop3A_788] {strides = array<i32>} : memref<5x128x128xf32, #tpu.memory_space<vmem>>, vector<1x1x16xf32>,
      %parallel_loop3A_790 = vector.shape_cast %parallel_loop3A_789 : vector<1x1x16xf32> to vector<16xf32>
      %parallel_loop3A_791 = vector.shape_cast %parallel_loop3A_784 : vector<16xf32> to vector<1x1x16xf32>
      tpu.vector_store %arg6[%parallel_loop3A_786, %parallel_loop3A_787, %parallel_loop3A_788], %parallel_loop3A_791 {strides = array<i32>} : memref<5x128x128xf32, #tpu.memory_space<vmem>>, vector<1x1x16xf32>,
      %parallel_loop3A_792 = arith.constant 3 : i32
      %parallel_loop3A_793 = arith.index_cast %parallel_loop3A_792 : i32 to index
      %parallel_loop3A_794 = arith.index_cast %parallel_loop3A_695 : i32 to index
      %parallel_loop3A_795 = arith.constant 96 : index
      %parallel_loop3A_796 = tpu.vector_load %arg6[%parallel_loop3A_793, %parallel_loop3A_794, %parallel_loop3A_795] {strides = array<i32>} : memref<5x128x128xf32, #tpu.memory_space<vmem>>, vector<1x1x16xf32>,
      %parallel_loop3A_797 = vector.shape_cast %parallel_loop3A_796 : vector<1x1x16xf32> to vector<16xf32>
      %parallel_loop3A_798 = arith.constant 11.3137083 : f32
      %parallel_loop3A_799 = vector.broadcast %parallel_loop3A_798 : f32 to vector<16xf32>
      %parallel_loop3A_800 = arith.mulf %parallel_loop3A_797, %parallel_loop3A_799 : vector<16xf32>
      %parallel_loop3A_801 = arith.constant 3 : i32
      %parallel_loop3A_802 = arith.index_cast %parallel_loop3A_801 : i32 to index
      %parallel_loop3A_803 = arith.index_cast %parallel_loop3A_695 : i32 to index
      %parallel_loop3A_804 = arith.constant 96 : index
      %parallel_loop3A_805 = tpu.vector_load %arg6[%parallel_loop3A_802, %parallel_loop3A_803, %parallel_loop3A_804] {strides = array<i32>} : memref<5x128x128xf32, #tpu.memory_space<vmem>>, vector<1x1x16xf32>,
      %parallel_loop3A_806 = vector.shape_cast %parallel_loop3A_805 : vector<1x1x16xf32> to vector<16xf32>
      %parallel_loop3A_807 = vector.shape_cast %parallel_loop3A_800 : vector<16xf32> to vector<1x1x16xf32>
      tpu.vector_store %arg6[%parallel_loop3A_802, %parallel_loop3A_803, %parallel_loop3A_804], %parallel_loop3A_807 {strides = array<i32>} : memref<5x128x128xf32, #tpu.memory_space<vmem>>, vector<1x1x16xf32>,
      %parallel_loop3A_808 = arith.constant 3 : i32
      %parallel_loop3A_809 = arith.index_cast %parallel_loop3A_808 : i32 to index
      %parallel_loop3A_810 = arith.index_cast %parallel_loop3A_695 : i32 to index
      %parallel_loop3A_811 = arith.constant 112 : index
      %parallel_loop3A_812 = tpu.vector_load %arg6[%parallel_loop3A_809, %parallel_loop3A_810, %parallel_loop3A_811] {strides = array<i32>} : memref<5x128x128xf32, #tpu.memory_space<vmem>>, vector<1x1x16xf32>,
      %parallel_loop3A_813 = vector.shape_cast %parallel_loop3A_812 : vector<1x1x16xf32> to vector<16xf32>
      %parallel_loop3A_814 = arith.constant 11.3137083 : f32
      %parallel_loop3A_815 = vector.broadcast %parallel_loop3A_814 : f32 to vector<16xf32>
      %parallel_loop3A_816 = arith.mulf %parallel_loop3A_813, %parallel_loop3A_815 : vector<16xf32>
      %parallel_loop3A_817 = arith.constant 3 : i32
      %parallel_loop3A_818 = arith.index_cast %parallel_loop3A_817 : i32 to index
      %parallel_loop3A_819 = arith.index_cast %parallel_loop3A_695 : i32 to index
      %parallel_loop3A_820 = arith.constant 112 : index
      %parallel_loop3A_821 = tpu.vector_load %arg6[%parallel_loop3A_818, %parallel_loop3A_819, %parallel_loop3A_820] {strides = array<i32>} : memref<5x128x128xf32, #tpu.memory_space<vmem>>, vector<1x1x16xf32>,
      %parallel_loop3A_822 = vector.shape_cast %parallel_loop3A_821 : vector<1x1x16xf32> to vector<16xf32>
      %parallel_loop3A_823 = vector.shape_cast %parallel_loop3A_816 : vector<16xf32> to vector<1x1x16xf32>
      tpu.vector_store %arg6[%parallel_loop3A_818, %parallel_loop3A_819, %parallel_loop3A_820], %parallel_loop3A_823 {strides = array<i32>} : memref<5x128x128xf32, #tpu.memory_space<vmem>>, vector<1x1x16xf32>,
    } {sc.loop_unroll_factor = 4 : i64, sc.parallel_access}
    %add3A_551 = arith.constant 6144 : i32
    %add3A_552 = arith.addi %mul3A_2, %add3A_551 : i32
    %dma_start3A_553 = arith.constant 3 : i32
    %dma_start3A_554 = arith.constant 3 : i32
    %dma_start3A_555 = arith.constant 0 : i32
    %dma_start3A_556 = arith.constant 0 : i32
    %dma_start3A_557 = tpu.memref_slice %arg6[%dma_start3A_553, %dma_start3A_555, %dma_start3A_556] : memref<5x128x128xf32, #tpu.memory_space<vmem>> -> memref<1x128x128xf32, #tpu.memory_space<vmem>>
    %dma_start3A_558 = tpu.memref_squeeze %dma_start3A_557 : memref<1x128x128xf32, #tpu.memory_space<vmem>> -> memref<128x128xf32, #tpu.memory_space<vmem>>
    %dma_start3A_559 = arith.constant 0 : i32
    %dma_start3A_560 = tpu.memref_slice %arg4[%add3A_552, %dma_start3A_559] : memref<204800x128xf32, #tpu.memory_space<hbm>> -> memref<128x128xf32, #tpu.memory_space<hbm>>
    %dma_start3A_561 = tpu.memref_slice %arg8[%dma_start3A_554] : memref<5x!tpu.dma_semaphore, #tpu.memory_space<semaphore_mem>> -> memref<1x!tpu.dma_semaphore, #tpu.memory_space<semaphore_mem>>
    %dma_start3A_562 = tpu.memref_squeeze %dma_start3A_561 : memref<1x!tpu.dma_semaphore, #tpu.memory_space<semaphore_mem>> -> memref<!tpu.dma_semaphore, #tpu.memory_space<semaphore_mem>>
    %dma_start3A_563 = arith.constant 0 : i32
    %dma_start3A_564 = tpu.memref_slice %arg4[%add3A_552, %dma_start3A_563] : memref<204800x128xf32, #tpu.memory_space<hbm>> -> memref<128x128xf32, #tpu.memory_space<hbm>>
    %dma_start3A_565 = arith.constant 0 : i32
    %dma_start3A_566 = arith.constant 0 : i32
    %dma_start3A_567 = tpu.memref_slice %arg6[%dma_start3A_553, %dma_start3A_565, %dma_start3A_566] : memref<5x128x128xf32, #tpu.memory_space<vmem>> -> memref<1x128x128xf32, #tpu.memory_space<vmem>>
    %dma_start3A_568 = tpu.memref_squeeze %dma_start3A_567 : memref<1x128x128xf32, #tpu.memory_space<vmem>> -> memref<128x128xf32, #tpu.memory_space<vmem>>
    tpu.enqueue_dma source(%dma_start3A_568 : memref<128x128xf32, #tpu.memory_space<vmem>>) target(%dma_start3A_564 : memref<128x128xf32, #tpu.memory_space<hbm>>) target_semaphore(%dma_start3A_562 : memref<!tpu.dma_semaphore, #tpu.memory_space<semaphore_mem>>)
    %dma_wait3A_569 = arith.constant 49 : i32
    %dma_wait3A_570 = arith.constant 4 : i32
    %dma_wait3A_571 = arith.constant 4 : i32
    %dma_wait3A_572 = arith.constant 0 : i32
    %dma_wait3A_573 = arith.constant 0 : i32
    %dma_wait3A_574 = tpu.memref_slice %arg6[%dma_wait3A_570, %dma_wait3A_572, %dma_wait3A_573] : memref<5x128x128xf32, #tpu.memory_space<vmem>> -> memref<1x128x128xf32, #tpu.memory_space<vmem>>
    %dma_wait3A_575 = tpu.memref_squeeze %dma_wait3A_574 : memref<1x128x128xf32, #tpu.memory_space<vmem>> -> memref<128x128xf32, #tpu.memory_space<vmem>>
    %dma_wait3A_576 = arith.constant 0 : i32
    %dma_wait3A_577 = tpu.memref_slice %arg5[%dma_wait3A_569, %dma_wait3A_576] : memref<50x128xi32, #tpu.memory_space<vmem>> -> memref<1x128xi32, #tpu.memory_space<vmem>>
    %dma_wait3A_578 = tpu.memref_squeeze %dma_wait3A_577 : memref<1x128xi32, #tpu.memory_space<vmem>> -> memref<128xi32, #tpu.memory_space<vmem>>
    %dma_wait3A_579 = arith.constant 0 : i32
    %dma_wait3A_580 = arith.constant 0 : i32
    %dma_wait3A_581 = tpu.memref_slice %arg3[%dma_wait3A_579, %dma_wait3A_580] : memref<100000x128xf32, #tpu.memory_space<hbm>> -> memref<100000x128xf32, #tpu.memory_space<hbm>>
    %dma_wait3A_582 = tpu.memref_slice %arg7[%dma_wait3A_571] : memref<5x!tpu.dma_semaphore, #tpu.memory_space<semaphore_mem>> -> memref<1x!tpu.dma_semaphore, #tpu.memory_space<semaphore_mem>>
    %dma_wait3A_583 = tpu.memref_squeeze %dma_wait3A_582 : memref<1x!tpu.dma_semaphore, #tpu.memory_space<semaphore_mem>> -> memref<!tpu.dma_semaphore, #tpu.memory_space<semaphore_mem>>
    tpu.wait_indirect_dma semaphore(%dma_wait3A_583 : memref<!tpu.dma_semaphore, #tpu.memory_space<semaphore_mem>>) src(%dma_wait3A_581 : memref<100000x128xf32, #tpu.memory_space<hbm>>) dst(%dma_wait3A_575 : memref<128x128xf32, #tpu.memory_space<vmem>>)
    %parallel_loop3A_584 = arith.constant 0 : i32
    %parallel_loop3A_585 = arith.constant 128 : i32
    %parallel_loop3A_586 = arith.constant 1 : i32
    scf.for %parallel_loop3A_695 = %parallel_loop3A_584 to %parallel_loop3A_585 step %parallel_loop3A_586  : i32 {
      %parallel_loop3A_696 = arith.constant 4 : i32
      %parallel_loop3A_697 = arith.index_cast %parallel_loop3A_696 : i32 to index
      %parallel_loop3A_698 = arith.index_cast %parallel_loop3A_695 : i32 to index
      %parallel_loop3A_699 = arith.constant 0 : index
      %parallel_loop3A_700 = tpu.vector_load %arg6[%parallel_loop3A_697, %parallel_loop3A_698, %parallel_loop3A_699] {strides = array<i32>} : memref<5x128x128xf32, #tpu.memory_space<vmem>>, vector<1x1x16xf32>,
      %parallel_loop3A_701 = vector.shape_cast %parallel_loop3A_700 : vector<1x1x16xf32> to vector<16xf32>
      %parallel_loop3A_702 = arith.constant 11.3137083 : f32
      %parallel_loop3A_703 = vector.broadcast %parallel_loop3A_702 : f32 to vector<16xf32>
      %parallel_loop3A_704 = arith.mulf %parallel_loop3A_701, %parallel_loop3A_703 : vector<16xf32>
      %parallel_loop3A_705 = arith.constant 4 : i32
      %parallel_loop3A_706 = arith.index_cast %parallel_loop3A_705 : i32 to index
      %parallel_loop3A_707 = arith.index_cast %parallel_loop3A_695 : i32 to index
      %parallel_loop3A_708 = arith.constant 0 : index
      %parallel_loop3A_709 = tpu.vector_load %arg6[%parallel_loop3A_706, %parallel_loop3A_707, %parallel_loop3A_708] {strides = array<i32>} : memref<5x128x128xf32, #tpu.memory_space<vmem>>, vector<1x1x16xf32>,
      %parallel_loop3A_710 = vector.shape_cast %parallel_loop3A_709 : vector<1x1x16xf32> to vector<16xf32>
      %parallel_loop3A_711 = vector.shape_cast %parallel_loop3A_704 : vector<16xf32> to vector<1x1x16xf32>
      tpu.vector_store %arg6[%parallel_loop3A_706, %parallel_loop3A_707, %parallel_loop3A_708], %parallel_loop3A_711 {strides = array<i32>} : memref<5x128x128xf32, #tpu.memory_space<vmem>>, vector<1x1x16xf32>,
      %parallel_loop3A_712 = arith.constant 4 : i32
      %parallel_loop3A_713 = arith.index_cast %parallel_loop3A_712 : i32 to index
      %parallel_loop3A_714 = arith.index_cast %parallel_loop3A_695 : i32 to index
      %parallel_loop3A_715 = arith.constant 16 : index
      %parallel_loop3A_716 = tpu.vector_load %arg6[%parallel_loop3A_713, %parallel_loop3A_714, %parallel_loop3A_715] {strides = array<i32>} : memref<5x128x128xf32, #tpu.memory_space<vmem>>, vector<1x1x16xf32>,
      %parallel_loop3A_717 = vector.shape_cast %parallel_loop3A_716 : vector<1x1x16xf32> to vector<16xf32>
      %parallel_loop3A_718 = arith.constant 11.3137083 : f32
      %parallel_loop3A_719 = vector.broadcast %parallel_loop3A_718 : f32 to vector<16xf32>
      %parallel_loop3A_720 = arith.mulf %parallel_loop3A_717, %parallel_loop3A_719 : vector<16xf32>
      %parallel_loop3A_721 = arith.constant 4 : i32
      %parallel_loop3A_722 = arith.index_cast %parallel_loop3A_721 : i32 to index
      %parallel_loop3A_723 = arith.index_cast %parallel_loop3A_695 : i32 to index
      %parallel_loop3A_724 = arith.constant 16 : index
      %parallel_loop3A_725 = tpu.vector_load %arg6[%parallel_loop3A_722, %parallel_loop3A_723, %parallel_loop3A_724] {strides = array<i32>} : memref<5x128x128xf32, #tpu.memory_space<vmem>>, vector<1x1x16xf32>,
      %parallel_loop3A_726 = vector.shape_cast %parallel_loop3A_725 : vector<1x1x16xf32> to vector<16xf32>
      %parallel_loop3A_727 = vector.shape_cast %parallel_loop3A_720 : vector<16xf32> to vector<1x1x16xf32>
      tpu.vector_store %arg6[%parallel_loop3A_722, %parallel_loop3A_723, %parallel_loop3A_724], %parallel_loop3A_727 {strides = array<i32>} : memref<5x128x128xf32, #tpu.memory_space<vmem>>, vector<1x1x16xf32>,
      %parallel_loop3A_728 = arith.constant 4 : i32
      %parallel_loop3A_729 = arith.index_cast %parallel_loop3A_728 : i32 to index
      %parallel_loop3A_730 = arith.index_cast %parallel_loop3A_695 : i32 to index
      %parallel_loop3A_731 = arith.constant 32 : index
      %parallel_loop3A_732 = tpu.vector_load %arg6[%parallel_loop3A_729, %parallel_loop3A_730, %parallel_loop3A_731] {strides = array<i32>} : memref<5x128x128xf32, #tpu.memory_space<vmem>>, vector<1x1x16xf32>,
      %parallel_loop3A_733 = vector.shape_cast %parallel_loop3A_732 : vector<1x1x16xf32> to vector<16xf32>
      %parallel_loop3A_734 = arith.constant 11.3137083 : f32
      %parallel_loop3A_735 = vector.broadcast %parallel_loop3A_734 : f32 to vector<16xf32>
      %parallel_loop3A_736 = arith.mulf %parallel_loop3A_733, %parallel_loop3A_735 : vector<16xf32>
      %parallel_loop3A_737 = arith.constant 4 : i32
      %parallel_loop3A_738 = arith.index_cast %parallel_loop3A_737 : i32 to index
      %parallel_loop3A_739 = arith.index_cast %parallel_loop3A_695 : i32 to index
      %parallel_loop3A_740 = arith.constant 32 : index
      %parallel_loop3A_741 = tpu.vector_load %arg6[%parallel_loop3A_738, %parallel_loop3A_739, %parallel_loop3A_740] {strides = array<i32>} : memref<5x128x128xf32, #tpu.memory_space<vmem>>, vector<1x1x16xf32>,
      %parallel_loop3A_742 = vector.shape_cast %parallel_loop3A_741 : vector<1x1x16xf32> to vector<16xf32>
      %parallel_loop3A_743 = vector.shape_cast %parallel_loop3A_736 : vector<16xf32> to vector<1x1x16xf32>
      tpu.vector_store %arg6[%parallel_loop3A_738, %parallel_loop3A_739, %parallel_loop3A_740], %parallel_loop3A_743 {strides = array<i32>} : memref<5x128x128xf32, #tpu.memory_space<vmem>>, vector<1x1x16xf32>,
      %parallel_loop3A_744 = arith.constant 4 : i32
      %parallel_loop3A_745 = arith.index_cast %parallel_loop3A_744 : i32 to index
      %parallel_loop3A_746 = arith.index_cast %parallel_loop3A_695 : i32 to index
      %parallel_loop3A_747 = arith.constant 48 : index
      %parallel_loop3A_748 = tpu.vector_load %arg6[%parallel_loop3A_745, %parallel_loop3A_746, %parallel_loop3A_747] {strides = array<i32>} : memref<5x128x128xf32, #tpu.memory_space<vmem>>, vector<1x1x16xf32>,
      %parallel_loop3A_749 = vector.shape_cast %parallel_loop3A_748 : vector<1x1x16xf32> to vector<16xf32>
      %parallel_loop3A_750 = arith.constant 11.3137083 : f32
      %parallel_loop3A_751 = vector.broadcast %parallel_loop3A_750 : f32 to vector<16xf32>
      %parallel_loop3A_752 = arith.mulf %parallel_loop3A_749, %parallel_loop3A_751 : vector<16xf32>
      %parallel_loop3A_753 = arith.constant 4 : i32
      %parallel_loop3A_754 = arith.index_cast %parallel_loop3A_753 : i32 to index
      %parallel_loop3A_755 = arith.index_cast %parallel_loop3A_695 : i32 to index
      %parallel_loop3A_756 = arith.constant 48 : index
      %parallel_loop3A_757 = tpu.vector_load %arg6[%parallel_loop3A_754, %parallel_loop3A_755, %parallel_loop3A_756] {strides = array<i32>} : memref<5x128x128xf32, #tpu.memory_space<vmem>>, vector<1x1x16xf32>,
      %parallel_loop3A_758 = vector.shape_cast %parallel_loop3A_757 : vector<1x1x16xf32> to vector<16xf32>
      %parallel_loop3A_759 = vector.shape_cast %parallel_loop3A_752 : vector<16xf32> to vector<1x1x16xf32>
      tpu.vector_store %arg6[%parallel_loop3A_754, %parallel_loop3A_755, %parallel_loop3A_756], %parallel_loop3A_759 {strides = array<i32>} : memref<5x128x128xf32, #tpu.memory_space<vmem>>, vector<1x1x16xf32>,
      %parallel_loop3A_760 = arith.constant 4 : i32
      %parallel_loop3A_761 = arith.index_cast %parallel_loop3A_760 : i32 to index
      %parallel_loop3A_762 = arith.index_cast %parallel_loop3A_695 : i32 to index
      %parallel_loop3A_763 = arith.constant 64 : index
      %parallel_loop3A_764 = tpu.vector_load %arg6[%parallel_loop3A_761, %parallel_loop3A_762, %parallel_loop3A_763] {strides = array<i32>} : memref<5x128x128xf32, #tpu.memory_space<vmem>>, vector<1x1x16xf32>,
      %parallel_loop3A_765 = vector.shape_cast %parallel_loop3A_764 : vector<1x1x16xf32> to vector<16xf32>
      %parallel_loop3A_766 = arith.constant 11.3137083 : f32
      %parallel_loop3A_767 = vector.broadcast %parallel_loop3A_766 : f32 to vector<16xf32>
      %parallel_loop3A_768 = arith.mulf %parallel_loop3A_765, %parallel_loop3A_767 : vector<16xf32>
      %parallel_loop3A_769 = arith.constant 4 : i32
      %parallel_loop3A_770 = arith.index_cast %parallel_loop3A_769 : i32 to index
      %parallel_loop3A_771 = arith.index_cast %parallel_loop3A_695 : i32 to index
      %parallel_loop3A_772 = arith.constant 64 : index
      %parallel_loop3A_773 = tpu.vector_load %arg6[%parallel_loop3A_770, %parallel_loop3A_771, %parallel_loop3A_772] {strides = array<i32>} : memref<5x128x128xf32, #tpu.memory_space<vmem>>, vector<1x1x16xf32>,
      %parallel_loop3A_774 = vector.shape_cast %parallel_loop3A_773 : vector<1x1x16xf32> to vector<16xf32>
      %parallel_loop3A_775 = vector.shape_cast %parallel_loop3A_768 : vector<16xf32> to vector<1x1x16xf32>
      tpu.vector_store %arg6[%parallel_loop3A_770, %parallel_loop3A_771, %parallel_loop3A_772], %parallel_loop3A_775 {strides = array<i32>} : memref<5x128x128xf32, #tpu.memory_space<vmem>>, vector<1x1x16xf32>,
      %parallel_loop3A_776 = arith.constant 4 : i32
      %parallel_loop3A_777 = arith.index_cast %parallel_loop3A_776 : i32 to index
      %parallel_loop3A_778 = arith.index_cast %parallel_loop3A_695 : i32 to index
      %parallel_loop3A_779 = arith.constant 80 : index
      %parallel_loop3A_780 = tpu.vector_load %arg6[%parallel_loop3A_777, %parallel_loop3A_778, %parallel_loop3A_779] {strides = array<i32>} : memref<5x128x128xf32, #tpu.memory_space<vmem>>, vector<1x1x16xf32>,
      %parallel_loop3A_781 = vector.shape_cast %parallel_loop3A_780 : vector<1x1x16xf32> to vector<16xf32>
      %parallel_loop3A_782 = arith.constant 11.3137083 : f32
      %parallel_loop3A_783 = vector.broadcast %parallel_loop3A_782 : f32 to vector<16xf32>
      %parallel_loop3A_784 = arith.mulf %parallel_loop3A_781, %parallel_loop3A_783 : vector<16xf32>
      %parallel_loop3A_785 = arith.constant 4 : i32
      %parallel_loop3A_786 = arith.index_cast %parallel_loop3A_785 : i32 to index
      %parallel_loop3A_787 = arith.index_cast %parallel_loop3A_695 : i32 to index
      %parallel_loop3A_788 = arith.constant 80 : index
      %parallel_loop3A_789 = tpu.vector_load %arg6[%parallel_loop3A_786, %parallel_loop3A_787, %parallel_loop3A_788] {strides = array<i32>} : memref<5x128x128xf32, #tpu.memory_space<vmem>>, vector<1x1x16xf32>,
      %parallel_loop3A_790 = vector.shape_cast %parallel_loop3A_789 : vector<1x1x16xf32> to vector<16xf32>
      %parallel_loop3A_791 = vector.shape_cast %parallel_loop3A_784 : vector<16xf32> to vector<1x1x16xf32>
      tpu.vector_store %arg6[%parallel_loop3A_786, %parallel_loop3A_787, %parallel_loop3A_788], %parallel_loop3A_791 {strides = array<i32>} : memref<5x128x128xf32, #tpu.memory_space<vmem>>, vector<1x1x16xf32>,
      %parallel_loop3A_792 = arith.constant 4 : i32
      %parallel_loop3A_793 = arith.index_cast %parallel_loop3A_792 : i32 to index
      %parallel_loop3A_794 = arith.index_cast %parallel_loop3A_695 : i32 to index
      %parallel_loop3A_795 = arith.constant 96 : index
      %parallel_loop3A_796 = tpu.vector_load %arg6[%parallel_loop3A_793, %parallel_loop3A_794, %parallel_loop3A_795] {strides = array<i32>} : memref<5x128x128xf32, #tpu.memory_space<vmem>>, vector<1x1x16xf32>,
      %parallel_loop3A_797 = vector.shape_cast %parallel_loop3A_796 : vector<1x1x16xf32> to vector<16xf32>
      %parallel_loop3A_798 = arith.constant 11.3137083 : f32
      %parallel_loop3A_799 = vector.broadcast %parallel_loop3A_798 : f32 to vector<16xf32>
      %parallel_loop3A_800 = arith.mulf %parallel_loop3A_797, %parallel_loop3A_799 : vector<16xf32>
      %parallel_loop3A_801 = arith.constant 4 : i32
      %parallel_loop3A_802 = arith.index_cast %parallel_loop3A_801 : i32 to index
      %parallel_loop3A_803 = arith.index_cast %parallel_loop3A_695 : i32 to index
      %parallel_loop3A_804 = arith.constant 96 : index
      %parallel_loop3A_805 = tpu.vector_load %arg6[%parallel_loop3A_802, %parallel_loop3A_803, %parallel_loop3A_804] {strides = array<i32>} : memref<5x128x128xf32, #tpu.memory_space<vmem>>, vector<1x1x16xf32>,
      %parallel_loop3A_806 = vector.shape_cast %parallel_loop3A_805 : vector<1x1x16xf32> to vector<16xf32>
      %parallel_loop3A_807 = vector.shape_cast %parallel_loop3A_800 : vector<16xf32> to vector<1x1x16xf32>
      tpu.vector_store %arg6[%parallel_loop3A_802, %parallel_loop3A_803, %parallel_loop3A_804], %parallel_loop3A_807 {strides = array<i32>} : memref<5x128x128xf32, #tpu.memory_space<vmem>>, vector<1x1x16xf32>,
      %parallel_loop3A_808 = arith.constant 4 : i32
      %parallel_loop3A_809 = arith.index_cast %parallel_loop3A_808 : i32 to index
      %parallel_loop3A_810 = arith.index_cast %parallel_loop3A_695 : i32 to index
      %parallel_loop3A_811 = arith.constant 112 : index
      %parallel_loop3A_812 = tpu.vector_load %arg6[%parallel_loop3A_809, %parallel_loop3A_810, %parallel_loop3A_811] {strides = array<i32>} : memref<5x128x128xf32, #tpu.memory_space<vmem>>, vector<1x1x16xf32>,
      %parallel_loop3A_813 = vector.shape_cast %parallel_loop3A_812 : vector<1x1x16xf32> to vector<16xf32>
      %parallel_loop3A_814 = arith.constant 11.3137083 : f32
      %parallel_loop3A_815 = vector.broadcast %parallel_loop3A_814 : f32 to vector<16xf32>
      %parallel_loop3A_816 = arith.mulf %parallel_loop3A_813, %parallel_loop3A_815 : vector<16xf32>
      %parallel_loop3A_817 = arith.constant 4 : i32
      %parallel_loop3A_818 = arith.index_cast %parallel_loop3A_817 : i32 to index
      %parallel_loop3A_819 = arith.index_cast %parallel_loop3A_695 : i32 to index
      %parallel_loop3A_820 = arith.constant 112 : index
      %parallel_loop3A_821 = tpu.vector_load %arg6[%parallel_loop3A_818, %parallel_loop3A_819, %parallel_loop3A_820] {strides = array<i32>} : memref<5x128x128xf32, #tpu.memory_space<vmem>>, vector<1x1x16xf32>,
      %parallel_loop3A_822 = vector.shape_cast %parallel_loop3A_821 : vector<1x1x16xf32> to vector<16xf32>
      %parallel_loop3A_823 = vector.shape_cast %parallel_loop3A_816 : vector<16xf32> to vector<1x1x16xf32>
      tpu.vector_store %arg6[%parallel_loop3A_818, %parallel_loop3A_819, %parallel_loop3A_820], %parallel_loop3A_823 {strides = array<i32>} : memref<5x128x128xf32, #tpu.memory_space<vmem>>, vector<1x1x16xf32>,
    } {sc.loop_unroll_factor = 4 : i64, sc.parallel_access}
    %add3A_587 = arith.constant 6272 : i32
    %add3A_588 = arith.addi %mul3A_2, %add3A_587 : i32
    %dma_start3A_589 = arith.constant 4 : i32
    %dma_start3A_590 = arith.constant 4 : i32
    %dma_start3A_591 = arith.constant 0 : i32
    %dma_start3A_592 = arith.constant 0 : i32
    %dma_start3A_593 = tpu.memref_slice %arg6[%dma_start3A_589, %dma_start3A_591, %dma_start3A_592] : memref<5x128x128xf32, #tpu.memory_space<vmem>> -> memref<1x128x128xf32, #tpu.memory_space<vmem>>
    %dma_start3A_594 = tpu.memref_squeeze %dma_start3A_593 : memref<1x128x128xf32, #tpu.memory_space<vmem>> -> memref<128x128xf32, #tpu.memory_space<vmem>>
    %dma_start3A_595 = arith.constant 0 : i32
    %dma_start3A_596 = tpu.memref_slice %arg4[%add3A_588, %dma_start3A_595] : memref<204800x128xf32, #tpu.memory_space<hbm>> -> memref<128x128xf32, #tpu.memory_space<hbm>>
    %dma_start3A_597 = tpu.memref_slice %arg8[%dma_start3A_590] : memref<5x!tpu.dma_semaphore, #tpu.memory_space<semaphore_mem>> -> memref<1x!tpu.dma_semaphore, #tpu.memory_space<semaphore_mem>>
    %dma_start3A_598 = tpu.memref_squeeze %dma_start3A_597 : memref<1x!tpu.dma_semaphore, #tpu.memory_space<semaphore_mem>> -> memref<!tpu.dma_semaphore, #tpu.memory_space<semaphore_mem>>
    %dma_start3A_599 = arith.constant 0 : i32
    %dma_start3A_600 = tpu.memref_slice %arg4[%add3A_588, %dma_start3A_599] : memref<204800x128xf32, #tpu.memory_space<hbm>> -> memref<128x128xf32, #tpu.memory_space<hbm>>
    %dma_start3A_601 = arith.constant 0 : i32
    %dma_start3A_602 = arith.constant 0 : i32
    %dma_start3A_603 = tpu.memref_slice %arg6[%dma_start3A_589, %dma_start3A_601, %dma_start3A_602] : memref<5x128x128xf32, #tpu.memory_space<vmem>> -> memref<1x128x128xf32, #tpu.memory_space<vmem>>
    %dma_start3A_604 = tpu.memref_squeeze %dma_start3A_603 : memref<1x128x128xf32, #tpu.memory_space<vmem>> -> memref<128x128xf32, #tpu.memory_space<vmem>>
    tpu.enqueue_dma source(%dma_start3A_604 : memref<128x128xf32, #tpu.memory_space<vmem>>) target(%dma_start3A_600 : memref<128x128xf32, #tpu.memory_space<hbm>>) target_semaphore(%dma_start3A_598 : memref<!tpu.dma_semaphore, #tpu.memory_space<semaphore_mem>>)
    %add3A_605 = arith.constant 5760 : i32
    %add3A_606 = arith.addi %mul3A_2, %add3A_605 : i32
    %dma_wait3A_607 = arith.constant 0 : i32
    %dma_wait3A_608 = arith.constant 0 : i32
    %dma_wait3A_609 = arith.constant 0 : i32
    %dma_wait3A_610 = arith.constant 0 : i32
    %dma_wait3A_611 = tpu.memref_slice %arg6[%dma_wait3A_607, %dma_wait3A_609, %dma_wait3A_610] : memref<5x128x128xf32, #tpu.memory_space<vmem>> -> memref<1x128x128xf32, #tpu.memory_space<vmem>>
    %dma_wait3A_612 = tpu.memref_squeeze %dma_wait3A_611 : memref<1x128x128xf32, #tpu.memory_space<vmem>> -> memref<128x128xf32, #tpu.memory_space<vmem>>
    %dma_wait3A_613 = arith.constant 0 : i32
    %dma_wait3A_614 = tpu.memref_slice %arg4[%add3A_606, %dma_wait3A_613] : memref<204800x128xf32, #tpu.memory_space<hbm>> -> memref<128x128xf32, #tpu.memory_space<hbm>>
    %dma_wait3A_615 = tpu.memref_slice %arg8[%dma_wait3A_608] : memref<5x!tpu.dma_semaphore, #tpu.memory_space<semaphore_mem>> -> memref<1x!tpu.dma_semaphore, #tpu.memory_space<semaphore_mem>>
    %dma_wait3A_616 = tpu.memref_squeeze %dma_wait3A_615 : memref<1x!tpu.dma_semaphore, #tpu.memory_space<semaphore_mem>> -> memref<!tpu.dma_semaphore, #tpu.memory_space<semaphore_mem>>
    %dma_wait3A_617 = arith.constant 0 : i32
    %dma_wait3A_618 = tpu.memref_slice %arg4[%add3A_606, %dma_wait3A_617] : memref<204800x128xf32, #tpu.memory_space<hbm>> -> memref<128x128xf32, #tpu.memory_space<hbm>>
    %dma_wait3A_619 = arith.constant 0 : i32
    %dma_wait3A_620 = arith.constant 0 : i32
    %dma_wait3A_621 = tpu.memref_slice %arg6[%dma_wait3A_607, %dma_wait3A_619, %dma_wait3A_620] : memref<5x128x128xf32, #tpu.memory_space<vmem>> -> memref<1x128x128xf32, #tpu.memory_space<vmem>>
    %dma_wait3A_622 = tpu.memref_squeeze %dma_wait3A_621 : memref<1x128x128xf32, #tpu.memory_space<vmem>> -> memref<128x128xf32, #tpu.memory_space<vmem>>
    tpu.wait_dma2 semaphore(%dma_wait3A_616 : memref<!tpu.dma_semaphore, #tpu.memory_space<semaphore_mem>>) src(%dma_wait3A_622 : memref<128x128xf32, #tpu.memory_space<vmem>>) dst(%dma_wait3A_618 : memref<128x128xf32, #tpu.memory_space<hbm>>)
    %add3A_623 = arith.constant 5888 : i32
    %add3A_624 = arith.addi %mul3A_2, %add3A_623 : i32
    %dma_wait3A_625 = arith.constant 1 : i32
    %dma_wait3A_626 = arith.constant 1 : i32
    %dma_wait3A_627 = arith.constant 0 : i32
    %dma_wait3A_628 = arith.constant 0 : i32
    %dma_wait3A_629 = tpu.memref_slice %arg6[%dma_wait3A_625, %dma_wait3A_627, %dma_wait3A_628] : memref<5x128x128xf32, #tpu.memory_space<vmem>> -> memref<1x128x128xf32, #tpu.memory_space<vmem>>
    %dma_wait3A_630 = tpu.memref_squeeze %dma_wait3A_629 : memref<1x128x128xf32, #tpu.memory_space<vmem>> -> memref<128x128xf32, #tpu.memory_space<vmem>>
    %dma_wait3A_631 = arith.constant 0 : i32
    %dma_wait3A_632 = tpu.memref_slice %arg4[%add3A_624, %dma_wait3A_631] : memref<204800x128xf32, #tpu.memory_space<hbm>> -> memref<128x128xf32, #tpu.memory_space<hbm>>
    %dma_wait3A_633 = tpu.memref_slice %arg8[%dma_wait3A_626] : memref<5x!tpu.dma_semaphore, #tpu.memory_space<semaphore_mem>> -> memref<1x!tpu.dma_semaphore, #tpu.memory_space<semaphore_mem>>
    %dma_wait3A_634 = tpu.memref_squeeze %dma_wait3A_633 : memref<1x!tpu.dma_semaphore, #tpu.memory_space<semaphore_mem>> -> memref<!tpu.dma_semaphore, #tpu.memory_space<semaphore_mem>>
    %dma_wait3A_635 = arith.constant 0 : i32
    %dma_wait3A_636 = tpu.memref_slice %arg4[%add3A_624, %dma_wait3A_635] : memref<204800x128xf32, #tpu.memory_space<hbm>> -> memref<128x128xf32, #tpu.memory_space<hbm>>
    %dma_wait3A_637 = arith.constant 0 : i32
    %dma_wait3A_638 = arith.constant 0 : i32
    %dma_wait3A_639 = tpu.memref_slice %arg6[%dma_wait3A_625, %dma_wait3A_637, %dma_wait3A_638] : memref<5x128x128xf32, #tpu.memory_space<vmem>> -> memref<1x128x128xf32, #tpu.memory_space<vmem>>
    %dma_wait3A_640 = tpu.memref_squeeze %dma_wait3A_639 : memref<1x128x128xf32, #tpu.memory_space<vmem>> -> memref<128x128xf32, #tpu.memory_space<vmem>>
    tpu.wait_dma2 semaphore(%dma_wait3A_634 : memref<!tpu.dma_semaphore, #tpu.memory_space<semaphore_mem>>) src(%dma_wait3A_640 : memref<128x128xf32, #tpu.memory_space<vmem>>) dst(%dma_wait3A_636 : memref<128x128xf32, #tpu.memory_space<hbm>>)
    %add3A_641 = arith.constant 6016 : i32
    %add3A_642 = arith.addi %mul3A_2, %add3A_641 : i32
    %dma_wait3A_643 = arith.constant 2 : i32
    %dma_wait3A_644 = arith.constant 2 : i32
    %dma_wait3A_645 = arith.constant 0 : i32
    %dma_wait3A_646 = arith.constant 0 : i32
    %dma_wait3A_647 = tpu.memref_slice %arg6[%dma_wait3A_643, %dma_wait3A_645, %dma_wait3A_646] : memref<5x128x128xf32, #tpu.memory_space<vmem>> -> memref<1x128x128xf32, #tpu.memory_space<vmem>>
    %dma_wait3A_648 = tpu.memref_squeeze %dma_wait3A_647 : memref<1x128x128xf32, #tpu.memory_space<vmem>> -> memref<128x128xf32, #tpu.memory_space<vmem>>
    %dma_wait3A_649 = arith.constant 0 : i32
    %dma_wait3A_650 = tpu.memref_slice %arg4[%add3A_642, %dma_wait3A_649] : memref<204800x128xf32, #tpu.memory_space<hbm>> -> memref<128x128xf32, #tpu.memory_space<hbm>>
    %dma_wait3A_651 = tpu.memref_slice %arg8[%dma_wait3A_644] : memref<5x!tpu.dma_semaphore, #tpu.memory_space<semaphore_mem>> -> memref<1x!tpu.dma_semaphore, #tpu.memory_space<semaphore_mem>>
    %dma_wait3A_652 = tpu.memref_squeeze %dma_wait3A_651 : memref<1x!tpu.dma_semaphore, #tpu.memory_space<semaphore_mem>> -> memref<!tpu.dma_semaphore, #tpu.memory_space<semaphore_mem>>
    %dma_wait3A_653 = arith.constant 0 : i32
    %dma_wait3A_654 = tpu.memref_slice %arg4[%add3A_642, %dma_wait3A_653] : memref<204800x128xf32, #tpu.memory_space<hbm>> -> memref<128x128xf32, #tpu.memory_space<hbm>>
    %dma_wait3A_655 = arith.constant 0 : i32
    %dma_wait3A_656 = arith.constant 0 : i32
    %dma_wait3A_657 = tpu.memref_slice %arg6[%dma_wait3A_643, %dma_wait3A_655, %dma_wait3A_656] : memref<5x128x128xf32, #tpu.memory_space<vmem>> -> memref<1x128x128xf32, #tpu.memory_space<vmem>>
    %dma_wait3A_658 = tpu.memref_squeeze %dma_wait3A_657 : memref<1x128x128xf32, #tpu.memory_space<vmem>> -> memref<128x128xf32, #tpu.memory_space<vmem>>
    tpu.wait_dma2 semaphore(%dma_wait3A_652 : memref<!tpu.dma_semaphore, #tpu.memory_space<semaphore_mem>>) src(%dma_wait3A_658 : memref<128x128xf32, #tpu.memory_space<vmem>>) dst(%dma_wait3A_654 : memref<128x128xf32, #tpu.memory_space<hbm>>)
    %add3A_659 = arith.constant 6144 : i32
    %add3A_660 = arith.addi %mul3A_2, %add3A_659 : i32
    %dma_wait3A_661 = arith.constant 3 : i32
    %dma_wait3A_662 = arith.constant 3 : i32
    %dma_wait3A_663 = arith.constant 0 : i32
    %dma_wait3A_664 = arith.constant 0 : i32
    %dma_wait3A_665 = tpu.memref_slice %arg6[%dma_wait3A_661, %dma_wait3A_663, %dma_wait3A_664] : memref<5x128x128xf32, #tpu.memory_space<vmem>> -> memref<1x128x128xf32, #tpu.memory_space<vmem>>
    %dma_wait3A_666 = tpu.memref_squeeze %dma_wait3A_665 : memref<1x128x128xf32, #tpu.memory_space<vmem>> -> memref<128x128xf32, #tpu.memory_space<vmem>>
    %dma_wait3A_667 = arith.constant 0 : i32
    %dma_wait3A_668 = tpu.memref_slice %arg4[%add3A_660, %dma_wait3A_667] : memref<204800x128xf32, #tpu.memory_space<hbm>> -> memref<128x128xf32, #tpu.memory_space<hbm>>
    %dma_wait3A_669 = tpu.memref_slice %arg8[%dma_wait3A_662] : memref<5x!tpu.dma_semaphore, #tpu.memory_space<semaphore_mem>> -> memref<1x!tpu.dma_semaphore, #tpu.memory_space<semaphore_mem>>
    %dma_wait3A_670 = tpu.memref_squeeze %dma_wait3A_669 : memref<1x!tpu.dma_semaphore, #tpu.memory_space<semaphore_mem>> -> memref<!tpu.dma_semaphore, #tpu.memory_space<semaphore_mem>>
    %dma_wait3A_671 = arith.constant 0 : i32
    %dma_wait3A_672 = tpu.memref_slice %arg4[%add3A_660, %dma_wait3A_671] : memref<204800x128xf32, #tpu.memory_space<hbm>> -> memref<128x128xf32, #tpu.memory_space<hbm>>
    %dma_wait3A_673 = arith.constant 0 : i32
    %dma_wait3A_674 = arith.constant 0 : i32
    %dma_wait3A_675 = tpu.memref_slice %arg6[%dma_wait3A_661, %dma_wait3A_673, %dma_wait3A_674] : memref<5x128x128xf32, #tpu.memory_space<vmem>> -> memref<1x128x128xf32, #tpu.memory_space<vmem>>
    %dma_wait3A_676 = tpu.memref_squeeze %dma_wait3A_675 : memref<1x128x128xf32, #tpu.memory_space<vmem>> -> memref<128x128xf32, #tpu.memory_space<vmem>>
    tpu.wait_dma2 semaphore(%dma_wait3A_670 : memref<!tpu.dma_semaphore, #tpu.memory_space<semaphore_mem>>) src(%dma_wait3A_676 : memref<128x128xf32, #tpu.memory_space<vmem>>) dst(%dma_wait3A_672 : memref<128x128xf32, #tpu.memory_space<hbm>>)
    %add3A_677 = arith.constant 6272 : i32
    %add3A_678 = arith.addi %mul3A_2, %add3A_677 : i32
    %dma_wait3A_679 = arith.constant 4 : i32
    %dma_wait3A_680 = arith.constant 4 : i32
    %dma_wait3A_681 = arith.constant 0 : i32
    %dma_wait3A_682 = arith.constant 0 : i32
    %dma_wait3A_683 = tpu.memref_slice %arg6[%dma_wait3A_679, %dma_wait3A_681, %dma_wait3A_682] : memref<5x128x128xf32, #tpu.memory_space<vmem>> -> memref<1x128x128xf32, #tpu.memory_space<vmem>>
    %dma_wait3A_684 = tpu.memref_squeeze %dma_wait3A_683 : memref<1x128x128xf32, #tpu.memory_space<vmem>> -> memref<128x128xf32, #tpu.memory_space<vmem>>
    %dma_wait3A_685 = arith.constant 0 : i32
    %dma_wait3A_686 = tpu.memref_slice %arg4[%add3A_678, %dma_wait3A_685] : memref<204800x128xf32, #tpu.memory_space<hbm>> -> memref<128x128xf32, #tpu.memory_space<hbm>>
    %dma_wait3A_687 = tpu.memref_slice %arg8[%dma_wait3A_680] : memref<5x!tpu.dma_semaphore, #tpu.memory_space<semaphore_mem>> -> memref<1x!tpu.dma_semaphore, #tpu.memory_space<semaphore_mem>>
    %dma_wait3A_688 = tpu.memref_squeeze %dma_wait3A_687 : memref<1x!tpu.dma_semaphore, #tpu.memory_space<semaphore_mem>> -> memref<!tpu.dma_semaphore, #tpu.memory_space<semaphore_mem>>
    %dma_wait3A_689 = arith.constant 0 : i32
    %dma_wait3A_690 = tpu.memref_slice %arg4[%add3A_678, %dma_wait3A_689] : memref<204800x128xf32, #tpu.memory_space<hbm>> -> memref<128x128xf32, #tpu.memory_space<hbm>>
    %dma_wait3A_691 = arith.constant 0 : i32
    %dma_wait3A_692 = arith.constant 0 : i32
    %dma_wait3A_693 = tpu.memref_slice %arg6[%dma_wait3A_679, %dma_wait3A_691, %dma_wait3A_692] : memref<5x128x128xf32, #tpu.memory_space<vmem>> -> memref<1x128x128xf32, #tpu.memory_space<vmem>>
    %dma_wait3A_694 = tpu.memref_squeeze %dma_wait3A_693 : memref<1x128x128xf32, #tpu.memory_space<vmem>> -> memref<128x128xf32, #tpu.memory_space<vmem>>
    tpu.wait_dma2 semaphore(%dma_wait3A_688 : memref<!tpu.dma_semaphore, #tpu.memory_space<semaphore_mem>>) src(%dma_wait3A_694 : memref<128x128xf32, #tpu.memory_space<vmem>>) dst(%dma_wait3A_690 : memref<128x128xf32, #tpu.memory_space<hbm>>)
    return
  }
}

</mosaic_0001>

<sc_bundles>
// kernel: kernel.3.cloned.1.call-start
scs
__scs_entry_jumppad:
0x0: {  	(pc) =	sbr.rel $0x88, $3  }
0x1: {  	(tag) =	ssettag $0x0;
	lr =	simm.s32 $0x1  }
0x2: {  	[smem:$0x3F9F] =	sst lr;
	_ =	strace $0xD0000000  }
0x3: {  	_ = 	snop  }
0x4: {  	_ = 	snop  }
0x5: {  	_ = 	snop  }
0x6: {  	_ = 	snop  }
0x7: {  	_ = 	snop  }
__scs_overlays_trampoline_lowered:
0x8: {  	[smem:$0x3FAE] =	sst s0  }
0x9: {  	[smem:$0x3FAF] =	sst s1  }
0xa: {  	[smem:$0x3FB0] =	sst s2  }
0xb: {  	[smem:$0x3FB1] =	sst s3  }
0xc: {  	[smem:$0x3FB2] =	sst s4  }
0xd: {  	[smem:$0x3FB3] =	sst s5  }
0xe: {  	[smem:$0x3FB4] =	sst s6  }
0xf: {  	[smem:$0x3FB5] =	sst s7  }
0x10: {  	[smem:$0x3FB6] =	sst s8  }
0x11: {  	[smem:$0x3FB7] =	sst s9;
	s0 =	simm.s32 @!p0 $0x0  }
0x12: {  	s1 =	sld [smem:$0x3F9D];
	s0 =	simm.s32 @p0 $0x1  }
0x13: {  	[smem:$0x3FB8] =	sst s0;
	s0 =	simm.s32 @!p1 $0x0  }
0x14: {  	s2 =	sld [smem:$0x3F9C];
	s0 =	simm.s32 @p1 $0x1  }
0x15: {  	[smem:$0x3FB9] =	sst s0;
	s0 =	simm.s32 @!p2 $0x0  }
0x16: {  	s3 =	sld [smem:$0x3FDB];
	s0 =	simm.s32 @p2 $0x1  }
0x17: {  	s4 =	simm.s32 $0x1BF5;
	[smem:$0x3FBB] =	sst s0  }
0x18: {  	s0 =	sld [smem:$0x3F9E];
	_ =	swait.ge [sflag:s4], $0x0  }
0x19: {  	s7 =	sld [smem:$0x3F9F]  }
0x1a: {  	s8 =	sadd.s32 $0xFFFFE003, lr  }
0x1b: {  	s9 =	sadd.s32 $0xFFFFFEF7, lr;
	s5 =	simm.s32 $0xFFFFFFFF;
	p2 =	slt.u32 s8, $0xFFFFF086  }
0x1c: {  	p1 =	slt.u32 s9, $0xF7A;
	s5 =	simm.s32 @!p2 $0x0  }
0x1d: {  	s5 =	simm.s32 @p1 $0x1;
	p0 =	seq.s32 s7, s2  }
0x1e: {  	s7 =	smul.u32 @!p0 $0xF7A, s2;
	p2 =	seq.s32 @!p0 s5, $0x0  }
0x1f: {  	s9 =	smul.u32 $0xF7A, s1;
	s8 =	simm.s32 @!p0 $0x1BF5;
	p2 =	por !p2, p0  }
0x20: {  	[sflag:s8] =	ssyncset.s32 @!p0 $0xFFFFF086;
	s6 =	sadd.s32 @!p0 s3, s7;
	s7 =	simm.s32 @!p0 $0x108  }
0x21: {  	s3 =	sadd.s32 s3, s9;
	s6 =	sadd.s32 @!p0 $0x88, s6;
	s7 =	simm.s32 @p2 $0x1082  }
0x22: {  	[simem:s7], [sflag:s8] =	dma.local @!p0 [hbm:s6], $0xF7A  }
0x23: {  	s9 =	sor.u32 $0xD0000000, s2;
	s6 =	simm.s32 $0x108;
	_ =	swait.ge @!p0 [sflag:s8], $0x0  }
0x24: {  	s3 =	sadd.s32 $0x88, s3;
	s6 =	simm.s32 @!p1 $0x1082;
	[sflag:s4] =	ssyncset.s32 $0xFFFFF086  }
0x25: {  	[simem:s6], [sflag:s4] =	dma.local [hbm:s3], $0xF7A  }
0x26: {  	[smem:$0x3F9F] =	sst s1;
	(tag) =	ssettag s2;
	_ =	strace s9  }
0x27: {  	s1 =	sld [smem:$0x3FAF]  }
0x28: {  	s2 =	sld [smem:$0x3FB0]  }
0x29: {  	s4 =	sld [smem:$0x3FB2]  }
0x2a: {  	p0 =	seq.s32 s5, $0x0;
	s5 =	sld [smem:$0x3FB3]  }
0x2b: {  	s6 =	sld [smem:$0x3FB4]  }
0x2c: {  	s7 =	sld [smem:$0x3FB5]  }
0x2d: {  	s3 =	simm.s32 $0x108;
	s8 =	sld [smem:$0x3FB6]  }
0x2e: {  	s3 =	simm.s32 @!p0 $0x1082;
	s9 =	sld [smem:$0x3FB7]  }
0x2f: {  	lr =	sadd.s32 s0, s3;
	s0 =	sld [smem:$0x3FAE]  }
0x30: {  	s3 =	sld [smem:$0x3FB1]  }
0x31: {  	[smem:$0x3FBA] =	sst s10  }
0x32: {  	s10 =	sld [smem:$0x3FB8];
	_ =	sdelay $0x3  }
0x33: {  	p0 =	seq.s32 s10, $0x1;
	s10 =	sld [smem:$0x3FBA];
	_ =	sdelay $0x3  }
0x34: {  	[smem:$0x3FBA] =	sst s10  }
0x35: {  	s10 =	sld [smem:$0x3FB9];
	_ =	sdelay $0x3  }
0x36: {  	p1 =	seq.s32 s10, $0x1;
	s10 =	sld [smem:$0x3FBA];
	_ =	sdelay $0x3  }
0x37: {  	[smem:$0x3FBA] =	sst s10  }
0x38: {  	s10 =	sld [smem:$0x3FBB]  }
0x39: {  	_ = 	snop;
	(pc) =	sbr.ind lr, $3  }
0x3a: {  	_ = 	snop  }
0x3b: {  	_ = 	snop  }
0x3c: {  	p2 =	seq.s32 s10, $0x1;
	s10 =	sld [smem:$0x3FBA]  }
0x3d: {  	_ =	shalt  }
0x3e: {  	_ =	shalt  }
0x3f: {  	_ =	shalt  }
0x40: {  	_ =	shalt  }
0x41: {  	_ =	shalt  }
0x42: {  	_ =	shalt  }
0x43: {  	_ =	shalt  }
0x44: {  	_ =	shalt  }
0x45: {  	_ =	shalt  }
0x46: {  	_ =	shalt  }
0x47: {  	_ =	shalt  }
0x48: {  	_ =	shalt  }
0x49: {  	_ =	shalt  }
0x4a: {  	_ =	shalt  }
0x4b: {  	_ =	shalt  }
0x4c: {  	_ =	shalt  }
0x4d: {  	_ =	shalt  }
0x4e: {  	_ =	shalt  }
0x4f: {  	_ =	shalt  }
0x50: {  	_ =	shalt  }
0x51: {  	_ =	shalt  }
0x52: {  	_ =	shalt  }
0x53: {  	_ =	shalt  }
0x54: {  	_ =	shalt  }
0x55: {  	_ =	shalt  }
0x56: {  	_ =	shalt  }
0x57: {  	_ =	shalt  }
0x58: {  	_ =	shalt  }
0x59: {  	_ =	shalt  }
0x5a: {  	_ =	shalt  }
0x5b: {  	_ =	shalt  }
0x5c: {  	_ =	shalt  }
0x5d: {  	_ =	shalt  }
0x5e: {  	_ =	shalt  }
0x5f: {  	_ =	shalt  }
0x60: {  	_ =	shalt  }
0x61: {  	_ =	shalt  }
0x62: {  	_ =	shalt  }
0x63: {  	_ =	shalt  }
0x64: {  	_ =	shalt  }
0x65: {  	_ =	shalt  }
0x66: {  	_ =	shalt  }
0x67: {  	_ =	shalt  }
0x68: {  	_ =	shalt  }
0x69: {  	_ =	shalt  }
0x6a: {  	_ =	shalt  }
0x6b: {  	_ =	shalt  }
0x6c: {  	_ =	shalt  }
0x6d: {  	_ =	shalt  }
0x6e: {  	_ =	shalt  }
0x6f: {  	_ =	shalt  }
0x70: {  	_ =	shalt  }
0x71: {  	_ =	shalt  }
0x72: {  	_ =	shalt  }
0x73: {  	_ =	shalt  }
0x74: {  	_ =	shalt  }
0x75: {  	_ =	shalt  }
0x76: {  	_ =	shalt  }
0x77: {  	_ =	shalt  }
0x78: {  	_ =	shalt  }
0x79: {  	_ =	shalt  }
0x7a: {  	_ =	shalt  }
0x7b: {  	_ =	shalt  }
0x7c: {  	_ =	shalt  }
0x7d: {  	_ =	shalt  }
0x7e: {  	_ =	shalt  }
0x7f: {  	_ =	shalt  }
0x80: {  	_ =	shalt  }
0x81: {  	_ =	shalt  }
0x82: {  	_ =	shalt  }
0x83: {  	_ =	shalt  }
0x84: {  	_ =	shalt  }
0x85: {  	_ =	shalt  }
0x86: {  	_ =	shalt  }
0x87: {  	_ =	shalt  }
.Lfunc_end0:
.L_simem_size_0:
called_computation_lowered:
.L_overlay_start_0:
0x88: {  	s2 =	sld [smem:$0x3FD9]  }
0x89: {  	s3 =	sld [smem:$0x3FFE];
	_ =	sdelay $0x1  }
0x8a: {  	s1 =	srdreg.scid  }
0x8b: {  	s0 =	sand.u32 $0x1, s1  }
0x8c: {  	s17 =	sshll.u32 s0, $0xA;
	s2 =	sadd.s32 s3, s2  }
0x8d: {  	s2 =	sadd.s32 s2, s17  }
0x8e: {  	[smem:$0x3FC6] =	sst s2  }
0x8f: {  	_ = 	snop  }
0x90: {  	s2 =	sld [smem:$0x3FC8]  }
0x91: {  	s18 =	sld [smem:$0x3FD0];
	(tm) =	ssettm $0x1  }
0x92: {  	s4 =	sld [smem:$0x3FFB];
	_ =	sdelay $0x3  }
0x93: {  	_ =	strace s4  }
0x94: {  	s4 =	sld [smem:$0x3FFC];
	_ =	sdelay $0x3  }
0x95: {  	_ =	strace s4  }
0x96: {  	s4 =	sld [smem:$0x3FFD];
	_ =	sdelay $0x3  }
0x97: {  	_ =	strace s4  }
0x98: {  	_ =	strace $0x8FFFFFFF  }
0x99: {  	s19 =	sld [smem:$0x3FDB];
	_ =	sdelay $0x1  }
0x9a: {  	s5 =	simm.s32 $_scs_section_size  }
0x9b: {  	s6 =	simm.s32 $_size__tile_overlayer_lowered;
	s7 =	simm.s32 $_tile_overlayer_lowered  }
0x9c: {  	s22 =	simm.s32 $0x1BFF;
	s21 =	sshll.u32 s7, $0x1;
	s4 =	sadd.s32 s5, s19  }
0x9d: {  	s8 =	simm.s32 $0x0;
	s20 =	sshll.u32 s6, $0x1;
	s6 =	sadd.s32 s21, s4  }
0x9e: {  	[timem:s8], [sflag:s22] =	dma.local [hbm:s6], s20  }
0x9f: {  	_ =	swait.ge [sflag:s22], s20  }
0xa0: {  	s5 =	ssub.s32 $0x0, s20;
	[sflag:s22] =	ssyncset.done $0x0  }
0xa1: {  	[sflag:s22] =	ssyncadd.s32 s5;
	_ =	sdelay $0x1  }
0xa2: {  	s23 =	simm.s32 $0x1B8B  }
0xa3: {  	_ =	swait.ge [sflag:s23], $0x1  }
0xa4: {  	[sflag:s23] =	ssyncset.done $0x0  }
0xa5: {  	s25 =	simm.s32 $0x1B8E;
	s24 =	sld [smem:$0x3FFE];
	[sflag:s23] =	ssyncadd.s32 $0xFFFFFFFF  }
0xa6: {  	s26 =	simm.s32 $execute0_lowered;
	[smem:$0x3FD2] =	sst s25  }
0xa7: {  	s6 =	sshll.u32 s26, $0x1;
	_ =	strace $0x80000046;
	[dreg:$0x1] =	wrdreg $0xFFFFFFFF  }
0xa8: {  	s28 =	simm.s32 $_size_execute0_lowered;
	s4 =	sadd.s32 s4, s6;
	[dreg:$0x0] =	wrdreg $0x0  }
0xa9: {  	s6 =	sshll.u32 s28, $0x1;
	[dreg:$0x2] =	wrdreg s4  }
0xaa: {  	[dreg:$0x3] =	wrdreg s6  }
0xab: {  	[dreg:$0x4] =	wrdreg $0xC0  }
0xac: {  	_ =	task [dreg:s8], $0x5FFFF  }
0xad: {  	[dreg:$0x1] =	wrdreg $0xFFFFFFFF  }
0xae: {  	[dreg:$0x0] =	wrdreg $0x60  }
0xaf: {  	[dreg:$0x2] =	wrdreg s24  }
0xb0: {  	[dreg:$0x3] =	wrdreg s2  }
0xb1: {  	[dreg:$0x4] =	wrdreg s18  }
0xb2: {  	[dreg:$0x5] =	wrdreg $0x9  }
0xb3: {  	_ =	task.clear_ibuf [dreg:s8], $0x6FFFF;
	_ =	strace $0x90000046  }
0xb4: {  	s29 =	simm.s32 $0x9;
	_ =	strace $0x80000048  }
0xb5: {  	_ =	swait.ge [sflag:s29], $0x1  }
0xb6: {  	[sflag:s29] =	ssyncadd.s32 $0xFFFFFFFF  }
0xb7: {  	_ =	strace $0x90000048  }
0xb8: {  	_ =	sfence  }
0xb9: {  	s30 =	sld [smem:$0x0];
	_ =	sdelay $0x2  }
0xba: {  	s31 =	sshll.u32 s1, $0xD;
	s1 =	sshrl.u32 s1, $0x2  }
0xbb: {  	s3 =	sand.u32 $0x4000, s31;
	s1 =	sadd.s32 s1, s30  }
0xbc: {  	s0 =	sor.u32 s3, s0;
	s1 =	sshll.u32 s1, $0x11  }
0xbd: {  	s0 =	sor.u32 s1, s0  }
0xbe: {  	s0 =	sadd.s32 $0x8F2B, s0  }
0xbf: {  	[sflag:s0] =	ssyncadd.remote.s32 $0x1  }
0xc0: {  	_ =	sfence.sel $0xFFFF  }
0xc1: {  	[dreg:$0x0] =	wrdreg $0xFFFFFFFF;
	(pc) =	sbr.abs _section_cstart, $3  }
0xc2: {  	[dreg:$0x1] =	wrdreg $0xFFFFFFFF  }
0xc3: {  	_ =	task.clear_ibuf [dreg:s8], $0x2FFFF;
	_ =	strace $0x9FFFFFFF  }
0xc4: {  	(tm) =	ssettm $0x7FFFFFFF  }
0xc5: {  	_ =	shalt  }
tec
execute0_lowered:
.L_overlay_start_1:
0x0: {  	(tag) =	ssettag $0x1  }
0x1: {  	s0 =	rddreg [dreg:$0x0];
	s1 =	srdreg.scid  }
0x2: {  	s3 =	stileid.u32;
	s2 =	rddreg [dreg:$0x1]  }
0x3: {  	s28 =	simm.s32 $0xDC00;
	s1 =	sand.u32 $0x1, s1;
	s4 =	sshll.u32 s3, $0x1  }
0x4: {  	s29 =	simm.s32 $0x1;
	s31 =	simm.s32 $0x11C00;
	s5 =	sor.u32 s1, s4  }
0x5: {  	s30 =	simm.s32 $0x7;
	s10 =	simm.s32 $0xA;
	s6 =	smul.u32 $0x380, s5  }
0x6: {  	s11 =	simm.s32 $0x0;
	s3 =	rddreg [dreg:$0x2];
	s7 =	smul.u32 $0xC8000, s5  }
0x7: {  	s4 =	simm.s32 $0x0;
	s1 =	ssub.s32 $0x2, s1;
	s9 =	smul.u32 $0x19000, s5  }
0x8: {  	[smem:$0x7FF] =	sst s4;
	s8 =	sshrl.u32 s1, $0x1;
	s5 =	smul.u32 $0x1900, s5  }
0x9: {  	_ =	strace $0x80000047;
	s1 =	ssub.s32 s1, s8;
	s16 =	sadd.s32 s3, s9  }
0xa: {  	s0 =	sadd.s32 s6, s0;
	s26 =	smax.u32 s1, $0x1;
	[dreg:$0x4] =	wrdreg s16  }
0xb: {  	s15 =	sshrl.u32 s7, $0x3;
	s0 =	sadd.s32 $0x400, s0;
	[dreg:$0xf] =	wrdreg s26  }
0xc: {  	s6 =	sadd.s32 s3, s15;
	s17 =	sadd.s32 $0x800, s16;
	[dreg:$0x5] =	wrdreg s0  }
0xd: {  	s8 =	simm.s32 $0x5;
	[dreg:$0x6] =	wrdreg s17;
	s18 =	sadd.s32 $0x1000, s6  }
0xe: {  	s12 =	sor.u32 $0x80, s5;
	s19 =	sadd.s32 $0x1800, s6;
	[dreg:$0x7] =	wrdreg s18  }
0xf: {  	s13 =	sadd.s32 $0x100, s5;
	s20 =	sadd.s32 $0x2000, s6;
	[dreg:$0x8] =	wrdreg s19  }
0x10: {  	s1 =	simm.s32 $0x2;
	s21 =	sadd.s32 $0x16800, s6;
	[dreg:$0x9] =	wrdreg s20  }
0x11: {  	s7 =	simm.s32 $0x8;
	s22 =	sadd.s32 $0x17000, s6;
	[dreg:$0xa] =	wrdreg s21  }
0x12: {  	s9 =	simm.s32 $0x9;
	s23 =	sadd.s32 $0x17800, s6;
	[dreg:$0xb] =	wrdreg s22  }
0x13: {  	s26 =	simm.s32 $0x3;
	s24 =	sadd.s32 $0x18000, s6;
	[dreg:$0xc] =	wrdreg s23  }
0x14: {  	s25 =	sadd.s32 $0x18800, s6;
	s0 =	simm.s32 $0x6;
	[dreg:$0xd] =	wrdreg s24  }
0x15: {  	[dreg:$0xe] =	wrdreg s25;
	s21 =	simm.s32 $0x80;
	s22 =	simm.s32 $0x1C00  }
0x16: {  	s23 =	simm.s32 $0x5C00;
	s25 =	simm.s32 $0x9C00;
	s24 =	simm.s32 $0x4  }
.LBB2_1:
0x17: {  	s6 =	rddreg [dreg:$0x5];
	s18 =	simm.s32 $0xB  }
0x18: {  	[tilespmem:s4], [sflag:$0xB] =	stream.linear.gather [hbm4b:s6+s4], $0x1900, $0x38;
	[tilespmem:$0x15C00] =	vst v63  }
0x19: {  	_ =	swait.ge [sflag:s18], $0x1900  }
0x1a: {  	[sflag:s18] =	ssyncset.done $0x0  }
0x1b: {  	[sflag:s18] =	ssyncadd.s32 $0xFFFFE700  }
0x1c: {  	[tilespmem:s22], [sflag:$0x1] =	stream.indirect.gather [hbm4b:s2+s21], $0x80, s4, s21, $0xb8;
	[tilespmem:$0x15C00] =	vst v63  }
0x1d: {  	_ = 	snop  }
0x1e: {  	[tilespmem:s23], [sflag:$0x2] =	stream.indirect.gather [hbm4b:s2+s21], $0x80, s21, s21, $0xb8;
	[tilespmem:$0x15C00] =	vst v63  }
0x1f: {  	s19 =	simm.s32 $0x100  }
0x20: {  	[tilespmem:s25], [sflag:$0x3] =	stream.indirect.gather [hbm4b:s2+s21], $0x80, s19, s21, $0xb8;
	[tilespmem:$0x15C00] =	vst v63  }
0x21: {  	s20 =	simm.s32 $0x180  }
0x22: {  	[tilespmem:s28], [sflag:$0x4] =	stream.indirect.gather [hbm4b:s2+s21], $0x80, s20, s21, $0xb8;
	[tilespmem:$0x15C00] =	vst v63  }
0x23: {  	_ =	swait.ge [sflag:s29], $0x4000  }
0x24: {  	[sflag:s29] =	ssyncset.done $0x0  }
0x25: {  	s14 =	simm.s32 $0x1D00;
	[sflag:s29] =	ssyncadd.s32 $0xFFFFC000  }
0x26: {  	v0 =	vld [tilespmem:s14+$0xF0]  }
0x27: {  	v1 =	vld [tilespmem:s14+$0xFFFFFF10]  }
0x28: {  	v2 =	vld [tilespmem:s14+$0xFFFFFF20]  }
0x29: {  	v3 =	vld [tilespmem:s14+$0xFFFFFF30]  }
0x2a: {  	v6 =	vld [tilespmem:s14+$0xFFFFFF60]  }
0x2b: {  	v4 =	vld [tilespmem:s14+$0xFFFFFF40]  }
0x2c: {  	v5 =	vld [tilespmem:s14+$0xFFFFFF50];
	v0 =	vmul.f32 $1.131370830e+01, v0  }
0x2d: {  	v8 =	vld [tilespmem:s14+$0xFFFFFF80];
	v1 =	vmul.f32 $1.131370830e+01, v1  }
0x2e: {  	v7 =	vld [tilespmem:s14+$0xFFFFFF70];
	v2 =	vmul.f32 $1.131370830e+01, v2;
	[tilespmem:s14+$0xF0] =	vst v0  }
0x2f: {  	v6 =	vmul.f32 $1.131370830e+01, v6;
	v0 =	vld [tilespmem:s14+$0xFFFFFF90];
	[tilespmem:s14+$0xFFFFFF10] =	vst v1  }
0x30: {  	v1 =	vmul.f32 $1.131370830e+01, v3;
	v3 =	vld [tilespmem:s14+$0xFFFFFFA0];
	[tilespmem:s14+$0xFFFFFF20] =	vst v2;
	v2 =	vmul.f32 $1.131370830e+01, v4  }
0x31: {  	[tilespmem:s14+$0xFFFFFF60] =	vst v6;
	v6 =	vld [tilespmem:s14+$0xFFFFFFF0]  }
0x32: {  	v4 =	vld [tilespmem:s14+$0xFFFFFFB0];
	[tilespmem:s14+$0xFFFFFF40] =	vst v2;
	v2 =	vmul.f32 $1.131370830e+01, v8  }
0x33: {  	[tilespmem:s14+$0xFFFFFF30] =	vst v1;
	v1 =	vmul.f32 $1.131370830e+01, v5;
	v5 =	vld [tilespmem:s14+$0xFFFFFFC0]  }
0x34: {  	v8 =	vld [tilespmem:s14+$0xFFFFFFD0];
	[tilespmem:s14+$0xFFFFFF80] =	vst v2;
	v2 =	vmul.f32 $1.131370830e+01, v7  }
0x35: {  	[tilespmem:s14+$0xFFFFFF50] =	vst v1;
	v1 =	vld [tilespmem:s14+$0xFFFFFFE0];
	v0 =	vmul.f32 $1.131370830e+01, v0  }
0x36: {  	v7 =	vld [tilespmem:s14+$0x30];
	v6 =	vmul.f32 $1.131370830e+01, v6;
	[tilespmem:s14+$0xFFFFFF70] =	vst v2  }
0x37: {  	v2 =	vmul.f32 $1.131370830e+01, v3;
	v3 =	vld [tilespmem:s14+$0x0];
	[tilespmem:s14+$0xFFFFFF90] =	vst v0  }
0x38: {  	v0 =	vmul.f32 $1.131370830e+01, v4;
	v4 =	vld [tilespmem:s14+$0x10];
	[tilespmem:s14+$0xFFFFFFF0] =	vst v6  }
0x39: {  	[tilespmem:s14+$0xFFFFFFA0] =	vst v2;
	v2 =	vmul.f32 $1.131370830e+01, v5;
	v5 =	vld [tilespmem:s14+$0x20]  }
0x3a: {  	v6 =	vld [tilespmem:s14+$0x80];
	[tilespmem:s14+$0xFFFFFFB0] =	vst v0;
	v0 =	vmul.f32 $1.131370830e+01, v8  }
0x3b: {  	v1 =	vmul.f32 $1.131370830e+01, v1;
	[tilespmem:s14+$0xFFFFFFC0] =	vst v2;
	v2 =	vld [tilespmem:s14+$0x40]  }
0x3c: {  	[tilespmem:s14+$0xFFFFFFD0] =	vst v0;
	v0 =	vmul.f32 $1.131370830e+01, v3  }
0x3d: {  	v3 =	vld [tilespmem:s14+$0x50];
	[tilespmem:s14+$0xFFFFFFE0] =	vst v1;
	v4 =	vmul.f32 $1.131370830e+01, v4  }
0x3e: {  	v1 =	vld [tilespmem:s14+$0x60];
	[tilespmem:s14+$0x0] =	vst v0;
	v0 =	vmul.f32 $1.131370830e+01, v5  }
0x3f: {  	v6 =	vmul.f32 $1.131370830e+01, v6;
	v5 =	vld [tilespmem:s14+$0x70];
	[tilespmem:s14+$0x10] =	vst v4  }
0x40: {  	v4 =	vmul.f32 $1.131370830e+01, v7;
	v7 =	vld [tilespmem:s14+$0x90];
	[tilespmem:s14+$0x20] =	vst v0;
	v0 =	vmul.f32 $1.131370830e+01, v2  }
0x41: {  	v8 =	vld [tilespmem:s14+$0xA0];
	[tilespmem:s14+$0x80] =	vst v6  }
0x42: {  	v2 =	vmul.f32 $1.131370830e+01, v3;
	[tilespmem:s14+$0x40] =	vst v0;
	v0 =	vld [tilespmem:s14+$0xB0]  }
0x43: {  	[tilespmem:s14+$0x30] =	vst v4;
	v3 =	vmul.f32 $1.131370830e+01, v1;
	v1 =	vld [tilespmem:s14+$0xC0]  }
0x44: {  	[tilespmem:s14+$0x50] =	vst v2;
	v4 =	vmul.f32 $1.131370830e+01, v5;
	v2 =	vld [tilespmem:s14+$0xD0]  }
0x45: {  	[tilespmem:s14+$0x60] =	vst v3;
	v3 =	vld [tilespmem:s14+$0xE0];
	v5 =	vmul.f32 $1.131370830e+01, v7  }
0x46: {  	s15 =	simm.s32 $0x0;
	s6 =	simm.s32 $0x1F00;
	v6 =	vmul.f32 $1.131370830e+01, v8;
	[tilespmem:s14+$0x70] =	vst v4;
	v4 =	vld [tilespmem:s14+$0xFFFFFF00]  }
.LBB2_2:
0x47: {  	v7 =	vld [tilespmem:s6+$0xF0];
	s15 =	sadd.s32 $0x4, s15;
	[tilespmem:s14+$0x90] =	vst v5;
	v0 =	vmul.f32 $1.131370830e+01, v0  }
0x48: {  	v5 =	vld [tilespmem:s6+$0xFFFFFF10];
	p0 =	slt.u32 s15, $0x7C;
	[tilespmem:s14+$0xA0] =	vst v6;
	v1 =	vmul.f32 $1.131370830e+01, v1  }
0x49: {  	v6 =	vld [tilespmem:s6+$0xFFFFFF20];
	[tilespmem:s14+$0xB0] =	vst v0;
	v0 =	vmul.f32 $1.131370830e+01, v2  }
0x4a: {  	v2 =	vld [tilespmem:s6+$0xFFFFFF30];
	[tilespmem:s14+$0xC0] =	vst v1;
	v1 =	vmul.f32 $1.131370830e+01, v3  }
0x4b: {  	v3 =	vld [tilespmem:s6+$0xFFFFFF40];
	v4 =	vmul.f32 $1.131370830e+01, v4;
	[tilespmem:s14+$0xD0] =	vst v0  }
0x4c: {  	v0 =	vld [tilespmem:s6+$0xFFFFFF50];
	v7 =	vmul.f32 $1.131370830e+01, v7;
	[tilespmem:s14+$0xE0] =	vst v1  }
0x4d: {  	v1 =	vmul.f32 $1.131370830e+01, v5;
	v5 =	vld [tilespmem:s6+$0xFFFFFF60];
	[tilespmem:s14+$0xFFFFFF00] =	vst v4;
	s14 =	smov.u32 s6  }
0x4e: {  	v4 =	vmul.f32 $1.131370830e+01, v6;
	v6 =	vld [tilespmem:s6+$0xFFFFFF70];
	[tilespmem:s6+$0xF0] =	vst v7  }
0x4f: {  	[tilespmem:s6+$0xFFFFFF10] =	vst v1;
	v1 =	vmul.f32 $1.131370830e+01, v2;
	v2 =	vld [tilespmem:s6+$0xFFFFFF80]  }
0x50: {  	[tilespmem:s6+$0xFFFFFF20] =	vst v4;
	v3 =	vmul.f32 $1.131370830e+01, v3;
	v4 =	vld [tilespmem:s6+$0xFFFFFF90]  }
0x51: {  	[tilespmem:s6+$0xFFFFFF30] =	vst v1;
	v0 =	vmul.f32 $1.131370830e+01, v0;
	v1 =	vld [tilespmem:s6+$0xFFFFFFA0]  }
0x52: {  	[tilespmem:s6+$0xFFFFFF40] =	vst v3;
	v3 =	vmul.f32 $1.131370830e+01, v5;
	v5 =	vld [tilespmem:s6+$0xFFFFFFB0]  }
0x53: {  	[tilespmem:s6+$0xFFFFFF50] =	vst v0;
	v0 =	vmul.f32 $1.131370830e+01, v6;
	v6 =	vld [tilespmem:s6+$0xFFFFFFC0]  }
0x54: {  	[tilespmem:s6+$0xFFFFFF60] =	vst v3;
	v2 =	vmul.f32 $1.131370830e+01, v2;
	v3 =	vld [tilespmem:s6+$0xFFFFFFD0]  }
0x55: {  	[tilespmem:s6+$0xFFFFFF70] =	vst v0;
	v0 =	vmul.f32 $1.131370830e+01, v4;
	v4 =	vld [tilespmem:s6+$0xFFFFFFE0]  }
0x56: {  	[tilespmem:s6+$0xFFFFFF80] =	vst v2;
	v1 =	vmul.f32 $1.131370830e+01, v1;
	v2 =	vld [tilespmem:s6+$0xFFFFFFF0]  }
0x57: {  	[tilespmem:s6+$0xFFFFFF90] =	vst v0;
	v0 =	vmul.f32 $1.131370830e+01, v5;
	v5 =	vld [tilespmem:s6+$0x0]  }
0x58: {  	[tilespmem:s6+$0xFFFFFFA0] =	vst v1;
	v1 =	vmul.f32 $1.131370830e+01, v6;
	v6 =	vld [tilespmem:s6+$0x10]  }
0x59: {  	[tilespmem:s6+$0xFFFFFFB0] =	vst v0;
	v0 =	vmul.f32 $1.131370830e+01, v3;
	v3 =	vld [tilespmem:s6+$0x20]  }
0x5a: {  	[tilespmem:s6+$0xFFFFFFC0] =	vst v1;
	v1 =	vmul.f32 $1.131370830e+01, v4;
	v4 =	vld [tilespmem:s6+$0x30]  }
0x5b: {  	[tilespmem:s6+$0xFFFFFFD0] =	vst v0;
	v0 =	vmul.f32 $1.131370830e+01, v2;
	v2 =	vld [tilespmem:s6+$0x40]  }
0x5c: {  	[tilespmem:s6+$0xFFFFFFE0] =	vst v1;
	v1 =	vmul.f32 $1.131370830e+01, v5;
	v5 =	vld [tilespmem:s6+$0x50]  }
0x5d: {  	[tilespmem:s6+$0xFFFFFFF0] =	vst v0;
	v0 =	vmul.f32 $1.131370830e+01, v6;
	v6 =	vld [tilespmem:s6+$0x60]  }
0x5e: {  	[tilespmem:s6+$0x0] =	vst v1;
	v1 =	vmul.f32 $1.131370830e+01, v3;
	v3 =	vld [tilespmem:s6+$0x70]  }
0x5f: {  	[tilespmem:s6+$0x10] =	vst v0;
	v0 =	vmul.f32 $1.131370830e+01, v4;
	v4 =	vld [tilespmem:s6+$0x80]  }
0x60: {  	[tilespmem:s6+$0x20] =	vst v1;
	v1 =	vmul.f32 $1.131370830e+01, v2;
	v7 =	vld [tilespmem:s6+$0x90]  }
0x61: {  	[tilespmem:s6+$0x30] =	vst v0;
	v2 =	vmul.f32 $1.131370830e+01, v5;
	v8 =	vld [tilespmem:s6+$0xA0]  }
.Ltmp0:
0x62: {  	[tilespmem:s6+$0x40] =	vst v1;
	v5 =	vmul.f32 $1.131370830e+01, v6;
	v0 =	vld [tilespmem:s6+$0xB0];
	(pc) =	sbr.rel @p0 .LBB2_2-.Ltmp0, $4  }
0x63: {  	[tilespmem:s6+$0x50] =	vst v2;
	v3 =	vmul.f32 $1.131370830e+01, v3;
	v1 =	vld [tilespmem:s6+$0xC0]  }
0x64: {  	[tilespmem:s6+$0x60] =	vst v5;
	v6 =	vmul.f32 $1.131370830e+01, v4;
	v2 =	vld [tilespmem:s6+$0xD0]  }
0x65: {  	[tilespmem:s6+$0x70] =	vst v3;
	v5 =	vmul.f32 $1.131370830e+01, v7;
	v3 =	vld [tilespmem:s6+$0xE0]  }
0x66: {  	s6 =	sadd.s32 $0x200, s6;
	v4 =	vld [tilespmem:s14+$0xFFFFFF00];
	[tilespmem:s14+$0x80] =	vst v6;
	v6 =	vmul.f32 $1.131370830e+01, v8  }
0x67: {  	[tilespmem:s14+$0x90] =	vst v5;
	v0 =	vmul.f32 $1.131370830e+01, v0  }
0x68: {  	[tilespmem:s14+$0xA0] =	vst v6;
	v1 =	vmul.f32 $1.131370830e+01, v1  }
0x69: {  	[tilespmem:s14+$0xB0] =	vst v0;
	v0 =	vmul.f32 $1.131370830e+01, v2  }
0x6a: {  	[tilespmem:s14+$0xC0] =	vst v1;
	v1 =	vmul.f32 $1.131370830e+01, v3  }
0x6b: {  	v2 =	vmul.f32 $1.131370830e+01, v4;
	[tilespmem:s14+$0xD0] =	vst v0  }
0x6c: {  	[tilespmem:s14+$0xE0] =	vst v1  }
0x6d: {  	[tilespmem:s14+$0xFFFFFF00] =	vst v2  }
0x6e: {  	s6 =	rddreg [dreg:$0x4]  }
0x6f: {  	[hbm4b:s6+s4] =	stream.linear.scatter [tilespmem:s22], [sflag:$0x6], $0x4000, $0x38;
	[tilespmem:$0x15C00] =	vst v63  }
0x70: {  	s20 =	simm.s32 $0x200  }
0x71: {  	[tilespmem:s31], [sflag:$0x5] =	stream.indirect.gather [hbm4b:s2+s21], $0x80, s20, s21, $0xb8;
	[tilespmem:$0x15C00] =	vst v63  }
0x72: {  	_ =	swait.ge [sflag:s1], $0x4000  }
0x73: {  	[sflag:s1] =	ssyncset.done $0x0  }
0x74: {  	s14 =	simm.s32 $0x5C00;
	[sflag:s1] =	ssyncadd.s32 $0xFFFFC000  }
0x75: {  	v0 =	vld [tilespmem:s14+$0x1F0]  }
0x76: {  	v1 =	vld [tilespmem:s14+$0x10]  }
0x77: {  	v2 =	vld [tilespmem:s14+$0x20]  }
0x78: {  	v3 =	vld [tilespmem:s14+$0x30]  }
0x79: {  	v6 =	vld [tilespmem:s14+$0x60]  }
0x7a: {  	v4 =	vld [tilespmem:s14+$0x40]  }
0x7b: {  	v5 =	vld [tilespmem:s14+$0x50];
	v0 =	vmul.f32 $1.131370830e+01, v0  }
0x7c: {  	v8 =	vld [tilespmem:s14+$0x80];
	v1 =	vmul.f32 $1.131370830e+01, v1  }
0x7d: {  	v7 =	vld [tilespmem:s14+$0x70];
	v2 =	vmul.f32 $1.131370830e+01, v2;
	[tilespmem:s14+$0x1F0] =	vst v0  }
0x7e: {  	v6 =	vmul.f32 $1.131370830e+01, v6;
	v0 =	vld [tilespmem:s14+$0x90];
	[tilespmem:s14+$0x10] =	vst v1  }
0x7f: {  	v1 =	vmul.f32 $1.131370830e+01, v3;
	v3 =	vld [tilespmem:s14+$0xA0];
	[tilespmem:s14+$0x20] =	vst v2;
	v2 =	vmul.f32 $1.131370830e+01, v4  }
0x80: {  	[tilespmem:s14+$0x60] =	vst v6;
	v6 =	vld [tilespmem:s14+$0xF0]  }
0x81: {  	v4 =	vld [tilespmem:s14+$0xB0];
	[tilespmem:s14+$0x40] =	vst v2;
	v2 =	vmul.f32 $1.131370830e+01, v8  }
0x82: {  	[tilespmem:s14+$0x30] =	vst v1;
	v1 =	vmul.f32 $1.131370830e+01, v5;
	v5 =	vld [tilespmem:s14+$0xC0]  }
0x83: {  	v8 =	vld [tilespmem:s14+$0xD0];
	[tilespmem:s14+$0x80] =	vst v2;
	v2 =	vmul.f32 $1.131370830e+01, v7  }
0x84: {  	[tilespmem:s14+$0x50] =	vst v1;
	v1 =	vld [tilespmem:s14+$0xE0];
	v0 =	vmul.f32 $1.131370830e+01, v0  }
0x85: {  	v7 =	vld [tilespmem:s14+$0x130];
	v6 =	vmul.f32 $1.131370830e+01, v6;
	[tilespmem:s14+$0x70] =	vst v2  }
0x86: {  	v2 =	vmul.f32 $1.131370830e+01, v3;
	v3 =	vld [tilespmem:s14+$0x100];
	[tilespmem:s14+$0x90] =	vst v0  }
0x87: {  	v0 =	vmul.f32 $1.131370830e+01, v4;
	v4 =	vld [tilespmem:s14+$0x110];
	[tilespmem:s14+$0xF0] =	vst v6  }
0x88: {  	[tilespmem:s14+$0xA0] =	vst v2;
	v2 =	vmul.f32 $1.131370830e+01, v5;
	v5 =	vld [tilespmem:s14+$0x120]  }
0x89: {  	v6 =	vld [tilespmem:s14+$0x180];
	[tilespmem:s14+$0xB0] =	vst v0;
	v0 =	vmul.f32 $1.131370830e+01, v8  }
0x8a: {  	v1 =	vmul.f32 $1.131370830e+01, v1;
	[tilespmem:s14+$0xC0] =	vst v2;
	v2 =	vld [tilespmem:s14+$0x140]  }
0x8b: {  	[tilespmem:s14+$0xD0] =	vst v0;
	v0 =	vmul.f32 $1.131370830e+01, v3  }
0x8c: {  	v3 =	vld [tilespmem:s14+$0x150];
	[tilespmem:s14+$0xE0] =	vst v1;
	v4 =	vmul.f32 $1.131370830e+01, v4  }
0x8d: {  	v1 =	vld [tilespmem:s14+$0x160];
	[tilespmem:s14+$0x100] =	vst v0;
	v0 =	vmul.f32 $1.131370830e+01, v5  }
0x8e: {  	v6 =	vmul.f32 $1.131370830e+01, v6;
	v5 =	vld [tilespmem:s14+$0x170];
	[tilespmem:s14+$0x110] =	vst v4  }
0x8f: {  	v4 =	vmul.f32 $1.131370830e+01, v7;
	v7 =	vld [tilespmem:s14+$0x190];
	[tilespmem:s14+$0x120] =	vst v0;
	v0 =	vmul.f32 $1.131370830e+01, v2  }
0x90: {  	v8 =	vld [tilespmem:s14+$0x1A0];
	[tilespmem:s14+$0x180] =	vst v6  }
0x91: {  	v2 =	vmul.f32 $1.131370830e+01, v3;
	[tilespmem:s14+$0x140] =	vst v0;
	v0 =	vld [tilespmem:s14+$0x1B0]  }
0x92: {  	[tilespmem:s14+$0x130] =	vst v4;
	v3 =	vmul.f32 $1.131370830e+01, v1;
	v1 =	vld [tilespmem:s14+$0x1C0]  }
0x93: {  	[tilespmem:s14+$0x150] =	vst v2;
	v4 =	vmul.f32 $1.131370830e+01, v5;
	v2 =	vld [tilespmem:s14+$0x1D0]  }
0x94: {  	[tilespmem:s14+$0x160] =	vst v3;
	v3 =	vld [tilespmem:s14+$0x1E0];
	v5 =	vmul.f32 $1.131370830e+01, v7  }
0x95: {  	s15 =	simm.s32 $0x0;
	s6 =	simm.s32 $0x5E00;
	v6 =	vmul.f32 $1.131370830e+01, v8;
	[tilespmem:s14+$0x170] =	vst v4;
	v4 =	vld [tilespmem:s14+$0x0]  }
.LBB2_4:
0x96: {  	v7 =	vld [tilespmem:s6+$0x1F0];
	s15 =	sadd.s32 $0x4, s15;
	[tilespmem:s14+$0x190] =	vst v5;
	v0 =	vmul.f32 $1.131370830e+01, v0  }
0x97: {  	v5 =	vld [tilespmem:s6+$0x10];
	p0 =	slt.u32 s15, $0x7C;
	[tilespmem:s14+$0x1A0] =	vst v6;
	v1 =	vmul.f32 $1.131370830e+01, v1  }
0x98: {  	v6 =	vld [tilespmem:s6+$0x20];
	[tilespmem:s14+$0x1B0] =	vst v0;
	v0 =	vmul.f32 $1.131370830e+01, v2  }
0x99: {  	v2 =	vld [tilespmem:s6+$0x30];
	[tilespmem:s14+$0x1C0] =	vst v1;
	v1 =	vmul.f32 $1.131370830e+01, v3  }
0x9a: {  	v3 =	vld [tilespmem:s6+$0x40];
	v4 =	vmul.f32 $1.131370830e+01, v4;
	[tilespmem:s14+$0x1D0] =	vst v0  }
0x9b: {  	v0 =	vld [tilespmem:s6+$0x50];
	v7 =	vmul.f32 $1.131370830e+01, v7;
	[tilespmem:s14+$0x1E0] =	vst v1  }
0x9c: {  	v1 =	vmul.f32 $1.131370830e+01, v5;
	v5 =	vld [tilespmem:s6+$0x60];
	[tilespmem:s14+$0x0] =	vst v4;
	s14 =	smov.u32 s6  }
0x9d: {  	v4 =	vmul.f32 $1.131370830e+01, v6;
	v6 =	vld [tilespmem:s6+$0x70];
	[tilespmem:s6+$0x1F0] =	vst v7  }
0x9e: {  	[tilespmem:s6+$0x10] =	vst v1;
	v1 =	vmul.f32 $1.131370830e+01, v2;
	v2 =	vld [tilespmem:s6+$0x80]  }
0x9f: {  	[tilespmem:s6+$0x20] =	vst v4;
	v3 =	vmul.f32 $1.131370830e+01, v3;
	v4 =	vld [tilespmem:s6+$0x90]  }
0xa0: {  	[tilespmem:s6+$0x30] =	vst v1;
	v0 =	vmul.f32 $1.131370830e+01, v0;
	v1 =	vld [tilespmem:s6+$0xA0]  }
0xa1: {  	[tilespmem:s6+$0x40] =	vst v3;
	v3 =	vmul.f32 $1.131370830e+01, v5;
	v5 =	vld [tilespmem:s6+$0xB0]  }
0xa2: {  	[tilespmem:s6+$0x50] =	vst v0;
	v0 =	vmul.f32 $1.131370830e+01, v6;
	v6 =	vld [tilespmem:s6+$0xC0]  }
0xa3: {  	[tilespmem:s6+$0x60] =	vst v3;
	v2 =	vmul.f32 $1.131370830e+01, v2;
	v3 =	vld [tilespmem:s6+$0xD0]  }
0xa4: {  	[tilespmem:s6+$0x70] =	vst v0;
	v0 =	vmul.f32 $1.131370830e+01, v4;
	v4 =	vld [tilespmem:s6+$0xE0]  }
0xa5: {  	[tilespmem:s6+$0x80] =	vst v2;
	v1 =	vmul.f32 $1.131370830e+01, v1;
	v2 =	vld [tilespmem:s6+$0xF0]  }
0xa6: {  	[tilespmem:s6+$0x90] =	vst v0;
	v0 =	vmul.f32 $1.131370830e+01, v5;
	v5 =	vld [tilespmem:s6+$0x100]  }
0xa7: {  	[tilespmem:s6+$0xA0] =	vst v1;
	v1 =	vmul.f32 $1.131370830e+01, v6;
	v6 =	vld [tilespmem:s6+$0x110]  }
0xa8: {  	[tilespmem:s6+$0xB0] =	vst v0;
	v0 =	vmul.f32 $1.131370830e+01, v3;
	v3 =	vld [tilespmem:s6+$0x120]  }
0xa9: {  	[tilespmem:s6+$0xC0] =	vst v1;
	v1 =	vmul.f32 $1.131370830e+01, v4;
	v4 =	vld [tilespmem:s6+$0x130]  }
0xaa: {  	[tilespmem:s6+$0xD0] =	vst v0;
	v0 =	vmul.f32 $1.131370830e+01, v2;
	v2 =	vld [tilespmem:s6+$0x140]  }
0xab: {  	[tilespmem:s6+$0xE0] =	vst v1;
	v1 =	vmul.f32 $1.131370830e+01, v5;
	v5 =	vld [tilespmem:s6+$0x150]  }
0xac: {  	[tilespmem:s6+$0xF0] =	vst v0;
	v0 =	vmul.f32 $1.131370830e+01, v6;
	v6 =	vld [tilespmem:s6+$0x160]  }
0xad: {  	[tilespmem:s6+$0x100] =	vst v1;
	v1 =	vmul.f32 $1.131370830e+01, v3;
	v3 =	vld [tilespmem:s6+$0x170]  }
0xae: {  	[tilespmem:s6+$0x110] =	vst v0;
	v0 =	vmul.f32 $1.131370830e+01, v4;
	v4 =	vld [tilespmem:s6+$0x180]  }
0xaf: {  	[tilespmem:s6+$0x120] =	vst v1;
	v1 =	vmul.f32 $1.131370830e+01, v2;
	v7 =	vld [tilespmem:s6+$0x190]  }
0xb0: {  	[tilespmem:s6+$0x130] =	vst v0;
	v2 =	vmul.f32 $1.131370830e+01, v5;
	v8 =	vld [tilespmem:s6+$0x1A0]  }
.Ltmp1:
0xb1: {  	[tilespmem:s6+$0x140] =	vst v1;
	v5 =	vmul.f32 $1.131370830e+01, v6;
	v0 =	vld [tilespmem:s6+$0x1B0];
	(pc) =	sbr.rel @p0 .LBB2_4-.Ltmp1, $4  }
0xb2: {  	[tilespmem:s6+$0x150] =	vst v2;
	v3 =	vmul.f32 $1.131370830e+01, v3;
	v1 =	vld [tilespmem:s6+$0x1C0]  }
0xb3: {  	[tilespmem:s6+$0x160] =	vst v5;
	v6 =	vmul.f32 $1.131370830e+01, v4;
	v2 =	vld [tilespmem:s6+$0x1D0]  }
0xb4: {  	[tilespmem:s6+$0x170] =	vst v3;
	v5 =	vmul.f32 $1.131370830e+01, v7;
	v3 =	vld [tilespmem:s6+$0x1E0]  }
0xb5: {  	s6 =	sadd.s32 $0x200, s6;
	v4 =	vld [tilespmem:s14+$0x0];
	[tilespmem:s14+$0x180] =	vst v6;
	v6 =	vmul.f32 $1.131370830e+01, v8  }
0xb6: {  	[tilespmem:s14+$0x190] =	vst v5;
	v0 =	vmul.f32 $1.131370830e+01, v0  }
0xb7: {  	[tilespmem:s14+$0x1A0] =	vst v6;
	v1 =	vmul.f32 $1.131370830e+01, v1  }
0xb8: {  	[tilespmem:s14+$0x1B0] =	vst v0;
	v0 =	vmul.f32 $1.131370830e+01, v2  }
0xb9: {  	[tilespmem:s14+$0x1C0] =	vst v1;
	v1 =	vmul.f32 $1.131370830e+01, v3  }
0xba: {  	v2 =	vmul.f32 $1.131370830e+01, v4;
	[tilespmem:s14+$0x1D0] =	vst v0  }
0xbb: {  	[tilespmem:s14+$0x1E0] =	vst v1  }
0xbc: {  	[tilespmem:s14+$0x0] =	vst v2  }
0xbd: {  	s6 =	rddreg [dreg:$0x6]  }
0xbe: {  	[hbm4b:s6+s4] =	stream.linear.scatter [tilespmem:s23], [sflag:$0x7], $0x4000, $0x38;
	[tilespmem:$0x15C00] =	vst v63  }
0xbf: {  	_ =	swait.ge [sflag:s0], $0x4000  }
0xc0: {  	[sflag:s0] =	ssyncset.done $0x0  }
0xc1: {  	s20 =	simm.s32 $0x280;
	[sflag:s0] =	ssyncadd.s32 $0xFFFFC000  }
0xc2: {  	[tilespmem:s22], [sflag:$0x1] =	stream.indirect.gather [hbm4b:s2+s21], $0x80, s20, s21, $0xb8;
	[tilespmem:$0x15C00] =	vst v63  }
0xc3: {  	_ =	swait.ge [sflag:s26], $0x4000  }
0xc4: {  	[sflag:s26] =	ssyncset.done $0x0  }
0xc5: {  	s14 =	simm.s32 $0x9C00;
	[sflag:s26] =	ssyncadd.s32 $0xFFFFC000  }
0xc6: {  	v0 =	vld [tilespmem:s14+$0x1F0]  }
0xc7: {  	v1 =	vld [tilespmem:s14+$0x10]  }
0xc8: {  	v2 =	vld [tilespmem:s14+$0x20]  }
0xc9: {  	v3 =	vld [tilespmem:s14+$0x30]  }
0xca: {  	v6 =	vld [tilespmem:s14+$0x60]  }
0xcb: {  	v4 =	vld [tilespmem:s14+$0x40]  }
0xcc: {  	v5 =	vld [tilespmem:s14+$0x50];
	v0 =	vmul.f32 $1.131370830e+01, v0  }
0xcd: {  	v8 =	vld [tilespmem:s14+$0x80];
	v1 =	vmul.f32 $1.131370830e+01, v1  }
0xce: {  	v7 =	vld [tilespmem:s14+$0x70];
	v2 =	vmul.f32 $1.131370830e+01, v2;
	[tilespmem:s14+$0x1F0] =	vst v0  }
0xcf: {  	v6 =	vmul.f32 $1.131370830e+01, v6;
	v0 =	vld [tilespmem:s14+$0x90];
	[tilespmem:s14+$0x10] =	vst v1  }
0xd0: {  	v1 =	vmul.f32 $1.131370830e+01, v3;
	v3 =	vld [tilespmem:s14+$0xA0];
	[tilespmem:s14+$0x20] =	vst v2;
	v2 =	vmul.f32 $1.131370830e+01, v4  }
0xd1: {  	[tilespmem:s14+$0x60] =	vst v6;
	v6 =	vld [tilespmem:s14+$0xF0]  }
0xd2: {  	v4 =	vld [tilespmem:s14+$0xB0];
	[tilespmem:s14+$0x40] =	vst v2;
	v2 =	vmul.f32 $1.131370830e+01, v8  }
0xd3: {  	[tilespmem:s14+$0x30] =	vst v1;
	v1 =	vmul.f32 $1.131370830e+01, v5;
	v5 =	vld [tilespmem:s14+$0xC0]  }
0xd4: {  	v8 =	vld [tilespmem:s14+$0xD0];
	[tilespmem:s14+$0x80] =	vst v2;
	v2 =	vmul.f32 $1.131370830e+01, v7  }
0xd5: {  	[tilespmem:s14+$0x50] =	vst v1;
	v1 =	vld [tilespmem:s14+$0xE0];
	v0 =	vmul.f32 $1.131370830e+01, v0  }
0xd6: {  	v7 =	vld [tilespmem:s14+$0x130];
	v6 =	vmul.f32 $1.131370830e+01, v6;
	[tilespmem:s14+$0x70] =	vst v2  }
0xd7: {  	v2 =	vmul.f32 $1.131370830e+01, v3;
	v3 =	vld [tilespmem:s14+$0x100];
	[tilespmem:s14+$0x90] =	vst v0  }
0xd8: {  	v0 =	vmul.f32 $1.131370830e+01, v4;
	v4 =	vld [tilespmem:s14+$0x110];
	[tilespmem:s14+$0xF0] =	vst v6  }
0xd9: {  	[tilespmem:s14+$0xA0] =	vst v2;
	v2 =	vmul.f32 $1.131370830e+01, v5;
	v5 =	vld [tilespmem:s14+$0x120]  }
0xda: {  	v6 =	vld [tilespmem:s14+$0x180];
	[tilespmem:s14+$0xB0] =	vst v0;
	v0 =	vmul.f32 $1.131370830e+01, v8  }
0xdb: {  	v1 =	vmul.f32 $1.131370830e+01, v1;
	[tilespmem:s14+$0xC0] =	vst v2;
	v2 =	vld [tilespmem:s14+$0x140]  }
0xdc: {  	[tilespmem:s14+$0xD0] =	vst v0;
	v0 =	vmul.f32 $1.131370830e+01, v3  }
0xdd: {  	v3 =	vld [tilespmem:s14+$0x150];
	[tilespmem:s14+$0xE0] =	vst v1;
	v4 =	vmul.f32 $1.131370830e+01, v4  }
0xde: {  	v1 =	vld [tilespmem:s14+$0x160];
	[tilespmem:s14+$0x100] =	vst v0;
	v0 =	vmul.f32 $1.131370830e+01, v5  }
0xdf: {  	v6 =	vmul.f32 $1.131370830e+01, v6;
	v5 =	vld [tilespmem:s14+$0x170];
	[tilespmem:s14+$0x110] =	vst v4  }
0xe0: {  	v4 =	vmul.f32 $1.131370830e+01, v7;
	v7 =	vld [tilespmem:s14+$0x190];
	[tilespmem:s14+$0x120] =	vst v0;
	v0 =	vmul.f32 $1.131370830e+01, v2  }
0xe1: {  	v8 =	vld [tilespmem:s14+$0x1A0];
	[tilespmem:s14+$0x180] =	vst v6  }
0xe2: {  	v2 =	vmul.f32 $1.131370830e+01, v3;
	[tilespmem:s14+$0x140] =	vst v0;
	v0 =	vld [tilespmem:s14+$0x1B0]  }
0xe3: {  	[tilespmem:s14+$0x130] =	vst v4;
	v3 =	vmul.f32 $1.131370830e+01, v1;
	v1 =	vld [tilespmem:s14+$0x1C0]  }
0xe4: {  	[tilespmem:s14+$0x150] =	vst v2;
	v4 =	vmul.f32 $1.131370830e+01, v5;
	v2 =	vld [tilespmem:s14+$0x1D0]  }
0xe5: {  	[tilespmem:s14+$0x160] =	vst v3;
	v3 =	vld [tilespmem:s14+$0x1E0];
	v5 =	vmul.f32 $1.131370830e+01, v7  }
0xe6: {  	s15 =	simm.s32 $0x0;
	s6 =	simm.s32 $0x9E00;
	v6 =	vmul.f32 $1.131370830e+01, v8;
	[tilespmem:s14+$0x170] =	vst v4;
	v4 =	vld [tilespmem:s14+$0x0]  }
.LBB2_6:
0xe7: {  	v7 =	vld [tilespmem:s6+$0x1F0];
	s15 =	sadd.s32 $0x4, s15;
	[tilespmem:s14+$0x190] =	vst v5;
	v0 =	vmul.f32 $1.131370830e+01, v0  }
0xe8: {  	v5 =	vld [tilespmem:s6+$0x10];
	p0 =	slt.u32 s15, $0x7C;
	[tilespmem:s14+$0x1A0] =	vst v6;
	v1 =	vmul.f32 $1.131370830e+01, v1  }
0xe9: {  	v6 =	vld [tilespmem:s6+$0x20];
	[tilespmem:s14+$0x1B0] =	vst v0;
	v0 =	vmul.f32 $1.131370830e+01, v2  }
0xea: {  	v2 =	vld [tilespmem:s6+$0x30];
	[tilespmem:s14+$0x1C0] =	vst v1;
	v1 =	vmul.f32 $1.131370830e+01, v3  }
0xeb: {  	v3 =	vld [tilespmem:s6+$0x40];
	v4 =	vmul.f32 $1.131370830e+01, v4;
	[tilespmem:s14+$0x1D0] =	vst v0  }
0xec: {  	v0 =	vld [tilespmem:s6+$0x50];
	v7 =	vmul.f32 $1.131370830e+01, v7;
	[tilespmem:s14+$0x1E0] =	vst v1  }
0xed: {  	v1 =	vmul.f32 $1.131370830e+01, v5;
	v5 =	vld [tilespmem:s6+$0x60];
	[tilespmem:s14+$0x0] =	vst v4;
	s14 =	smov.u32 s6  }
0xee: {  	v4 =	vmul.f32 $1.131370830e+01, v6;
	v6 =	vld [tilespmem:s6+$0x70];
	[tilespmem:s6+$0x1F0] =	vst v7  }
0xef: {  	[tilespmem:s6+$0x10] =	vst v1;
	v1 =	vmul.f32 $1.131370830e+01, v2;
	v2 =	vld [tilespmem:s6+$0x80]  }
0xf0: {  	[tilespmem:s6+$0x20] =	vst v4;
	v3 =	vmul.f32 $1.131370830e+01, v3;
	v4 =	vld [tilespmem:s6+$0x90]  }
0xf1: {  	[tilespmem:s6+$0x30] =	vst v1;
	v0 =	vmul.f32 $1.131370830e+01, v0;
	v1 =	vld [tilespmem:s6+$0xA0]  }
0xf2: {  	[tilespmem:s6+$0x40] =	vst v3;
	v3 =	vmul.f32 $1.131370830e+01, v5;
	v5 =	vld [tilespmem:s6+$0xB0]  }
0xf3: {  	[tilespmem:s6+$0x50] =	vst v0;
	v0 =	vmul.f32 $1.131370830e+01, v6;
	v6 =	vld [tilespmem:s6+$0xC0]  }
0xf4: {  	[tilespmem:s6+$0x60] =	vst v3;
	v2 =	vmul.f32 $1.131370830e+01, v2;
	v3 =	vld [tilespmem:s6+$0xD0]  }
0xf5: {  	[tilespmem:s6+$0x70] =	vst v0;
	v0 =	vmul.f32 $1.131370830e+01, v4;
	v4 =	vld [tilespmem:s6+$0xE0]  }
0xf6: {  	[tilespmem:s6+$0x80] =	vst v2;
	v1 =	vmul.f32 $1.131370830e+01, v1;
	v2 =	vld [tilespmem:s6+$0xF0]  }
0xf7: {  	[tilespmem:s6+$0x90] =	vst v0;
	v0 =	vmul.f32 $1.131370830e+01, v5;
	v5 =	vld [tilespmem:s6+$0x100]  }
0xf8: {  	[tilespmem:s6+$0xA0] =	vst v1;
	v1 =	vmul.f32 $1.131370830e+01, v6;
	v6 =	vld [tilespmem:s6+$0x110]  }
0xf9: {  	[tilespmem:s6+$0xB0] =	vst v0;
	v0 =	vmul.f32 $1.131370830e+01, v3;
	v3 =	vld [tilespmem:s6+$0x120]  }
0xfa: {  	[tilespmem:s6+$0xC0] =	vst v1;
	v1 =	vmul.f32 $1.131370830e+01, v4;
	v4 =	vld [tilespmem:s6+$0x130]  }
0xfb: {  	[tilespmem:s6+$0xD0] =	vst v0;
	v0 =	vmul.f32 $1.131370830e+01, v2;
	v2 =	vld [tilespmem:s6+$0x140]  }
0xfc: {  	[tilespmem:s6+$0xE0] =	vst v1;
	v1 =	vmul.f32 $1.131370830e+01, v5;
	v5 =	vld [tilespmem:s6+$0x150]  }
0xfd: {  	[tilespmem:s6+$0xF0] =	vst v0;
	v0 =	vmul.f32 $1.131370830e+01, v6;
	v6 =	vld [tilespmem:s6+$0x160]  }
0xfe: {  	[tilespmem:s6+$0x100] =	vst v1;
	v1 =	vmul.f32 $1.131370830e+01, v3;
	v3 =	vld [tilespmem:s6+$0x170]  }
0xff: {  	[tilespmem:s6+$0x110] =	vst v0;
	v0 =	vmul.f32 $1.131370830e+01, v4;
	v4 =	vld [tilespmem:s6+$0x180]  }
0x100: {  	[tilespmem:s6+$0x120] =	vst v1;
	v1 =	vmul.f32 $1.131370830e+01, v2;
	v7 =	vld [tilespmem:s6+$0x190]  }
0x101: {  	[tilespmem:s6+$0x130] =	vst v0;
	v2 =	vmul.f32 $1.131370830e+01, v5;
	v8 =	vld [tilespmem:s6+$0x1A0]  }
.Ltmp2:
0x102: {  	[tilespmem:s6+$0x140] =	vst v1;
	v5 =	vmul.f32 $1.131370830e+01, v6;
	v0 =	vld [tilespmem:s6+$0x1B0];
	(pc) =	sbr.rel @p0 .LBB2_6-.Ltmp2, $4  }
0x103: {  	[tilespmem:s6+$0x150] =	vst v2;
	v3 =	vmul.f32 $1.131370830e+01, v3;
	v1 =	vld [tilespmem:s6+$0x1C0]  }
0x104: {  	[tilespmem:s6+$0x160] =	vst v5;
	v6 =	vmul.f32 $1.131370830e+01, v4;
	v2 =	vld [tilespmem:s6+$0x1D0]  }
0x105: {  	[tilespmem:s6+$0x170] =	vst v3;
	v5 =	vmul.f32 $1.131370830e+01, v7;
	v3 =	vld [tilespmem:s6+$0x1E0]  }
0x106: {  	s6 =	sadd.s32 $0x200, s6;
	v4 =	vld [tilespmem:s14+$0x0];
	[tilespmem:s14+$0x180] =	vst v6;
	v6 =	vmul.f32 $1.131370830e+01, v8  }
0x107: {  	[tilespmem:s14+$0x190] =	vst v5;
	v0 =	vmul.f32 $1.131370830e+01, v0  }
0x108: {  	[tilespmem:s14+$0x1A0] =	vst v6;
	v1 =	vmul.f32 $1.131370830e+01, v1  }
0x109: {  	[tilespmem:s14+$0x1B0] =	vst v0;
	v0 =	vmul.f32 $1.131370830e+01, v2  }
0x10a: {  	[tilespmem:s14+$0x1C0] =	vst v1;
	v1 =	vmul.f32 $1.131370830e+01, v3  }
0x10b: {  	v2 =	vmul.f32 $1.131370830e+01, v4;
	[tilespmem:s14+$0x1D0] =	vst v0  }
0x10c: {  	[tilespmem:s14+$0x1E0] =	vst v1  }
0x10d: {  	[tilespmem:s14+$0x0] =	vst v2  }
0x10e: {  	s6 =	rddreg [dreg:$0x7]  }
0x10f: {  	[hbm4b:s6+s4] =	stream.linear.scatter [tilespmem:s25], [sflag:$0x8], $0x4000, $0x38;
	[tilespmem:$0x15C00] =	vst v63  }
0x110: {  	_ =	swait.ge [sflag:s30], $0x4000  }
0x111: {  	[sflag:s30] =	ssyncset.done $0x0  }
0x112: {  	s20 =	simm.s32 $0x300;
	[sflag:s30] =	ssyncadd.s32 $0xFFFFC000  }
0x113: {  	[tilespmem:s23], [sflag:$0x2] =	stream.indirect.gather [hbm4b:s2+s21], $0x80, s20, s21, $0xb8;
	[tilespmem:$0x15C00] =	vst v63  }
0x114: {  	_ =	swait.ge [sflag:s24], $0x4000  }
0x115: {  	[sflag:s24] =	ssyncset.done $0x0  }
0x116: {  	s14 =	simm.s32 $0xDC00;
	[sflag:s24] =	ssyncadd.s32 $0xFFFFC000  }
0x117: {  	v0 =	vld [tilespmem:s14+$0x1F0]  }
0x118: {  	v1 =	vld [tilespmem:s14+$0x10]  }
0x119: {  	v2 =	vld [tilespmem:s14+$0x20]  }
0x11a: {  	v3 =	vld [tilespmem:s14+$0x30]  }
0x11b: {  	v6 =	vld [tilespmem:s14+$0x60]  }
0x11c: {  	v4 =	vld [tilespmem:s14+$0x40]  }
0x11d: {  	v5 =	vld [tilespmem:s14+$0x50];
	v0 =	vmul.f32 $1.131370830e+01, v0  }
0x11e: {  	v8 =	vld [tilespmem:s14+$0x80];
	v1 =	vmul.f32 $1.131370830e+01, v1  }
0x11f: {  	v7 =	vld [tilespmem:s14+$0x70];
	v2 =	vmul.f32 $1.131370830e+01, v2;
	[tilespmem:s14+$0x1F0] =	vst v0  }
0x120: {  	v6 =	vmul.f32 $1.131370830e+01, v6;
	v0 =	vld [tilespmem:s14+$0x90];
	[tilespmem:s14+$0x10] =	vst v1  }
0x121: {  	v1 =	vmul.f32 $1.131370830e+01, v3;
	v3 =	vld [tilespmem:s14+$0xA0];
	[tilespmem:s14+$0x20] =	vst v2;
	v2 =	vmul.f32 $1.131370830e+01, v4  }
0x122: {  	[tilespmem:s14+$0x60] =	vst v6;
	v6 =	vld [tilespmem:s14+$0xF0]  }
0x123: {  	v4 =	vld [tilespmem:s14+$0xB0];
	[tilespmem:s14+$0x40] =	vst v2;
	v2 =	vmul.f32 $1.131370830e+01, v8  }
0x124: {  	[tilespmem:s14+$0x30] =	vst v1;
	v1 =	vmul.f32 $1.131370830e+01, v5;
	v5 =	vld [tilespmem:s14+$0xC0]  }
0x125: {  	v8 =	vld [tilespmem:s14+$0xD0];
	[tilespmem:s14+$0x80] =	vst v2;
	v2 =	vmul.f32 $1.131370830e+01, v7  }
0x126: {  	[tilespmem:s14+$0x50] =	vst v1;
	v1 =	vld [tilespmem:s14+$0xE0];
	v0 =	vmul.f32 $1.131370830e+01, v0  }
0x127: {  	v7 =	vld [tilespmem:s14+$0x130];
	v6 =	vmul.f32 $1.131370830e+01, v6;
	[tilespmem:s14+$0x70] =	vst v2  }
0x128: {  	v2 =	vmul.f32 $1.131370830e+01, v3;
	v3 =	vld [tilespmem:s14+$0x100];
	[tilespmem:s14+$0x90] =	vst v0  }
0x129: {  	v0 =	vmul.f32 $1.131370830e+01, v4;
	v4 =	vld [tilespmem:s14+$0x110];
	[tilespmem:s14+$0xF0] =	vst v6  }
0x12a: {  	[tilespmem:s14+$0xA0] =	vst v2;
	v2 =	vmul.f32 $1.131370830e+01, v5;
	v5 =	vld [tilespmem:s14+$0x120]  }
0x12b: {  	v6 =	vld [tilespmem:s14+$0x180];
	[tilespmem:s14+$0xB0] =	vst v0;
	v0 =	vmul.f32 $1.131370830e+01, v8  }
0x12c: {  	v1 =	vmul.f32 $1.131370830e+01, v1;
	[tilespmem:s14+$0xC0] =	vst v2;
	v2 =	vld [tilespmem:s14+$0x140]  }
0x12d: {  	[tilespmem:s14+$0xD0] =	vst v0;
	v0 =	vmul.f32 $1.131370830e+01, v3  }
0x12e: {  	v3 =	vld [tilespmem:s14+$0x150];
	[tilespmem:s14+$0xE0] =	vst v1;
	v4 =	vmul.f32 $1.131370830e+01, v4  }
0x12f: {  	v1 =	vld [tilespmem:s14+$0x160];
	[tilespmem:s14+$0x100] =	vst v0;
	v0 =	vmul.f32 $1.131370830e+01, v5  }
0x130: {  	v6 =	vmul.f32 $1.131370830e+01, v6;
	v5 =	vld [tilespmem:s14+$0x170];
	[tilespmem:s14+$0x110] =	vst v4  }
0x131: {  	v4 =	vmul.f32 $1.131370830e+01, v7;
	v7 =	vld [tilespmem:s14+$0x190];
	[tilespmem:s14+$0x120] =	vst v0;
	v0 =	vmul.f32 $1.131370830e+01, v2  }
0x132: {  	v8 =	vld [tilespmem:s14+$0x1A0];
	[tilespmem:s14+$0x180] =	vst v6  }
0x133: {  	v2 =	vmul.f32 $1.131370830e+01, v3;
	[tilespmem:s14+$0x140] =	vst v0;
	v0 =	vld [tilespmem:s14+$0x1B0]  }
0x134: {  	[tilespmem:s14+$0x130] =	vst v4;
	v3 =	vmul.f32 $1.131370830e+01, v1;
	v1 =	vld [tilespmem:s14+$0x1C0]  }
0x135: {  	[tilespmem:s14+$0x150] =	vst v2;
	v4 =	vmul.f32 $1.131370830e+01, v5;
	v2 =	vld [tilespmem:s14+$0x1D0]  }
0x136: {  	[tilespmem:s14+$0x160] =	vst v3;
	v3 =	vld [tilespmem:s14+$0x1E0];
	v5 =	vmul.f32 $1.131370830e+01, v7  }
0x137: {  	s15 =	simm.s32 $0x0;
	s6 =	simm.s32 $0xDE00;
	v6 =	vmul.f32 $1.131370830e+01, v8;
	[tilespmem:s14+$0x170] =	vst v4;
	v4 =	vld [tilespmem:s14+$0x0]  }
.LBB2_8:
0x138: {  	v7 =	vld [tilespmem:s6+$0x1F0];
	s15 =	sadd.s32 $0x4, s15;
	[tilespmem:s14+$0x190] =	vst v5;
	v0 =	vmul.f32 $1.131370830e+01, v0  }
0x139: {  	v5 =	vld [tilespmem:s6+$0x10];
	p0 =	slt.u32 s15, $0x7C;
	[tilespmem:s14+$0x1A0] =	vst v6;
	v1 =	vmul.f32 $1.131370830e+01, v1  }
0x13a: {  	v6 =	vld [tilespmem:s6+$0x20];
	[tilespmem:s14+$0x1B0] =	vst v0;
	v0 =	vmul.f32 $1.131370830e+01, v2  }
0x13b: {  	v2 =	vld [tilespmem:s6+$0x30];
	[tilespmem:s14+$0x1C0] =	vst v1;
	v1 =	vmul.f32 $1.131370830e+01, v3  }
0x13c: {  	v3 =	vld [tilespmem:s6+$0x40];
	v4 =	vmul.f32 $1.131370830e+01, v4;
	[tilespmem:s14+$0x1D0] =	vst v0  }
0x13d: {  	v0 =	vld [tilespmem:s6+$0x50];
	v7 =	vmul.f32 $1.131370830e+01, v7;
	[tilespmem:s14+$0x1E0] =	vst v1  }
0x13e: {  	v1 =	vmul.f32 $1.131370830e+01, v5;
	v5 =	vld [tilespmem:s6+$0x60];
	[tilespmem:s14+$0x0] =	vst v4;
	s14 =	smov.u32 s6  }
0x13f: {  	v4 =	vmul.f32 $1.131370830e+01, v6;
	v6 =	vld [tilespmem:s6+$0x70];
	[tilespmem:s6+$0x1F0] =	vst v7  }
0x140: {  	[tilespmem:s6+$0x10] =	vst v1;
	v1 =	vmul.f32 $1.131370830e+01, v2;
	v2 =	vld [tilespmem:s6+$0x80]  }
0x141: {  	[tilespmem:s6+$0x20] =	vst v4;
	v3 =	vmul.f32 $1.131370830e+01, v3;
	v4 =	vld [tilespmem:s6+$0x90]  }
0x142: {  	[tilespmem:s6+$0x30] =	vst v1;
	v0 =	vmul.f32 $1.131370830e+01, v0;
	v1 =	vld [tilespmem:s6+$0xA0]  }
0x143: {  	[tilespmem:s6+$0x40] =	vst v3;
	v3 =	vmul.f32 $1.131370830e+01, v5;
	v5 =	vld [tilespmem:s6+$0xB0]  }
0x144: {  	[tilespmem:s6+$0x50] =	vst v0;
	v0 =	vmul.f32 $1.131370830e+01, v6;
	v6 =	vld [tilespmem:s6+$0xC0]  }
0x145: {  	[tilespmem:s6+$0x60] =	vst v3;
	v2 =	vmul.f32 $1.131370830e+01, v2;
	v3 =	vld [tilespmem:s6+$0xD0]  }
0x146: {  	[tilespmem:s6+$0x70] =	vst v0;
	v0 =	vmul.f32 $1.131370830e+01, v4;
	v4 =	vld [tilespmem:s6+$0xE0]  }
0x147: {  	[tilespmem:s6+$0x80] =	vst v2;
	v1 =	vmul.f32 $1.131370830e+01, v1;
	v2 =	vld [tilespmem:s6+$0xF0]  }
0x148: {  	[tilespmem:s6+$0x90] =	vst v0;
	v0 =	vmul.f32 $1.131370830e+01, v5;
	v5 =	vld [tilespmem:s6+$0x100]  }
0x149: {  	[tilespmem:s6+$0xA0] =	vst v1;
	v1 =	vmul.f32 $1.131370830e+01, v6;
	v6 =	vld [tilespmem:s6+$0x110]  }
0x14a: {  	[tilespmem:s6+$0xB0] =	vst v0;
	v0 =	vmul.f32 $1.131370830e+01, v3;
	v3 =	vld [tilespmem:s6+$0x120]  }
0x14b: {  	[tilespmem:s6+$0xC0] =	vst v1;
	v1 =	vmul.f32 $1.131370830e+01, v4;
	v4 =	vld [tilespmem:s6+$0x130]  }
0x14c: {  	[tilespmem:s6+$0xD0] =	vst v0;
	v0 =	vmul.f32 $1.131370830e+01, v2;
	v2 =	vld [tilespmem:s6+$0x140]  }
0x14d: {  	[tilespmem:s6+$0xE0] =	vst v1;
	v1 =	vmul.f32 $1.131370830e+01, v5;
	v5 =	vld [tilespmem:s6+$0x150]  }
0x14e: {  	[tilespmem:s6+$0xF0] =	vst v0;
	v0 =	vmul.f32 $1.131370830e+01, v6;
	v6 =	vld [tilespmem:s6+$0x160]  }
0x14f: {  	[tilespmem:s6+$0x100] =	vst v1;
	v1 =	vmul.f32 $1.131370830e+01, v3;
	v3 =	vld [tilespmem:s6+$0x170]  }
0x150: {  	[tilespmem:s6+$0x110] =	vst v0;
	v0 =	vmul.f32 $1.131370830e+01, v4;
	v4 =	vld [tilespmem:s6+$0x180]  }
0x151: {  	[tilespmem:s6+$0x120] =	vst v1;
	v1 =	vmul.f32 $1.131370830e+01, v2;
	v7 =	vld [tilespmem:s6+$0x190]  }
0x152: {  	[tilespmem:s6+$0x130] =	vst v0;
	v2 =	vmul.f32 $1.131370830e+01, v5;
	v8 =	vld [tilespmem:s6+$0x1A0]  }
.Ltmp3:
0x153: {  	[tilespmem:s6+$0x140] =	vst v1;
	v5 =	vmul.f32 $1.131370830e+01, v6;
	v0 =	vld [tilespmem:s6+$0x1B0];
	(pc) =	sbr.rel @p0 .LBB2_8-.Ltmp3, $4  }
0x154: {  	[tilespmem:s6+$0x150] =	vst v2;
	v3 =	vmul.f32 $1.131370830e+01, v3;
	v1 =	vld [tilespmem:s6+$0x1C0]  }
0x155: {  	[tilespmem:s6+$0x160] =	vst v5;
	v6 =	vmul.f32 $1.131370830e+01, v4;
	v2 =	vld [tilespmem:s6+$0x1D0]  }
0x156: {  	[tilespmem:s6+$0x170] =	vst v3;
	v5 =	vmul.f32 $1.131370830e+01, v7;
	v3 =	vld [tilespmem:s6+$0x1E0]  }
0x157: {  	s6 =	sadd.s32 $0x200, s6;
	v4 =	vld [tilespmem:s14+$0x0];
	[tilespmem:s14+$0x180] =	vst v6;
	v6 =	vmul.f32 $1.131370830e+01, v8  }
0x158: {  	[tilespmem:s14+$0x190] =	vst v5;
	v0 =	vmul.f32 $1.131370830e+01, v0  }
0x159: {  	[tilespmem:s14+$0x1A0] =	vst v6;
	v1 =	vmul.f32 $1.131370830e+01, v1  }
0x15a: {  	[tilespmem:s14+$0x1B0] =	vst v0;
	v0 =	vmul.f32 $1.131370830e+01, v2  }
0x15b: {  	[tilespmem:s14+$0x1C0] =	vst v1;
	v1 =	vmul.f32 $1.131370830e+01, v3  }
0x15c: {  	v2 =	vmul.f32 $1.131370830e+01, v4;
	[tilespmem:s14+$0x1D0] =	vst v0  }
0x15d: {  	[tilespmem:s14+$0x1E0] =	vst v1  }
0x15e: {  	[tilespmem:s14+$0x0] =	vst v2  }
0x15f: {  	s6 =	rddreg [dreg:$0x8]  }
0x160: {  	[hbm4b:s6+s4] =	stream.linear.scatter [tilespmem:s28], [sflag:$0x9], $0x4000, $0x38;
	[tilespmem:$0x15C00] =	vst v63  }
0x161: {  	_ =	swait.ge [sflag:s7], $0x4000  }
0x162: {  	[sflag:s7] =	ssyncset.done $0x0  }
0x163: {  	s20 =	simm.s32 $0x380;
	[sflag:s7] =	ssyncadd.s32 $0xFFFFC000  }
0x164: {  	[tilespmem:s25], [sflag:$0x3] =	stream.indirect.gather [hbm4b:s2+s21], $0x80, s20, s21, $0xb8;
	[tilespmem:$0x15C00] =	vst v63  }
0x165: {  	_ =	swait.ge [sflag:s8], $0x4000  }
0x166: {  	[sflag:s8] =	ssyncset.done $0x0  }
0x167: {  	s14 =	simm.s32 $0x11C00;
	[sflag:s8] =	ssyncadd.s32 $0xFFFFC000  }
0x168: {  	v0 =	vld [tilespmem:s14+$0x1F0]  }
0x169: {  	v1 =	vld [tilespmem:s14+$0x10]  }
0x16a: {  	v2 =	vld [tilespmem:s14+$0x20]  }
0x16b: {  	v3 =	vld [tilespmem:s14+$0x30]  }
0x16c: {  	v6 =	vld [tilespmem:s14+$0x60]  }
0x16d: {  	v4 =	vld [tilespmem:s14+$0x40]  }
0x16e: {  	v5 =	vld [tilespmem:s14+$0x50];
	v0 =	vmul.f32 $1.131370830e+01, v0  }
0x16f: {  	v8 =	vld [tilespmem:s14+$0x80];
	v1 =	vmul.f32 $1.131370830e+01, v1  }
0x170: {  	v7 =	vld [tilespmem:s14+$0x70];
	v2 =	vmul.f32 $1.131370830e+01, v2;
	[tilespmem:s14+$0x1F0] =	vst v0  }
0x171: {  	v6 =	vmul.f32 $1.131370830e+01, v6;
	v0 =	vld [tilespmem:s14+$0x90];
	[tilespmem:s14+$0x10] =	vst v1  }
0x172: {  	v1 =	vmul.f32 $1.131370830e+01, v3;
	v3 =	vld [tilespmem:s14+$0xA0];
	[tilespmem:s14+$0x20] =	vst v2;
	v2 =	vmul.f32 $1.131370830e+01, v4  }
0x173: {  	[tilespmem:s14+$0x60] =	vst v6;
	v6 =	vld [tilespmem:s14+$0xF0]  }
0x174: {  	v4 =	vld [tilespmem:s14+$0xB0];
	[tilespmem:s14+$0x40] =	vst v2;
	v2 =	vmul.f32 $1.131370830e+01, v8  }
0x175: {  	[tilespmem:s14+$0x30] =	vst v1;
	v1 =	vmul.f32 $1.131370830e+01, v5;
	v5 =	vld [tilespmem:s14+$0xC0]  }
0x176: {  	v8 =	vld [tilespmem:s14+$0xD0];
	[tilespmem:s14+$0x80] =	vst v2;
	v2 =	vmul.f32 $1.131370830e+01, v7  }
0x177: {  	[tilespmem:s14+$0x50] =	vst v1;
	v1 =	vld [tilespmem:s14+$0xE0];
	v0 =	vmul.f32 $1.131370830e+01, v0  }
0x178: {  	v7 =	vld [tilespmem:s14+$0x130];
	v6 =	vmul.f32 $1.131370830e+01, v6;
	[tilespmem:s14+$0x70] =	vst v2  }
0x179: {  	v2 =	vmul.f32 $1.131370830e+01, v3;
	v3 =	vld [tilespmem:s14+$0x100];
	[tilespmem:s14+$0x90] =	vst v0  }
0x17a: {  	v0 =	vmul.f32 $1.131370830e+01, v4;
	v4 =	vld [tilespmem:s14+$0x110];
	[tilespmem:s14+$0xF0] =	vst v6  }
0x17b: {  	[tilespmem:s14+$0xA0] =	vst v2;
	v2 =	vmul.f32 $1.131370830e+01, v5;
	v5 =	vld [tilespmem:s14+$0x120]  }
0x17c: {  	v6 =	vld [tilespmem:s14+$0x180];
	[tilespmem:s14+$0xB0] =	vst v0;
	v0 =	vmul.f32 $1.131370830e+01, v8  }
0x17d: {  	v1 =	vmul.f32 $1.131370830e+01, v1;
	[tilespmem:s14+$0xC0] =	vst v2;
	v2 =	vld [tilespmem:s14+$0x140]  }
0x17e: {  	[tilespmem:s14+$0xD0] =	vst v0;
	v0 =	vmul.f32 $1.131370830e+01, v3  }
0x17f: {  	v3 =	vld [tilespmem:s14+$0x150];
	[tilespmem:s14+$0xE0] =	vst v1;
	v4 =	vmul.f32 $1.131370830e+01, v4  }
0x180: {  	v1 =	vld [tilespmem:s14+$0x160];
	[tilespmem:s14+$0x100] =	vst v0;
	v0 =	vmul.f32 $1.131370830e+01, v5  }
0x181: {  	v6 =	vmul.f32 $1.131370830e+01, v6;
	v5 =	vld [tilespmem:s14+$0x170];
	[tilespmem:s14+$0x110] =	vst v4  }
0x182: {  	v4 =	vmul.f32 $1.131370830e+01, v7;
	v7 =	vld [tilespmem:s14+$0x190];
	[tilespmem:s14+$0x120] =	vst v0;
	v0 =	vmul.f32 $1.131370830e+01, v2  }
0x183: {  	v8 =	vld [tilespmem:s14+$0x1A0];
	[tilespmem:s14+$0x180] =	vst v6  }
0x184: {  	v2 =	vmul.f32 $1.131370830e+01, v3;
	[tilespmem:s14+$0x140] =	vst v0;
	v0 =	vld [tilespmem:s14+$0x1B0]  }
0x185: {  	[tilespmem:s14+$0x130] =	vst v4;
	v3 =	vmul.f32 $1.131370830e+01, v1;
	v1 =	vld [tilespmem:s14+$0x1C0]  }
0x186: {  	[tilespmem:s14+$0x150] =	vst v2;
	v4 =	vmul.f32 $1.131370830e+01, v5;
	v2 =	vld [tilespmem:s14+$0x1D0]  }
0x187: {  	[tilespmem:s14+$0x160] =	vst v3;
	v3 =	vld [tilespmem:s14+$0x1E0];
	v5 =	vmul.f32 $1.131370830e+01, v7  }
0x188: {  	s15 =	simm.s32 $0x0;
	s6 =	simm.s32 $0x11E00;
	v6 =	vmul.f32 $1.131370830e+01, v8;
	[tilespmem:s14+$0x170] =	vst v4;
	v4 =	vld [tilespmem:s14+$0x0]  }
.LBB2_10:
0x189: {  	v7 =	vld [tilespmem:s6+$0x1F0];
	s15 =	sadd.s32 $0x4, s15;
	[tilespmem:s14+$0x190] =	vst v5;
	v0 =	vmul.f32 $1.131370830e+01, v0  }
0x18a: {  	v5 =	vld [tilespmem:s6+$0x10];
	p0 =	slt.u32 s15, $0x7C;
	[tilespmem:s14+$0x1A0] =	vst v6;
	v1 =	vmul.f32 $1.131370830e+01, v1  }
0x18b: {  	v6 =	vld [tilespmem:s6+$0x20];
	[tilespmem:s14+$0x1B0] =	vst v0;
	v0 =	vmul.f32 $1.131370830e+01, v2  }
0x18c: {  	v2 =	vld [tilespmem:s6+$0x30];
	[tilespmem:s14+$0x1C0] =	vst v1;
	v1 =	vmul.f32 $1.131370830e+01, v3  }
0x18d: {  	v3 =	vld [tilespmem:s6+$0x40];
	v4 =	vmul.f32 $1.131370830e+01, v4;
	[tilespmem:s14+$0x1D0] =	vst v0  }
0x18e: {  	v0 =	vld [tilespmem:s6+$0x50];
	v7 =	vmul.f32 $1.131370830e+01, v7;
	[tilespmem:s14+$0x1E0] =	vst v1  }
0x18f: {  	v1 =	vmul.f32 $1.131370830e+01, v5;
	v5 =	vld [tilespmem:s6+$0x60];
	[tilespmem:s14+$0x0] =	vst v4;
	s14 =	smov.u32 s6  }
0x190: {  	v4 =	vmul.f32 $1.131370830e+01, v6;
	v6 =	vld [tilespmem:s6+$0x70];
	[tilespmem:s6+$0x1F0] =	vst v7  }
0x191: {  	[tilespmem:s6+$0x10] =	vst v1;
	v1 =	vmul.f32 $1.131370830e+01, v2;
	v2 =	vld [tilespmem:s6+$0x80]  }
0x192: {  	[tilespmem:s6+$0x20] =	vst v4;
	v3 =	vmul.f32 $1.131370830e+01, v3;
	v4 =	vld [tilespmem:s6+$0x90]  }
0x193: {  	[tilespmem:s6+$0x30] =	vst v1;
	v0 =	vmul.f32 $1.131370830e+01, v0;
	v1 =	vld [tilespmem:s6+$0xA0]  }
0x194: {  	[tilespmem:s6+$0x40] =	vst v3;
	v3 =	vmul.f32 $1.131370830e+01, v5;
	v5 =	vld [tilespmem:s6+$0xB0]  }
0x195: {  	[tilespmem:s6+$0x50] =	vst v0;
	v0 =	vmul.f32 $1.131370830e+01, v6;
	v6 =	vld [tilespmem:s6+$0xC0]  }
0x196: {  	[tilespmem:s6+$0x60] =	vst v3;
	v2 =	vmul.f32 $1.131370830e+01, v2;
	v3 =	vld [tilespmem:s6+$0xD0]  }
0x197: {  	[tilespmem:s6+$0x70] =	vst v0;
	v0 =	vmul.f32 $1.131370830e+01, v4;
	v4 =	vld [tilespmem:s6+$0xE0]  }
0x198: {  	[tilespmem:s6+$0x80] =	vst v2;
	v1 =	vmul.f32 $1.131370830e+01, v1;
	v2 =	vld [tilespmem:s6+$0xF0]  }
0x199: {  	[tilespmem:s6+$0x90] =	vst v0;
	v0 =	vmul.f32 $1.131370830e+01, v5;
	v5 =	vld [tilespmem:s6+$0x100]  }
0x19a: {  	[tilespmem:s6+$0xA0] =	vst v1;
	v1 =	vmul.f32 $1.131370830e+01, v6;
	v6 =	vld [tilespmem:s6+$0x110]  }
0x19b: {  	[tilespmem:s6+$0xB0] =	vst v0;
	v0 =	vmul.f32 $1.131370830e+01, v3;
	v3 =	vld [tilespmem:s6+$0x120]  }
0x19c: {  	[tilespmem:s6+$0xC0] =	vst v1;
	v1 =	vmul.f32 $1.131370830e+01, v4;
	v4 =	vld [tilespmem:s6+$0x130]  }
0x19d: {  	[tilespmem:s6+$0xD0] =	vst v0;
	v0 =	vmul.f32 $1.131370830e+01, v2;
	v2 =	vld [tilespmem:s6+$0x140]  }
0x19e: {  	[tilespmem:s6+$0xE0] =	vst v1;
	v1 =	vmul.f32 $1.131370830e+01, v5;
	v5 =	vld [tilespmem:s6+$0x150]  }
0x19f: {  	[tilespmem:s6+$0xF0] =	vst v0;
	v0 =	vmul.f32 $1.131370830e+01, v6;
	v6 =	vld [tilespmem:s6+$0x160]  }
0x1a0: {  	[tilespmem:s6+$0x100] =	vst v1;
	v1 =	vmul.f32 $1.131370830e+01, v3;
	v3 =	vld [tilespmem:s6+$0x170]  }
0x1a1: {  	[tilespmem:s6+$0x110] =	vst v0;
	v0 =	vmul.f32 $1.131370830e+01, v4;
	v4 =	vld [tilespmem:s6+$0x180]  }
0x1a2: {  	[tilespmem:s6+$0x120] =	vst v1;
	v1 =	vmul.f32 $1.131370830e+01, v2;
	v7 =	vld [tilespmem:s6+$0x190]  }
0x1a3: {  	[tilespmem:s6+$0x130] =	vst v0;
	v2 =	vmul.f32 $1.131370830e+01, v5;
	v8 =	vld [tilespmem:s6+$0x1A0]  }
.Ltmp4:
0x1a4: {  	[tilespmem:s6+$0x140] =	vst v1;
	v5 =	vmul.f32 $1.131370830e+01, v6;
	v0 =	vld [tilespmem:s6+$0x1B0];
	(pc) =	sbr.rel @p0 .LBB2_10-.Ltmp4, $4  }
0x1a5: {  	[tilespmem:s6+$0x150] =	vst v2;
	v3 =	vmul.f32 $1.131370830e+01, v3;
	v1 =	vld [tilespmem:s6+$0x1C0]  }
0x1a6: {  	[tilespmem:s6+$0x160] =	vst v5;
	v6 =	vmul.f32 $1.131370830e+01, v4;
	v2 =	vld [tilespmem:s6+$0x1D0]  }
0x1a7: {  	[tilespmem:s6+$0x170] =	vst v3;
	v5 =	vmul.f32 $1.131370830e+01, v7;
	v3 =	vld [tilespmem:s6+$0x1E0]  }
0x1a8: {  	s6 =	sadd.s32 $0x200, s6;
	v4 =	vld [tilespmem:s14+$0x0];
	[tilespmem:s14+$0x180] =	vst v6;
	v6 =	vmul.f32 $1.131370830e+01, v8  }
0x1a9: {  	[tilespmem:s14+$0x190] =	vst v5;
	v0 =	vmul.f32 $1.131370830e+01, v0  }
0x1aa: {  	[tilespmem:s14+$0x1A0] =	vst v6;
	v1 =	vmul.f32 $1.131370830e+01, v1  }
0x1ab: {  	[tilespmem:s14+$0x1B0] =	vst v0;
	v61 =	vmul.f32 $1.131370830e+01, v2  }
0x1ac: {  	[tilespmem:s14+$0x1C0] =	vst v1;
	v62 =	vmul.f32 $1.131370830e+01, v3  }
0x1ad: {  	v63 =	vmul.f32 $1.131370830e+01, v4;
	[tilespmem:s14+$0x1D0] =	vst v61  }
0x1ae: {  	[tilespmem:s14+$0x1E0] =	vst v62  }
0x1af: {  	[tilespmem:s14+$0x0] =	vst v63  }
0x1b0: {  	s14 =	simm.s32 $0x1;
	s6 =	rddreg [dreg:$0x9]  }
0x1b1: {  	[hbm4b:s6+s4] =	stream.linear.scatter [tilespmem:s31], [sflag:$0xA], $0x4000, $0x38;
	[tilespmem:$0x15C00] =	vst v63  }
.LBB2_12:
0x1b2: {  	_ =	swait.ge [sflag:s9], $0x4000;
	s17 =	smul.u32 $0x280, s14  }
0x1b3: {  	[sflag:s9] =	ssyncset.done $0x0  }
0x1b4: {  	[sflag:s9] =	ssyncadd.s32 $0xFFFFC000;
	s15 =	sadd.s32 $0x180, s17  }
0x1b5: {  	[tilespmem:s28], [sflag:$0x4] =	stream.indirect.gather [hbm4b:s2+s21], $0x80, s15, s21, $0xb8;
	[tilespmem:$0x15C00] =	vst v63  }
0x1b6: {  	_ =	swait.ge [sflag:s29], $0x4000  }
0x1b7: {  	[sflag:s29] =	ssyncset.done $0x0  }
0x1b8: {  	s16 =	simm.s32 $0x1D00;
	[sflag:s29] =	ssyncadd.s32 $0xFFFFC000  }
0x1b9: {  	v0 =	vld [tilespmem:s16+$0xF0]  }
0x1ba: {  	v1 =	vld [tilespmem:s16+$0xFFFFFF10]  }
0x1bb: {  	v2 =	vld [tilespmem:s16+$0xFFFFFF20]  }
0x1bc: {  	v3 =	vld [tilespmem:s16+$0xFFFFFF30]  }
0x1bd: {  	v6 =	vld [tilespmem:s16+$0xFFFFFF60]  }
0x1be: {  	v4 =	vld [tilespmem:s16+$0xFFFFFF40]  }
0x1bf: {  	v5 =	vld [tilespmem:s16+$0xFFFFFF50];
	v0 =	vmul.f32 $1.131370830e+01, v0  }
0x1c0: {  	v8 =	vld [tilespmem:s16+$0xFFFFFF80];
	v1 =	vmul.f32 $1.131370830e+01, v1  }
0x1c1: {  	v7 =	vld [tilespmem:s16+$0xFFFFFF70];
	v2 =	vmul.f32 $1.131370830e+01, v2;
	[tilespmem:s16+$0xF0] =	vst v0  }
0x1c2: {  	v6 =	vmul.f32 $1.131370830e+01, v6;
	v0 =	vld [tilespmem:s16+$0xFFFFFF90];
	[tilespmem:s16+$0xFFFFFF10] =	vst v1  }
0x1c3: {  	v1 =	vmul.f32 $1.131370830e+01, v3;
	v3 =	vld [tilespmem:s16+$0xFFFFFFA0];
	[tilespmem:s16+$0xFFFFFF20] =	vst v2;
	v2 =	vmul.f32 $1.131370830e+01, v4  }
0x1c4: {  	[tilespmem:s16+$0xFFFFFF60] =	vst v6;
	v6 =	vld [tilespmem:s16+$0xFFFFFFF0]  }
0x1c5: {  	v4 =	vld [tilespmem:s16+$0xFFFFFFB0];
	[tilespmem:s16+$0xFFFFFF40] =	vst v2;
	v2 =	vmul.f32 $1.131370830e+01, v8  }
0x1c6: {  	[tilespmem:s16+$0xFFFFFF30] =	vst v1;
	v1 =	vmul.f32 $1.131370830e+01, v5;
	v5 =	vld [tilespmem:s16+$0xFFFFFFC0]  }
0x1c7: {  	v8 =	vld [tilespmem:s16+$0xFFFFFFD0];
	[tilespmem:s16+$0xFFFFFF80] =	vst v2;
	v2 =	vmul.f32 $1.131370830e+01, v7  }
0x1c8: {  	[tilespmem:s16+$0xFFFFFF50] =	vst v1;
	v1 =	vld [tilespmem:s16+$0xFFFFFFE0];
	v0 =	vmul.f32 $1.131370830e+01, v0  }
0x1c9: {  	v7 =	vld [tilespmem:s16+$0x30];
	v6 =	vmul.f32 $1.131370830e+01, v6;
	[tilespmem:s16+$0xFFFFFF70] =	vst v2  }
0x1ca: {  	v2 =	vmul.f32 $1.131370830e+01, v3;
	v3 =	vld [tilespmem:s16+$0x0];
	[tilespmem:s16+$0xFFFFFF90] =	vst v0  }
0x1cb: {  	v0 =	vmul.f32 $1.131370830e+01, v4;
	v4 =	vld [tilespmem:s16+$0x10];
	[tilespmem:s16+$0xFFFFFFF0] =	vst v6  }
0x1cc: {  	[tilespmem:s16+$0xFFFFFFA0] =	vst v2;
	v2 =	vmul.f32 $1.131370830e+01, v5;
	v5 =	vld [tilespmem:s16+$0x20]  }
0x1cd: {  	v6 =	vld [tilespmem:s16+$0x80];
	[tilespmem:s16+$0xFFFFFFB0] =	vst v0;
	v0 =	vmul.f32 $1.131370830e+01, v8  }
0x1ce: {  	v1 =	vmul.f32 $1.131370830e+01, v1;
	[tilespmem:s16+$0xFFFFFFC0] =	vst v2;
	v2 =	vld [tilespmem:s16+$0x40]  }
0x1cf: {  	[tilespmem:s16+$0xFFFFFFD0] =	vst v0;
	v0 =	vmul.f32 $1.131370830e+01, v3  }
0x1d0: {  	v3 =	vld [tilespmem:s16+$0x50];
	[tilespmem:s16+$0xFFFFFFE0] =	vst v1;
	v4 =	vmul.f32 $1.131370830e+01, v4  }
0x1d1: {  	v1 =	vld [tilespmem:s16+$0x60];
	[tilespmem:s16+$0x0] =	vst v0;
	v0 =	vmul.f32 $1.131370830e+01, v5  }
0x1d2: {  	v6 =	vmul.f32 $1.131370830e+01, v6;
	v5 =	vld [tilespmem:s16+$0x70];
	[tilespmem:s16+$0x10] =	vst v4  }
0x1d3: {  	v4 =	vmul.f32 $1.131370830e+01, v7;
	v7 =	vld [tilespmem:s16+$0x90];
	[tilespmem:s16+$0x20] =	vst v0;
	v0 =	vmul.f32 $1.131370830e+01, v2  }
0x1d4: {  	v8 =	vld [tilespmem:s16+$0xA0];
	[tilespmem:s16+$0x80] =	vst v6  }
0x1d5: {  	v2 =	vmul.f32 $1.131370830e+01, v3;
	[tilespmem:s16+$0x40] =	vst v0;
	v0 =	vld [tilespmem:s16+$0xB0]  }
0x1d6: {  	[tilespmem:s16+$0x30] =	vst v4;
	v3 =	vmul.f32 $1.131370830e+01, v1;
	v1 =	vld [tilespmem:s16+$0xC0]  }
0x1d7: {  	[tilespmem:s16+$0x50] =	vst v2;
	v4 =	vmul.f32 $1.131370830e+01, v5;
	v2 =	vld [tilespmem:s16+$0xD0]  }
0x1d8: {  	[tilespmem:s16+$0x60] =	vst v3;
	v3 =	vld [tilespmem:s16+$0xE0];
	v5 =	vmul.f32 $1.131370830e+01, v7  }
0x1d9: {  	s18 =	simm.s32 $0x0;
	s6 =	simm.s32 $0x1F00;
	v6 =	vmul.f32 $1.131370830e+01, v8;
	[tilespmem:s16+$0x70] =	vst v4;
	v4 =	vld [tilespmem:s16+$0xFFFFFF00]  }
.LBB2_13:
0x1da: {  	v7 =	vld [tilespmem:s6+$0xF0];
	s18 =	sadd.s32 $0x4, s18;
	[tilespmem:s16+$0x90] =	vst v5;
	v0 =	vmul.f32 $1.131370830e+01, v0  }
0x1db: {  	v5 =	vld [tilespmem:s6+$0xFFFFFF10];
	p0 =	slt.u32 s18, $0x7C;
	[tilespmem:s16+$0xA0] =	vst v6;
	v1 =	vmul.f32 $1.131370830e+01, v1  }
0x1dc: {  	v6 =	vld [tilespmem:s6+$0xFFFFFF20];
	[tilespmem:s16+$0xB0] =	vst v0;
	v0 =	vmul.f32 $1.131370830e+01, v2  }
0x1dd: {  	v2 =	vld [tilespmem:s6+$0xFFFFFF30];
	[tilespmem:s16+$0xC0] =	vst v1;
	v1 =	vmul.f32 $1.131370830e+01, v3  }
0x1de: {  	v3 =	vld [tilespmem:s6+$0xFFFFFF40];
	v4 =	vmul.f32 $1.131370830e+01, v4;
	[tilespmem:s16+$0xD0] =	vst v0  }
0x1df: {  	v0 =	vld [tilespmem:s6+$0xFFFFFF50];
	v7 =	vmul.f32 $1.131370830e+01, v7;
	[tilespmem:s16+$0xE0] =	vst v1  }
0x1e0: {  	v1 =	vmul.f32 $1.131370830e+01, v5;
	v5 =	vld [tilespmem:s6+$0xFFFFFF60];
	[tilespmem:s16+$0xFFFFFF00] =	vst v4;
	s16 =	smov.u32 s6  }
0x1e1: {  	v4 =	vmul.f32 $1.131370830e+01, v6;
	v6 =	vld [tilespmem:s6+$0xFFFFFF70];
	[tilespmem:s6+$0xF0] =	vst v7  }
0x1e2: {  	[tilespmem:s6+$0xFFFFFF10] =	vst v1;
	v1 =	vmul.f32 $1.131370830e+01, v2;
	v2 =	vld [tilespmem:s6+$0xFFFFFF80]  }
0x1e3: {  	[tilespmem:s6+$0xFFFFFF20] =	vst v4;
	v3 =	vmul.f32 $1.131370830e+01, v3;
	v4 =	vld [tilespmem:s6+$0xFFFFFF90]  }
0x1e4: {  	[tilespmem:s6+$0xFFFFFF30] =	vst v1;
	v0 =	vmul.f32 $1.131370830e+01, v0;
	v1 =	vld [tilespmem:s6+$0xFFFFFFA0]  }
0x1e5: {  	[tilespmem:s6+$0xFFFFFF40] =	vst v3;
	v3 =	vmul.f32 $1.131370830e+01, v5;
	v5 =	vld [tilespmem:s6+$0xFFFFFFB0]  }
0x1e6: {  	[tilespmem:s6+$0xFFFFFF50] =	vst v0;
	v0 =	vmul.f32 $1.131370830e+01, v6;
	v6 =	vld [tilespmem:s6+$0xFFFFFFC0]  }
0x1e7: {  	[tilespmem:s6+$0xFFFFFF60] =	vst v3;
	v2 =	vmul.f32 $1.131370830e+01, v2;
	v3 =	vld [tilespmem:s6+$0xFFFFFFD0]  }
0x1e8: {  	[tilespmem:s6+$0xFFFFFF70] =	vst v0;
	v0 =	vmul.f32 $1.131370830e+01, v4;
	v4 =	vld [tilespmem:s6+$0xFFFFFFE0]  }
0x1e9: {  	[tilespmem:s6+$0xFFFFFF80] =	vst v2;
	v1 =	vmul.f32 $1.131370830e+01, v1;
	v2 =	vld [tilespmem:s6+$0xFFFFFFF0]  }
0x1ea: {  	[tilespmem:s6+$0xFFFFFF90] =	vst v0;
	v0 =	vmul.f32 $1.131370830e+01, v5;
	v5 =	vld [tilespmem:s6+$0x0]  }
0x1eb: {  	[tilespmem:s6+$0xFFFFFFA0] =	vst v1;
	v1 =	vmul.f32 $1.131370830e+01, v6;
	v6 =	vld [tilespmem:s6+$0x10]  }
0x1ec: {  	[tilespmem:s6+$0xFFFFFFB0] =	vst v0;
	v0 =	vmul.f32 $1.131370830e+01, v3;
	v3 =	vld [tilespmem:s6+$0x20]  }
0x1ed: {  	[tilespmem:s6+$0xFFFFFFC0] =	vst v1;
	v1 =	vmul.f32 $1.131370830e+01, v4;
	v4 =	vld [tilespmem:s6+$0x30]  }
0x1ee: {  	[tilespmem:s6+$0xFFFFFFD0] =	vst v0;
	v0 =	vmul.f32 $1.131370830e+01, v2;
	v2 =	vld [tilespmem:s6+$0x40]  }
0x1ef: {  	[tilespmem:s6+$0xFFFFFFE0] =	vst v1;
	v1 =	vmul.f32 $1.131370830e+01, v5;
	v5 =	vld [tilespmem:s6+$0x50]  }
0x1f0: {  	[tilespmem:s6+$0xFFFFFFF0] =	vst v0;
	v0 =	vmul.f32 $1.131370830e+01, v6;
	v6 =	vld [tilespmem:s6+$0x60]  }
0x1f1: {  	[tilespmem:s6+$0x0] =	vst v1;
	v1 =	vmul.f32 $1.131370830e+01, v3;
	v3 =	vld [tilespmem:s6+$0x70]  }
0x1f2: {  	[tilespmem:s6+$0x10] =	vst v0;
	v0 =	vmul.f32 $1.131370830e+01, v4;
	v4 =	vld [tilespmem:s6+$0x80]  }
0x1f3: {  	[tilespmem:s6+$0x20] =	vst v1;
	v1 =	vmul.f32 $1.131370830e+01, v2;
	v7 =	vld [tilespmem:s6+$0x90]  }
0x1f4: {  	[tilespmem:s6+$0x30] =	vst v0;
	v2 =	vmul.f32 $1.131370830e+01, v5;
	v8 =	vld [tilespmem:s6+$0xA0]  }
.Ltmp5:
0x1f5: {  	[tilespmem:s6+$0x40] =	vst v1;
	v5 =	vmul.f32 $1.131370830e+01, v6;
	v0 =	vld [tilespmem:s6+$0xB0];
	(pc) =	sbr.rel @p0 .LBB2_13-.Ltmp5, $4  }
0x1f6: {  	[tilespmem:s6+$0x50] =	vst v2;
	v3 =	vmul.f32 $1.131370830e+01, v3;
	v1 =	vld [tilespmem:s6+$0xC0]  }
0x1f7: {  	[tilespmem:s6+$0x60] =	vst v5;
	v6 =	vmul.f32 $1.131370830e+01, v4;
	v2 =	vld [tilespmem:s6+$0xD0]  }
0x1f8: {  	[tilespmem:s6+$0x70] =	vst v3;
	v5 =	vmul.f32 $1.131370830e+01, v7;
	v3 =	vld [tilespmem:s6+$0xE0]  }
0x1f9: {  	s6 =	sadd.s32 $0x200, s6;
	v4 =	vld [tilespmem:s16+$0xFFFFFF00];
	[tilespmem:s16+$0x80] =	vst v6;
	v6 =	vmul.f32 $1.131370830e+01, v8  }
0x1fa: {  	[tilespmem:s16+$0x90] =	vst v5;
	v0 =	vmul.f32 $1.131370830e+01, v0  }
0x1fb: {  	[tilespmem:s16+$0xA0] =	vst v6;
	v1 =	vmul.f32 $1.131370830e+01, v1  }
0x1fc: {  	[tilespmem:s16+$0xB0] =	vst v0;
	v0 =	vmul.f32 $1.131370830e+01, v2  }
0x1fd: {  	[tilespmem:s16+$0xC0] =	vst v1;
	v1 =	vmul.f32 $1.131370830e+01, v3  }
0x1fe: {  	s6 =	sadd.s32 s5, s17;
	v2 =	vmul.f32 $1.131370830e+01, v4;
	[tilespmem:s16+$0xD0] =	vst v0  }
0x1ff: {  	s6 =	sshll.u32 s6, $0x4;
	[tilespmem:s16+$0xE0] =	vst v1  }
0x200: {  	s6 =	sadd.s32 s3, s6;
	[tilespmem:s16+$0xFFFFFF00] =	vst v2  }
0x201: {  	[hbm4b:s6+s4] =	stream.linear.scatter [tilespmem:s22], [sflag:$0x6], $0x4000, $0x38;
	[tilespmem:$0x15C00] =	vst v63  }
0x202: {  	_ =	swait.ge [sflag:s10], $0x4000  }
0x203: {  	[sflag:s10] =	ssyncset.done $0x0  }
0x204: {  	s16 =	sadd.s32 $0x200, s17;
	[sflag:s10] =	ssyncadd.s32 $0xFFFFC000  }
0x205: {  	[tilespmem:s31], [sflag:$0x5] =	stream.indirect.gather [hbm4b:s2+s21], $0x80, s16, s21, $0xb8;
	[tilespmem:$0x15C00] =	vst v63  }
0x206: {  	_ =	swait.ge [sflag:s1], $0x4000  }
0x207: {  	[sflag:s1] =	ssyncset.done $0x0  }
0x208: {  	s18 =	simm.s32 $0x5C00;
	[sflag:s1] =	ssyncadd.s32 $0xFFFFC000  }
0x209: {  	v0 =	vld [tilespmem:s18+$0x1F0]  }
0x20a: {  	v1 =	vld [tilespmem:s18+$0x10]  }
0x20b: {  	v2 =	vld [tilespmem:s18+$0x20]  }
0x20c: {  	v3 =	vld [tilespmem:s18+$0x30]  }
0x20d: {  	v6 =	vld [tilespmem:s18+$0x60]  }
0x20e: {  	v4 =	vld [tilespmem:s18+$0x40]  }
0x20f: {  	v5 =	vld [tilespmem:s18+$0x50];
	v0 =	vmul.f32 $1.131370830e+01, v0  }
0x210: {  	v8 =	vld [tilespmem:s18+$0x80];
	v1 =	vmul.f32 $1.131370830e+01, v1  }
0x211: {  	v7 =	vld [tilespmem:s18+$0x70];
	v2 =	vmul.f32 $1.131370830e+01, v2;
	[tilespmem:s18+$0x1F0] =	vst v0  }
0x212: {  	v6 =	vmul.f32 $1.131370830e+01, v6;
	v0 =	vld [tilespmem:s18+$0x90];
	[tilespmem:s18+$0x10] =	vst v1  }
0x213: {  	v1 =	vmul.f32 $1.131370830e+01, v3;
	v3 =	vld [tilespmem:s18+$0xA0];
	[tilespmem:s18+$0x20] =	vst v2;
	v2 =	vmul.f32 $1.131370830e+01, v4  }
0x214: {  	[tilespmem:s18+$0x60] =	vst v6;
	v6 =	vld [tilespmem:s18+$0xF0]  }
0x215: {  	v4 =	vld [tilespmem:s18+$0xB0];
	[tilespmem:s18+$0x40] =	vst v2;
	v2 =	vmul.f32 $1.131370830e+01, v8  }
0x216: {  	[tilespmem:s18+$0x30] =	vst v1;
	v1 =	vmul.f32 $1.131370830e+01, v5;
	v5 =	vld [tilespmem:s18+$0xC0]  }
0x217: {  	v8 =	vld [tilespmem:s18+$0xD0];
	[tilespmem:s18+$0x80] =	vst v2;
	v2 =	vmul.f32 $1.131370830e+01, v7  }
0x218: {  	[tilespmem:s18+$0x50] =	vst v1;
	v1 =	vld [tilespmem:s18+$0xE0];
	v0 =	vmul.f32 $1.131370830e+01, v0  }
0x219: {  	v7 =	vld [tilespmem:s18+$0x130];
	v6 =	vmul.f32 $1.131370830e+01, v6;
	[tilespmem:s18+$0x70] =	vst v2  }
0x21a: {  	v2 =	vmul.f32 $1.131370830e+01, v3;
	v3 =	vld [tilespmem:s18+$0x100];
	[tilespmem:s18+$0x90] =	vst v0  }
0x21b: {  	v0 =	vmul.f32 $1.131370830e+01, v4;
	v4 =	vld [tilespmem:s18+$0x110];
	[tilespmem:s18+$0xF0] =	vst v6  }
0x21c: {  	[tilespmem:s18+$0xA0] =	vst v2;
	v2 =	vmul.f32 $1.131370830e+01, v5;
	v5 =	vld [tilespmem:s18+$0x120]  }
0x21d: {  	v6 =	vld [tilespmem:s18+$0x180];
	[tilespmem:s18+$0xB0] =	vst v0;
	v0 =	vmul.f32 $1.131370830e+01, v8  }
0x21e: {  	v1 =	vmul.f32 $1.131370830e+01, v1;
	[tilespmem:s18+$0xC0] =	vst v2;
	v2 =	vld [tilespmem:s18+$0x140]  }
0x21f: {  	[tilespmem:s18+$0xD0] =	vst v0;
	v0 =	vmul.f32 $1.131370830e+01, v3  }
0x220: {  	v3 =	vld [tilespmem:s18+$0x150];
	[tilespmem:s18+$0xE0] =	vst v1;
	v4 =	vmul.f32 $1.131370830e+01, v4  }
0x221: {  	v1 =	vld [tilespmem:s18+$0x160];
	[tilespmem:s18+$0x100] =	vst v0;
	v0 =	vmul.f32 $1.131370830e+01, v5  }
0x222: {  	v6 =	vmul.f32 $1.131370830e+01, v6;
	v5 =	vld [tilespmem:s18+$0x170];
	[tilespmem:s18+$0x110] =	vst v4  }
0x223: {  	v4 =	vmul.f32 $1.131370830e+01, v7;
	v7 =	vld [tilespmem:s18+$0x190];
	[tilespmem:s18+$0x120] =	vst v0;
	v0 =	vmul.f32 $1.131370830e+01, v2  }
0x224: {  	v8 =	vld [tilespmem:s18+$0x1A0];
	[tilespmem:s18+$0x180] =	vst v6  }
0x225: {  	v2 =	vmul.f32 $1.131370830e+01, v3;
	[tilespmem:s18+$0x140] =	vst v0;
	v0 =	vld [tilespmem:s18+$0x1B0]  }
0x226: {  	[tilespmem:s18+$0x130] =	vst v4;
	v3 =	vmul.f32 $1.131370830e+01, v1;
	v1 =	vld [tilespmem:s18+$0x1C0]  }
0x227: {  	[tilespmem:s18+$0x150] =	vst v2;
	v4 =	vmul.f32 $1.131370830e+01, v5;
	v2 =	vld [tilespmem:s18+$0x1D0]  }
0x228: {  	[tilespmem:s18+$0x160] =	vst v3;
	v3 =	vld [tilespmem:s18+$0x1E0];
	v5 =	vmul.f32 $1.131370830e+01, v7  }
0x229: {  	s19 =	simm.s32 $0x0;
	s6 =	simm.s32 $0x5E00;
	v6 =	vmul.f32 $1.131370830e+01, v8;
	[tilespmem:s18+$0x170] =	vst v4;
	v4 =	vld [tilespmem:s18+$0x0]  }
.LBB2_15:
0x22a: {  	v7 =	vld [tilespmem:s6+$0x1F0];
	s19 =	sadd.s32 $0x4, s19;
	[tilespmem:s18+$0x190] =	vst v5;
	v0 =	vmul.f32 $1.131370830e+01, v0  }
0x22b: {  	v5 =	vld [tilespmem:s6+$0x10];
	p0 =	slt.u32 s19, $0x7C;
	[tilespmem:s18+$0x1A0] =	vst v6;
	v1 =	vmul.f32 $1.131370830e+01, v1  }
0x22c: {  	v6 =	vld [tilespmem:s6+$0x20];
	[tilespmem:s18+$0x1B0] =	vst v0;
	v0 =	vmul.f32 $1.131370830e+01, v2  }
0x22d: {  	v2 =	vld [tilespmem:s6+$0x30];
	[tilespmem:s18+$0x1C0] =	vst v1;
	v1 =	vmul.f32 $1.131370830e+01, v3  }
0x22e: {  	v3 =	vld [tilespmem:s6+$0x40];
	v4 =	vmul.f32 $1.131370830e+01, v4;
	[tilespmem:s18+$0x1D0] =	vst v0  }
0x22f: {  	v0 =	vld [tilespmem:s6+$0x50];
	v7 =	vmul.f32 $1.131370830e+01, v7;
	[tilespmem:s18+$0x1E0] =	vst v1  }
0x230: {  	v1 =	vmul.f32 $1.131370830e+01, v5;
	v5 =	vld [tilespmem:s6+$0x60];
	[tilespmem:s18+$0x0] =	vst v4;
	s18 =	smov.u32 s6  }
0x231: {  	v4 =	vmul.f32 $1.131370830e+01, v6;
	v6 =	vld [tilespmem:s6+$0x70];
	[tilespmem:s6+$0x1F0] =	vst v7  }
0x232: {  	[tilespmem:s6+$0x10] =	vst v1;
	v1 =	vmul.f32 $1.131370830e+01, v2;
	v2 =	vld [tilespmem:s6+$0x80]  }
0x233: {  	[tilespmem:s6+$0x20] =	vst v4;
	v3 =	vmul.f32 $1.131370830e+01, v3;
	v4 =	vld [tilespmem:s6+$0x90]  }
0x234: {  	[tilespmem:s6+$0x30] =	vst v1;
	v0 =	vmul.f32 $1.131370830e+01, v0;
	v1 =	vld [tilespmem:s6+$0xA0]  }
0x235: {  	[tilespmem:s6+$0x40] =	vst v3;
	v3 =	vmul.f32 $1.131370830e+01, v5;
	v5 =	vld [tilespmem:s6+$0xB0]  }
0x236: {  	[tilespmem:s6+$0x50] =	vst v0;
	v0 =	vmul.f32 $1.131370830e+01, v6;
	v6 =	vld [tilespmem:s6+$0xC0]  }
0x237: {  	[tilespmem:s6+$0x60] =	vst v3;
	v2 =	vmul.f32 $1.131370830e+01, v2;
	v3 =	vld [tilespmem:s6+$0xD0]  }
0x238: {  	[tilespmem:s6+$0x70] =	vst v0;
	v0 =	vmul.f32 $1.131370830e+01, v4;
	v4 =	vld [tilespmem:s6+$0xE0]  }
0x239: {  	[tilespmem:s6+$0x80] =	vst v2;
	v1 =	vmul.f32 $1.131370830e+01, v1;
	v2 =	vld [tilespmem:s6+$0xF0]  }
0x23a: {  	[tilespmem:s6+$0x90] =	vst v0;
	v0 =	vmul.f32 $1.131370830e+01, v5;
	v5 =	vld [tilespmem:s6+$0x100]  }
0x23b: {  	[tilespmem:s6+$0xA0] =	vst v1;
	v1 =	vmul.f32 $1.131370830e+01, v6;
	v6 =	vld [tilespmem:s6+$0x110]  }
0x23c: {  	[tilespmem:s6+$0xB0] =	vst v0;
	v0 =	vmul.f32 $1.131370830e+01, v3;
	v3 =	vld [tilespmem:s6+$0x120]  }
0x23d: {  	[tilespmem:s6+$0xC0] =	vst v1;
	v1 =	vmul.f32 $1.131370830e+01, v4;
	v4 =	vld [tilespmem:s6+$0x130]  }
0x23e: {  	[tilespmem:s6+$0xD0] =	vst v0;
	v0 =	vmul.f32 $1.131370830e+01, v2;
	v2 =	vld [tilespmem:s6+$0x140]  }
0x23f: {  	[tilespmem:s6+$0xE0] =	vst v1;
	v1 =	vmul.f32 $1.131370830e+01, v5;
	v5 =	vld [tilespmem:s6+$0x150]  }
0x240: {  	[tilespmem:s6+$0xF0] =	vst v0;
	v0 =	vmul.f32 $1.131370830e+01, v6;
	v6 =	vld [tilespmem:s6+$0x160]  }
0x241: {  	[tilespmem:s6+$0x100] =	vst v1;
	v1 =	vmul.f32 $1.131370830e+01, v3;
	v3 =	vld [tilespmem:s6+$0x170]  }
0x242: {  	[tilespmem:s6+$0x110] =	vst v0;
	v0 =	vmul.f32 $1.131370830e+01, v4;
	v4 =	vld [tilespmem:s6+$0x180]  }
0x243: {  	[tilespmem:s6+$0x120] =	vst v1;
	v1 =	vmul.f32 $1.131370830e+01, v2;
	v7 =	vld [tilespmem:s6+$0x190]  }
0x244: {  	[tilespmem:s6+$0x130] =	vst v0;
	v2 =	vmul.f32 $1.131370830e+01, v5;
	v8 =	vld [tilespmem:s6+$0x1A0]  }
.Ltmp6:
0x245: {  	[tilespmem:s6+$0x140] =	vst v1;
	v5 =	vmul.f32 $1.131370830e+01, v6;
	v0 =	vld [tilespmem:s6+$0x1B0];
	(pc) =	sbr.rel @p0 .LBB2_15-.Ltmp6, $4  }
0x246: {  	[tilespmem:s6+$0x150] =	vst v2;
	v3 =	vmul.f32 $1.131370830e+01, v3;
	v1 =	vld [tilespmem:s6+$0x1C0]  }
0x247: {  	[tilespmem:s6+$0x160] =	vst v5;
	v6 =	vmul.f32 $1.131370830e+01, v4;
	v2 =	vld [tilespmem:s6+$0x1D0]  }
0x248: {  	[tilespmem:s6+$0x170] =	vst v3;
	v5 =	vmul.f32 $1.131370830e+01, v7;
	v3 =	vld [tilespmem:s6+$0x1E0]  }
0x249: {  	s6 =	sadd.s32 $0x200, s6;
	v4 =	vld [tilespmem:s18+$0x0];
	[tilespmem:s18+$0x180] =	vst v6;
	v6 =	vmul.f32 $1.131370830e+01, v8  }
0x24a: {  	[tilespmem:s18+$0x190] =	vst v5;
	v0 =	vmul.f32 $1.131370830e+01, v0  }
0x24b: {  	[tilespmem:s18+$0x1A0] =	vst v6;
	v1 =	vmul.f32 $1.131370830e+01, v1  }
0x24c: {  	[tilespmem:s18+$0x1B0] =	vst v0;
	v0 =	vmul.f32 $1.131370830e+01, v2  }
0x24d: {  	[tilespmem:s18+$0x1C0] =	vst v1;
	v1 =	vmul.f32 $1.131370830e+01, v3  }
0x24e: {  	s6 =	sadd.s32 s17, s12;
	v2 =	vmul.f32 $1.131370830e+01, v4;
	[tilespmem:s18+$0x1D0] =	vst v0  }
0x24f: {  	s6 =	sshll.u32 s6, $0x4;
	[tilespmem:s18+$0x1E0] =	vst v1  }
0x250: {  	s20 =	smul.u32 $0xA00, s14;
	s6 =	sadd.s32 s3, s6;
	[tilespmem:s18+$0x0] =	vst v2  }
0x251: {  	[hbm4b:s6+s4] =	stream.linear.scatter [tilespmem:s23], [sflag:$0x7], $0x4000, $0x38;
	[tilespmem:$0x15C00] =	vst v63  }
0x252: {  	_ =	swait.ge [sflag:s0], $0x4000  }
0x253: {  	s18 =	sshra.s32 s20, $0x2;
	[sflag:s0] =	ssyncset.done $0x0  }
0x254: {  	s6 =	sadd.s32 $0x280, s18;
	[sflag:s0] =	ssyncadd.s32 $0xFFFFC000  }
0x255: {  	[tilespmem:s22], [sflag:$0x1] =	stream.indirect.gather [hbm4b:s2+s21], $0x80, s6, s21, $0xb8;
	[tilespmem:$0x15C00] =	vst v63  }
0x256: {  	_ =	swait.ge [sflag:s26], $0x4000  }
0x257: {  	[sflag:s26] =	ssyncset.done $0x0  }
0x258: {  	s19 =	simm.s32 $0x9C00;
	[sflag:s26] =	ssyncadd.s32 $0xFFFFC000  }
0x259: {  	v0 =	vld [tilespmem:s19+$0x1F0]  }
0x25a: {  	v1 =	vld [tilespmem:s19+$0x10]  }
0x25b: {  	v2 =	vld [tilespmem:s19+$0x20]  }
0x25c: {  	v3 =	vld [tilespmem:s19+$0x30]  }
0x25d: {  	v6 =	vld [tilespmem:s19+$0x60]  }
0x25e: {  	v4 =	vld [tilespmem:s19+$0x40]  }
0x25f: {  	v5 =	vld [tilespmem:s19+$0x50];
	v0 =	vmul.f32 $1.131370830e+01, v0  }
0x260: {  	v8 =	vld [tilespmem:s19+$0x80];
	v1 =	vmul.f32 $1.131370830e+01, v1  }
0x261: {  	v7 =	vld [tilespmem:s19+$0x70];
	v2 =	vmul.f32 $1.131370830e+01, v2;
	[tilespmem:s19+$0x1F0] =	vst v0  }
0x262: {  	v6 =	vmul.f32 $1.131370830e+01, v6;
	v0 =	vld [tilespmem:s19+$0x90];
	[tilespmem:s19+$0x10] =	vst v1  }
0x263: {  	v1 =	vmul.f32 $1.131370830e+01, v3;
	v3 =	vld [tilespmem:s19+$0xA0];
	[tilespmem:s19+$0x20] =	vst v2;
	v2 =	vmul.f32 $1.131370830e+01, v4  }
0x264: {  	[tilespmem:s19+$0x60] =	vst v6;
	v6 =	vld [tilespmem:s19+$0xF0]  }
0x265: {  	v4 =	vld [tilespmem:s19+$0xB0];
	[tilespmem:s19+$0x40] =	vst v2;
	v2 =	vmul.f32 $1.131370830e+01, v8  }
0x266: {  	[tilespmem:s19+$0x30] =	vst v1;
	v1 =	vmul.f32 $1.131370830e+01, v5;
	v5 =	vld [tilespmem:s19+$0xC0]  }
0x267: {  	v8 =	vld [tilespmem:s19+$0xD0];
	[tilespmem:s19+$0x80] =	vst v2;
	v2 =	vmul.f32 $1.131370830e+01, v7  }
0x268: {  	[tilespmem:s19+$0x50] =	vst v1;
	v1 =	vld [tilespmem:s19+$0xE0];
	v0 =	vmul.f32 $1.131370830e+01, v0  }
0x269: {  	v7 =	vld [tilespmem:s19+$0x130];
	v6 =	vmul.f32 $1.131370830e+01, v6;
	[tilespmem:s19+$0x70] =	vst v2  }
0x26a: {  	v2 =	vmul.f32 $1.131370830e+01, v3;
	v3 =	vld [tilespmem:s19+$0x100];
	[tilespmem:s19+$0x90] =	vst v0  }
0x26b: {  	v0 =	vmul.f32 $1.131370830e+01, v4;
	v4 =	vld [tilespmem:s19+$0x110];
	[tilespmem:s19+$0xF0] =	vst v6  }
0x26c: {  	[tilespmem:s19+$0xA0] =	vst v2;
	v2 =	vmul.f32 $1.131370830e+01, v5;
	v5 =	vld [tilespmem:s19+$0x120]  }
0x26d: {  	v6 =	vld [tilespmem:s19+$0x180];
	[tilespmem:s19+$0xB0] =	vst v0;
	v0 =	vmul.f32 $1.131370830e+01, v8  }
0x26e: {  	v1 =	vmul.f32 $1.131370830e+01, v1;
	[tilespmem:s19+$0xC0] =	vst v2;
	v2 =	vld [tilespmem:s19+$0x140]  }
0x26f: {  	[tilespmem:s19+$0xD0] =	vst v0;
	v0 =	vmul.f32 $1.131370830e+01, v3  }
0x270: {  	v3 =	vld [tilespmem:s19+$0x150];
	[tilespmem:s19+$0xE0] =	vst v1;
	v4 =	vmul.f32 $1.131370830e+01, v4  }
0x271: {  	v1 =	vld [tilespmem:s19+$0x160];
	[tilespmem:s19+$0x100] =	vst v0;
	v0 =	vmul.f32 $1.131370830e+01, v5  }
0x272: {  	v6 =	vmul.f32 $1.131370830e+01, v6;
	v5 =	vld [tilespmem:s19+$0x170];
	[tilespmem:s19+$0x110] =	vst v4  }
0x273: {  	v4 =	vmul.f32 $1.131370830e+01, v7;
	v7 =	vld [tilespmem:s19+$0x190];
	[tilespmem:s19+$0x120] =	vst v0;
	v0 =	vmul.f32 $1.131370830e+01, v2  }
0x274: {  	v8 =	vld [tilespmem:s19+$0x1A0];
	[tilespmem:s19+$0x180] =	vst v6  }
0x275: {  	v2 =	vmul.f32 $1.131370830e+01, v3;
	[tilespmem:s19+$0x140] =	vst v0;
	v0 =	vld [tilespmem:s19+$0x1B0]  }
0x276: {  	[tilespmem:s19+$0x130] =	vst v4;
	v3 =	vmul.f32 $1.131370830e+01, v1;
	v1 =	vld [tilespmem:s19+$0x1C0]  }
0x277: {  	[tilespmem:s19+$0x150] =	vst v2;
	v4 =	vmul.f32 $1.131370830e+01, v5;
	v2 =	vld [tilespmem:s19+$0x1D0]  }
0x278: {  	[tilespmem:s19+$0x160] =	vst v3;
	v3 =	vld [tilespmem:s19+$0x1E0];
	v5 =	vmul.f32 $1.131370830e+01, v7  }
0x279: {  	s20 =	simm.s32 $0x9E00;
	s6 =	simm.s32 $0x0;
	v6 =	vmul.f32 $1.131370830e+01, v8;
	[tilespmem:s19+$0x170] =	vst v4;
	v4 =	vld [tilespmem:s19+$0x0]  }
.LBB2_17:
0x27a: {  	v7 =	vld [tilespmem:s20+$0x1F0];
	s6 =	sadd.s32 $0x4, s6;
	[tilespmem:s19+$0x190] =	vst v5;
	v0 =	vmul.f32 $1.131370830e+01, v0  }
0x27b: {  	v5 =	vld [tilespmem:s20+$0x10];
	p0 =	slt.u32 s6, $0x7C;
	[tilespmem:s19+$0x1A0] =	vst v6;
	v1 =	vmul.f32 $1.131370830e+01, v1  }
0x27c: {  	v6 =	vld [tilespmem:s20+$0x20];
	[tilespmem:s19+$0x1B0] =	vst v0;
	v0 =	vmul.f32 $1.131370830e+01, v2  }
0x27d: {  	v2 =	vld [tilespmem:s20+$0x30];
	[tilespmem:s19+$0x1C0] =	vst v1;
	v1 =	vmul.f32 $1.131370830e+01, v3  }
0x27e: {  	v3 =	vld [tilespmem:s20+$0x40];
	v4 =	vmul.f32 $1.131370830e+01, v4;
	[tilespmem:s19+$0x1D0] =	vst v0  }
0x27f: {  	v0 =	vld [tilespmem:s20+$0x50];
	v7 =	vmul.f32 $1.131370830e+01, v7;
	[tilespmem:s19+$0x1E0] =	vst v1  }
0x280: {  	v1 =	vmul.f32 $1.131370830e+01, v5;
	v5 =	vld [tilespmem:s20+$0x60];
	[tilespmem:s19+$0x0] =	vst v4;
	s19 =	smov.u32 s20  }
0x281: {  	v4 =	vmul.f32 $1.131370830e+01, v6;
	v6 =	vld [tilespmem:s20+$0x70];
	[tilespmem:s20+$0x1F0] =	vst v7  }
0x282: {  	[tilespmem:s20+$0x10] =	vst v1;
	v1 =	vmul.f32 $1.131370830e+01, v2;
	v2 =	vld [tilespmem:s20+$0x80]  }
0x283: {  	[tilespmem:s20+$0x20] =	vst v4;
	v3 =	vmul.f32 $1.131370830e+01, v3;
	v4 =	vld [tilespmem:s20+$0x90]  }
0x284: {  	[tilespmem:s20+$0x30] =	vst v1;
	v0 =	vmul.f32 $1.131370830e+01, v0;
	v1 =	vld [tilespmem:s20+$0xA0]  }
0x285: {  	[tilespmem:s20+$0x40] =	vst v3;
	v3 =	vmul.f32 $1.131370830e+01, v5;
	v5 =	vld [tilespmem:s20+$0xB0]  }
0x286: {  	[tilespmem:s20+$0x50] =	vst v0;
	v0 =	vmul.f32 $1.131370830e+01, v6;
	v6 =	vld [tilespmem:s20+$0xC0]  }
0x287: {  	[tilespmem:s20+$0x60] =	vst v3;
	v2 =	vmul.f32 $1.131370830e+01, v2;
	v3 =	vld [tilespmem:s20+$0xD0]  }
0x288: {  	[tilespmem:s20+$0x70] =	vst v0;
	v0 =	vmul.f32 $1.131370830e+01, v4;
	v4 =	vld [tilespmem:s20+$0xE0]  }
0x289: {  	[tilespmem:s20+$0x80] =	vst v2;
	v1 =	vmul.f32 $1.131370830e+01, v1;
	v2 =	vld [tilespmem:s20+$0xF0]  }
0x28a: {  	[tilespmem:s20+$0x90] =	vst v0;
	v0 =	vmul.f32 $1.131370830e+01, v5;
	v5 =	vld [tilespmem:s20+$0x100]  }
0x28b: {  	[tilespmem:s20+$0xA0] =	vst v1;
	v1 =	vmul.f32 $1.131370830e+01, v6;
	v6 =	vld [tilespmem:s20+$0x110]  }
0x28c: {  	[tilespmem:s20+$0xB0] =	vst v0;
	v0 =	vmul.f32 $1.131370830e+01, v3;
	v3 =	vld [tilespmem:s20+$0x120]  }
0x28d: {  	[tilespmem:s20+$0xC0] =	vst v1;
	v1 =	vmul.f32 $1.131370830e+01, v4;
	v4 =	vld [tilespmem:s20+$0x130]  }
0x28e: {  	[tilespmem:s20+$0xD0] =	vst v0;
	v0 =	vmul.f32 $1.131370830e+01, v2;
	v2 =	vld [tilespmem:s20+$0x140]  }
0x28f: {  	[tilespmem:s20+$0xE0] =	vst v1;
	v1 =	vmul.f32 $1.131370830e+01, v5;
	v5 =	vld [tilespmem:s20+$0x150]  }
0x290: {  	[tilespmem:s20+$0xF0] =	vst v0;
	v0 =	vmul.f32 $1.131370830e+01, v6;
	v6 =	vld [tilespmem:s20+$0x160]  }
0x291: {  	[tilespmem:s20+$0x100] =	vst v1;
	v1 =	vmul.f32 $1.131370830e+01, v3;
	v3 =	vld [tilespmem:s20+$0x170]  }
0x292: {  	[tilespmem:s20+$0x110] =	vst v0;
	v0 =	vmul.f32 $1.131370830e+01, v4;
	v4 =	vld [tilespmem:s20+$0x180]  }
0x293: {  	[tilespmem:s20+$0x120] =	vst v1;
	v1 =	vmul.f32 $1.131370830e+01, v2;
	v7 =	vld [tilespmem:s20+$0x190]  }
0x294: {  	[tilespmem:s20+$0x130] =	vst v0;
	v2 =	vmul.f32 $1.131370830e+01, v5;
	v8 =	vld [tilespmem:s20+$0x1A0]  }
.Ltmp7:
0x295: {  	[tilespmem:s20+$0x140] =	vst v1;
	v5 =	vmul.f32 $1.131370830e+01, v6;
	v0 =	vld [tilespmem:s20+$0x1B0];
	(pc) =	sbr.rel @p0 .LBB2_17-.Ltmp7, $4  }
0x296: {  	[tilespmem:s20+$0x150] =	vst v2;
	v3 =	vmul.f32 $1.131370830e+01, v3;
	v1 =	vld [tilespmem:s20+$0x1C0]  }
0x297: {  	[tilespmem:s20+$0x160] =	vst v5;
	v6 =	vmul.f32 $1.131370830e+01, v4;
	v2 =	vld [tilespmem:s20+$0x1D0]  }
0x298: {  	[tilespmem:s20+$0x170] =	vst v3;
	v5 =	vmul.f32 $1.131370830e+01, v7;
	v3 =	vld [tilespmem:s20+$0x1E0]  }
0x299: {  	s20 =	sadd.s32 $0x200, s20;
	v4 =	vld [tilespmem:s19+$0x0];
	[tilespmem:s19+$0x180] =	vst v6;
	v6 =	vmul.f32 $1.131370830e+01, v8  }
0x29a: {  	[tilespmem:s19+$0x190] =	vst v5;
	v0 =	vmul.f32 $1.131370830e+01, v0  }
0x29b: {  	[tilespmem:s19+$0x1A0] =	vst v6;
	v1 =	vmul.f32 $1.131370830e+01, v1  }
0x29c: {  	[tilespmem:s19+$0x1B0] =	vst v0;
	v0 =	vmul.f32 $1.131370830e+01, v2  }
0x29d: {  	[tilespmem:s19+$0x1C0] =	vst v1;
	v1 =	vmul.f32 $1.131370830e+01, v3  }
0x29e: {  	s6 =	sadd.s32 s17, s13;
	v2 =	vmul.f32 $1.131370830e+01, v4;
	[tilespmem:s19+$0x1D0] =	vst v0  }
0x29f: {  	s6 =	sshll.u32 s6, $0x4;
	[tilespmem:s19+$0x1E0] =	vst v1  }
0x2a0: {  	s6 =	sadd.s32 s3, s6;
	[tilespmem:s19+$0x0] =	vst v2  }
0x2a1: {  	[hbm4b:s6+s4] =	stream.linear.scatter [tilespmem:s25], [sflag:$0x8], $0x4000, $0x38;
	[tilespmem:$0x15C00] =	vst v63  }
0x2a2: {  	_ =	swait.ge [sflag:s30], $0x4000  }
0x2a3: {  	[sflag:s30] =	ssyncset.done $0x0  }
0x2a4: {  	s20 =	sadd.s32 $0x300, s18;
	[sflag:s30] =	ssyncadd.s32 $0xFFFFC000  }
0x2a5: {  	[tilespmem:s23], [sflag:$0x2] =	stream.indirect.gather [hbm4b:s2+s21], $0x80, s20, s21, $0xb8;
	[tilespmem:$0x15C00] =	vst v63  }
0x2a6: {  	_ =	swait.ge [sflag:s24], $0x4000  }
0x2a7: {  	[sflag:s24] =	ssyncset.done $0x0  }
0x2a8: {  	s17 =	simm.s32 $0xDC00;
	[sflag:s24] =	ssyncadd.s32 $0xFFFFC000  }
0x2a9: {  	v0 =	vld [tilespmem:s17+$0x1F0]  }
0x2aa: {  	v1 =	vld [tilespmem:s17+$0x10]  }
0x2ab: {  	v2 =	vld [tilespmem:s17+$0x20]  }
0x2ac: {  	v3 =	vld [tilespmem:s17+$0x30]  }
0x2ad: {  	v6 =	vld [tilespmem:s17+$0x60]  }
0x2ae: {  	v4 =	vld [tilespmem:s17+$0x40]  }
0x2af: {  	v5 =	vld [tilespmem:s17+$0x50];
	v0 =	vmul.f32 $1.131370830e+01, v0  }
0x2b0: {  	v8 =	vld [tilespmem:s17+$0x80];
	v1 =	vmul.f32 $1.131370830e+01, v1  }
0x2b1: {  	v7 =	vld [tilespmem:s17+$0x70];
	v2 =	vmul.f32 $1.131370830e+01, v2;
	[tilespmem:s17+$0x1F0] =	vst v0  }
0x2b2: {  	v6 =	vmul.f32 $1.131370830e+01, v6;
	v0 =	vld [tilespmem:s17+$0x90];
	[tilespmem:s17+$0x10] =	vst v1  }
0x2b3: {  	v1 =	vmul.f32 $1.131370830e+01, v3;
	v3 =	vld [tilespmem:s17+$0xA0];
	[tilespmem:s17+$0x20] =	vst v2;
	v2 =	vmul.f32 $1.131370830e+01, v4  }
0x2b4: {  	[tilespmem:s17+$0x60] =	vst v6;
	v6 =	vld [tilespmem:s17+$0xF0]  }
0x2b5: {  	v4 =	vld [tilespmem:s17+$0xB0];
	[tilespmem:s17+$0x40] =	vst v2;
	v2 =	vmul.f32 $1.131370830e+01, v8  }
0x2b6: {  	[tilespmem:s17+$0x30] =	vst v1;
	v1 =	vmul.f32 $1.131370830e+01, v5;
	v5 =	vld [tilespmem:s17+$0xC0]  }
0x2b7: {  	v8 =	vld [tilespmem:s17+$0xD0];
	[tilespmem:s17+$0x80] =	vst v2;
	v2 =	vmul.f32 $1.131370830e+01, v7  }
0x2b8: {  	[tilespmem:s17+$0x50] =	vst v1;
	v1 =	vld [tilespmem:s17+$0xE0];
	v0 =	vmul.f32 $1.131370830e+01, v0  }
0x2b9: {  	v7 =	vld [tilespmem:s17+$0x130];
	v6 =	vmul.f32 $1.131370830e+01, v6;
	[tilespmem:s17+$0x70] =	vst v2  }
0x2ba: {  	v2 =	vmul.f32 $1.131370830e+01, v3;
	v3 =	vld [tilespmem:s17+$0x100];
	[tilespmem:s17+$0x90] =	vst v0  }
0x2bb: {  	v0 =	vmul.f32 $1.131370830e+01, v4;
	v4 =	vld [tilespmem:s17+$0x110];
	[tilespmem:s17+$0xF0] =	vst v6  }
0x2bc: {  	[tilespmem:s17+$0xA0] =	vst v2;
	v2 =	vmul.f32 $1.131370830e+01, v5;
	v5 =	vld [tilespmem:s17+$0x120]  }
0x2bd: {  	v6 =	vld [tilespmem:s17+$0x180];
	[tilespmem:s17+$0xB0] =	vst v0;
	v0 =	vmul.f32 $1.131370830e+01, v8  }
0x2be: {  	v1 =	vmul.f32 $1.131370830e+01, v1;
	[tilespmem:s17+$0xC0] =	vst v2;
	v2 =	vld [tilespmem:s17+$0x140]  }
0x2bf: {  	[tilespmem:s17+$0xD0] =	vst v0;
	v0 =	vmul.f32 $1.131370830e+01, v3  }
0x2c0: {  	v3 =	vld [tilespmem:s17+$0x150];
	[tilespmem:s17+$0xE0] =	vst v1;
	v4 =	vmul.f32 $1.131370830e+01, v4  }
0x2c1: {  	v1 =	vld [tilespmem:s17+$0x160];
	[tilespmem:s17+$0x100] =	vst v0;
	v0 =	vmul.f32 $1.131370830e+01, v5  }
0x2c2: {  	v6 =	vmul.f32 $1.131370830e+01, v6;
	v5 =	vld [tilespmem:s17+$0x170];
	[tilespmem:s17+$0x110] =	vst v4  }
0x2c3: {  	v4 =	vmul.f32 $1.131370830e+01, v7;
	v7 =	vld [tilespmem:s17+$0x190];
	[tilespmem:s17+$0x120] =	vst v0;
	v0 =	vmul.f32 $1.131370830e+01, v2  }
0x2c4: {  	v8 =	vld [tilespmem:s17+$0x1A0];
	[tilespmem:s17+$0x180] =	vst v6  }
0x2c5: {  	v2 =	vmul.f32 $1.131370830e+01, v3;
	[tilespmem:s17+$0x140] =	vst v0;
	v0 =	vld [tilespmem:s17+$0x1B0]  }
0x2c6: {  	[tilespmem:s17+$0x130] =	vst v4;
	v3 =	vmul.f32 $1.131370830e+01, v1;
	v1 =	vld [tilespmem:s17+$0x1C0]  }
0x2c7: {  	[tilespmem:s17+$0x150] =	vst v2;
	v4 =	vmul.f32 $1.131370830e+01, v5;
	v2 =	vld [tilespmem:s17+$0x1D0]  }
0x2c8: {  	[tilespmem:s17+$0x160] =	vst v3;
	v3 =	vld [tilespmem:s17+$0x1E0];
	v5 =	vmul.f32 $1.131370830e+01, v7  }
0x2c9: {  	s19 =	simm.s32 $0xDE00;
	s6 =	simm.s32 $0x0;
	v6 =	vmul.f32 $1.131370830e+01, v8;
	[tilespmem:s17+$0x170] =	vst v4;
	v4 =	vld [tilespmem:s17+$0x0]  }
.LBB2_19:
0x2ca: {  	v7 =	vld [tilespmem:s19+$0x1F0];
	s6 =	sadd.s32 $0x4, s6;
	[tilespmem:s17+$0x190] =	vst v5;
	v0 =	vmul.f32 $1.131370830e+01, v0  }
0x2cb: {  	v5 =	vld [tilespmem:s19+$0x10];
	p0 =	slt.u32 s6, $0x7C;
	[tilespmem:s17+$0x1A0] =	vst v6;
	v1 =	vmul.f32 $1.131370830e+01, v1  }
0x2cc: {  	v6 =	vld [tilespmem:s19+$0x20];
	[tilespmem:s17+$0x1B0] =	vst v0;
	v0 =	vmul.f32 $1.131370830e+01, v2  }
0x2cd: {  	v2 =	vld [tilespmem:s19+$0x30];
	[tilespmem:s17+$0x1C0] =	vst v1;
	v1 =	vmul.f32 $1.131370830e+01, v3  }
0x2ce: {  	v3 =	vld [tilespmem:s19+$0x40];
	v4 =	vmul.f32 $1.131370830e+01, v4;
	[tilespmem:s17+$0x1D0] =	vst v0  }
0x2cf: {  	v0 =	vld [tilespmem:s19+$0x50];
	v7 =	vmul.f32 $1.131370830e+01, v7;
	[tilespmem:s17+$0x1E0] =	vst v1  }
0x2d0: {  	v1 =	vmul.f32 $1.131370830e+01, v5;
	v5 =	vld [tilespmem:s19+$0x60];
	[tilespmem:s17+$0x0] =	vst v4;
	s17 =	smov.u32 s19  }
0x2d1: {  	v4 =	vmul.f32 $1.131370830e+01, v6;
	v6 =	vld [tilespmem:s19+$0x70];
	[tilespmem:s19+$0x1F0] =	vst v7  }
0x2d2: {  	[tilespmem:s19+$0x10] =	vst v1;
	v1 =	vmul.f32 $1.131370830e+01, v2;
	v2 =	vld [tilespmem:s19+$0x80]  }
0x2d3: {  	[tilespmem:s19+$0x20] =	vst v4;
	v3 =	vmul.f32 $1.131370830e+01, v3;
	v4 =	vld [tilespmem:s19+$0x90]  }
0x2d4: {  	[tilespmem:s19+$0x30] =	vst v1;
	v0 =	vmul.f32 $1.131370830e+01, v0;
	v1 =	vld [tilespmem:s19+$0xA0]  }
0x2d5: {  	[tilespmem:s19+$0x40] =	vst v3;
	v3 =	vmul.f32 $1.131370830e+01, v5;
	v5 =	vld [tilespmem:s19+$0xB0]  }
0x2d6: {  	[tilespmem:s19+$0x50] =	vst v0;
	v0 =	vmul.f32 $1.131370830e+01, v6;
	v6 =	vld [tilespmem:s19+$0xC0]  }
0x2d7: {  	[tilespmem:s19+$0x60] =	vst v3;
	v2 =	vmul.f32 $1.131370830e+01, v2;
	v3 =	vld [tilespmem:s19+$0xD0]  }
0x2d8: {  	[tilespmem:s19+$0x70] =	vst v0;
	v0 =	vmul.f32 $1.131370830e+01, v4;
	v4 =	vld [tilespmem:s19+$0xE0]  }
0x2d9: {  	[tilespmem:s19+$0x80] =	vst v2;
	v1 =	vmul.f32 $1.131370830e+01, v1;
	v2 =	vld [tilespmem:s19+$0xF0]  }
0x2da: {  	[tilespmem:s19+$0x90] =	vst v0;
	v0 =	vmul.f32 $1.131370830e+01, v5;
	v5 =	vld [tilespmem:s19+$0x100]  }
0x2db: {  	[tilespmem:s19+$0xA0] =	vst v1;
	v1 =	vmul.f32 $1.131370830e+01, v6;
	v6 =	vld [tilespmem:s19+$0x110]  }
0x2dc: {  	[tilespmem:s19+$0xB0] =	vst v0;
	v0 =	vmul.f32 $1.131370830e+01, v3;
	v3 =	vld [tilespmem:s19+$0x120]  }
0x2dd: {  	[tilespmem:s19+$0xC0] =	vst v1;
	v1 =	vmul.f32 $1.131370830e+01, v4;
	v4 =	vld [tilespmem:s19+$0x130]  }
0x2de: {  	[tilespmem:s19+$0xD0] =	vst v0;
	v0 =	vmul.f32 $1.131370830e+01, v2;
	v2 =	vld [tilespmem:s19+$0x140]  }
0x2df: {  	[tilespmem:s19+$0xE0] =	vst v1;
	v1 =	vmul.f32 $1.131370830e+01, v5;
	v5 =	vld [tilespmem:s19+$0x150]  }
0x2e0: {  	[tilespmem:s19+$0xF0] =	vst v0;
	v0 =	vmul.f32 $1.131370830e+01, v6;
	v6 =	vld [tilespmem:s19+$0x160]  }
0x2e1: {  	[tilespmem:s19+$0x100] =	vst v1;
	v1 =	vmul.f32 $1.131370830e+01, v3;
	v3 =	vld [tilespmem:s19+$0x170]  }
0x2e2: {  	[tilespmem:s19+$0x110] =	vst v0;
	v0 =	vmul.f32 $1.131370830e+01, v4;
	v4 =	vld [tilespmem:s19+$0x180]  }
0x2e3: {  	[tilespmem:s19+$0x120] =	vst v1;
	v1 =	vmul.f32 $1.131370830e+01, v2;
	v7 =	vld [tilespmem:s19+$0x190]  }
0x2e4: {  	[tilespmem:s19+$0x130] =	vst v0;
	v2 =	vmul.f32 $1.131370830e+01, v5;
	v8 =	vld [tilespmem:s19+$0x1A0]  }
.Ltmp8:
0x2e5: {  	[tilespmem:s19+$0x140] =	vst v1;
	v5 =	vmul.f32 $1.131370830e+01, v6;
	v0 =	vld [tilespmem:s19+$0x1B0];
	(pc) =	sbr.rel @p0 .LBB2_19-.Ltmp8, $4  }
0x2e6: {  	[tilespmem:s19+$0x150] =	vst v2;
	v3 =	vmul.f32 $1.131370830e+01, v3;
	v1 =	vld [tilespmem:s19+$0x1C0]  }
0x2e7: {  	[tilespmem:s19+$0x160] =	vst v5;
	v6 =	vmul.f32 $1.131370830e+01, v4;
	v2 =	vld [tilespmem:s19+$0x1D0]  }
0x2e8: {  	[tilespmem:s19+$0x170] =	vst v3;
	v5 =	vmul.f32 $1.131370830e+01, v7;
	v3 =	vld [tilespmem:s19+$0x1E0]  }
0x2e9: {  	s19 =	sadd.s32 $0x200, s19;
	v4 =	vld [tilespmem:s17+$0x0];
	[tilespmem:s17+$0x180] =	vst v6;
	v6 =	vmul.f32 $1.131370830e+01, v8  }
0x2ea: {  	[tilespmem:s17+$0x190] =	vst v5;
	v0 =	vmul.f32 $1.131370830e+01, v0  }
0x2eb: {  	[tilespmem:s17+$0x1A0] =	vst v6;
	v1 =	vmul.f32 $1.131370830e+01, v1  }
0x2ec: {  	[tilespmem:s17+$0x1B0] =	vst v0;
	v0 =	vmul.f32 $1.131370830e+01, v2  }
0x2ed: {  	[tilespmem:s17+$0x1C0] =	vst v1;
	v1 =	vmul.f32 $1.131370830e+01, v3  }
0x2ee: {  	s6 =	sadd.s32 s5, s15;
	v2 =	vmul.f32 $1.131370830e+01, v4;
	[tilespmem:s17+$0x1D0] =	vst v0  }
0x2ef: {  	s6 =	sshll.u32 s6, $0x4;
	[tilespmem:s17+$0x1E0] =	vst v1  }
0x2f0: {  	s6 =	sadd.s32 s3, s6;
	[tilespmem:s17+$0x0] =	vst v2  }
0x2f1: {  	[hbm4b:s6+s4] =	stream.linear.scatter [tilespmem:s28], [sflag:$0x9], $0x4000, $0x38;
	[tilespmem:$0x15C00] =	vst v63  }
0x2f2: {  	_ =	swait.ge [sflag:s7], $0x4000  }
0x2f3: {  	[sflag:s7] =	ssyncset.done $0x0  }
0x2f4: {  	s20 =	sadd.s32 $0x380, s18;
	[sflag:s7] =	ssyncadd.s32 $0xFFFFC000  }
0x2f5: {  	[tilespmem:s25], [sflag:$0x3] =	stream.indirect.gather [hbm4b:s2+s21], $0x80, s20, s21, $0xb8;
	[tilespmem:$0x15C00] =	vst v63  }
0x2f6: {  	_ =	swait.ge [sflag:s8], $0x4000  }
0x2f7: {  	[sflag:s8] =	ssyncset.done $0x0  }
0x2f8: {  	s15 =	simm.s32 $0x11C00;
	[sflag:s8] =	ssyncadd.s32 $0xFFFFC000  }
0x2f9: {  	v0 =	vld [tilespmem:s15+$0x1F0]  }
0x2fa: {  	v1 =	vld [tilespmem:s15+$0x10]  }
0x2fb: {  	v2 =	vld [tilespmem:s15+$0x20]  }
0x2fc: {  	v3 =	vld [tilespmem:s15+$0x30]  }
0x2fd: {  	v6 =	vld [tilespmem:s15+$0x60]  }
0x2fe: {  	v4 =	vld [tilespmem:s15+$0x40]  }
0x2ff: {  	v5 =	vld [tilespmem:s15+$0x50];
	v0 =	vmul.f32 $1.131370830e+01, v0  }
0x300: {  	v8 =	vld [tilespmem:s15+$0x80];
	v1 =	vmul.f32 $1.131370830e+01, v1  }
0x301: {  	v7 =	vld [tilespmem:s15+$0x70];
	v2 =	vmul.f32 $1.131370830e+01, v2;
	[tilespmem:s15+$0x1F0] =	vst v0  }
0x302: {  	v6 =	vmul.f32 $1.131370830e+01, v6;
	v0 =	vld [tilespmem:s15+$0x90];
	[tilespmem:s15+$0x10] =	vst v1  }
0x303: {  	v1 =	vmul.f32 $1.131370830e+01, v3;
	v3 =	vld [tilespmem:s15+$0xA0];
	[tilespmem:s15+$0x20] =	vst v2;
	v2 =	vmul.f32 $1.131370830e+01, v4  }
0x304: {  	[tilespmem:s15+$0x60] =	vst v6;
	v6 =	vld [tilespmem:s15+$0xF0]  }
0x305: {  	v4 =	vld [tilespmem:s15+$0xB0];
	[tilespmem:s15+$0x40] =	vst v2;
	v2 =	vmul.f32 $1.131370830e+01, v8  }
0x306: {  	[tilespmem:s15+$0x30] =	vst v1;
	v1 =	vmul.f32 $1.131370830e+01, v5;
	v5 =	vld [tilespmem:s15+$0xC0]  }
0x307: {  	v8 =	vld [tilespmem:s15+$0xD0];
	[tilespmem:s15+$0x80] =	vst v2;
	v2 =	vmul.f32 $1.131370830e+01, v7  }
0x308: {  	[tilespmem:s15+$0x50] =	vst v1;
	v1 =	vld [tilespmem:s15+$0xE0];
	v0 =	vmul.f32 $1.131370830e+01, v0  }
0x309: {  	v7 =	vld [tilespmem:s15+$0x130];
	v6 =	vmul.f32 $1.131370830e+01, v6;
	[tilespmem:s15+$0x70] =	vst v2  }
0x30a: {  	v2 =	vmul.f32 $1.131370830e+01, v3;
	v3 =	vld [tilespmem:s15+$0x100];
	[tilespmem:s15+$0x90] =	vst v0  }
0x30b: {  	v0 =	vmul.f32 $1.131370830e+01, v4;
	v4 =	vld [tilespmem:s15+$0x110];
	[tilespmem:s15+$0xF0] =	vst v6  }
0x30c: {  	[tilespmem:s15+$0xA0] =	vst v2;
	v2 =	vmul.f32 $1.131370830e+01, v5;
	v5 =	vld [tilespmem:s15+$0x120]  }
0x30d: {  	v6 =	vld [tilespmem:s15+$0x180];
	[tilespmem:s15+$0xB0] =	vst v0;
	v0 =	vmul.f32 $1.131370830e+01, v8  }
0x30e: {  	v1 =	vmul.f32 $1.131370830e+01, v1;
	[tilespmem:s15+$0xC0] =	vst v2;
	v2 =	vld [tilespmem:s15+$0x140]  }
0x30f: {  	[tilespmem:s15+$0xD0] =	vst v0;
	v0 =	vmul.f32 $1.131370830e+01, v3  }
0x310: {  	v3 =	vld [tilespmem:s15+$0x150];
	[tilespmem:s15+$0xE0] =	vst v1;
	v4 =	vmul.f32 $1.131370830e+01, v4  }
0x311: {  	v1 =	vld [tilespmem:s15+$0x160];
	[tilespmem:s15+$0x100] =	vst v0;
	v0 =	vmul.f32 $1.131370830e+01, v5  }
0x312: {  	v6 =	vmul.f32 $1.131370830e+01, v6;
	v5 =	vld [tilespmem:s15+$0x170];
	[tilespmem:s15+$0x110] =	vst v4  }
0x313: {  	v4 =	vmul.f32 $1.131370830e+01, v7;
	v7 =	vld [tilespmem:s15+$0x190];
	[tilespmem:s15+$0x120] =	vst v0;
	v0 =	vmul.f32 $1.131370830e+01, v2  }
0x314: {  	v8 =	vld [tilespmem:s15+$0x1A0];
	[tilespmem:s15+$0x180] =	vst v6  }
0x315: {  	v2 =	vmul.f32 $1.131370830e+01, v3;
	[tilespmem:s15+$0x140] =	vst v0;
	v0 =	vld [tilespmem:s15+$0x1B0]  }
0x316: {  	[tilespmem:s15+$0x130] =	vst v4;
	v3 =	vmul.f32 $1.131370830e+01, v1;
	v1 =	vld [tilespmem:s15+$0x1C0]  }
0x317: {  	[tilespmem:s15+$0x150] =	vst v2;
	v4 =	vmul.f32 $1.131370830e+01, v5;
	v2 =	vld [tilespmem:s15+$0x1D0]  }
0x318: {  	[tilespmem:s15+$0x160] =	vst v3;
	v3 =	vld [tilespmem:s15+$0x1E0];
	v5 =	vmul.f32 $1.131370830e+01, v7  }
0x319: {  	s17 =	simm.s32 $0x11E00;
	s6 =	simm.s32 $0x0;
	v6 =	vmul.f32 $1.131370830e+01, v8;
	[tilespmem:s15+$0x170] =	vst v4;
	v4 =	vld [tilespmem:s15+$0x0]  }
.LBB2_21:
0x31a: {  	v7 =	vld [tilespmem:s17+$0x1F0];
	s6 =	sadd.s32 $0x4, s6;
	[tilespmem:s15+$0x190] =	vst v5;
	v0 =	vmul.f32 $1.131370830e+01, v0  }
0x31b: {  	v5 =	vld [tilespmem:s17+$0x10];
	p0 =	slt.u32 s6, $0x7C;
	[tilespmem:s15+$0x1A0] =	vst v6;
	v1 =	vmul.f32 $1.131370830e+01, v1  }
0x31c: {  	v6 =	vld [tilespmem:s17+$0x20];
	[tilespmem:s15+$0x1B0] =	vst v0;
	v0 =	vmul.f32 $1.131370830e+01, v2  }
0x31d: {  	v2 =	vld [tilespmem:s17+$0x30];
	[tilespmem:s15+$0x1C0] =	vst v1;
	v1 =	vmul.f32 $1.131370830e+01, v3  }
0x31e: {  	v3 =	vld [tilespmem:s17+$0x40];
	v4 =	vmul.f32 $1.131370830e+01, v4;
	[tilespmem:s15+$0x1D0] =	vst v0  }
0x31f: {  	v0 =	vld [tilespmem:s17+$0x50];
	v7 =	vmul.f32 $1.131370830e+01, v7;
	[tilespmem:s15+$0x1E0] =	vst v1  }
0x320: {  	v1 =	vmul.f32 $1.131370830e+01, v5;
	v5 =	vld [tilespmem:s17+$0x60];
	[tilespmem:s15+$0x0] =	vst v4;
	s15 =	smov.u32 s17  }
0x321: {  	v4 =	vmul.f32 $1.131370830e+01, v6;
	v6 =	vld [tilespmem:s17+$0x70];
	[tilespmem:s17+$0x1F0] =	vst v7  }
0x322: {  	[tilespmem:s17+$0x10] =	vst v1;
	v1 =	vmul.f32 $1.131370830e+01, v2;
	v2 =	vld [tilespmem:s17+$0x80]  }
0x323: {  	[tilespmem:s17+$0x20] =	vst v4;
	v3 =	vmul.f32 $1.131370830e+01, v3;
	v4 =	vld [tilespmem:s17+$0x90]  }
0x324: {  	[tilespmem:s17+$0x30] =	vst v1;
	v0 =	vmul.f32 $1.131370830e+01, v0;
	v1 =	vld [tilespmem:s17+$0xA0]  }
0x325: {  	[tilespmem:s17+$0x40] =	vst v3;
	v3 =	vmul.f32 $1.131370830e+01, v5;
	v5 =	vld [tilespmem:s17+$0xB0]  }
0x326: {  	[tilespmem:s17+$0x50] =	vst v0;
	v0 =	vmul.f32 $1.131370830e+01, v6;
	v6 =	vld [tilespmem:s17+$0xC0]  }
0x327: {  	[tilespmem:s17+$0x60] =	vst v3;
	v2 =	vmul.f32 $1.131370830e+01, v2;
	v3 =	vld [tilespmem:s17+$0xD0]  }
0x328: {  	[tilespmem:s17+$0x70] =	vst v0;
	v0 =	vmul.f32 $1.131370830e+01, v4;
	v4 =	vld [tilespmem:s17+$0xE0]  }
0x329: {  	[tilespmem:s17+$0x80] =	vst v2;
	v1 =	vmul.f32 $1.131370830e+01, v1;
	v2 =	vld [tilespmem:s17+$0xF0]  }
0x32a: {  	[tilespmem:s17+$0x90] =	vst v0;
	v0 =	vmul.f32 $1.131370830e+01, v5;
	v5 =	vld [tilespmem:s17+$0x100]  }
0x32b: {  	[tilespmem:s17+$0xA0] =	vst v1;
	v1 =	vmul.f32 $1.131370830e+01, v6;
	v6 =	vld [tilespmem:s17+$0x110]  }
0x32c: {  	[tilespmem:s17+$0xB0] =	vst v0;
	v0 =	vmul.f32 $1.131370830e+01, v3;
	v3 =	vld [tilespmem:s17+$0x120]  }
0x32d: {  	[tilespmem:s17+$0xC0] =	vst v1;
	v1 =	vmul.f32 $1.131370830e+01, v4;
	v4 =	vld [tilespmem:s17+$0x130]  }
0x32e: {  	[tilespmem:s17+$0xD0] =	vst v0;
	v0 =	vmul.f32 $1.131370830e+01, v2;
	v2 =	vld [tilespmem:s17+$0x140]  }
0x32f: {  	[tilespmem:s17+$0xE0] =	vst v1;
	v1 =	vmul.f32 $1.131370830e+01, v5;
	v5 =	vld [tilespmem:s17+$0x150]  }
0x330: {  	[tilespmem:s17+$0xF0] =	vst v0;
	v0 =	vmul.f32 $1.131370830e+01, v6;
	v6 =	vld [tilespmem:s17+$0x160]  }
0x331: {  	[tilespmem:s17+$0x100] =	vst v1;
	v1 =	vmul.f32 $1.131370830e+01, v3;
	v3 =	vld [tilespmem:s17+$0x170]  }
0x332: {  	[tilespmem:s17+$0x110] =	vst v0;
	v0 =	vmul.f32 $1.131370830e+01, v4;
	v4 =	vld [tilespmem:s17+$0x180]  }
0x333: {  	[tilespmem:s17+$0x120] =	vst v1;
	v1 =	vmul.f32 $1.131370830e+01, v2;
	v7 =	vld [tilespmem:s17+$0x190]  }
0x334: {  	[tilespmem:s17+$0x130] =	vst v0;
	v2 =	vmul.f32 $1.131370830e+01, v5;
	v8 =	vld [tilespmem:s17+$0x1A0]  }
.Ltmp9:
0x335: {  	[tilespmem:s17+$0x140] =	vst v1;
	v5 =	vmul.f32 $1.131370830e+01, v6;
	v0 =	vld [tilespmem:s17+$0x1B0];
	(pc) =	sbr.rel @p0 .LBB2_21-.Ltmp9, $4  }
0x336: {  	[tilespmem:s17+$0x150] =	vst v2;
	v3 =	vmul.f32 $1.131370830e+01, v3;
	v1 =	vld [tilespmem:s17+$0x1C0]  }
0x337: {  	[tilespmem:s17+$0x160] =	vst v5;
	v6 =	vmul.f32 $1.131370830e+01, v4;
	v2 =	vld [tilespmem:s17+$0x1D0]  }
0x338: {  	[tilespmem:s17+$0x170] =	vst v3;
	v5 =	vmul.f32 $1.131370830e+01, v7;
	v3 =	vld [tilespmem:s17+$0x1E0]  }
0x339: {  	s17 =	sadd.s32 $0x200, s17;
	v4 =	vld [tilespmem:s15+$0x0];
	[tilespmem:s15+$0x180] =	vst v6;
	v6 =	vmul.f32 $1.131370830e+01, v8  }
0x33a: {  	[tilespmem:s15+$0x190] =	vst v5;
	v0 =	vmul.f32 $1.131370830e+01, v0  }
0x33b: {  	s14 =	sadd.s32 $0x1, s14;
	[tilespmem:s15+$0x1A0] =	vst v6;
	v1 =	vmul.f32 $1.131370830e+01, v1  }
0x33c: {  	p0 =	sne.s32 s14, $0x9;
	[tilespmem:s15+$0x1B0] =	vst v0;
	v61 =	vmul.f32 $1.131370830e+01, v2  }
.Ltmp10:
0x33d: {  	[tilespmem:s15+$0x1C0] =	vst v1;
	v62 =	vmul.f32 $1.131370830e+01, v3;
	(pc) =	sbr.rel @p0 .LBB2_12-.Ltmp10, $4  }
0x33e: {  	s6 =	sadd.s32 s5, s16;
	v63 =	vmul.f32 $1.131370830e+01, v4;
	[tilespmem:s15+$0x1D0] =	vst v61  }
0x33f: {  	s6 =	sshll.u32 s6, $0x4;
	[tilespmem:s15+$0x1E0] =	vst v62  }
0x340: {  	s6 =	sadd.s32 s3, s6;
	[tilespmem:s15+$0x0] =	vst v63  }
0x341: {  	[hbm4b:s6+s4] =	stream.linear.scatter [tilespmem:s31], [sflag:$0xA], $0x4000, $0x38;
	[tilespmem:$0x15C00] =	vst v63  }
0x342: {  	_ =	swait.ge [sflag:s9], $0x4000  }
0x343: {  	[sflag:s9] =	ssyncset.done $0x0  }
0x344: {  	s6 =	simm.s32 $0x1800;
	[sflag:s9] =	ssyncadd.s32 $0xFFFFC000  }
0x345: {  	[tilespmem:s28], [sflag:$0x4] =	stream.indirect.gather [hbm4b:s2+s21], $0x80, s6, s21, $0xb8;
	[tilespmem:$0x15C00] =	vst v63  }
0x346: {  	_ =	swait.ge [sflag:s29], $0x4000  }
0x347: {  	[sflag:s29] =	ssyncset.done $0x0  }
0x348: {  	s14 =	simm.s32 $0x1D00;
	[sflag:s29] =	ssyncadd.s32 $0xFFFFC000  }
0x349: {  	v0 =	vld [tilespmem:s14+$0xF0]  }
0x34a: {  	v1 =	vld [tilespmem:s14+$0xFFFFFF10]  }
0x34b: {  	v2 =	vld [tilespmem:s14+$0xFFFFFF20]  }
0x34c: {  	v3 =	vld [tilespmem:s14+$0xFFFFFF30]  }
0x34d: {  	v6 =	vld [tilespmem:s14+$0xFFFFFF60]  }
0x34e: {  	v4 =	vld [tilespmem:s14+$0xFFFFFF40]  }
0x34f: {  	v5 =	vld [tilespmem:s14+$0xFFFFFF50];
	v0 =	vmul.f32 $1.131370830e+01, v0  }
0x350: {  	v8 =	vld [tilespmem:s14+$0xFFFFFF80];
	v1 =	vmul.f32 $1.131370830e+01, v1  }
0x351: {  	v7 =	vld [tilespmem:s14+$0xFFFFFF70];
	v2 =	vmul.f32 $1.131370830e+01, v2;
	[tilespmem:s14+$0xF0] =	vst v0  }
0x352: {  	v6 =	vmul.f32 $1.131370830e+01, v6;
	v0 =	vld [tilespmem:s14+$0xFFFFFF90];
	[tilespmem:s14+$0xFFFFFF10] =	vst v1  }
0x353: {  	v1 =	vmul.f32 $1.131370830e+01, v3;
	v3 =	vld [tilespmem:s14+$0xFFFFFFA0];
	[tilespmem:s14+$0xFFFFFF20] =	vst v2;
	v2 =	vmul.f32 $1.131370830e+01, v4  }
0x354: {  	[tilespmem:s14+$0xFFFFFF60] =	vst v6;
	v6 =	vld [tilespmem:s14+$0xFFFFFFF0]  }
0x355: {  	v4 =	vld [tilespmem:s14+$0xFFFFFFB0];
	[tilespmem:s14+$0xFFFFFF40] =	vst v2;
	v2 =	vmul.f32 $1.131370830e+01, v8  }
0x356: {  	[tilespmem:s14+$0xFFFFFF30] =	vst v1;
	v1 =	vmul.f32 $1.131370830e+01, v5;
	v5 =	vld [tilespmem:s14+$0xFFFFFFC0]  }
0x357: {  	v8 =	vld [tilespmem:s14+$0xFFFFFFD0];
	[tilespmem:s14+$0xFFFFFF80] =	vst v2;
	v2 =	vmul.f32 $1.131370830e+01, v7  }
0x358: {  	[tilespmem:s14+$0xFFFFFF50] =	vst v1;
	v1 =	vld [tilespmem:s14+$0xFFFFFFE0];
	v0 =	vmul.f32 $1.131370830e+01, v0  }
0x359: {  	v7 =	vld [tilespmem:s14+$0x30];
	v6 =	vmul.f32 $1.131370830e+01, v6;
	[tilespmem:s14+$0xFFFFFF70] =	vst v2  }
0x35a: {  	v2 =	vmul.f32 $1.131370830e+01, v3;
	v3 =	vld [tilespmem:s14+$0x0];
	[tilespmem:s14+$0xFFFFFF90] =	vst v0  }
0x35b: {  	v0 =	vmul.f32 $1.131370830e+01, v4;
	v4 =	vld [tilespmem:s14+$0x10];
	[tilespmem:s14+$0xFFFFFFF0] =	vst v6  }
0x35c: {  	[tilespmem:s14+$0xFFFFFFA0] =	vst v2;
	v2 =	vmul.f32 $1.131370830e+01, v5;
	v5 =	vld [tilespmem:s14+$0x20]  }
0x35d: {  	v6 =	vld [tilespmem:s14+$0x80];
	[tilespmem:s14+$0xFFFFFFB0] =	vst v0;
	v0 =	vmul.f32 $1.131370830e+01, v8  }
0x35e: {  	v1 =	vmul.f32 $1.131370830e+01, v1;
	[tilespmem:s14+$0xFFFFFFC0] =	vst v2;
	v2 =	vld [tilespmem:s14+$0x40]  }
0x35f: {  	[tilespmem:s14+$0xFFFFFFD0] =	vst v0;
	v0 =	vmul.f32 $1.131370830e+01, v3  }
0x360: {  	v3 =	vld [tilespmem:s14+$0x50];
	[tilespmem:s14+$0xFFFFFFE0] =	vst v1;
	v4 =	vmul.f32 $1.131370830e+01, v4  }
0x361: {  	v1 =	vld [tilespmem:s14+$0x60];
	[tilespmem:s14+$0x0] =	vst v0;
	v0 =	vmul.f32 $1.131370830e+01, v5  }
0x362: {  	v6 =	vmul.f32 $1.131370830e+01, v6;
	v5 =	vld [tilespmem:s14+$0x70];
	[tilespmem:s14+$0x10] =	vst v4  }
0x363: {  	v4 =	vmul.f32 $1.131370830e+01, v7;
	v7 =	vld [tilespmem:s14+$0x90];
	[tilespmem:s14+$0x20] =	vst v0;
	v0 =	vmul.f32 $1.131370830e+01, v2  }
0x364: {  	v8 =	vld [tilespmem:s14+$0xA0];
	[tilespmem:s14+$0x80] =	vst v6  }
0x365: {  	v2 =	vmul.f32 $1.131370830e+01, v3;
	[tilespmem:s14+$0x40] =	vst v0;
	v0 =	vld [tilespmem:s14+$0xB0]  }
0x366: {  	[tilespmem:s14+$0x30] =	vst v4;
	v3 =	vmul.f32 $1.131370830e+01, v1;
	v1 =	vld [tilespmem:s14+$0xC0]  }
0x367: {  	[tilespmem:s14+$0x50] =	vst v2;
	v4 =	vmul.f32 $1.131370830e+01, v5;
	v2 =	vld [tilespmem:s14+$0xD0]  }
0x368: {  	[tilespmem:s14+$0x60] =	vst v3;
	v3 =	vld [tilespmem:s14+$0xE0];
	v5 =	vmul.f32 $1.131370830e+01, v7  }
0x369: {  	s15 =	simm.s32 $0x1F00;
	s6 =	simm.s32 $0x0;
	v6 =	vmul.f32 $1.131370830e+01, v8;
	[tilespmem:s14+$0x70] =	vst v4;
	v4 =	vld [tilespmem:s14+$0xFFFFFF00]  }
.LBB2_24:
0x36a: {  	v7 =	vld [tilespmem:s15+$0xF0];
	s6 =	sadd.s32 $0x4, s6;
	[tilespmem:s14+$0x90] =	vst v5;
	v0 =	vmul.f32 $1.131370830e+01, v0  }
0x36b: {  	v5 =	vld [tilespmem:s15+$0xFFFFFF10];
	p0 =	slt.u32 s6, $0x7C;
	[tilespmem:s14+$0xA0] =	vst v6;
	v1 =	vmul.f32 $1.131370830e+01, v1  }
0x36c: {  	v6 =	vld [tilespmem:s15+$0xFFFFFF20];
	[tilespmem:s14+$0xB0] =	vst v0;
	v0 =	vmul.f32 $1.131370830e+01, v2  }
0x36d: {  	v2 =	vld [tilespmem:s15+$0xFFFFFF30];
	[tilespmem:s14+$0xC0] =	vst v1;
	v1 =	vmul.f32 $1.131370830e+01, v3  }
0x36e: {  	v3 =	vld [tilespmem:s15+$0xFFFFFF40];
	v4 =	vmul.f32 $1.131370830e+01, v4;
	[tilespmem:s14+$0xD0] =	vst v0  }
0x36f: {  	v0 =	vld [tilespmem:s15+$0xFFFFFF50];
	v7 =	vmul.f32 $1.131370830e+01, v7;
	[tilespmem:s14+$0xE0] =	vst v1  }
0x370: {  	v1 =	vmul.f32 $1.131370830e+01, v5;
	v5 =	vld [tilespmem:s15+$0xFFFFFF60];
	[tilespmem:s14+$0xFFFFFF00] =	vst v4;
	s14 =	smov.u32 s15  }
0x371: {  	v4 =	vmul.f32 $1.131370830e+01, v6;
	v6 =	vld [tilespmem:s15+$0xFFFFFF70];
	[tilespmem:s15+$0xF0] =	vst v7  }
0x372: {  	[tilespmem:s15+$0xFFFFFF10] =	vst v1;
	v1 =	vmul.f32 $1.131370830e+01, v2;
	v2 =	vld [tilespmem:s15+$0xFFFFFF80]  }
0x373: {  	[tilespmem:s15+$0xFFFFFF20] =	vst v4;
	v3 =	vmul.f32 $1.131370830e+01, v3;
	v4 =	vld [tilespmem:s15+$0xFFFFFF90]  }
0x374: {  	[tilespmem:s15+$0xFFFFFF30] =	vst v1;
	v0 =	vmul.f32 $1.131370830e+01, v0;
	v1 =	vld [tilespmem:s15+$0xFFFFFFA0]  }
0x375: {  	[tilespmem:s15+$0xFFFFFF40] =	vst v3;
	v3 =	vmul.f32 $1.131370830e+01, v5;
	v5 =	vld [tilespmem:s15+$0xFFFFFFB0]  }
0x376: {  	[tilespmem:s15+$0xFFFFFF50] =	vst v0;
	v0 =	vmul.f32 $1.131370830e+01, v6;
	v6 =	vld [tilespmem:s15+$0xFFFFFFC0]  }
0x377: {  	[tilespmem:s15+$0xFFFFFF60] =	vst v3;
	v2 =	vmul.f32 $1.131370830e+01, v2;
	v3 =	vld [tilespmem:s15+$0xFFFFFFD0]  }
0x378: {  	[tilespmem:s15+$0xFFFFFF70] =	vst v0;
	v0 =	vmul.f32 $1.131370830e+01, v4;
	v4 =	vld [tilespmem:s15+$0xFFFFFFE0]  }
0x379: {  	[tilespmem:s15+$0xFFFFFF80] =	vst v2;
	v1 =	vmul.f32 $1.131370830e+01, v1;
	v2 =	vld [tilespmem:s15+$0xFFFFFFF0]  }
0x37a: {  	[tilespmem:s15+$0xFFFFFF90] =	vst v0;
	v0 =	vmul.f32 $1.131370830e+01, v5;
	v5 =	vld [tilespmem:s15+$0x0]  }
0x37b: {  	[tilespmem:s15+$0xFFFFFFA0] =	vst v1;
	v1 =	vmul.f32 $1.131370830e+01, v6;
	v6 =	vld [tilespmem:s15+$0x10]  }
0x37c: {  	[tilespmem:s15+$0xFFFFFFB0] =	vst v0;
	v0 =	vmul.f32 $1.131370830e+01, v3;
	v3 =	vld [tilespmem:s15+$0x20]  }
0x37d: {  	[tilespmem:s15+$0xFFFFFFC0] =	vst v1;
	v1 =	vmul.f32 $1.131370830e+01, v4;
	v4 =	vld [tilespmem:s15+$0x30]  }
0x37e: {  	[tilespmem:s15+$0xFFFFFFD0] =	vst v0;
	v0 =	vmul.f32 $1.131370830e+01, v2;
	v2 =	vld [tilespmem:s15+$0x40]  }
0x37f: {  	[tilespmem:s15+$0xFFFFFFE0] =	vst v1;
	v1 =	vmul.f32 $1.131370830e+01, v5;
	v5 =	vld [tilespmem:s15+$0x50]  }
0x380: {  	[tilespmem:s15+$0xFFFFFFF0] =	vst v0;
	v0 =	vmul.f32 $1.131370830e+01, v6;
	v6 =	vld [tilespmem:s15+$0x60]  }
0x381: {  	[tilespmem:s15+$0x0] =	vst v1;
	v1 =	vmul.f32 $1.131370830e+01, v3;
	v3 =	vld [tilespmem:s15+$0x70]  }
0x382: {  	[tilespmem:s15+$0x10] =	vst v0;
	v0 =	vmul.f32 $1.131370830e+01, v4;
	v4 =	vld [tilespmem:s15+$0x80]  }
0x383: {  	[tilespmem:s15+$0x20] =	vst v1;
	v1 =	vmul.f32 $1.131370830e+01, v2;
	v7 =	vld [tilespmem:s15+$0x90]  }
0x384: {  	[tilespmem:s15+$0x30] =	vst v0;
	v2 =	vmul.f32 $1.131370830e+01, v5;
	v8 =	vld [tilespmem:s15+$0xA0]  }
.Ltmp11:
0x385: {  	[tilespmem:s15+$0x40] =	vst v1;
	v5 =	vmul.f32 $1.131370830e+01, v6;
	v0 =	vld [tilespmem:s15+$0xB0];
	(pc) =	sbr.rel @p0 .LBB2_24-.Ltmp11, $4  }
0x386: {  	[tilespmem:s15+$0x50] =	vst v2;
	v3 =	vmul.f32 $1.131370830e+01, v3;
	v1 =	vld [tilespmem:s15+$0xC0]  }
0x387: {  	[tilespmem:s15+$0x60] =	vst v5;
	v6 =	vmul.f32 $1.131370830e+01, v4;
	v2 =	vld [tilespmem:s15+$0xD0]  }
0x388: {  	[tilespmem:s15+$0x70] =	vst v3;
	v5 =	vmul.f32 $1.131370830e+01, v7;
	v3 =	vld [tilespmem:s15+$0xE0]  }
0x389: {  	s15 =	sadd.s32 $0x200, s15;
	v4 =	vld [tilespmem:s14+$0xFFFFFF00];
	[tilespmem:s14+$0x80] =	vst v6;
	v6 =	vmul.f32 $1.131370830e+01, v8  }
0x38a: {  	[tilespmem:s14+$0x90] =	vst v5;
	v0 =	vmul.f32 $1.131370830e+01, v0  }
0x38b: {  	[tilespmem:s14+$0xA0] =	vst v6;
	v1 =	vmul.f32 $1.131370830e+01, v1  }
0x38c: {  	[tilespmem:s14+$0xB0] =	vst v0;
	v0 =	vmul.f32 $1.131370830e+01, v2  }
0x38d: {  	[tilespmem:s14+$0xC0] =	vst v1;
	v1 =	vmul.f32 $1.131370830e+01, v3  }
0x38e: {  	v2 =	vmul.f32 $1.131370830e+01, v4;
	[tilespmem:s14+$0xD0] =	vst v0  }
0x38f: {  	[tilespmem:s14+$0xE0] =	vst v1  }
0x390: {  	[tilespmem:s14+$0xFFFFFF00] =	vst v2  }
0x391: {  	s6 =	rddreg [dreg:$0xa]  }
0x392: {  	[hbm4b:s6+s4] =	stream.linear.scatter [tilespmem:s22], [sflag:$0x6], $0x4000, $0x38;
	[tilespmem:$0x15C00] =	vst v63  }
0x393: {  	_ =	swait.ge [sflag:s10], $0x4000  }
0x394: {  	[sflag:s10] =	ssyncset.done $0x0  }
0x395: {  	s20 =	simm.s32 $0x1880;
	[sflag:s10] =	ssyncadd.s32 $0xFFFFC000  }
0x396: {  	[tilespmem:s31], [sflag:$0x5] =	stream.indirect.gather [hbm4b:s2+s21], $0x80, s20, s21, $0xb8;
	[tilespmem:$0x15C00] =	vst v63  }
0x397: {  	_ =	swait.ge [sflag:s1], $0x4000  }
0x398: {  	[sflag:s1] =	ssyncset.done $0x0  }
0x399: {  	s14 =	simm.s32 $0x5C00;
	[sflag:s1] =	ssyncadd.s32 $0xFFFFC000  }
0x39a: {  	v0 =	vld [tilespmem:s14+$0x1F0]  }
0x39b: {  	v1 =	vld [tilespmem:s14+$0x10]  }
0x39c: {  	v2 =	vld [tilespmem:s14+$0x20]  }
0x39d: {  	v3 =	vld [tilespmem:s14+$0x30]  }
0x39e: {  	v6 =	vld [tilespmem:s14+$0x60]  }
0x39f: {  	v4 =	vld [tilespmem:s14+$0x40]  }
0x3a0: {  	v5 =	vld [tilespmem:s14+$0x50];
	v0 =	vmul.f32 $1.131370830e+01, v0  }
0x3a1: {  	v8 =	vld [tilespmem:s14+$0x80];
	v1 =	vmul.f32 $1.131370830e+01, v1  }
0x3a2: {  	v7 =	vld [tilespmem:s14+$0x70];
	v2 =	vmul.f32 $1.131370830e+01, v2;
	[tilespmem:s14+$0x1F0] =	vst v0  }
0x3a3: {  	v6 =	vmul.f32 $1.131370830e+01, v6;
	v0 =	vld [tilespmem:s14+$0x90];
	[tilespmem:s14+$0x10] =	vst v1  }
0x3a4: {  	v1 =	vmul.f32 $1.131370830e+01, v3;
	v3 =	vld [tilespmem:s14+$0xA0];
	[tilespmem:s14+$0x20] =	vst v2;
	v2 =	vmul.f32 $1.131370830e+01, v4  }
0x3a5: {  	[tilespmem:s14+$0x60] =	vst v6;
	v6 =	vld [tilespmem:s14+$0xF0]  }
0x3a6: {  	v4 =	vld [tilespmem:s14+$0xB0];
	[tilespmem:s14+$0x40] =	vst v2;
	v2 =	vmul.f32 $1.131370830e+01, v8  }
0x3a7: {  	[tilespmem:s14+$0x30] =	vst v1;
	v1 =	vmul.f32 $1.131370830e+01, v5;
	v5 =	vld [tilespmem:s14+$0xC0]  }
0x3a8: {  	v8 =	vld [tilespmem:s14+$0xD0];
	[tilespmem:s14+$0x80] =	vst v2;
	v2 =	vmul.f32 $1.131370830e+01, v7  }
0x3a9: {  	[tilespmem:s14+$0x50] =	vst v1;
	v1 =	vld [tilespmem:s14+$0xE0];
	v0 =	vmul.f32 $1.131370830e+01, v0  }
0x3aa: {  	v7 =	vld [tilespmem:s14+$0x130];
	v6 =	vmul.f32 $1.131370830e+01, v6;
	[tilespmem:s14+$0x70] =	vst v2  }
0x3ab: {  	v2 =	vmul.f32 $1.131370830e+01, v3;
	v3 =	vld [tilespmem:s14+$0x100];
	[tilespmem:s14+$0x90] =	vst v0  }
0x3ac: {  	v0 =	vmul.f32 $1.131370830e+01, v4;
	v4 =	vld [tilespmem:s14+$0x110];
	[tilespmem:s14+$0xF0] =	vst v6  }
0x3ad: {  	[tilespmem:s14+$0xA0] =	vst v2;
	v2 =	vmul.f32 $1.131370830e+01, v5;
	v5 =	vld [tilespmem:s14+$0x120]  }
0x3ae: {  	v6 =	vld [tilespmem:s14+$0x180];
	[tilespmem:s14+$0xB0] =	vst v0;
	v0 =	vmul.f32 $1.131370830e+01, v8  }
0x3af: {  	v1 =	vmul.f32 $1.131370830e+01, v1;
	[tilespmem:s14+$0xC0] =	vst v2;
	v2 =	vld [tilespmem:s14+$0x140]  }
0x3b0: {  	[tilespmem:s14+$0xD0] =	vst v0;
	v0 =	vmul.f32 $1.131370830e+01, v3  }
0x3b1: {  	v3 =	vld [tilespmem:s14+$0x150];
	[tilespmem:s14+$0xE0] =	vst v1;
	v4 =	vmul.f32 $1.131370830e+01, v4  }
0x3b2: {  	v1 =	vld [tilespmem:s14+$0x160];
	[tilespmem:s14+$0x100] =	vst v0;
	v0 =	vmul.f32 $1.131370830e+01, v5  }
0x3b3: {  	v6 =	vmul.f32 $1.131370830e+01, v6;
	v5 =	vld [tilespmem:s14+$0x170];
	[tilespmem:s14+$0x110] =	vst v4  }
0x3b4: {  	v4 =	vmul.f32 $1.131370830e+01, v7;
	v7 =	vld [tilespmem:s14+$0x190];
	[tilespmem:s14+$0x120] =	vst v0;
	v0 =	vmul.f32 $1.131370830e+01, v2  }
0x3b5: {  	v8 =	vld [tilespmem:s14+$0x1A0];
	[tilespmem:s14+$0x180] =	vst v6  }
0x3b6: {  	v2 =	vmul.f32 $1.131370830e+01, v3;
	[tilespmem:s14+$0x140] =	vst v0;
	v0 =	vld [tilespmem:s14+$0x1B0]  }
0x3b7: {  	[tilespmem:s14+$0x130] =	vst v4;
	v3 =	vmul.f32 $1.131370830e+01, v1;
	v1 =	vld [tilespmem:s14+$0x1C0]  }
0x3b8: {  	[tilespmem:s14+$0x150] =	vst v2;
	v4 =	vmul.f32 $1.131370830e+01, v5;
	v2 =	vld [tilespmem:s14+$0x1D0]  }
0x3b9: {  	[tilespmem:s14+$0x160] =	vst v3;
	v3 =	vld [tilespmem:s14+$0x1E0];
	v5 =	vmul.f32 $1.131370830e+01, v7  }
0x3ba: {  	s15 =	simm.s32 $0x5E00;
	s6 =	simm.s32 $0x0;
	v6 =	vmul.f32 $1.131370830e+01, v8;
	[tilespmem:s14+$0x170] =	vst v4;
	v4 =	vld [tilespmem:s14+$0x0]  }
.LBB2_26:
0x3bb: {  	v7 =	vld [tilespmem:s15+$0x1F0];
	s6 =	sadd.s32 $0x4, s6;
	[tilespmem:s14+$0x190] =	vst v5;
	v0 =	vmul.f32 $1.131370830e+01, v0  }
0x3bc: {  	v5 =	vld [tilespmem:s15+$0x10];
	p0 =	slt.u32 s6, $0x7C;
	[tilespmem:s14+$0x1A0] =	vst v6;
	v1 =	vmul.f32 $1.131370830e+01, v1  }
0x3bd: {  	v6 =	vld [tilespmem:s15+$0x20];
	[tilespmem:s14+$0x1B0] =	vst v0;
	v0 =	vmul.f32 $1.131370830e+01, v2  }
0x3be: {  	v2 =	vld [tilespmem:s15+$0x30];
	[tilespmem:s14+$0x1C0] =	vst v1;
	v1 =	vmul.f32 $1.131370830e+01, v3  }
0x3bf: {  	v3 =	vld [tilespmem:s15+$0x40];
	v4 =	vmul.f32 $1.131370830e+01, v4;
	[tilespmem:s14+$0x1D0] =	vst v0  }
0x3c0: {  	v0 =	vld [tilespmem:s15+$0x50];
	v7 =	vmul.f32 $1.131370830e+01, v7;
	[tilespmem:s14+$0x1E0] =	vst v1  }
0x3c1: {  	v1 =	vmul.f32 $1.131370830e+01, v5;
	v5 =	vld [tilespmem:s15+$0x60];
	[tilespmem:s14+$0x0] =	vst v4;
	s14 =	smov.u32 s15  }
0x3c2: {  	v4 =	vmul.f32 $1.131370830e+01, v6;
	v6 =	vld [tilespmem:s15+$0x70];
	[tilespmem:s15+$0x1F0] =	vst v7  }
0x3c3: {  	[tilespmem:s15+$0x10] =	vst v1;
	v1 =	vmul.f32 $1.131370830e+01, v2;
	v2 =	vld [tilespmem:s15+$0x80]  }
0x3c4: {  	[tilespmem:s15+$0x20] =	vst v4;
	v3 =	vmul.f32 $1.131370830e+01, v3;
	v4 =	vld [tilespmem:s15+$0x90]  }
0x3c5: {  	[tilespmem:s15+$0x30] =	vst v1;
	v0 =	vmul.f32 $1.131370830e+01, v0;
	v1 =	vld [tilespmem:s15+$0xA0]  }
0x3c6: {  	[tilespmem:s15+$0x40] =	vst v3;
	v3 =	vmul.f32 $1.131370830e+01, v5;
	v5 =	vld [tilespmem:s15+$0xB0]  }
0x3c7: {  	[tilespmem:s15+$0x50] =	vst v0;
	v0 =	vmul.f32 $1.131370830e+01, v6;
	v6 =	vld [tilespmem:s15+$0xC0]  }
0x3c8: {  	[tilespmem:s15+$0x60] =	vst v3;
	v2 =	vmul.f32 $1.131370830e+01, v2;
	v3 =	vld [tilespmem:s15+$0xD0]  }
0x3c9: {  	[tilespmem:s15+$0x70] =	vst v0;
	v0 =	vmul.f32 $1.131370830e+01, v4;
	v4 =	vld [tilespmem:s15+$0xE0]  }
0x3ca: {  	[tilespmem:s15+$0x80] =	vst v2;
	v1 =	vmul.f32 $1.131370830e+01, v1;
	v2 =	vld [tilespmem:s15+$0xF0]  }
0x3cb: {  	[tilespmem:s15+$0x90] =	vst v0;
	v0 =	vmul.f32 $1.131370830e+01, v5;
	v5 =	vld [tilespmem:s15+$0x100]  }
0x3cc: {  	[tilespmem:s15+$0xA0] =	vst v1;
	v1 =	vmul.f32 $1.131370830e+01, v6;
	v6 =	vld [tilespmem:s15+$0x110]  }
0x3cd: {  	[tilespmem:s15+$0xB0] =	vst v0;
	v0 =	vmul.f32 $1.131370830e+01, v3;
	v3 =	vld [tilespmem:s15+$0x120]  }
0x3ce: {  	[tilespmem:s15+$0xC0] =	vst v1;
	v1 =	vmul.f32 $1.131370830e+01, v4;
	v4 =	vld [tilespmem:s15+$0x130]  }
0x3cf: {  	[tilespmem:s15+$0xD0] =	vst v0;
	v0 =	vmul.f32 $1.131370830e+01, v2;
	v2 =	vld [tilespmem:s15+$0x140]  }
0x3d0: {  	[tilespmem:s15+$0xE0] =	vst v1;
	v1 =	vmul.f32 $1.131370830e+01, v5;
	v5 =	vld [tilespmem:s15+$0x150]  }
0x3d1: {  	[tilespmem:s15+$0xF0] =	vst v0;
	v0 =	vmul.f32 $1.131370830e+01, v6;
	v6 =	vld [tilespmem:s15+$0x160]  }
0x3d2: {  	[tilespmem:s15+$0x100] =	vst v1;
	v1 =	vmul.f32 $1.131370830e+01, v3;
	v3 =	vld [tilespmem:s15+$0x170]  }
0x3d3: {  	[tilespmem:s15+$0x110] =	vst v0;
	v0 =	vmul.f32 $1.131370830e+01, v4;
	v4 =	vld [tilespmem:s15+$0x180]  }
0x3d4: {  	[tilespmem:s15+$0x120] =	vst v1;
	v1 =	vmul.f32 $1.131370830e+01, v2;
	v7 =	vld [tilespmem:s15+$0x190]  }
0x3d5: {  	[tilespmem:s15+$0x130] =	vst v0;
	v2 =	vmul.f32 $1.131370830e+01, v5;
	v8 =	vld [tilespmem:s15+$0x1A0]  }
.Ltmp12:
0x3d6: {  	[tilespmem:s15+$0x140] =	vst v1;
	v5 =	vmul.f32 $1.131370830e+01, v6;
	v0 =	vld [tilespmem:s15+$0x1B0];
	(pc) =	sbr.rel @p0 .LBB2_26-.Ltmp12, $4  }
0x3d7: {  	[tilespmem:s15+$0x150] =	vst v2;
	v3 =	vmul.f32 $1.131370830e+01, v3;
	v1 =	vld [tilespmem:s15+$0x1C0]  }
0x3d8: {  	[tilespmem:s15+$0x160] =	vst v5;
	v6 =	vmul.f32 $1.131370830e+01, v4;
	v2 =	vld [tilespmem:s15+$0x1D0]  }
0x3d9: {  	[tilespmem:s15+$0x170] =	vst v3;
	v5 =	vmul.f32 $1.131370830e+01, v7;
	v3 =	vld [tilespmem:s15+$0x1E0]  }
0x3da: {  	s15 =	sadd.s32 $0x200, s15;
	v4 =	vld [tilespmem:s14+$0x0];
	[tilespmem:s14+$0x180] =	vst v6;
	v6 =	vmul.f32 $1.131370830e+01, v8  }
0x3db: {  	[tilespmem:s14+$0x190] =	vst v5;
	v0 =	vmul.f32 $1.131370830e+01, v0  }
0x3dc: {  	[tilespmem:s14+$0x1A0] =	vst v6;
	v1 =	vmul.f32 $1.131370830e+01, v1  }
0x3dd: {  	[tilespmem:s14+$0x1B0] =	vst v0;
	v0 =	vmul.f32 $1.131370830e+01, v2  }
0x3de: {  	[tilespmem:s14+$0x1C0] =	vst v1;
	v1 =	vmul.f32 $1.131370830e+01, v3  }
0x3df: {  	v2 =	vmul.f32 $1.131370830e+01, v4;
	[tilespmem:s14+$0x1D0] =	vst v0  }
0x3e0: {  	[tilespmem:s14+$0x1E0] =	vst v1  }
0x3e1: {  	[tilespmem:s14+$0x0] =	vst v2  }
0x3e2: {  	s6 =	rddreg [dreg:$0xb]  }
0x3e3: {  	[hbm4b:s6+s4] =	stream.linear.scatter [tilespmem:s23], [sflag:$0x7], $0x4000, $0x38;
	[tilespmem:$0x15C00] =	vst v63  }
0x3e4: {  	_ =	swait.ge [sflag:s26], $0x4000  }
0x3e5: {  	[sflag:s26] =	ssyncset.done $0x0  }
0x3e6: {  	s14 =	simm.s32 $0x9C00;
	[sflag:s26] =	ssyncadd.s32 $0xFFFFC000  }
0x3e7: {  	v0 =	vld [tilespmem:s14+$0x1F0]  }
0x3e8: {  	v1 =	vld [tilespmem:s14+$0x10]  }
0x3e9: {  	v2 =	vld [tilespmem:s14+$0x20]  }
0x3ea: {  	v3 =	vld [tilespmem:s14+$0x30]  }
0x3eb: {  	v6 =	vld [tilespmem:s14+$0x60]  }
0x3ec: {  	v4 =	vld [tilespmem:s14+$0x40]  }
0x3ed: {  	v5 =	vld [tilespmem:s14+$0x50];
	v0 =	vmul.f32 $1.131370830e+01, v0  }
0x3ee: {  	v8 =	vld [tilespmem:s14+$0x80];
	v1 =	vmul.f32 $1.131370830e+01, v1  }
0x3ef: {  	v7 =	vld [tilespmem:s14+$0x70];
	v2 =	vmul.f32 $1.131370830e+01, v2;
	[tilespmem:s14+$0x1F0] =	vst v0  }
0x3f0: {  	v6 =	vmul.f32 $1.131370830e+01, v6;
	v0 =	vld [tilespmem:s14+$0x90];
	[tilespmem:s14+$0x10] =	vst v1  }
0x3f1: {  	v1 =	vmul.f32 $1.131370830e+01, v3;
	v3 =	vld [tilespmem:s14+$0xA0];
	[tilespmem:s14+$0x20] =	vst v2;
	v2 =	vmul.f32 $1.131370830e+01, v4  }
0x3f2: {  	[tilespmem:s14+$0x60] =	vst v6;
	v6 =	vld [tilespmem:s14+$0xF0]  }
0x3f3: {  	v4 =	vld [tilespmem:s14+$0xB0];
	[tilespmem:s14+$0x40] =	vst v2;
	v2 =	vmul.f32 $1.131370830e+01, v8  }
0x3f4: {  	[tilespmem:s14+$0x30] =	vst v1;
	v1 =	vmul.f32 $1.131370830e+01, v5;
	v5 =	vld [tilespmem:s14+$0xC0]  }
0x3f5: {  	v8 =	vld [tilespmem:s14+$0xD0];
	[tilespmem:s14+$0x80] =	vst v2;
	v2 =	vmul.f32 $1.131370830e+01, v7  }
0x3f6: {  	[tilespmem:s14+$0x50] =	vst v1;
	v1 =	vld [tilespmem:s14+$0xE0];
	v0 =	vmul.f32 $1.131370830e+01, v0  }
0x3f7: {  	v7 =	vld [tilespmem:s14+$0x130];
	v6 =	vmul.f32 $1.131370830e+01, v6;
	[tilespmem:s14+$0x70] =	vst v2  }
0x3f8: {  	v2 =	vmul.f32 $1.131370830e+01, v3;
	v3 =	vld [tilespmem:s14+$0x100];
	[tilespmem:s14+$0x90] =	vst v0  }
0x3f9: {  	v0 =	vmul.f32 $1.131370830e+01, v4;
	v4 =	vld [tilespmem:s14+$0x110];
	[tilespmem:s14+$0xF0] =	vst v6  }
0x3fa: {  	[tilespmem:s14+$0xA0] =	vst v2;
	v2 =	vmul.f32 $1.131370830e+01, v5;
	v5 =	vld [tilespmem:s14+$0x120]  }
0x3fb: {  	v6 =	vld [tilespmem:s14+$0x180];
	[tilespmem:s14+$0xB0] =	vst v0;
	v0 =	vmul.f32 $1.131370830e+01, v8  }
0x3fc: {  	v1 =	vmul.f32 $1.131370830e+01, v1;
	[tilespmem:s14+$0xC0] =	vst v2;
	v2 =	vld [tilespmem:s14+$0x140]  }
0x3fd: {  	[tilespmem:s14+$0xD0] =	vst v0;
	v0 =	vmul.f32 $1.131370830e+01, v3  }
0x3fe: {  	v3 =	vld [tilespmem:s14+$0x150];
	[tilespmem:s14+$0xE0] =	vst v1;
	v4 =	vmul.f32 $1.131370830e+01, v4  }
0x3ff: {  	v1 =	vld [tilespmem:s14+$0x160];
	[tilespmem:s14+$0x100] =	vst v0;
	v0 =	vmul.f32 $1.131370830e+01, v5  }
0x400: {  	v6 =	vmul.f32 $1.131370830e+01, v6;
	v5 =	vld [tilespmem:s14+$0x170];
	[tilespmem:s14+$0x110] =	vst v4  }
0x401: {  	v4 =	vmul.f32 $1.131370830e+01, v7;
	v7 =	vld [tilespmem:s14+$0x190];
	[tilespmem:s14+$0x120] =	vst v0;
	v0 =	vmul.f32 $1.131370830e+01, v2  }
0x402: {  	v8 =	vld [tilespmem:s14+$0x1A0];
	[tilespmem:s14+$0x180] =	vst v6  }
0x403: {  	v2 =	vmul.f32 $1.131370830e+01, v3;
	[tilespmem:s14+$0x140] =	vst v0;
	v0 =	vld [tilespmem:s14+$0x1B0]  }
0x404: {  	[tilespmem:s14+$0x130] =	vst v4;
	v3 =	vmul.f32 $1.131370830e+01, v1;
	v1 =	vld [tilespmem:s14+$0x1C0]  }
0x405: {  	[tilespmem:s14+$0x150] =	vst v2;
	v4 =	vmul.f32 $1.131370830e+01, v5;
	v2 =	vld [tilespmem:s14+$0x1D0]  }
0x406: {  	[tilespmem:s14+$0x160] =	vst v3;
	v3 =	vld [tilespmem:s14+$0x1E0];
	v5 =	vmul.f32 $1.131370830e+01, v7  }
0x407: {  	s15 =	simm.s32 $0x9E00;
	s6 =	simm.s32 $0x0;
	v6 =	vmul.f32 $1.131370830e+01, v8;
	[tilespmem:s14+$0x170] =	vst v4;
	v4 =	vld [tilespmem:s14+$0x0]  }
.LBB2_28:
0x408: {  	v7 =	vld [tilespmem:s15+$0x1F0];
	s6 =	sadd.s32 $0x4, s6;
	[tilespmem:s14+$0x190] =	vst v5;
	v0 =	vmul.f32 $1.131370830e+01, v0  }
0x409: {  	v5 =	vld [tilespmem:s15+$0x10];
	p0 =	slt.u32 s6, $0x7C;
	[tilespmem:s14+$0x1A0] =	vst v6;
	v1 =	vmul.f32 $1.131370830e+01, v1  }
0x40a: {  	v6 =	vld [tilespmem:s15+$0x20];
	[tilespmem:s14+$0x1B0] =	vst v0;
	v0 =	vmul.f32 $1.131370830e+01, v2  }
0x40b: {  	v2 =	vld [tilespmem:s15+$0x30];
	[tilespmem:s14+$0x1C0] =	vst v1;
	v1 =	vmul.f32 $1.131370830e+01, v3  }
0x40c: {  	v3 =	vld [tilespmem:s15+$0x40];
	v4 =	vmul.f32 $1.131370830e+01, v4;
	[tilespmem:s14+$0x1D0] =	vst v0  }
0x40d: {  	v0 =	vld [tilespmem:s15+$0x50];
	v7 =	vmul.f32 $1.131370830e+01, v7;
	[tilespmem:s14+$0x1E0] =	vst v1  }
0x40e: {  	v1 =	vmul.f32 $1.131370830e+01, v5;
	v5 =	vld [tilespmem:s15+$0x60];
	[tilespmem:s14+$0x0] =	vst v4;
	s14 =	smov.u32 s15  }
0x40f: {  	v4 =	vmul.f32 $1.131370830e+01, v6;
	v6 =	vld [tilespmem:s15+$0x70];
	[tilespmem:s15+$0x1F0] =	vst v7  }
0x410: {  	[tilespmem:s15+$0x10] =	vst v1;
	v1 =	vmul.f32 $1.131370830e+01, v2;
	v2 =	vld [tilespmem:s15+$0x80]  }
0x411: {  	[tilespmem:s15+$0x20] =	vst v4;
	v3 =	vmul.f32 $1.131370830e+01, v3;
	v4 =	vld [tilespmem:s15+$0x90]  }
0x412: {  	[tilespmem:s15+$0x30] =	vst v1;
	v0 =	vmul.f32 $1.131370830e+01, v0;
	v1 =	vld [tilespmem:s15+$0xA0]  }
0x413: {  	[tilespmem:s15+$0x40] =	vst v3;
	v3 =	vmul.f32 $1.131370830e+01, v5;
	v5 =	vld [tilespmem:s15+$0xB0]  }
0x414: {  	[tilespmem:s15+$0x50] =	vst v0;
	v0 =	vmul.f32 $1.131370830e+01, v6;
	v6 =	vld [tilespmem:s15+$0xC0]  }
0x415: {  	[tilespmem:s15+$0x60] =	vst v3;
	v2 =	vmul.f32 $1.131370830e+01, v2;
	v3 =	vld [tilespmem:s15+$0xD0]  }
0x416: {  	[tilespmem:s15+$0x70] =	vst v0;
	v0 =	vmul.f32 $1.131370830e+01, v4;
	v4 =	vld [tilespmem:s15+$0xE0]  }
0x417: {  	[tilespmem:s15+$0x80] =	vst v2;
	v1 =	vmul.f32 $1.131370830e+01, v1;
	v2 =	vld [tilespmem:s15+$0xF0]  }
0x418: {  	[tilespmem:s15+$0x90] =	vst v0;
	v0 =	vmul.f32 $1.131370830e+01, v5;
	v5 =	vld [tilespmem:s15+$0x100]  }
0x419: {  	[tilespmem:s15+$0xA0] =	vst v1;
	v1 =	vmul.f32 $1.131370830e+01, v6;
	v6 =	vld [tilespmem:s15+$0x110]  }
0x41a: {  	[tilespmem:s15+$0xB0] =	vst v0;
	v0 =	vmul.f32 $1.131370830e+01, v3;
	v3 =	vld [tilespmem:s15+$0x120]  }
0x41b: {  	[tilespmem:s15+$0xC0] =	vst v1;
	v1 =	vmul.f32 $1.131370830e+01, v4;
	v4 =	vld [tilespmem:s15+$0x130]  }
0x41c: {  	[tilespmem:s15+$0xD0] =	vst v0;
	v0 =	vmul.f32 $1.131370830e+01, v2;
	v2 =	vld [tilespmem:s15+$0x140]  }
0x41d: {  	[tilespmem:s15+$0xE0] =	vst v1;
	v1 =	vmul.f32 $1.131370830e+01, v5;
	v5 =	vld [tilespmem:s15+$0x150]  }
0x41e: {  	[tilespmem:s15+$0xF0] =	vst v0;
	v0 =	vmul.f32 $1.131370830e+01, v6;
	v6 =	vld [tilespmem:s15+$0x160]  }
0x41f: {  	[tilespmem:s15+$0x100] =	vst v1;
	v1 =	vmul.f32 $1.131370830e+01, v3;
	v3 =	vld [tilespmem:s15+$0x170]  }
0x420: {  	[tilespmem:s15+$0x110] =	vst v0;
	v0 =	vmul.f32 $1.131370830e+01, v4;
	v4 =	vld [tilespmem:s15+$0x180]  }
0x421: {  	[tilespmem:s15+$0x120] =	vst v1;
	v1 =	vmul.f32 $1.131370830e+01, v2;
	v7 =	vld [tilespmem:s15+$0x190]  }
0x422: {  	[tilespmem:s15+$0x130] =	vst v0;
	v2 =	vmul.f32 $1.131370830e+01, v5;
	v8 =	vld [tilespmem:s15+$0x1A0]  }
.Ltmp13:
0x423: {  	[tilespmem:s15+$0x140] =	vst v1;
	v5 =	vmul.f32 $1.131370830e+01, v6;
	v0 =	vld [tilespmem:s15+$0x1B0];
	(pc) =	sbr.rel @p0 .LBB2_28-.Ltmp13, $4  }
0x424: {  	[tilespmem:s15+$0x150] =	vst v2;
	v3 =	vmul.f32 $1.131370830e+01, v3;
	v1 =	vld [tilespmem:s15+$0x1C0]  }
0x425: {  	[tilespmem:s15+$0x160] =	vst v5;
	v6 =	vmul.f32 $1.131370830e+01, v4;
	v2 =	vld [tilespmem:s15+$0x1D0]  }
0x426: {  	[tilespmem:s15+$0x170] =	vst v3;
	v5 =	vmul.f32 $1.131370830e+01, v7;
	v3 =	vld [tilespmem:s15+$0x1E0]  }
0x427: {  	s15 =	sadd.s32 $0x200, s15;
	v4 =	vld [tilespmem:s14+$0x0];
	[tilespmem:s14+$0x180] =	vst v6;
	v6 =	vmul.f32 $1.131370830e+01, v8  }
0x428: {  	[tilespmem:s14+$0x190] =	vst v5;
	v0 =	vmul.f32 $1.131370830e+01, v0  }
0x429: {  	[tilespmem:s14+$0x1A0] =	vst v6;
	v1 =	vmul.f32 $1.131370830e+01, v1  }
0x42a: {  	[tilespmem:s14+$0x1B0] =	vst v0;
	v0 =	vmul.f32 $1.131370830e+01, v2  }
0x42b: {  	[tilespmem:s14+$0x1C0] =	vst v1;
	v1 =	vmul.f32 $1.131370830e+01, v3  }
0x42c: {  	v2 =	vmul.f32 $1.131370830e+01, v4;
	[tilespmem:s14+$0x1D0] =	vst v0  }
0x42d: {  	[tilespmem:s14+$0x1E0] =	vst v1  }
0x42e: {  	[tilespmem:s14+$0x0] =	vst v2  }
0x42f: {  	s6 =	rddreg [dreg:$0xc]  }
0x430: {  	[hbm4b:s6+s4] =	stream.linear.scatter [tilespmem:s25], [sflag:$0x8], $0x4000, $0x38;
	[tilespmem:$0x15C00] =	vst v63  }
0x431: {  	_ =	swait.ge [sflag:s24], $0x4000  }
0x432: {  	[sflag:s24] =	ssyncset.done $0x0  }
0x433: {  	s14 =	simm.s32 $0xDC00;
	[sflag:s24] =	ssyncadd.s32 $0xFFFFC000  }
0x434: {  	v0 =	vld [tilespmem:s14+$0x1F0]  }
0x435: {  	v1 =	vld [tilespmem:s14+$0x10]  }
0x436: {  	v2 =	vld [tilespmem:s14+$0x20]  }
0x437: {  	v3 =	vld [tilespmem:s14+$0x30]  }
0x438: {  	v6 =	vld [tilespmem:s14+$0x60]  }
0x439: {  	v4 =	vld [tilespmem:s14+$0x40]  }
0x43a: {  	v5 =	vld [tilespmem:s14+$0x50];
	v0 =	vmul.f32 $1.131370830e+01, v0  }
0x43b: {  	v8 =	vld [tilespmem:s14+$0x80];
	v1 =	vmul.f32 $1.131370830e+01, v1  }
0x43c: {  	v7 =	vld [tilespmem:s14+$0x70];
	v2 =	vmul.f32 $1.131370830e+01, v2;
	[tilespmem:s14+$0x1F0] =	vst v0  }
0x43d: {  	v6 =	vmul.f32 $1.131370830e+01, v6;
	v0 =	vld [tilespmem:s14+$0x90];
	[tilespmem:s14+$0x10] =	vst v1  }
0x43e: {  	v1 =	vmul.f32 $1.131370830e+01, v3;
	v3 =	vld [tilespmem:s14+$0xA0];
	[tilespmem:s14+$0x20] =	vst v2;
	v2 =	vmul.f32 $1.131370830e+01, v4  }
0x43f: {  	[tilespmem:s14+$0x60] =	vst v6;
	v6 =	vld [tilespmem:s14+$0xF0]  }
0x440: {  	v4 =	vld [tilespmem:s14+$0xB0];
	[tilespmem:s14+$0x40] =	vst v2;
	v2 =	vmul.f32 $1.131370830e+01, v8  }
0x441: {  	[tilespmem:s14+$0x30] =	vst v1;
	v1 =	vmul.f32 $1.131370830e+01, v5;
	v5 =	vld [tilespmem:s14+$0xC0]  }
0x442: {  	v8 =	vld [tilespmem:s14+$0xD0];
	[tilespmem:s14+$0x80] =	vst v2;
	v2 =	vmul.f32 $1.131370830e+01, v7  }
0x443: {  	[tilespmem:s14+$0x50] =	vst v1;
	v1 =	vld [tilespmem:s14+$0xE0];
	v0 =	vmul.f32 $1.131370830e+01, v0  }
0x444: {  	v7 =	vld [tilespmem:s14+$0x130];
	v6 =	vmul.f32 $1.131370830e+01, v6;
	[tilespmem:s14+$0x70] =	vst v2  }
0x445: {  	v2 =	vmul.f32 $1.131370830e+01, v3;
	v3 =	vld [tilespmem:s14+$0x100];
	[tilespmem:s14+$0x90] =	vst v0  }
0x446: {  	v0 =	vmul.f32 $1.131370830e+01, v4;
	v4 =	vld [tilespmem:s14+$0x110];
	[tilespmem:s14+$0xF0] =	vst v6  }
0x447: {  	[tilespmem:s14+$0xA0] =	vst v2;
	v2 =	vmul.f32 $1.131370830e+01, v5;
	v5 =	vld [tilespmem:s14+$0x120]  }
0x448: {  	v6 =	vld [tilespmem:s14+$0x180];
	[tilespmem:s14+$0xB0] =	vst v0;
	v0 =	vmul.f32 $1.131370830e+01, v8  }
0x449: {  	v1 =	vmul.f32 $1.131370830e+01, v1;
	[tilespmem:s14+$0xC0] =	vst v2;
	v2 =	vld [tilespmem:s14+$0x140]  }
0x44a: {  	[tilespmem:s14+$0xD0] =	vst v0;
	v0 =	vmul.f32 $1.131370830e+01, v3  }
0x44b: {  	v3 =	vld [tilespmem:s14+$0x150];
	[tilespmem:s14+$0xE0] =	vst v1;
	v4 =	vmul.f32 $1.131370830e+01, v4  }
0x44c: {  	v1 =	vld [tilespmem:s14+$0x160];
	[tilespmem:s14+$0x100] =	vst v0;
	v0 =	vmul.f32 $1.131370830e+01, v5  }
0x44d: {  	v6 =	vmul.f32 $1.131370830e+01, v6;
	v5 =	vld [tilespmem:s14+$0x170];
	[tilespmem:s14+$0x110] =	vst v4  }
0x44e: {  	v4 =	vmul.f32 $1.131370830e+01, v7;
	v7 =	vld [tilespmem:s14+$0x190];
	[tilespmem:s14+$0x120] =	vst v0;
	v0 =	vmul.f32 $1.131370830e+01, v2  }
0x44f: {  	v8 =	vld [tilespmem:s14+$0x1A0];
	[tilespmem:s14+$0x180] =	vst v6  }
0x450: {  	v2 =	vmul.f32 $1.131370830e+01, v3;
	[tilespmem:s14+$0x140] =	vst v0;
	v0 =	vld [tilespmem:s14+$0x1B0]  }
0x451: {  	[tilespmem:s14+$0x130] =	vst v4;
	v3 =	vmul.f32 $1.131370830e+01, v1;
	v1 =	vld [tilespmem:s14+$0x1C0]  }
0x452: {  	[tilespmem:s14+$0x150] =	vst v2;
	v4 =	vmul.f32 $1.131370830e+01, v5;
	v2 =	vld [tilespmem:s14+$0x1D0]  }
0x453: {  	[tilespmem:s14+$0x160] =	vst v3;
	v3 =	vld [tilespmem:s14+$0x1E0];
	v5 =	vmul.f32 $1.131370830e+01, v7  }
0x454: {  	s15 =	simm.s32 $0xDE00;
	s6 =	simm.s32 $0x0;
	v6 =	vmul.f32 $1.131370830e+01, v8;
	[tilespmem:s14+$0x170] =	vst v4;
	v4 =	vld [tilespmem:s14+$0x0]  }
.LBB2_30:
0x455: {  	v7 =	vld [tilespmem:s15+$0x1F0];
	s6 =	sadd.s32 $0x4, s6;
	[tilespmem:s14+$0x190] =	vst v5;
	v0 =	vmul.f32 $1.131370830e+01, v0  }
0x456: {  	v5 =	vld [tilespmem:s15+$0x10];
	p0 =	slt.u32 s6, $0x7C;
	[tilespmem:s14+$0x1A0] =	vst v6;
	v1 =	vmul.f32 $1.131370830e+01, v1  }
0x457: {  	v6 =	vld [tilespmem:s15+$0x20];
	[tilespmem:s14+$0x1B0] =	vst v0;
	v0 =	vmul.f32 $1.131370830e+01, v2  }
0x458: {  	v2 =	vld [tilespmem:s15+$0x30];
	[tilespmem:s14+$0x1C0] =	vst v1;
	v1 =	vmul.f32 $1.131370830e+01, v3  }
0x459: {  	v3 =	vld [tilespmem:s15+$0x40];
	v4 =	vmul.f32 $1.131370830e+01, v4;
	[tilespmem:s14+$0x1D0] =	vst v0  }
0x45a: {  	v0 =	vld [tilespmem:s15+$0x50];
	v7 =	vmul.f32 $1.131370830e+01, v7;
	[tilespmem:s14+$0x1E0] =	vst v1  }
0x45b: {  	v1 =	vmul.f32 $1.131370830e+01, v5;
	v5 =	vld [tilespmem:s15+$0x60];
	[tilespmem:s14+$0x0] =	vst v4;
	s14 =	smov.u32 s15  }
0x45c: {  	v4 =	vmul.f32 $1.131370830e+01, v6;
	v6 =	vld [tilespmem:s15+$0x70];
	[tilespmem:s15+$0x1F0] =	vst v7  }
0x45d: {  	[tilespmem:s15+$0x10] =	vst v1;
	v1 =	vmul.f32 $1.131370830e+01, v2;
	v2 =	vld [tilespmem:s15+$0x80]  }
0x45e: {  	[tilespmem:s15+$0x20] =	vst v4;
	v3 =	vmul.f32 $1.131370830e+01, v3;
	v4 =	vld [tilespmem:s15+$0x90]  }
0x45f: {  	[tilespmem:s15+$0x30] =	vst v1;
	v0 =	vmul.f32 $1.131370830e+01, v0;
	v1 =	vld [tilespmem:s15+$0xA0]  }
0x460: {  	[tilespmem:s15+$0x40] =	vst v3;
	v3 =	vmul.f32 $1.131370830e+01, v5;
	v5 =	vld [tilespmem:s15+$0xB0]  }
0x461: {  	[tilespmem:s15+$0x50] =	vst v0;
	v0 =	vmul.f32 $1.131370830e+01, v6;
	v6 =	vld [tilespmem:s15+$0xC0]  }
0x462: {  	[tilespmem:s15+$0x60] =	vst v3;
	v2 =	vmul.f32 $1.131370830e+01, v2;
	v3 =	vld [tilespmem:s15+$0xD0]  }
0x463: {  	[tilespmem:s15+$0x70] =	vst v0;
	v0 =	vmul.f32 $1.131370830e+01, v4;
	v4 =	vld [tilespmem:s15+$0xE0]  }
0x464: {  	[tilespmem:s15+$0x80] =	vst v2;
	v1 =	vmul.f32 $1.131370830e+01, v1;
	v2 =	vld [tilespmem:s15+$0xF0]  }
0x465: {  	[tilespmem:s15+$0x90] =	vst v0;
	v0 =	vmul.f32 $1.131370830e+01, v5;
	v5 =	vld [tilespmem:s15+$0x100]  }
0x466: {  	[tilespmem:s15+$0xA0] =	vst v1;
	v1 =	vmul.f32 $1.131370830e+01, v6;
	v6 =	vld [tilespmem:s15+$0x110]  }
0x467: {  	[tilespmem:s15+$0xB0] =	vst v0;
	v0 =	vmul.f32 $1.131370830e+01, v3;
	v3 =	vld [tilespmem:s15+$0x120]  }
0x468: {  	[tilespmem:s15+$0xC0] =	vst v1;
	v1 =	vmul.f32 $1.131370830e+01, v4;
	v4 =	vld [tilespmem:s15+$0x130]  }
0x469: {  	[tilespmem:s15+$0xD0] =	vst v0;
	v0 =	vmul.f32 $1.131370830e+01, v2;
	v2 =	vld [tilespmem:s15+$0x140]  }
0x46a: {  	[tilespmem:s15+$0xE0] =	vst v1;
	v1 =	vmul.f32 $1.131370830e+01, v5;
	v5 =	vld [tilespmem:s15+$0x150]  }
0x46b: {  	[tilespmem:s15+$0xF0] =	vst v0;
	v0 =	vmul.f32 $1.131370830e+01, v6;
	v6 =	vld [tilespmem:s15+$0x160]  }
0x46c: {  	[tilespmem:s15+$0x100] =	vst v1;
	v1 =	vmul.f32 $1.131370830e+01, v3;
	v3 =	vld [tilespmem:s15+$0x170]  }
0x46d: {  	[tilespmem:s15+$0x110] =	vst v0;
	v0 =	vmul.f32 $1.131370830e+01, v4;
	v4 =	vld [tilespmem:s15+$0x180]  }
0x46e: {  	[tilespmem:s15+$0x120] =	vst v1;
	v1 =	vmul.f32 $1.131370830e+01, v2;
	v7 =	vld [tilespmem:s15+$0x190]  }
0x46f: {  	[tilespmem:s15+$0x130] =	vst v0;
	v2 =	vmul.f32 $1.131370830e+01, v5;
	v8 =	vld [tilespmem:s15+$0x1A0]  }
.Ltmp14:
0x470: {  	[tilespmem:s15+$0x140] =	vst v1;
	v5 =	vmul.f32 $1.131370830e+01, v6;
	v0 =	vld [tilespmem:s15+$0x1B0];
	(pc) =	sbr.rel @p0 .LBB2_30-.Ltmp14, $4  }
0x471: {  	[tilespmem:s15+$0x150] =	vst v2;
	v3 =	vmul.f32 $1.131370830e+01, v3;
	v1 =	vld [tilespmem:s15+$0x1C0]  }
0x472: {  	[tilespmem:s15+$0x160] =	vst v5;
	v6 =	vmul.f32 $1.131370830e+01, v4;
	v2 =	vld [tilespmem:s15+$0x1D0]  }
0x473: {  	[tilespmem:s15+$0x170] =	vst v3;
	v5 =	vmul.f32 $1.131370830e+01, v7;
	v3 =	vld [tilespmem:s15+$0x1E0]  }
0x474: {  	s15 =	sadd.s32 $0x200, s15;
	v4 =	vld [tilespmem:s14+$0x0];
	[tilespmem:s14+$0x180] =	vst v6;
	v6 =	vmul.f32 $1.131370830e+01, v8  }
0x475: {  	[tilespmem:s14+$0x190] =	vst v5;
	v0 =	vmul.f32 $1.131370830e+01, v0  }
0x476: {  	[tilespmem:s14+$0x1A0] =	vst v6;
	v1 =	vmul.f32 $1.131370830e+01, v1  }
0x477: {  	[tilespmem:s14+$0x1B0] =	vst v0;
	v0 =	vmul.f32 $1.131370830e+01, v2  }
0x478: {  	[tilespmem:s14+$0x1C0] =	vst v1;
	v1 =	vmul.f32 $1.131370830e+01, v3  }
0x479: {  	v2 =	vmul.f32 $1.131370830e+01, v4;
	[tilespmem:s14+$0x1D0] =	vst v0  }
0x47a: {  	[tilespmem:s14+$0x1E0] =	vst v1  }
0x47b: {  	[tilespmem:s14+$0x0] =	vst v2  }
0x47c: {  	s6 =	rddreg [dreg:$0xd]  }
0x47d: {  	[hbm4b:s6+s4] =	stream.linear.scatter [tilespmem:s28], [sflag:$0x9], $0x4000, $0x38;
	[tilespmem:$0x15C00] =	vst v63  }
0x47e: {  	_ =	swait.ge [sflag:s8], $0x4000  }
0x47f: {  	[sflag:s8] =	ssyncset.done $0x0  }
0x480: {  	s14 =	simm.s32 $0x11C00;
	[sflag:s8] =	ssyncadd.s32 $0xFFFFC000  }
0x481: {  	v0 =	vld [tilespmem:s14+$0x1F0]  }
0x482: {  	v1 =	vld [tilespmem:s14+$0x10]  }
0x483: {  	v2 =	vld [tilespmem:s14+$0x20]  }
0x484: {  	v3 =	vld [tilespmem:s14+$0x30]  }
0x485: {  	v6 =	vld [tilespmem:s14+$0x60]  }
0x486: {  	v4 =	vld [tilespmem:s14+$0x40]  }
0x487: {  	v5 =	vld [tilespmem:s14+$0x50];
	v0 =	vmul.f32 $1.131370830e+01, v0  }
0x488: {  	v8 =	vld [tilespmem:s14+$0x80];
	v1 =	vmul.f32 $1.131370830e+01, v1  }
0x489: {  	v7 =	vld [tilespmem:s14+$0x70];
	v2 =	vmul.f32 $1.131370830e+01, v2;
	[tilespmem:s14+$0x1F0] =	vst v0  }
0x48a: {  	v6 =	vmul.f32 $1.131370830e+01, v6;
	v0 =	vld [tilespmem:s14+$0x90];
	[tilespmem:s14+$0x10] =	vst v1  }
0x48b: {  	v1 =	vmul.f32 $1.131370830e+01, v3;
	v3 =	vld [tilespmem:s14+$0xA0];
	[tilespmem:s14+$0x20] =	vst v2;
	v2 =	vmul.f32 $1.131370830e+01, v4  }
0x48c: {  	[tilespmem:s14+$0x60] =	vst v6;
	v6 =	vld [tilespmem:s14+$0xF0]  }
0x48d: {  	v4 =	vld [tilespmem:s14+$0xB0];
	[tilespmem:s14+$0x40] =	vst v2;
	v2 =	vmul.f32 $1.131370830e+01, v8  }
0x48e: {  	[tilespmem:s14+$0x30] =	vst v1;
	v1 =	vmul.f32 $1.131370830e+01, v5;
	v5 =	vld [tilespmem:s14+$0xC0]  }
0x48f: {  	v8 =	vld [tilespmem:s14+$0xD0];
	[tilespmem:s14+$0x80] =	vst v2;
	v2 =	vmul.f32 $1.131370830e+01, v7  }
0x490: {  	[tilespmem:s14+$0x50] =	vst v1;
	v1 =	vld [tilespmem:s14+$0xE0];
	v0 =	vmul.f32 $1.131370830e+01, v0  }
0x491: {  	v7 =	vld [tilespmem:s14+$0x130];
	v6 =	vmul.f32 $1.131370830e+01, v6;
	[tilespmem:s14+$0x70] =	vst v2  }
0x492: {  	v2 =	vmul.f32 $1.131370830e+01, v3;
	v3 =	vld [tilespmem:s14+$0x100];
	[tilespmem:s14+$0x90] =	vst v0  }
0x493: {  	v0 =	vmul.f32 $1.131370830e+01, v4;
	v4 =	vld [tilespmem:s14+$0x110];
	[tilespmem:s14+$0xF0] =	vst v6  }
0x494: {  	[tilespmem:s14+$0xA0] =	vst v2;
	v2 =	vmul.f32 $1.131370830e+01, v5;
	v5 =	vld [tilespmem:s14+$0x120]  }
0x495: {  	v6 =	vld [tilespmem:s14+$0x180];
	[tilespmem:s14+$0xB0] =	vst v0;
	v0 =	vmul.f32 $1.131370830e+01, v8  }
0x496: {  	v1 =	vmul.f32 $1.131370830e+01, v1;
	[tilespmem:s14+$0xC0] =	vst v2;
	v2 =	vld [tilespmem:s14+$0x140]  }
0x497: {  	[tilespmem:s14+$0xD0] =	vst v0;
	v0 =	vmul.f32 $1.131370830e+01, v3  }
0x498: {  	v3 =	vld [tilespmem:s14+$0x150];
	[tilespmem:s14+$0xE0] =	vst v1;
	v4 =	vmul.f32 $1.131370830e+01, v4  }
0x499: {  	v1 =	vld [tilespmem:s14+$0x160];
	[tilespmem:s14+$0x100] =	vst v0;
	v0 =	vmul.f32 $1.131370830e+01, v5  }
0x49a: {  	v6 =	vmul.f32 $1.131370830e+01, v6;
	v5 =	vld [tilespmem:s14+$0x170];
	[tilespmem:s14+$0x110] =	vst v4  }
0x49b: {  	v4 =	vmul.f32 $1.131370830e+01, v7;
	v7 =	vld [tilespmem:s14+$0x190];
	[tilespmem:s14+$0x120] =	vst v0;
	v0 =	vmul.f32 $1.131370830e+01, v2  }
0x49c: {  	v8 =	vld [tilespmem:s14+$0x1A0];
	[tilespmem:s14+$0x180] =	vst v6  }
0x49d: {  	v2 =	vmul.f32 $1.131370830e+01, v3;
	[tilespmem:s14+$0x140] =	vst v0;
	v0 =	vld [tilespmem:s14+$0x1B0]  }
0x49e: {  	[tilespmem:s14+$0x130] =	vst v4;
	v3 =	vmul.f32 $1.131370830e+01, v1;
	v1 =	vld [tilespmem:s14+$0x1C0]  }
0x49f: {  	[tilespmem:s14+$0x150] =	vst v2;
	v4 =	vmul.f32 $1.131370830e+01, v5;
	v2 =	vld [tilespmem:s14+$0x1D0]  }
0x4a0: {  	[tilespmem:s14+$0x160] =	vst v3;
	v3 =	vld [tilespmem:s14+$0x1E0];
	v5 =	vmul.f32 $1.131370830e+01, v7  }
0x4a1: {  	s15 =	simm.s32 $0x11E00;
	s6 =	simm.s32 $0x0;
	v6 =	vmul.f32 $1.131370830e+01, v8;
	[tilespmem:s14+$0x170] =	vst v4;
	v4 =	vld [tilespmem:s14+$0x0]  }
.LBB2_32:
0x4a2: {  	v7 =	vld [tilespmem:s15+$0x1F0];
	s6 =	sadd.s32 $0x4, s6;
	[tilespmem:s14+$0x190] =	vst v5;
	v0 =	vmul.f32 $1.131370830e+01, v0  }
0x4a3: {  	v5 =	vld [tilespmem:s15+$0x10];
	p0 =	slt.u32 s6, $0x7C;
	[tilespmem:s14+$0x1A0] =	vst v6;
	v1 =	vmul.f32 $1.131370830e+01, v1  }
0x4a4: {  	v6 =	vld [tilespmem:s15+$0x20];
	[tilespmem:s14+$0x1B0] =	vst v0;
	v0 =	vmul.f32 $1.131370830e+01, v2  }
0x4a5: {  	v2 =	vld [tilespmem:s15+$0x30];
	[tilespmem:s14+$0x1C0] =	vst v1;
	v1 =	vmul.f32 $1.131370830e+01, v3  }
0x4a6: {  	v3 =	vld [tilespmem:s15+$0x40];
	v4 =	vmul.f32 $1.131370830e+01, v4;
	[tilespmem:s14+$0x1D0] =	vst v0  }
0x4a7: {  	v0 =	vld [tilespmem:s15+$0x50];
	v7 =	vmul.f32 $1.131370830e+01, v7;
	[tilespmem:s14+$0x1E0] =	vst v1  }
0x4a8: {  	v1 =	vmul.f32 $1.131370830e+01, v5;
	v5 =	vld [tilespmem:s15+$0x60];
	[tilespmem:s14+$0x0] =	vst v4;
	s14 =	smov.u32 s15  }
0x4a9: {  	v4 =	vmul.f32 $1.131370830e+01, v6;
	v6 =	vld [tilespmem:s15+$0x70];
	[tilespmem:s15+$0x1F0] =	vst v7  }
0x4aa: {  	[tilespmem:s15+$0x10] =	vst v1;
	v1 =	vmul.f32 $1.131370830e+01, v2;
	v2 =	vld [tilespmem:s15+$0x80]  }
0x4ab: {  	[tilespmem:s15+$0x20] =	vst v4;
	v3 =	vmul.f32 $1.131370830e+01, v3;
	v4 =	vld [tilespmem:s15+$0x90]  }
0x4ac: {  	[tilespmem:s15+$0x30] =	vst v1;
	v0 =	vmul.f32 $1.131370830e+01, v0;
	v1 =	vld [tilespmem:s15+$0xA0]  }
0x4ad: {  	[tilespmem:s15+$0x40] =	vst v3;
	v3 =	vmul.f32 $1.131370830e+01, v5;
	v5 =	vld [tilespmem:s15+$0xB0]  }
0x4ae: {  	[tilespmem:s15+$0x50] =	vst v0;
	v0 =	vmul.f32 $1.131370830e+01, v6;
	v6 =	vld [tilespmem:s15+$0xC0]  }
0x4af: {  	[tilespmem:s15+$0x60] =	vst v3;
	v2 =	vmul.f32 $1.131370830e+01, v2;
	v3 =	vld [tilespmem:s15+$0xD0]  }
0x4b0: {  	[tilespmem:s15+$0x70] =	vst v0;
	v0 =	vmul.f32 $1.131370830e+01, v4;
	v4 =	vld [tilespmem:s15+$0xE0]  }
0x4b1: {  	[tilespmem:s15+$0x80] =	vst v2;
	v1 =	vmul.f32 $1.131370830e+01, v1;
	v2 =	vld [tilespmem:s15+$0xF0]  }
0x4b2: {  	[tilespmem:s15+$0x90] =	vst v0;
	v0 =	vmul.f32 $1.131370830e+01, v5;
	v5 =	vld [tilespmem:s15+$0x100]  }
0x4b3: {  	[tilespmem:s15+$0xA0] =	vst v1;
	v1 =	vmul.f32 $1.131370830e+01, v6;
	v6 =	vld [tilespmem:s15+$0x110]  }
0x4b4: {  	[tilespmem:s15+$0xB0] =	vst v0;
	v0 =	vmul.f32 $1.131370830e+01, v3;
	v3 =	vld [tilespmem:s15+$0x120]  }
0x4b5: {  	[tilespmem:s15+$0xC0] =	vst v1;
	v1 =	vmul.f32 $1.131370830e+01, v4;
	v4 =	vld [tilespmem:s15+$0x130]  }
0x4b6: {  	[tilespmem:s15+$0xD0] =	vst v0;
	v0 =	vmul.f32 $1.131370830e+01, v2;
	v2 =	vld [tilespmem:s15+$0x140]  }
0x4b7: {  	[tilespmem:s15+$0xE0] =	vst v1;
	v1 =	vmul.f32 $1.131370830e+01, v5;
	v5 =	vld [tilespmem:s15+$0x150]  }
0x4b8: {  	[tilespmem:s15+$0xF0] =	vst v0;
	v0 =	vmul.f32 $1.131370830e+01, v6;
	v6 =	vld [tilespmem:s15+$0x160]  }
0x4b9: {  	[tilespmem:s15+$0x100] =	vst v1;
	v1 =	vmul.f32 $1.131370830e+01, v3;
	v3 =	vld [tilespmem:s15+$0x170]  }
0x4ba: {  	[tilespmem:s15+$0x110] =	vst v0;
	v0 =	vmul.f32 $1.131370830e+01, v4;
	v4 =	vld [tilespmem:s15+$0x180]  }
0x4bb: {  	[tilespmem:s15+$0x120] =	vst v1;
	v1 =	vmul.f32 $1.131370830e+01, v2;
	v7 =	vld [tilespmem:s15+$0x190]  }
0x4bc: {  	[tilespmem:s15+$0x130] =	vst v0;
	v2 =	vmul.f32 $1.131370830e+01, v5;
	v8 =	vld [tilespmem:s15+$0x1A0]  }
.Ltmp15:
0x4bd: {  	[tilespmem:s15+$0x140] =	vst v1;
	v5 =	vmul.f32 $1.131370830e+01, v6;
	v0 =	vld [tilespmem:s15+$0x1B0];
	(pc) =	sbr.rel @p0 .LBB2_32-.Ltmp15, $4  }
0x4be: {  	[tilespmem:s15+$0x150] =	vst v2;
	v3 =	vmul.f32 $1.131370830e+01, v3;
	v1 =	vld [tilespmem:s15+$0x1C0]  }
0x4bf: {  	[tilespmem:s15+$0x160] =	vst v5;
	v6 =	vmul.f32 $1.131370830e+01, v4;
	v2 =	vld [tilespmem:s15+$0x1D0]  }
0x4c0: {  	[tilespmem:s15+$0x170] =	vst v3;
	v5 =	vmul.f32 $1.131370830e+01, v7;
	v3 =	vld [tilespmem:s15+$0x1E0]  }
0x4c1: {  	s15 =	sadd.s32 $0x200, s15;
	v4 =	vld [tilespmem:s14+$0x0];
	[tilespmem:s14+$0x180] =	vst v6;
	v6 =	vmul.f32 $1.131370830e+01, v8  }
0x4c2: {  	[tilespmem:s14+$0x190] =	vst v5;
	v0 =	vmul.f32 $1.131370830e+01, v0  }
0x4c3: {  	[tilespmem:s14+$0x1A0] =	vst v6;
	v1 =	vmul.f32 $1.131370830e+01, v1  }
0x4c4: {  	[tilespmem:s14+$0x1B0] =	vst v0;
	v61 =	vmul.f32 $1.131370830e+01, v2  }
0x4c5: {  	[tilespmem:s14+$0x1C0] =	vst v1;
	v62 =	vmul.f32 $1.131370830e+01, v3  }
0x4c6: {  	v63 =	vmul.f32 $1.131370830e+01, v4;
	[tilespmem:s14+$0x1D0] =	vst v61  }
0x4c7: {  	[tilespmem:s14+$0x1E0] =	vst v62  }
0x4c8: {  	[tilespmem:s14+$0x0] =	vst v63  }
0x4c9: {  	s6 =	rddreg [dreg:$0xe]  }
0x4ca: {  	[hbm4b:s6+s4] =	stream.linear.scatter [tilespmem:s31], [sflag:$0xA], $0x4000, $0x38;
	[tilespmem:$0x15C00] =	vst v63  }
0x4cb: {  	_ =	swait.ge [sflag:s0], $0x4000  }
0x4cc: {  	[sflag:s0] =	ssyncset.done $0x0  }
0x4cd: {  	[sflag:s0] =	ssyncadd.s32 $0xFFFFC000  }
0x4ce: {  	_ =	swait.ge [sflag:s30], $0x4000  }
0x4cf: {  	[sflag:s30] =	ssyncset.done $0x0  }
0x4d0: {  	[sflag:s30] =	ssyncadd.s32 $0xFFFFC000  }
0x4d1: {  	_ =	swait.ge [sflag:s7], $0x4000  }
0x4d2: {  	[sflag:s7] =	ssyncset.done $0x0  }
0x4d3: {  	[sflag:s7] =	ssyncadd.s32 $0xFFFFC000  }
0x4d4: {  	_ =	swait.ge [sflag:s9], $0x4000  }
0x4d5: {  	[sflag:s9] =	ssyncset.done $0x0  }
0x4d6: {  	[sflag:s9] =	ssyncadd.s32 $0xFFFFC000  }
0x4d7: {  	_ =	swait.ge [sflag:s10], $0x4000  }
0x4d8: {  	s11 =	sadd.s32 $0x1, s11;
	s20 =	rddreg [dreg:$0xf]  }
0x4d9: {  	p0 =	sne.s32 s11, s20  }
.Ltmp16:
0x4da: {  	_ = 	snop;
	(pc) =	sbr.rel @p0 .LBB2_1-.Ltmp16, $3  }
0x4db: {  	_ =	sdelay $0x1  }
0x4dc: {  	[sflag:s10] =	ssyncset.done $0x0  }
0x4dd: {  	[sflag:s10] =	ssyncadd.s32 $0xFFFFC000  }
0x4de: {  	_ =	sfence.sel $0x180000  }
0x4df: {  	[bflag:$0x0] =	sbarrier.arrive $0xFFFF  }
0x4e0: {  	_ =	strace $0x90000047  }
0x4e1: {  	s0 =	stileid.u32;
	[bflag:$0x2] =	sbarrier.arrive $0xFFFF  }
0x4e2: {  	p0 =	sne.s32 s0, $0x0;
	s0 =	rddreg [dreg:$0x3]  }
0x4e3: {  	s0 =	sadd.s32 @!p0 $0x100000, s0  }
0x4e4: {  	[sflag:s0] =	ssyncadd.tile.s32 @!p0 $0x1;
	_ =	shalt  }
.Lfunc_end2:
_tile_overlayer_lowered:
.L_overlay_start_2:
0x4e5: {  	(tag) =	ssettag $0x2  }
0x4e6: {  	s0 =	rddreg [dreg:$0x0];
	s2 =	stileid.u32  }
0x4e7: {  	s1 =	rddreg [dreg:$0x1];
	p0 =	sne.s32 s2, $0x0  }
0x4e8: {  	s3 =	rddreg [dreg:$0x2];
	[bflag:$0x3] =	sbarrier.arrive $0xFFFF;
	s2 =	simm.s32 @!p0 $0x1C0B  }
0x4e9: {  	[timem:s3], [sflag:s2] =	dma.local @!p0 [hbm:s0], s1  }
0x4ea: {  	s0 =	simm.s32 @!p0 $0xB  }
0x4eb: {  	_ =	swait.ge @!p0 [sflag:s0], s1  }
0x4ec: {  	s1 =	ssub.s32 @!p0 $0x0, s1;
	[sflag:s0] =	ssyncset.done @!p0 $0x0  }
0x4ed: {  	[sflag:s0] =	ssyncadd.s32 @!p0 s1  }
0x4ee: {  	[bflag:$0x3] =	sbarrier.arrive $0xFFFF  }
0x4ef: {  	_ =	shalt  }

</sc_bundles>
